<compile_context>
chip_gen: v7x
topology: tpu7x:2x2x1
jax: 0.10.2.dev20260603
libtpu: 0.0.44.dev20260713+nightly
codegen_flags: <defaults>
</compile_context>

<pallas_src>
import functools

import jax
import jax.numpy as jnp
from jax import lax
from jax.experimental import pallas as pl
from jax.experimental.pallas import tpu as pltpu
from jax.experimental.pallas import tpu_sc as plsc

T = 2048
H = 768
FF = 3072
E = 8
C = T
TM = 256
M = C // TM
H2 = H // 2
CH = 128
CHS = 64
NC = 2
NS = 16


def _router_body(x_ref, sim_ref, gates_ref, logits_ref, mask_ref, rw_ref,
                 bits_ref):
    x = x_ref[...]
    sim = sim_ref[...]
    g = gates_ref[...]

    ssq = jnp.sum(sim * sim, axis=0, keepdims=True)
    simn = sim / jnp.maximum(jnp.sqrt(ssq), 1e-12)
    xsq = jnp.sum(x * x, axis=1, keepdims=True)
    xn = x / jnp.maximum(jnp.sqrt(xsq), 1e-12)
    logits = jax.lax.dot_general(
        xn.astype(jnp.bfloat16), simn.astype(jnp.bfloat16),
        (((1,), (0,)), ((), ())),
        preferred_element_type=jnp.float32)

    thr = jax.nn.sigmoid(g)
    gated = jnp.maximum(logits - thr, 0.0)
    maskv = (gated > 0.0).astype(jnp.float32)
    num_active = jnp.sum(maskv, axis=1, keepdims=True)

    mx = jnp.max(logits, axis=1, keepdims=True)
    ii = lax.broadcasted_iota(jnp.int32, (T, E), 1)
    cand = jnp.where(logits == mx, ii, E)
    first = jnp.min(cand, axis=1, keepdims=True)
    onehot = (ii == first).astype(jnp.float32)

    mask2 = jnp.where(num_active == 0.0, onehot, maskv)
    glm = jnp.where(mask2 > 0.0, gated, -1e9)
    m2 = jnp.max(glm, axis=1, keepdims=True)
    ex = jnp.exp(glm - m2)
    rw = ex / jnp.sum(ex, axis=1, keepdims=True)

    logits_ref[...] = logits
    mask_ref[...] = mask2
    rw_ref[...] = rw
    pw = (1 << lax.broadcasted_iota(jnp.int32, (1, E), 1)).astype(jnp.float32)
    bits_ref[...] = jnp.sum(mask2 * pw, axis=1, keepdims=True
                            ).astype(jnp.int32)



def _dyn_gather(v, idx):
    return lax.gather(
        v, idx[:, None],
        lax.GatherDimensionNumbers(offset_dims=(), collapsed_slice_dims=(0,),
                                   start_index_map=(0,)),
        slice_sizes=(1,),
        mode=lax.GatherScatterMode.PROMISE_IN_BOUNDS)


def _lane_shift_sum(cs, s):
    lanes = lax.iota(jnp.int32, 16)
    g = _dyn_gather(cs, jnp.maximum(lanes - s, 0))
    return cs + jnp.where(lanes >= s, g, 0)


def _prefix16(b):
    cs = _lane_shift_sum(b, 1)
    cs = _lane_shift_sum(cs, 2)
    cs = _lane_shift_sum(cs, 4)
    cs = _lane_shift_sum(cs, 8)
    return cs


def _splat_last(cs):
    return _dyn_gather(cs, jnp.full((16,), 15, jnp.int32))


def _dispatch_body(bits_hbm, pos_hbm, counts_hbm, bits_v, pos_v, cnt_v):
    wid = lax.axis_index("s") * NC + lax.axis_index("c")

    @pl.when(wid < E)
    def _():
        e = wid
        pltpu.sync_copy(bits_hbm, bits_v)

        def countstep(i, offv):
            v = bits_v[pl.ds(i * 16, 16)]
            b = jnp.bitwise_and(jnp.right_shift(v, e), 1)
            cs = _prefix16(b)
            return offv + _splat_last(cs)
        countv = lax.fori_loop(0, T // 16, countstep,
                               jnp.zeros((16,), jnp.int32))

        def posstep(i, carry):
            offa, offi = carry
            v = bits_v[pl.ds(i * 16, 16)]
            b = jnp.bitwise_and(jnp.right_shift(v, e), 1)
            ca = _prefix16(b)
            ci = _prefix16(1 - b)
            pa = offa + ca - 1
            pi = offi + ci - 1
            pos_v[pl.ds(i * 16, 16)] = pi + b * (pa - pi)
            return (offa + _splat_last(ca), offi + _splat_last(ci))
        lax.fori_loop(0, T // 16, posstep,
                      (jnp.zeros((16,), jnp.int32), countv))

        cnt_v[...] = countv
        pltpu.sync_copy(cnt_v, counts_hbm.at[e])
        pltpu.sync_copy(pos_v, pos_hbm.at[e])


def _make_dispatch():
    mesh = plsc.VectorSubcoreMesh(core_axis_name="c", subcore_axis_name="s",
                                  num_cores=NC, num_subcores=NS)
    return functools.partial(
        pl.kernel, _dispatch_body, mesh=mesh,
        out_type=[
            jax.ShapeDtypeStruct((E, C), jnp.int32),
            jax.ShapeDtypeStruct((E, 16), jnp.int32),
        ],
        scratch_types=[
            pltpu.VMEM((T,), jnp.int32),
            pltpu.VMEM((C,), jnp.int32),
            pltpu.VMEM((16,), jnp.int32),
        ],
    )()


def _permute_body(x_hbm, pos_hbm, xg_hbm, pos_v, didx_v, rows_v, sem, sem2):
    wid = lax.axis_index("s") * NC + lax.axis_index("c")
    e = wid // 4
    base = (wid % 4) * (C // 4)
    pltpu.sync_copy(pos_hbm.at[e, pl.ds(base, C // 4)], pos_v)

    nch = (C // 4) // CH

    def build(j, q):
        for k in range(CH // 16):
            p = pos_v[pl.ds(j * CH + k * 16, 16)]
            didx_v[q, pl.ds(k * 16, 16)] = p + e * C

    def fire_r(j, q):
        return pltpu.async_copy(x_hbm.at[pl.ds(base + j * CH, CH)],
                                rows_v.at[q], sem)

    def fire_w(j, q):
        return pltpu.async_copy(rows_v.at[q], xg_hbm.at[didx_v.at[q]], sem2)

    hr = {0: fire_r(0, 0)}
    hw = {}
    for j in range(nch):
        q = j % 2
        hr[j].wait()
        build(j, q)
        hw[j] = fire_w(j, q)
        if j + 1 < nch:
            if j >= 1:
                hw[j - 1].wait()
            hr[j + 1] = fire_r(j + 1, (j + 1) % 2)
    if nch >= 2:
        hw[nch - 2].wait()
    hw[nch - 1].wait()


def _make_permute():
    mesh = plsc.VectorSubcoreMesh(core_axis_name="c", subcore_axis_name="s",
                                  num_cores=NC, num_subcores=NS)
    return functools.partial(
        pl.kernel, _permute_body, mesh=mesh,
        out_type=jax.ShapeDtypeStruct((E * C, H2), jnp.int32),
        scratch_types=[
            pltpu.VMEM((C // 4,), jnp.int32),
            pltpu.VMEM((2, CH), jnp.int32),
            pltpu.VMEM((2, CH, H2), jnp.int32),
            pltpu.SemaphoreType.DMA,
            pltpu.SemaphoreType.DMA,
        ],
    )()


def _expert_body(cnt_ref, xg_ref, w1_ref, w2_ref, yg_ref):
    m = pl.program_id(1)
    cnt = cnt_ref[pl.program_id(0)]
    nt = (cnt + TM - 1) // TM

    @pl.when(m < nt)
    def _():
        x = xg_ref[...]
        w1 = w1_ref[0]
        h = jax.lax.dot_general(x, w1, (((1,), (1,)), ((), ())),
                                preferred_element_type=jnp.float32)
        a = 0.5 * h * (1.0 + lax.erf(h * 0.7071067811865476))
        w2 = w2_ref[0]
        y = jax.lax.dot_general(
            a.astype(jnp.bfloat16), w2, (((1,), (1,)), ((), ())),
            preferred_element_type=jnp.float32)
        srow = m * TM + lax.broadcasted_iota(jnp.int32, (TM, 1), 0)
        yg_ref[...] = jnp.where(srow < cnt, y, 0.0)

    @pl.when(m >= nt)
    def _():
        yg_ref[...] = jnp.zeros_like(yg_ref)


def _clamped(e, m, cnt_ref):
    nt = (cnt_ref[e] + TM - 1) // TM
    return e * M + jnp.minimum(m, jnp.maximum(nt - 1, 0)), 0


def _scatter_body(yg_hbm, pos_hbm, feo_hbm, buf_v, gidx_v, didx_v, pos_v,
                  sem, sem2):
    wid = lax.axis_index("s") * NC + lax.axis_index("c")
    e = wid // 4
    base = (wid % 4) * (C // 4)
    pltpu.sync_copy(pos_hbm.at[e], pos_v)

    nch = (C // 4) // CHS

    def build(j, q):
        for k in range(CHS // 16):
            p = pos_v[pl.ds(base + j * CHS + k * 16, 16)]
            gidx_v[q, pl.ds(k * 16, 16)] = p + e * C
            toks = lax.iota(jnp.int32, 16) + (base + j * CHS + k * 16)
            didx_v[q, pl.ds(k * 16, 16)] = toks * E + e

    def fire_g(j, q):
        return pltpu.async_copy(yg_hbm.at[gidx_v.at[q]], buf_v.at[q], sem)

    def fire_s(j, q):
        return pltpu.async_copy(buf_v.at[q], feo_hbm.at[didx_v.at[q]], sem2)

    build(0, 0)
    hg = {0: fire_g(0, 0)}
    hs = {}
    for j in range(nch):
        q = j % 2
        hg[j].wait()
        hs[j] = fire_s(j, q)
        if j + 1 < nch:
            if j >= 1:
                hs[j - 1].wait()
            build(j + 1, (j + 1) % 2)
            hg[j + 1] = fire_g(j + 1, (j + 1) % 2)
    if nch >= 2:
        hs[nch - 2].wait()
    hs[nch - 1].wait()


def _make_scatter():
    mesh = plsc.VectorSubcoreMesh(core_axis_name="c", subcore_axis_name="s",
                                  num_cores=NC, num_subcores=NS)
    return functools.partial(
        pl.kernel, _scatter_body, mesh=mesh,
        out_type=jax.ShapeDtypeStruct((T * E, H), jnp.float32),
        scratch_types=[
            pltpu.VMEM((2, CHS, H), jnp.float32),
            pltpu.VMEM((2, CHS), jnp.int32),
            pltpu.VMEM((2, CHS), jnp.int32),
            pltpu.VMEM((C,), jnp.int32),
            pltpu.SemaphoreType.DMA,
            pltpu.SemaphoreType.DMA,
        ],
    )()


def _combine_body(feo_ref, rw_ref, final_ref):
    fe = feo_ref[...].reshape(TM, E, H)
    rw = rw_ref[...]
    acc = jnp.zeros((TM, H), jnp.float32)
    for e in range(E):
        eo = (lax.broadcasted_iota(jnp.int32, (E, 1), 0) == e
              ).astype(jnp.float32)
        rcol = jnp.dot(rw, eo, preferred_element_type=jnp.float32)
        acc = acc + rcol * fe[:, e, :]
    final_ref[...] = acc


@jax.jit
def kernel(hidden_states, sim_matrix, gates, W1, W2):
    x = hidden_states
    gates2d = gates.reshape(1, E)

    logits, mask, rw, bits2d = pl.pallas_call(
        _router_body,
        out_shape=[
            jax.ShapeDtypeStruct((T, E), jnp.float32),
            jax.ShapeDtypeStruct((T, E), jnp.float32),
            jax.ShapeDtypeStruct((T, E), jnp.float32),
            jax.ShapeDtypeStruct((T, 1), jnp.int32),
        ],
    )(x, sim_matrix, gates2d)

    xb = x.astype(jnp.bfloat16)
    xi = lax.bitcast_convert_type(xb.reshape(T, H2, 2), jnp.int32)
    bits = bits2d.reshape(T)

    pos, counts16 = _make_dispatch()(bits)
    xg_i32 = _make_permute()(xi, pos)
    xg = lax.bitcast_convert_type(xg_i32, jnp.bfloat16).reshape(E * C, H)
    counts = counts16[:, 0]

    W1b = W1.astype(jnp.bfloat16)
    W2b = W2.astype(jnp.bfloat16)

    yg = pl.pallas_call(
        _expert_body,
        grid_spec=pltpu.PrefetchScalarGridSpec(
            num_scalar_prefetch=1,
            grid=(E, M),
            in_specs=[
                pl.BlockSpec((TM, H), _clamped),
                pl.BlockSpec((1, FF, H), lambda e, m, c: (e, 0, 0)),
                pl.BlockSpec((1, H, FF), lambda e, m, c: (e, 0, 0)),
            ],
            out_specs=pl.BlockSpec((TM, H), lambda e, m, c: (e * M + m, 0)),
        ),
        out_shape=jax.ShapeDtypeStruct((E * C + 8, H), jnp.float32),
        compiler_params=pltpu.CompilerParams(
            dimension_semantics=("arbitrary", "arbitrary"),
            vmem_limit_bytes=100 * 1024 * 1024,
        ),
    )(counts, xg, W1b, W2b)

    feo_flat = _make_scatter()(yg, pos)

    final = pl.pallas_call(
        _combine_body,
        grid=(T // TM,),
        in_specs=[
            pl.BlockSpec((TM * E, H), lambda t: (t, 0)),
            pl.BlockSpec((TM, E), lambda t: (t, 0)),
        ],
        out_specs=pl.BlockSpec((TM, H), lambda t: (t, 0)),
        out_shape=jax.ShapeDtypeStruct((T, H), jnp.float32),
    )(feo_flat, rw)

    feo = feo_flat.reshape(T, E, H)
    return (final, feo, logits, mask)

# --- scband reference (transcript-rebuilt; emitter-appended) ---
"""Pipeline reference for scband-dynamic-mo-elayer-69561290326695 (READ-ONLY COPY).

The authoritative reference and input builder live on the scoring server;
editing this copy changes nothing except your own understanding.
"""

import jax, jax.numpy as jnp
import numpy as np

T = 2048
H = 768
FF = 3072
E = 8

def _normalize(v, axis):
    n = jnp.linalg.norm(v, axis=axis, keepdims=True)
    return v / jnp.maximum(n, 1e-12)

def setup_inputs(seed: int = 0):
    key = jax.random.key(seed)
    k0, k1, k2, k3 = jax.random.split(key, 4)
    hidden_states = jax.random.normal(k0, (T, H), dtype=jnp.float32)
    sim_matrix = jax.random.normal(k1, (H, E), dtype=jnp.float32)
    gates = jnp.zeros((E,), dtype=jnp.float32)
    W1 = jax.random.normal(k2, (E, FF, H), dtype=jnp.float32) * (1.0 / np.sqrt(H))
    W2 = jax.random.normal(k3, (E, H, FF), dtype=jnp.float32) * (1.0 / np.sqrt(FF))
    return {"hidden_states": hidden_states, "sim_matrix": sim_matrix, "gates": gates, "W1": W1, "W2": W2}

def reference(hidden_states, sim_matrix, gates, W1, W2):
    x = hidden_states
    # DynamicGate
    logits = _normalize(x, -1) @ _normalize(sim_matrix, 0)
    gate_thresholds = jax.nn.sigmoid(gates)
    gated_logits = jax.nn.relu(logits - gate_thresholds)
    activation_mask = (gated_logits > 0).astype(x.dtype)  # STE forward
    num_active = jnp.sum(activation_mask, axis=1)
    inactive = num_active == 0
    top1 = jnp.argmax(logits, axis=1)
    onehot = jax.nn.one_hot(top1, E, dtype=x.dtype)
    activation_mask = jnp.where(inactive[:, None], onehot, activation_mask)
    gated_logits_masked = jnp.where(activation_mask > 0, gated_logits, -1e9)
    routing_weights = jax.nn.softmax(gated_logits_masked, axis=-1)
    # Experts: dense equivalent of sparse dispatch (zeros where mask == 0)
    h1 = jnp.einsum('th,efh->tef', x, W1)
    a = jax.nn.gelu(h1, approximate=False)
    expert_out = jnp.einsum('tef,ecf->tec', a, W2)
    full_expert_outputs = expert_out * activation_mask[:, :, None]
    final_output = jnp.einsum('te,tec->tc', routing_weights, full_expert_outputs)
    return (final_output, full_expert_outputs, logits, activation_mask)

if __name__ == "__main__":
    import jax
    _d = setup_inputs()
    print(jax.jit(kernel)(*tuple(_d.values())))

</pallas_src>

<mosaic_0001>
#map = affine_map<(d0, d1) -> (0)>
#map1 = affine_map<(d0, d1) -> (0, 0)>
module attributes {stable_mosaic.version = 14 : i64} {
  func.func @_dispatch_body(%arg0: i32, %arg1: i32, %arg2: memref<2048xi32, #tpu.memory_space<hbm>>, %arg3: memref<8x2048xi32, #tpu.memory_space<hbm>>, %arg4: memref<8x16xi32, #tpu.memory_space<hbm>>, %arg5: memref<2048xi32, #tpu.memory_space<vmem>>, %arg6: memref<2048xi32, #tpu.memory_space<vmem>>, %arg7: memref<16xi32, #tpu.memory_space<vmem>>) attributes {dimension_semantics = [#tpu.dimension_semantics<core_parallel>, #tpu.dimension_semantics<subcore_parallel>], iteration_bounds = array<i64: 2, 16>, scalar_prefetch = 0 : i64, scratch_operands = 3 : i64, tpu.core_type = #tpu.core_type<sc_vector_subcore>, window_params = [{transform_indices = #map}, {transform_indices = #map1}, {transform_indices = #map1}]} {
    %mul3A = arith.constant 2 : i32
    %mul3A_0 = arith.muli %arg1, %mul3A : i32
    %add3A = arith.addi %mul3A_0, %arg0 : i32
    %lt3A = arith.constant 8 : i32
    %lt3A_1 = arith.cmpi slt, %add3A, %lt3A : i32
    %convert_element_type3A = arith.extui %lt3A_1 : i1 to i32
    %cond3A = arith.constant 0 : i32
    %cond3A_2 = arith.cmpi ne, %convert_element_type3A, %cond3A : i32
    scf.if %cond3A_2 {
      "tpu.region"() ({
        %run_scoped3A = tpu.sem_alloc : memref<!tpu.dma_semaphore, #tpu.memory_space<semaphore_mem>>
        tpu.enqueue_dma source(%arg2 : memref<2048xi32, #tpu.memory_space<hbm>>) target(%arg5 : memref<2048xi32, #tpu.memory_space<vmem>>) target_semaphore(%run_scoped3A : memref<!tpu.dma_semaphore, #tpu.memory_space<semaphore_mem>>)
        tpu.wait_dma2 semaphore(%run_scoped3A : memref<!tpu.dma_semaphore, #tpu.memory_space<semaphore_mem>>) src(%arg2 : memref<2048xi32, #tpu.memory_space<hbm>>) dst(%arg5 : memref<2048xi32, #tpu.memory_space<vmem>>)
        tpu.yield
      }) : () -> ()
      %broadcast_in_dim3A = arith.constant 0 : i32
      %broadcast_in_dim3A_3 = vector.broadcast %broadcast_in_dim3A : i32 to vector<16xi32>
      %scan3A = arith.constant 0 : i32
      %scan3A_4 = arith.constant 128 : i32
      %scan3A_5 = arith.addi %scan3A, %scan3A_4 : i32
      %scan3A_6 = arith.constant 1 : i32
      %scan3A_7 = scf.for %scan3A_20 = %scan3A to %scan3A_5 step %scan3A_6 iter_args(%scan3A_21 = %broadcast_in_dim3A_3) -> (vector<16xi32>)  : i32 {
        %mul3A_22 = arith.constant 16 : i32
        %mul3A_23 = arith.muli %scan3A_20, %mul3A_22 : i32
        %get3A = arith.index_cast %mul3A_23 : i32 to index
        %get3A_24 = tpu.vector_load %arg5[%get3A] {strides = array<i32>} : memref<2048xi32, #tpu.memory_space<vmem>>, vector<16xi32>,
        %get3A_25 = vector.shape_cast %get3A_24 : vector<16xi32> to vector<16xi32>
        %shift_right_arithmetic3A = vector.broadcast %add3A : i32 to vector<16xi32>
        %shift_right_arithmetic3A_26 = arith.shrsi %get3A_25, %shift_right_arithmetic3A : vector<16xi32>
        %and3A = arith.constant 1 : i32
        %and3A_27 = vector.broadcast %and3A : i32 to vector<16xi32>
        %and3A_28 = arith.andi %shift_right_arithmetic3A_26, %and3A_27 : vector<16xi32>
        %iota3A = tpu.iota {dimensions = array<i32: 0>} : vector<16xi32>
        %sub3A = arith.constant 1 : i32
        %sub3A_29 = vector.broadcast %sub3A : i32 to vector<16xi32>
        %sub3A_30 = arith.subi %iota3A, %sub3A_29 : vector<16xi32>
        %max3A = arith.constant 0 : i32
        %max3A_31 = vector.broadcast %max3A : i32 to vector<16xi32>
        %max3A_32 = arith.maxsi %sub3A_30, %max3A_31 : vector<16xi32>
        %broadcast_in_dim3A_33 = vector.shape_cast %max3A_32 : vector<16xi32> to vector<16x1xi32>
        %gather3A = vector.shape_cast %broadcast_in_dim3A_33 : vector<16x1xi32> to vector<16xi32>
        %gather3A_34 = tpu.dynamic_gather %and3A_28[%gather3A] in [0] : vector<16xi32>, vector<16xi32> -> vector<16xi32>
        %ge3A = arith.constant 1 : i32
        %ge3A_35 = vector.broadcast %ge3A : i32 to vector<16xi32>
        %ge3A_36 = arith.cmpi sge, %iota3A, %ge3A_35 : vector<16xi32>
        %jit3A = arith.constant 0 : i32
        %broadcast_in_dim3A_37 = vector.broadcast %jit3A : i32 to vector<16xi32>
        %select_n3A = arith.select %ge3A_36, %gather3A_34, %broadcast_in_dim3A_37 : vector<16xi1>, vector<16xi32>
        %add3A_38 = arith.addi %and3A_28, %select_n3A : vector<16xi32>
        %iota3A_39 = tpu.iota {dimensions = array<i32: 0>} : vector<16xi32>
        %sub3A_40 = arith.constant 2 : i32
        %sub3A_41 = vector.broadcast %sub3A_40 : i32 to vector<16xi32>
        %sub3A_42 = arith.subi %iota3A_39, %sub3A_41 : vector<16xi32>
        %max3A_43 = arith.constant 0 : i32
        %max3A_44 = vector.broadcast %max3A_43 : i32 to vector<16xi32>
        %max3A_45 = arith.maxsi %sub3A_42, %max3A_44 : vector<16xi32>
        %broadcast_in_dim3A_46 = vector.shape_cast %max3A_45 : vector<16xi32> to vector<16x1xi32>
        %gather3A_47 = vector.shape_cast %broadcast_in_dim3A_46 : vector<16x1xi32> to vector<16xi32>
        %gather3A_48 = tpu.dynamic_gather %add3A_38[%gather3A_47] in [0] : vector<16xi32>, vector<16xi32> -> vector<16xi32>
        %ge3A_49 = arith.constant 2 : i32
        %ge3A_50 = vector.broadcast %ge3A_49 : i32 to vector<16xi32>
        %ge3A_51 = arith.cmpi sge, %iota3A_39, %ge3A_50 : vector<16xi32>
        %jit3A_52 = arith.constant 0 : i32
        %broadcast_in_dim3A_53 = vector.broadcast %jit3A_52 : i32 to vector<16xi32>
        %select_n3A_54 = arith.select %ge3A_51, %gather3A_48, %broadcast_in_dim3A_53 : vector<16xi1>, vector<16xi32>
        %add3A_55 = arith.addi %add3A_38, %select_n3A_54 : vector<16xi32>
        %iota3A_56 = tpu.iota {dimensions = array<i32: 0>} : vector<16xi32>
        %sub3A_57 = arith.constant 4 : i32
        %sub3A_58 = vector.broadcast %sub3A_57 : i32 to vector<16xi32>
        %sub3A_59 = arith.subi %iota3A_56, %sub3A_58 : vector<16xi32>
        %max3A_60 = arith.constant 0 : i32
        %max3A_61 = vector.broadcast %max3A_60 : i32 to vector<16xi32>
        %max3A_62 = arith.maxsi %sub3A_59, %max3A_61 : vector<16xi32>
        %broadcast_in_dim3A_63 = vector.shape_cast %max3A_62 : vector<16xi32> to vector<16x1xi32>
        %gather3A_64 = vector.shape_cast %broadcast_in_dim3A_63 : vector<16x1xi32> to vector<16xi32>
        %gather3A_65 = tpu.dynamic_gather %add3A_55[%gather3A_64] in [0] : vector<16xi32>, vector<16xi32> -> vector<16xi32>
        %ge3A_66 = arith.constant 4 : i32
        %ge3A_67 = vector.broadcast %ge3A_66 : i32 to vector<16xi32>
        %ge3A_68 = arith.cmpi sge, %iota3A_56, %ge3A_67 : vector<16xi32>
        %jit3A_69 = arith.constant 0 : i32
        %broadcast_in_dim3A_70 = vector.broadcast %jit3A_69 : i32 to vector<16xi32>
        %select_n3A_71 = arith.select %ge3A_68, %gather3A_65, %broadcast_in_dim3A_70 : vector<16xi1>, vector<16xi32>
        %add3A_72 = arith.addi %add3A_55, %select_n3A_71 : vector<16xi32>
        %iota3A_73 = tpu.iota {dimensions = array<i32: 0>} : vector<16xi32>
        %sub3A_74 = arith.constant 8 : i32
        %sub3A_75 = vector.broadcast %sub3A_74 : i32 to vector<16xi32>
        %sub3A_76 = arith.subi %iota3A_73, %sub3A_75 : vector<16xi32>
        %max3A_77 = arith.constant 0 : i32
        %max3A_78 = vector.broadcast %max3A_77 : i32 to vector<16xi32>
        %max3A_79 = arith.maxsi %sub3A_76, %max3A_78 : vector<16xi32>
        %broadcast_in_dim3A_80 = vector.shape_cast %max3A_79 : vector<16xi32> to vector<16x1xi32>
        %gather3A_81 = vector.shape_cast %broadcast_in_dim3A_80 : vector<16x1xi32> to vector<16xi32>
        %gather3A_82 = tpu.dynamic_gather %add3A_72[%gather3A_81] in [0] : vector<16xi32>, vector<16xi32> -> vector<16xi32>
        %ge3A_83 = arith.constant 8 : i32
        %ge3A_84 = vector.broadcast %ge3A_83 : i32 to vector<16xi32>
        %ge3A_85 = arith.cmpi sge, %iota3A_73, %ge3A_84 : vector<16xi32>
        %jit3A_86 = arith.constant 0 : i32
        %broadcast_in_dim3A_87 = vector.broadcast %jit3A_86 : i32 to vector<16xi32>
        %select_n3A_88 = arith.select %ge3A_85, %gather3A_82, %broadcast_in_dim3A_87 : vector<16xi1>, vector<16xi32>
        %add3A_89 = arith.addi %add3A_72, %select_n3A_88 : vector<16xi32>
        %broadcast_in_dim3A_90 = arith.constant 15 : i32
        %broadcast_in_dim3A_91 = vector.broadcast %broadcast_in_dim3A_90 : i32 to vector<16xi32>
        %broadcast_in_dim3A_92 = vector.shape_cast %broadcast_in_dim3A_91 : vector<16xi32> to vector<16x1xi32>
        %gather3A_93 = vector.shape_cast %broadcast_in_dim3A_92 : vector<16x1xi32> to vector<16xi32>
        %gather3A_94 = tpu.dynamic_gather %add3A_89[%gather3A_93] in [0] : vector<16xi32>, vector<16xi32> -> vector<16xi32>
        %add3A_95 = arith.addi %scan3A_21, %gather3A_94 : vector<16xi32>
        scf.yield %add3A_95 : vector<16xi32>
      }
      %scan3A_8 = arith.constant 128 : i32
      %broadcast_in_dim3A_9 = arith.constant 0 : i32
      %broadcast_in_dim3A_10 = vector.broadcast %broadcast_in_dim3A_9 : i32 to vector<16xi32>
      %scan3A_11 = arith.constant 0 : i32
      %scan3A_12 = arith.constant 128 : i32
      %scan3A_13 = arith.addi %scan3A_11, %scan3A_12 : i32
      %scan3A_14 = arith.constant 1 : i32
      %scan3A_15:2 = scf.for %scan3A_20 = %scan3A_11 to %scan3A_13 step %scan3A_14 iter_args(%scan3A_21 = %broadcast_in_dim3A_10, %scan3A_22 = %scan3A_7) -> (vector<16xi32>, vector<16xi32>)  : i32 {
        %mul3A_23 = arith.constant 16 : i32
        %mul3A_24 = arith.muli %scan3A_20, %mul3A_23 : i32
        %get3A = arith.index_cast %mul3A_24 : i32 to index
        %get3A_25 = tpu.vector_load %arg5[%get3A] {strides = array<i32>} : memref<2048xi32, #tpu.memory_space<vmem>>, vector<16xi32>,
        %get3A_26 = vector.shape_cast %get3A_25 : vector<16xi32> to vector<16xi32>
        %shift_right_arithmetic3A = vector.broadcast %add3A : i32 to vector<16xi32>
        %shift_right_arithmetic3A_27 = arith.shrsi %get3A_26, %shift_right_arithmetic3A : vector<16xi32>
        %and3A = arith.constant 1 : i32
        %and3A_28 = vector.broadcast %and3A : i32 to vector<16xi32>
        %and3A_29 = arith.andi %shift_right_arithmetic3A_27, %and3A_28 : vector<16xi32>
        %iota3A = tpu.iota {dimensions = array<i32: 0>} : vector<16xi32>
        %sub3A = arith.constant 1 : i32
        %sub3A_30 = vector.broadcast %sub3A : i32 to vector<16xi32>
        %sub3A_31 = arith.subi %iota3A, %sub3A_30 : vector<16xi32>
        %max3A = arith.constant 0 : i32
        %max3A_32 = vector.broadcast %max3A : i32 to vector<16xi32>
        %max3A_33 = arith.maxsi %sub3A_31, %max3A_32 : vector<16xi32>
        %broadcast_in_dim3A_34 = vector.shape_cast %max3A_33 : vector<16xi32> to vector<16x1xi32>
        %gather3A = vector.shape_cast %broadcast_in_dim3A_34 : vector<16x1xi32> to vector<16xi32>
        %gather3A_35 = tpu.dynamic_gather %and3A_29[%gather3A] in [0] : vector<16xi32>, vector<16xi32> -> vector<16xi32>
        %ge3A = arith.constant 1 : i32
        %ge3A_36 = vector.broadcast %ge3A : i32 to vector<16xi32>
        %ge3A_37 = arith.cmpi sge, %iota3A, %ge3A_36 : vector<16xi32>
        %jit3A = arith.constant 0 : i32
        %broadcast_in_dim3A_38 = vector.broadcast %jit3A : i32 to vector<16xi32>
        %select_n3A = arith.select %ge3A_37, %gather3A_35, %broadcast_in_dim3A_38 : vector<16xi1>, vector<16xi32>
        %add3A_39 = arith.addi %and3A_29, %select_n3A : vector<16xi32>
        %iota3A_40 = tpu.iota {dimensions = array<i32: 0>} : vector<16xi32>
        %sub3A_41 = arith.constant 2 : i32
        %sub3A_42 = vector.broadcast %sub3A_41 : i32 to vector<16xi32>
        %sub3A_43 = arith.subi %iota3A_40, %sub3A_42 : vector<16xi32>
        %max3A_44 = arith.constant 0 : i32
        %max3A_45 = vector.broadcast %max3A_44 : i32 to vector<16xi32>
        %max3A_46 = arith.maxsi %sub3A_43, %max3A_45 : vector<16xi32>
        %broadcast_in_dim3A_47 = vector.shape_cast %max3A_46 : vector<16xi32> to vector<16x1xi32>
        %gather3A_48 = vector.shape_cast %broadcast_in_dim3A_47 : vector<16x1xi32> to vector<16xi32>
        %gather3A_49 = tpu.dynamic_gather %add3A_39[%gather3A_48] in [0] : vector<16xi32>, vector<16xi32> -> vector<16xi32>
        %ge3A_50 = arith.constant 2 : i32
        %ge3A_51 = vector.broadcast %ge3A_50 : i32 to vector<16xi32>
        %ge3A_52 = arith.cmpi sge, %iota3A_40, %ge3A_51 : vector<16xi32>
        %jit3A_53 = arith.constant 0 : i32
        %broadcast_in_dim3A_54 = vector.broadcast %jit3A_53 : i32 to vector<16xi32>
        %select_n3A_55 = arith.select %ge3A_52, %gather3A_49, %broadcast_in_dim3A_54 : vector<16xi1>, vector<16xi32>
        %add3A_56 = arith.addi %add3A_39, %select_n3A_55 : vector<16xi32>
        %iota3A_57 = tpu.iota {dimensions = array<i32: 0>} : vector<16xi32>
        %sub3A_58 = arith.constant 4 : i32
        %sub3A_59 = vector.broadcast %sub3A_58 : i32 to vector<16xi32>
        %sub3A_60 = arith.subi %iota3A_57, %sub3A_59 : vector<16xi32>
        %max3A_61 = arith.constant 0 : i32
        %max3A_62 = vector.broadcast %max3A_61 : i32 to vector<16xi32>
        %max3A_63 = arith.maxsi %sub3A_60, %max3A_62 : vector<16xi32>
        %broadcast_in_dim3A_64 = vector.shape_cast %max3A_63 : vector<16xi32> to vector<16x1xi32>
        %gather3A_65 = vector.shape_cast %broadcast_in_dim3A_64 : vector<16x1xi32> to vector<16xi32>
        %gather3A_66 = tpu.dynamic_gather %add3A_56[%gather3A_65] in [0] : vector<16xi32>, vector<16xi32> -> vector<16xi32>
        %ge3A_67 = arith.constant 4 : i32
        %ge3A_68 = vector.broadcast %ge3A_67 : i32 to vector<16xi32>
        %ge3A_69 = arith.cmpi sge, %iota3A_57, %ge3A_68 : vector<16xi32>
        %jit3A_70 = arith.constant 0 : i32
        %broadcast_in_dim3A_71 = vector.broadcast %jit3A_70 : i32 to vector<16xi32>
        %select_n3A_72 = arith.select %ge3A_69, %gather3A_66, %broadcast_in_dim3A_71 : vector<16xi1>, vector<16xi32>
        %add3A_73 = arith.addi %add3A_56, %select_n3A_72 : vector<16xi32>
        %iota3A_74 = tpu.iota {dimensions = array<i32: 0>} : vector<16xi32>
        %sub3A_75 = arith.constant 8 : i32
        %sub3A_76 = vector.broadcast %sub3A_75 : i32 to vector<16xi32>
        %sub3A_77 = arith.subi %iota3A_74, %sub3A_76 : vector<16xi32>
        %max3A_78 = arith.constant 0 : i32
        %max3A_79 = vector.broadcast %max3A_78 : i32 to vector<16xi32>
        %max3A_80 = arith.maxsi %sub3A_77, %max3A_79 : vector<16xi32>
        %broadcast_in_dim3A_81 = vector.shape_cast %max3A_80 : vector<16xi32> to vector<16x1xi32>
        %gather3A_82 = vector.shape_cast %broadcast_in_dim3A_81 : vector<16x1xi32> to vector<16xi32>
        %gather3A_83 = tpu.dynamic_gather %add3A_73[%gather3A_82] in [0] : vector<16xi32>, vector<16xi32> -> vector<16xi32>
        %ge3A_84 = arith.constant 8 : i32
        %ge3A_85 = vector.broadcast %ge3A_84 : i32 to vector<16xi32>
        %ge3A_86 = arith.cmpi sge, %iota3A_74, %ge3A_85 : vector<16xi32>
        %jit3A_87 = arith.constant 0 : i32
        %broadcast_in_dim3A_88 = vector.broadcast %jit3A_87 : i32 to vector<16xi32>
        %select_n3A_89 = arith.select %ge3A_86, %gather3A_83, %broadcast_in_dim3A_88 : vector<16xi1>, vector<16xi32>
        %add3A_90 = arith.addi %add3A_73, %select_n3A_89 : vector<16xi32>
        %sub3A_91 = arith.constant 1 : i32
        %sub3A_92 = vector.broadcast %sub3A_91 : i32 to vector<16xi32>
        %sub3A_93 = arith.subi %sub3A_92, %and3A_29 : vector<16xi32>
        %iota3A_94 = tpu.iota {dimensions = array<i32: 0>} : vector<16xi32>
        %sub3A_95 = arith.constant 1 : i32
        %sub3A_96 = vector.broadcast %sub3A_95 : i32 to vector<16xi32>
        %sub3A_97 = arith.subi %iota3A_94, %sub3A_96 : vector<16xi32>
        %max3A_98 = arith.constant 0 : i32
        %max3A_99 = vector.broadcast %max3A_98 : i32 to vector<16xi32>
        %max3A_100 = arith.maxsi %sub3A_97, %max3A_99 : vector<16xi32>
        %broadcast_in_dim3A_101 = vector.shape_cast %max3A_100 : vector<16xi32> to vector<16x1xi32>
        %gather3A_102 = vector.shape_cast %broadcast_in_dim3A_101 : vector<16x1xi32> to vector<16xi32>
        %gather3A_103 = tpu.dynamic_gather %sub3A_93[%gather3A_102] in [0] : vector<16xi32>, vector<16xi32> -> vector<16xi32>
        %ge3A_104 = arith.constant 1 : i32
        %ge3A_105 = vector.broadcast %ge3A_104 : i32 to vector<16xi32>
        %ge3A_106 = arith.cmpi sge, %iota3A_94, %ge3A_105 : vector<16xi32>
        %jit3A_107 = arith.constant 0 : i32
        %broadcast_in_dim3A_108 = vector.broadcast %jit3A_107 : i32 to vector<16xi32>
        %select_n3A_109 = arith.select %ge3A_106, %gather3A_103, %broadcast_in_dim3A_108 : vector<16xi1>, vector<16xi32>
        %add3A_110 = arith.addi %sub3A_93, %select_n3A_109 : vector<16xi32>
        %iota3A_111 = tpu.iota {dimensions = array<i32: 0>} : vector<16xi32>
        %sub3A_112 = arith.constant 2 : i32
        %sub3A_113 = vector.broadcast %sub3A_112 : i32 to vector<16xi32>
        %sub3A_114 = arith.subi %iota3A_111, %sub3A_113 : vector<16xi32>
        %max3A_115 = arith.constant 0 : i32
        %max3A_116 = vector.broadcast %max3A_115 : i32 to vector<16xi32>
        %max3A_117 = arith.maxsi %sub3A_114, %max3A_116 : vector<16xi32>
        %broadcast_in_dim3A_118 = vector.shape_cast %max3A_117 : vector<16xi32> to vector<16x1xi32>
        %gather3A_119 = vector.shape_cast %broadcast_in_dim3A_118 : vector<16x1xi32> to vector<16xi32>
        %gather3A_120 = tpu.dynamic_gather %add3A_110[%gather3A_119] in [0] : vector<16xi32>, vector<16xi32> -> vector<16xi32>
        %ge3A_121 = arith.constant 2 : i32
        %ge3A_122 = vector.broadcast %ge3A_121 : i32 to vector<16xi32>
        %ge3A_123 = arith.cmpi sge, %iota3A_111, %ge3A_122 : vector<16xi32>
        %jit3A_124 = arith.constant 0 : i32
        %broadcast_in_dim3A_125 = vector.broadcast %jit3A_124 : i32 to vector<16xi32>
        %select_n3A_126 = arith.select %ge3A_123, %gather3A_120, %broadcast_in_dim3A_125 : vector<16xi1>, vector<16xi32>
        %add3A_127 = arith.addi %add3A_110, %select_n3A_126 : vector<16xi32>
        %iota3A_128 = tpu.iota {dimensions = array<i32: 0>} : vector<16xi32>
        %sub3A_129 = arith.constant 4 : i32
        %sub3A_130 = vector.broadcast %sub3A_129 : i32 to vector<16xi32>
        %sub3A_131 = arith.subi %iota3A_128, %sub3A_130 : vector<16xi32>
        %max3A_132 = arith.constant 0 : i32
        %max3A_133 = vector.broadcast %max3A_132 : i32 to vector<16xi32>
        %max3A_134 = arith.maxsi %sub3A_131, %max3A_133 : vector<16xi32>
        %broadcast_in_dim3A_135 = vector.shape_cast %max3A_134 : vector<16xi32> to vector<16x1xi32>
        %gather3A_136 = vector.shape_cast %broadcast_in_dim3A_135 : vector<16x1xi32> to vector<16xi32>
        %gather3A_137 = tpu.dynamic_gather %add3A_127[%gather3A_136] in [0] : vector<16xi32>, vector<16xi32> -> vector<16xi32>
        %ge3A_138 = arith.constant 4 : i32
        %ge3A_139 = vector.broadcast %ge3A_138 : i32 to vector<16xi32>
        %ge3A_140 = arith.cmpi sge, %iota3A_128, %ge3A_139 : vector<16xi32>
        %jit3A_141 = arith.constant 0 : i32
        %broadcast_in_dim3A_142 = vector.broadcast %jit3A_141 : i32 to vector<16xi32>
        %select_n3A_143 = arith.select %ge3A_140, %gather3A_137, %broadcast_in_dim3A_142 : vector<16xi1>, vector<16xi32>
        %add3A_144 = arith.addi %add3A_127, %select_n3A_143 : vector<16xi32>
        %iota3A_145 = tpu.iota {dimensions = array<i32: 0>} : vector<16xi32>
        %sub3A_146 = arith.constant 8 : i32
        %sub3A_147 = vector.broadcast %sub3A_146 : i32 to vector<16xi32>
        %sub3A_148 = arith.subi %iota3A_145, %sub3A_147 : vector<16xi32>
        %max3A_149 = arith.constant 0 : i32
        %max3A_150 = vector.broadcast %max3A_149 : i32 to vector<16xi32>
        %max3A_151 = arith.maxsi %sub3A_148, %max3A_150 : vector<16xi32>
        %broadcast_in_dim3A_152 = vector.shape_cast %max3A_151 : vector<16xi32> to vector<16x1xi32>
        %gather3A_153 = vector.shape_cast %broadcast_in_dim3A_152 : vector<16x1xi32> to vector<16xi32>
        %gather3A_154 = tpu.dynamic_gather %add3A_144[%gather3A_153] in [0] : vector<16xi32>, vector<16xi32> -> vector<16xi32>
        %ge3A_155 = arith.constant 8 : i32
        %ge3A_156 = vector.broadcast %ge3A_155 : i32 to vector<16xi32>
        %ge3A_157 = arith.cmpi sge, %iota3A_145, %ge3A_156 : vector<16xi32>
        %jit3A_158 = arith.constant 0 : i32
        %broadcast_in_dim3A_159 = vector.broadcast %jit3A_158 : i32 to vector<16xi32>
        %select_n3A_160 = arith.select %ge3A_157, %gather3A_154, %broadcast_in_dim3A_159 : vector<16xi1>, vector<16xi32>
        %add3A_161 = arith.addi %add3A_144, %select_n3A_160 : vector<16xi32>
        %add3A_162 = arith.addi %scan3A_21, %add3A_90 : vector<16xi32>
        %sub3A_163 = arith.constant 1 : i32
        %sub3A_164 = vector.broadcast %sub3A_163 : i32 to vector<16xi32>
        %sub3A_165 = arith.subi %add3A_162, %sub3A_164 : vector<16xi32>
        %add3A_166 = arith.addi %scan3A_22, %add3A_161 : vector<16xi32>
        %sub3A_167 = arith.constant 1 : i32
        %sub3A_168 = vector.broadcast %sub3A_167 : i32 to vector<16xi32>
        %sub3A_169 = arith.subi %add3A_166, %sub3A_168 : vector<16xi32>
        %sub3A_170 = arith.subi %sub3A_165, %sub3A_169 : vector<16xi32>
        %mul3A_171 = arith.muli %and3A_29, %sub3A_170 : vector<16xi32>
        %add3A_172 = arith.addi %sub3A_169, %mul3A_171 : vector<16xi32>
        %mul3A_173 = arith.constant 16 : i32
        %mul3A_174 = arith.muli %scan3A_20, %mul3A_173 : i32
        %swap3A_175 = arith.index_cast %mul3A_174 : i32 to index
        %swap3A_176 = tpu.vector_load %arg6[%swap3A_175] {strides = array<i32>} : memref<2048xi32, #tpu.memory_space<vmem>>, vector<16xi32>,
        %swap3A_177 = vector.shape_cast %swap3A_176 : vector<16xi32> to vector<16xi32>
        %swap3A_178 = vector.shape_cast %add3A_172 : vector<16xi32> to vector<16xi32>
        tpu.vector_store %arg6[%swap3A_175], %swap3A_178 {strides = array<i32>} : memref<2048xi32, #tpu.memory_space<vmem>>, vector<16xi32>,
        %broadcast_in_dim3A_179 = arith.constant 15 : i32
        %broadcast_in_dim3A_180 = vector.broadcast %broadcast_in_dim3A_179 : i32 to vector<16xi32>
        %broadcast_in_dim3A_181 = vector.shape_cast %broadcast_in_dim3A_180 : vector<16xi32> to vector<16x1xi32>
        %gather3A_182 = vector.shape_cast %broadcast_in_dim3A_181 : vector<16x1xi32> to vector<16xi32>
        %gather3A_183 = tpu.dynamic_gather %add3A_90[%gather3A_182] in [0] : vector<16xi32>, vector<16xi32> -> vector<16xi32>
        %add3A_184 = arith.addi %scan3A_21, %gather3A_183 : vector<16xi32>
        %broadcast_in_dim3A_185 = arith.constant 15 : i32
        %broadcast_in_dim3A_186 = vector.broadcast %broadcast_in_dim3A_185 : i32 to vector<16xi32>
        %broadcast_in_dim3A_187 = vector.shape_cast %broadcast_in_dim3A_186 : vector<16xi32> to vector<16x1xi32>
        %gather3A_188 = vector.shape_cast %broadcast_in_dim3A_187 : vector<16x1xi32> to vector<16xi32>
        %gather3A_189 = tpu.dynamic_gather %add3A_161[%gather3A_188] in [0] : vector<16xi32>, vector<16xi32> -> vector<16xi32>
        %add3A_190 = arith.addi %scan3A_22, %gather3A_189 : vector<16xi32>
        scf.yield %add3A_184, %add3A_190 : vector<16xi32>, vector<16xi32>
      }
      %scan3A_16 = arith.constant 128 : i32
      %swap3A = arith.constant 0 : index
      %swap3A_17 = tpu.vector_load %arg7[%swap3A] {strides = array<i32>} : memref<16xi32, #tpu.memory_space<vmem>>, vector<16xi32>,
      %swap3A_18 = vector.shape_cast %swap3A_17 : vector<16xi32> to vector<16xi32>
      %swap3A_19 = vector.shape_cast %scan3A_7 : vector<16xi32> to vector<16xi32>
      tpu.vector_store %arg7[%swap3A], %swap3A_19 {strides = array<i32>} : memref<16xi32, #tpu.memory_space<vmem>>, vector<16xi32>,
      "tpu.region"() ({
        %run_scoped3A = tpu.sem_alloc : memref<!tpu.dma_semaphore, #tpu.memory_space<semaphore_mem>>
        %dma_start3A = arith.constant 0 : i32
        %dma_start3A_20 = tpu.memref_slice %arg4[%add3A, %dma_start3A] : memref<8x16xi32, #tpu.memory_space<hbm>> -> memref<1x16xi32, #tpu.memory_space<hbm>>
        %dma_start3A_21 = tpu.memref_squeeze %dma_start3A_20 : memref<1x16xi32, #tpu.memory_space<hbm>> -> memref<16xi32, #tpu.memory_space<hbm>>
        %dma_start3A_22 = arith.constant 0 : i32
        %dma_start3A_23 = tpu.memref_slice %arg4[%add3A, %dma_start3A_22] : memref<8x16xi32, #tpu.memory_space<hbm>> -> memref<1x16xi32, #tpu.memory_space<hbm>>
        %dma_start3A_24 = tpu.memref_squeeze %dma_start3A_23 : memref<1x16xi32, #tpu.memory_space<hbm>> -> memref<16xi32, #tpu.memory_space<hbm>>
        tpu.enqueue_dma source(%arg7 : memref<16xi32, #tpu.memory_space<vmem>>) target(%dma_start3A_24 : memref<16xi32, #tpu.memory_space<hbm>>) target_semaphore(%run_scoped3A : memref<!tpu.dma_semaphore, #tpu.memory_space<semaphore_mem>>)
        %dma_wait3A = arith.constant 0 : i32
        %dma_wait3A_25 = tpu.memref_slice %arg4[%add3A, %dma_wait3A] : memref<8x16xi32, #tpu.memory_space<hbm>> -> memref<1x16xi32, #tpu.memory_space<hbm>>
        %dma_wait3A_26 = tpu.memref_squeeze %dma_wait3A_25 : memref<1x16xi32, #tpu.memory_space<hbm>> -> memref<16xi32, #tpu.memory_space<hbm>>
        %dma_wait3A_27 = arith.constant 0 : i32
        %dma_wait3A_28 = tpu.memref_slice %arg4[%add3A, %dma_wait3A_27] : memref<8x16xi32, #tpu.memory_space<hbm>> -> memref<1x16xi32, #tpu.memory_space<hbm>>
        %dma_wait3A_29 = tpu.memref_squeeze %dma_wait3A_28 : memref<1x16xi32, #tpu.memory_space<hbm>> -> memref<16xi32, #tpu.memory_space<hbm>>
        tpu.wait_dma2 semaphore(%run_scoped3A : memref<!tpu.dma_semaphore, #tpu.memory_space<semaphore_mem>>) src(%arg7 : memref<16xi32, #tpu.memory_space<vmem>>) dst(%dma_wait3A_29 : memref<16xi32, #tpu.memory_space<hbm>>)
        tpu.yield
      }) : () -> ()
      "tpu.region"() ({
        %run_scoped3A = tpu.sem_alloc : memref<!tpu.dma_semaphore, #tpu.memory_space<semaphore_mem>>
        %dma_start3A = arith.constant 0 : i32
        %dma_start3A_20 = tpu.memref_slice %arg3[%add3A, %dma_start3A] : memref<8x2048xi32, #tpu.memory_space<hbm>> -> memref<1x2048xi32, #tpu.memory_space<hbm>>
        %dma_start3A_21 = tpu.memref_squeeze %dma_start3A_20 : memref<1x2048xi32, #tpu.memory_space<hbm>> -> memref<2048xi32, #tpu.memory_space<hbm>>
        %dma_start3A_22 = arith.constant 0 : i32
        %dma_start3A_23 = tpu.memref_slice %arg3[%add3A, %dma_start3A_22] : memref<8x2048xi32, #tpu.memory_space<hbm>> -> memref<1x2048xi32, #tpu.memory_space<hbm>>
        %dma_start3A_24 = tpu.memref_squeeze %dma_start3A_23 : memref<1x2048xi32, #tpu.memory_space<hbm>> -> memref<2048xi32, #tpu.memory_space<hbm>>
        tpu.enqueue_dma source(%arg6 : memref<2048xi32, #tpu.memory_space<vmem>>) target(%dma_start3A_24 : memref<2048xi32, #tpu.memory_space<hbm>>) target_semaphore(%run_scoped3A : memref<!tpu.dma_semaphore, #tpu.memory_space<semaphore_mem>>)
        %dma_wait3A = arith.constant 0 : i32
        %dma_wait3A_25 = tpu.memref_slice %arg3[%add3A, %dma_wait3A] : memref<8x2048xi32, #tpu.memory_space<hbm>> -> memref<1x2048xi32, #tpu.memory_space<hbm>>
        %dma_wait3A_26 = tpu.memref_squeeze %dma_wait3A_25 : memref<1x2048xi32, #tpu.memory_space<hbm>> -> memref<2048xi32, #tpu.memory_space<hbm>>
        %dma_wait3A_27 = arith.constant 0 : i32
        %dma_wait3A_28 = tpu.memref_slice %arg3[%add3A, %dma_wait3A_27] : memref<8x2048xi32, #tpu.memory_space<hbm>> -> memref<1x2048xi32, #tpu.memory_space<hbm>>
        %dma_wait3A_29 = tpu.memref_squeeze %dma_wait3A_28 : memref<1x2048xi32, #tpu.memory_space<hbm>> -> memref<2048xi32, #tpu.memory_space<hbm>>
        tpu.wait_dma2 semaphore(%run_scoped3A : memref<!tpu.dma_semaphore, #tpu.memory_space<semaphore_mem>>) src(%arg6 : memref<2048xi32, #tpu.memory_space<vmem>>) dst(%dma_wait3A_29 : memref<2048xi32, #tpu.memory_space<hbm>>)
        tpu.yield
      }) : () -> ()
    } else {
    }
    return
  }
}

#map = affine_map<(d0, d1) -> (0, 0)>
module attributes {stable_mosaic.version = 14 : i64} {
  func.func @_scatter_body(%arg0: i32, %arg1: i32, %arg2: memref<16392x768xf32, #tpu.memory_space<hbm>>, %arg3: memref<8x2048xi32, #tpu.memory_space<hbm>>, %arg4: memref<16384x768xf32, #tpu.memory_space<hbm>>, %arg5: memref<2x64x768xf32, #tpu.memory_space<vmem>>, %arg6: memref<2x64xi32, #tpu.memory_space<vmem>>, %arg7: memref<2x64xi32, #tpu.memory_space<vmem>>, %arg8: memref<2048xi32, #tpu.memory_space<vmem>>, %arg9: memref<!tpu.dma_semaphore, #tpu.memory_space<semaphore_mem>>, %arg10: memref<!tpu.dma_semaphore, #tpu.memory_space<semaphore_mem>>) attributes {dimension_semantics = [#tpu.dimension_semantics<core_parallel>, #tpu.dimension_semantics<subcore_parallel>], iteration_bounds = array<i64: 2, 16>, scalar_prefetch = 0 : i64, scratch_operands = 6 : i64, tpu.core_type = #tpu.core_type<sc_vector_subcore>, window_params = [{transform_indices = #map}, {transform_indices = #map}, {transform_indices = #map}]} {
    %mul3A = arith.constant 2 : i32
    %mul3A_0 = arith.muli %arg1, %mul3A : i32
    %add3A = arith.addi %mul3A_0, %arg0 : i32
    %jit3A = arith.constant 4 : i32
    %div3A = arith.divsi %add3A, %jit3A : i32
    %sign3A = arith.constant 0 : i32
    %sign3A_1 = arith.cmpi sgt, %add3A, %sign3A : i32
    %sign3A_2 = arith.extui %sign3A_1 : i1 to i32
    %sign3A_3 = arith.constant 0 : i32
    %sign3A_4 = arith.cmpi slt, %add3A, %sign3A_3 : i32
    %sign3A_5 = arith.extui %sign3A_4 : i1 to i32
    %sign3A_6 = arith.subi %sign3A_2, %sign3A_5 : i32
    %sign3A_7 = arith.constant 0 : i32
    %sign3A_8 = arith.cmpi sgt, %jit3A, %sign3A_7 : i32
    %sign3A_9 = arith.extui %sign3A_8 : i1 to i32
    %sign3A_10 = arith.constant 0 : i32
    %sign3A_11 = arith.cmpi slt, %jit3A, %sign3A_10 : i32
    %sign3A_12 = arith.extui %sign3A_11 : i1 to i32
    %sign3A_13 = arith.subi %sign3A_9, %sign3A_12 : i32
    %ne3A = arith.cmpi ne, %sign3A_6, %sign3A_13 : i32
    %rem3A = arith.remsi %add3A, %jit3A : i32
    %ne3A_14 = arith.constant 0 : i32
    %ne3A_15 = arith.cmpi ne, %rem3A, %ne3A_14 : i32
    %and3A = arith.andi %ne3A, %ne3A_15 : i1
    %sub3A = arith.constant 1 : i32
    %sub3A_16 = arith.subi %div3A, %sub3A : i32
    %select_n3A = arith.select %and3A, %sub3A_16, %div3A : i32
    %jit3A_17 = arith.constant 4 : i32
    %eq3A = arith.constant 0 : i32
    %eq3A_18 = arith.cmpi eq, %jit3A_17, %eq3A : i32
    %jit3A_19 = arith.constant 1 : i32
    %select_n3A_20 = arith.select %eq3A_18, %jit3A_19, %jit3A_17 : i32
    %rem3A_21 = arith.remsi %add3A, %select_n3A_20 : i32
    %ne3A_22 = arith.constant 0 : i32
    %ne3A_23 = arith.cmpi ne, %rem3A_21, %ne3A_22 : i32
    %lt3A = arith.constant 0 : i32
    %lt3A_24 = arith.cmpi slt, %rem3A_21, %lt3A : i32
    %lt3A_25 = arith.constant 0 : i32
    %lt3A_26 = arith.cmpi slt, %select_n3A_20, %lt3A_25 : i32
    %ne3A_27 = arith.xori %lt3A_24, %lt3A_26 : i1
    %and3A_28 = arith.andi %ne3A_27, %ne3A_23 : i1
    %add3A_29 = arith.addi %rem3A_21, %select_n3A_20 : i32
    %select_n3A_30 = arith.select %and3A_28, %add3A_29, %rem3A_21 : i32
    %mul3A_31 = arith.constant 512 : i32
    %mul3A_32 = arith.muli %select_n3A_30, %mul3A_31 : i32
    "tpu.region"() ({
      %run_scoped3A = tpu.sem_alloc : memref<!tpu.dma_semaphore, #tpu.memory_space<semaphore_mem>>
      %dma_start3A_1532 = arith.constant 0 : i32
      %dma_start3A_1533 = tpu.memref_slice %arg3[%select_n3A, %dma_start3A_1532] : memref<8x2048xi32, #tpu.memory_space<hbm>> -> memref<1x2048xi32, #tpu.memory_space<hbm>>
      %dma_start3A_1534 = tpu.memref_squeeze %dma_start3A_1533 : memref<1x2048xi32, #tpu.memory_space<hbm>> -> memref<2048xi32, #tpu.memory_space<hbm>>
      %dma_start3A_1535 = arith.constant 0 : i32
      %dma_start3A_1536 = tpu.memref_slice %arg3[%select_n3A, %dma_start3A_1535] : memref<8x2048xi32, #tpu.memory_space<hbm>> -> memref<1x2048xi32, #tpu.memory_space<hbm>>
      %dma_start3A_1537 = tpu.memref_squeeze %dma_start3A_1536 : memref<1x2048xi32, #tpu.memory_space<hbm>> -> memref<2048xi32, #tpu.memory_space<hbm>>
      tpu.enqueue_dma source(%dma_start3A_1537 : memref<2048xi32, #tpu.memory_space<hbm>>) target(%arg8 : memref<2048xi32, #tpu.memory_space<vmem>>) target_semaphore(%run_scoped3A : memref<!tpu.dma_semaphore, #tpu.memory_space<semaphore_mem>>)
      %dma_wait3A_1538 = arith.constant 0 : i32
      %dma_wait3A_1539 = tpu.memref_slice %arg3[%select_n3A, %dma_wait3A_1538] : memref<8x2048xi32, #tpu.memory_space<hbm>> -> memref<1x2048xi32, #tpu.memory_space<hbm>>
      %dma_wait3A_1540 = tpu.memref_squeeze %dma_wait3A_1539 : memref<1x2048xi32, #tpu.memory_space<hbm>> -> memref<2048xi32, #tpu.memory_space<hbm>>
      %dma_wait3A_1541 = arith.constant 0 : i32
      %dma_wait3A_1542 = tpu.memref_slice %arg3[%select_n3A, %dma_wait3A_1541] : memref<8x2048xi32, #tpu.memory_space<hbm>> -> memref<1x2048xi32, #tpu.memory_space<hbm>>
      %dma_wait3A_1543 = tpu.memref_squeeze %dma_wait3A_1542 : memref<1x2048xi32, #tpu.memory_space<hbm>> -> memref<2048xi32, #tpu.memory_space<hbm>>
      tpu.wait_dma2 semaphore(%run_scoped3A : memref<!tpu.dma_semaphore, #tpu.memory_space<semaphore_mem>>) src(%dma_wait3A_1543 : memref<2048xi32, #tpu.memory_space<hbm>>) dst(%arg8 : memref<2048xi32, #tpu.memory_space<vmem>>)
      tpu.yield
    }) : () -> ()
    %add3A_33 = arith.constant 0 : i32
    %add3A_34 = arith.addi %mul3A_32, %add3A_33 : i32
    %add3A_35 = arith.constant 0 : i32
    %add3A_36 = arith.addi %add3A_34, %add3A_35 : i32
    %get3A = arith.index_cast %add3A_36 : i32 to index
    %get3A_37 = tpu.vector_load %arg8[%get3A] {strides = array<i32>} : memref<2048xi32, #tpu.memory_space<vmem>>, vector<16xi32>,
    %get3A_38 = vector.shape_cast %get3A_37 : vector<16xi32> to vector<16xi32>
    %mul3A_39 = arith.constant 2048 : i32
    %mul3A_40 = arith.muli %select_n3A, %mul3A_39 : i32
    %add3A_41 = vector.broadcast %mul3A_40 : i32 to vector<16xi32>
    %add3A_42 = arith.addi %get3A_38, %add3A_41 : vector<16xi32>
    %swap3A = arith.constant 0 : i32
    %swap3A_43 = arith.index_cast %swap3A : i32 to index
    %swap3A_44 = arith.constant 0 : index
    %swap3A_45 = tpu.vector_load %arg6[%swap3A_43, %swap3A_44] {strides = array<i32>} : memref<2x64xi32, #tpu.memory_space<vmem>>, vector<1x16xi32>,
    %swap3A_46 = vector.shape_cast %swap3A_45 : vector<1x16xi32> to vector<16xi32>
    %swap3A_47 = vector.shape_cast %add3A_42 : vector<16xi32> to vector<1x16xi32>
    tpu.vector_store %arg6[%swap3A_43, %swap3A_44], %swap3A_47 {strides = array<i32>} : memref<2x64xi32, #tpu.memory_space<vmem>>, vector<1x16xi32>,
    %iota3A = tpu.iota {dimensions = array<i32: 0>} : vector<16xi32>
    %add3A_48 = arith.constant 0 : i32
    %add3A_49 = arith.addi %mul3A_32, %add3A_48 : i32
    %add3A_50 = arith.constant 0 : i32
    %add3A_51 = arith.addi %add3A_49, %add3A_50 : i32
    %add3A_52 = vector.broadcast %add3A_51 : i32 to vector<16xi32>
    %add3A_53 = arith.addi %iota3A, %add3A_52 : vector<16xi32>
    %mul3A_54 = arith.constant 8 : i32
    %mul3A_55 = vector.broadcast %mul3A_54 : i32 to vector<16xi32>
    %mul3A_56 = arith.muli %add3A_53, %mul3A_55 : vector<16xi32>
    %add3A_57 = vector.broadcast %select_n3A : i32 to vector<16xi32>
    %add3A_58 = arith.addi %mul3A_56, %add3A_57 : vector<16xi32>
    %swap3A_59 = arith.constant 0 : i32
    %swap3A_60 = arith.index_cast %swap3A_59 : i32 to index
    %swap3A_61 = arith.constant 0 : index
    %swap3A_62 = tpu.vector_load %arg7[%swap3A_60, %swap3A_61] {strides = array<i32>} : memref<2x64xi32, #tpu.memory_space<vmem>>, vector<1x16xi32>,
    %swap3A_63 = vector.shape_cast %swap3A_62 : vector<1x16xi32> to vector<16xi32>
    %swap3A_64 = vector.shape_cast %add3A_58 : vector<16xi32> to vector<1x16xi32>
    tpu.vector_store %arg7[%swap3A_60, %swap3A_61], %swap3A_64 {strides = array<i32>} : memref<2x64xi32, #tpu.memory_space<vmem>>, vector<1x16xi32>,
    %add3A_65 = arith.constant 0 : i32
    %add3A_66 = arith.addi %mul3A_32, %add3A_65 : i32
    %add3A_67 = arith.constant 16 : i32
    %add3A_68 = arith.addi %add3A_66, %add3A_67 : i32
    %get3A_69 = arith.index_cast %add3A_68 : i32 to index
    %get3A_70 = tpu.vector_load %arg8[%get3A_69] {strides = array<i32>} : memref<2048xi32, #tpu.memory_space<vmem>>, vector<16xi32>,
    %get3A_71 = vector.shape_cast %get3A_70 : vector<16xi32> to vector<16xi32>
    %mul3A_72 = arith.constant 2048 : i32
    %mul3A_73 = arith.muli %select_n3A, %mul3A_72 : i32
    %add3A_74 = vector.broadcast %mul3A_73 : i32 to vector<16xi32>
    %add3A_75 = arith.addi %get3A_71, %add3A_74 : vector<16xi32>
    %swap3A_76 = arith.constant 0 : i32
    %swap3A_77 = arith.index_cast %swap3A_76 : i32 to index
    %swap3A_78 = arith.constant 16 : index
    %swap3A_79 = tpu.vector_load %arg6[%swap3A_77, %swap3A_78] {strides = array<i32>} : memref<2x64xi32, #tpu.memory_space<vmem>>, vector<1x16xi32>,
    %swap3A_80 = vector.shape_cast %swap3A_79 : vector<1x16xi32> to vector<16xi32>
    %swap3A_81 = vector.shape_cast %add3A_75 : vector<16xi32> to vector<1x16xi32>
    tpu.vector_store %arg6[%swap3A_77, %swap3A_78], %swap3A_81 {strides = array<i32>} : memref<2x64xi32, #tpu.memory_space<vmem>>, vector<1x16xi32>,
    %iota3A_82 = tpu.iota {dimensions = array<i32: 0>} : vector<16xi32>
    %add3A_83 = arith.constant 0 : i32
    %add3A_84 = arith.addi %mul3A_32, %add3A_83 : i32
    %add3A_85 = arith.constant 16 : i32
    %add3A_86 = arith.addi %add3A_84, %add3A_85 : i32
    %add3A_87 = vector.broadcast %add3A_86 : i32 to vector<16xi32>
    %add3A_88 = arith.addi %iota3A_82, %add3A_87 : vector<16xi32>
    %mul3A_89 = arith.constant 8 : i32
    %mul3A_90 = vector.broadcast %mul3A_89 : i32 to vector<16xi32>
    %mul3A_91 = arith.muli %add3A_88, %mul3A_90 : vector<16xi32>
    %add3A_92 = vector.broadcast %select_n3A : i32 to vector<16xi32>
    %add3A_93 = arith.addi %mul3A_91, %add3A_92 : vector<16xi32>
    %swap3A_94 = arith.constant 0 : i32
    %swap3A_95 = arith.index_cast %swap3A_94 : i32 to index
    %swap3A_96 = arith.constant 16 : index
    %swap3A_97 = tpu.vector_load %arg7[%swap3A_95, %swap3A_96] {strides = array<i32>} : memref<2x64xi32, #tpu.memory_space<vmem>>, vector<1x16xi32>,
    %swap3A_98 = vector.shape_cast %swap3A_97 : vector<1x16xi32> to vector<16xi32>
    %swap3A_99 = vector.shape_cast %add3A_93 : vector<16xi32> to vector<1x16xi32>
    tpu.vector_store %arg7[%swap3A_95, %swap3A_96], %swap3A_99 {strides = array<i32>} : memref<2x64xi32, #tpu.memory_space<vmem>>, vector<1x16xi32>,
    %add3A_100 = arith.constant 0 : i32
    %add3A_101 = arith.addi %mul3A_32, %add3A_100 : i32
    %add3A_102 = arith.constant 32 : i32
    %add3A_103 = arith.addi %add3A_101, %add3A_102 : i32
    %get3A_104 = arith.index_cast %add3A_103 : i32 to index
    %get3A_105 = tpu.vector_load %arg8[%get3A_104] {strides = array<i32>} : memref<2048xi32, #tpu.memory_space<vmem>>, vector<16xi32>,
    %get3A_106 = vector.shape_cast %get3A_105 : vector<16xi32> to vector<16xi32>
    %mul3A_107 = arith.constant 2048 : i32
    %mul3A_108 = arith.muli %select_n3A, %mul3A_107 : i32
    %add3A_109 = vector.broadcast %mul3A_108 : i32 to vector<16xi32>
    %add3A_110 = arith.addi %get3A_106, %add3A_109 : vector<16xi32>
    %swap3A_111 = arith.constant 0 : i32
    %swap3A_112 = arith.index_cast %swap3A_111 : i32 to index
    %swap3A_113 = arith.constant 32 : index
    %swap3A_114 = tpu.vector_load %arg6[%swap3A_112, %swap3A_113] {strides = array<i32>} : memref<2x64xi32, #tpu.memory_space<vmem>>, vector<1x16xi32>,
    %swap3A_115 = vector.shape_cast %swap3A_114 : vector<1x16xi32> to vector<16xi32>
    %swap3A_116 = vector.shape_cast %add3A_110 : vector<16xi32> to vector<1x16xi32>
    tpu.vector_store %arg6[%swap3A_112, %swap3A_113], %swap3A_116 {strides = array<i32>} : memref<2x64xi32, #tpu.memory_space<vmem>>, vector<1x16xi32>,
    %iota3A_117 = tpu.iota {dimensions = array<i32: 0>} : vector<16xi32>
    %add3A_118 = arith.constant 0 : i32
    %add3A_119 = arith.addi %mul3A_32, %add3A_118 : i32
    %add3A_120 = arith.constant 32 : i32
    %add3A_121 = arith.addi %add3A_119, %add3A_120 : i32
    %add3A_122 = vector.broadcast %add3A_121 : i32 to vector<16xi32>
    %add3A_123 = arith.addi %iota3A_117, %add3A_122 : vector<16xi32>
    %mul3A_124 = arith.constant 8 : i32
    %mul3A_125 = vector.broadcast %mul3A_124 : i32 to vector<16xi32>
    %mul3A_126 = arith.muli %add3A_123, %mul3A_125 : vector<16xi32>
    %add3A_127 = vector.broadcast %select_n3A : i32 to vector<16xi32>
    %add3A_128 = arith.addi %mul3A_126, %add3A_127 : vector<16xi32>
    %swap3A_129 = arith.constant 0 : i32
    %swap3A_130 = arith.index_cast %swap3A_129 : i32 to index
    %swap3A_131 = arith.constant 32 : index
    %swap3A_132 = tpu.vector_load %arg7[%swap3A_130, %swap3A_131] {strides = array<i32>} : memref<2x64xi32, #tpu.memory_space<vmem>>, vector<1x16xi32>,
    %swap3A_133 = vector.shape_cast %swap3A_132 : vector<1x16xi32> to vector<16xi32>
    %swap3A_134 = vector.shape_cast %add3A_128 : vector<16xi32> to vector<1x16xi32>
    tpu.vector_store %arg7[%swap3A_130, %swap3A_131], %swap3A_134 {strides = array<i32>} : memref<2x64xi32, #tpu.memory_space<vmem>>, vector<1x16xi32>,
    %add3A_135 = arith.constant 0 : i32
    %add3A_136 = arith.addi %mul3A_32, %add3A_135 : i32
    %add3A_137 = arith.constant 48 : i32
    %add3A_138 = arith.addi %add3A_136, %add3A_137 : i32
    %get3A_139 = arith.index_cast %add3A_138 : i32 to index
    %get3A_140 = tpu.vector_load %arg8[%get3A_139] {strides = array<i32>} : memref<2048xi32, #tpu.memory_space<vmem>>, vector<16xi32>,
    %get3A_141 = vector.shape_cast %get3A_140 : vector<16xi32> to vector<16xi32>
    %mul3A_142 = arith.constant 2048 : i32
    %mul3A_143 = arith.muli %select_n3A, %mul3A_142 : i32
    %add3A_144 = vector.broadcast %mul3A_143 : i32 to vector<16xi32>
    %add3A_145 = arith.addi %get3A_141, %add3A_144 : vector<16xi32>
    %swap3A_146 = arith.constant 0 : i32
    %swap3A_147 = arith.index_cast %swap3A_146 : i32 to index
    %swap3A_148 = arith.constant 48 : index
    %swap3A_149 = tpu.vector_load %arg6[%swap3A_147, %swap3A_148] {strides = array<i32>} : memref<2x64xi32, #tpu.memory_space<vmem>>, vector<1x16xi32>,
    %swap3A_150 = vector.shape_cast %swap3A_149 : vector<1x16xi32> to vector<16xi32>
    %swap3A_151 = vector.shape_cast %add3A_145 : vector<16xi32> to vector<1x16xi32>
    tpu.vector_store %arg6[%swap3A_147, %swap3A_148], %swap3A_151 {strides = array<i32>} : memref<2x64xi32, #tpu.memory_space<vmem>>, vector<1x16xi32>,
    %iota3A_152 = tpu.iota {dimensions = array<i32: 0>} : vector<16xi32>
    %add3A_153 = arith.constant 0 : i32
    %add3A_154 = arith.addi %mul3A_32, %add3A_153 : i32
    %add3A_155 = arith.constant 48 : i32
    %add3A_156 = arith.addi %add3A_154, %add3A_155 : i32
    %add3A_157 = vector.broadcast %add3A_156 : i32 to vector<16xi32>
    %add3A_158 = arith.addi %iota3A_152, %add3A_157 : vector<16xi32>
    %mul3A_159 = arith.constant 8 : i32
    %mul3A_160 = vector.broadcast %mul3A_159 : i32 to vector<16xi32>
    %mul3A_161 = arith.muli %add3A_158, %mul3A_160 : vector<16xi32>
    %add3A_162 = vector.broadcast %select_n3A : i32 to vector<16xi32>
    %add3A_163 = arith.addi %mul3A_161, %add3A_162 : vector<16xi32>
    %swap3A_164 = arith.constant 0 : i32
    %swap3A_165 = arith.index_cast %swap3A_164 : i32 to index
    %swap3A_166 = arith.constant 48 : index
    %swap3A_167 = tpu.vector_load %arg7[%swap3A_165, %swap3A_166] {strides = array<i32>} : memref<2x64xi32, #tpu.memory_space<vmem>>, vector<1x16xi32>,
    %swap3A_168 = vector.shape_cast %swap3A_167 : vector<1x16xi32> to vector<16xi32>
    %swap3A_169 = vector.shape_cast %add3A_163 : vector<16xi32> to vector<1x16xi32>
    tpu.vector_store %arg7[%swap3A_165, %swap3A_166], %swap3A_169 {strides = array<i32>} : memref<2x64xi32, #tpu.memory_space<vmem>>, vector<1x16xi32>,
    %dma_start3A = arith.constant 0 : i32
    %dma_start3A_170 = arith.constant 0 : i32
    %dma_start3A_171 = arith.constant 0 : i32
    %dma_start3A_172 = arith.constant 0 : i32
    %dma_start3A_173 = tpu.memref_slice %arg5[%dma_start3A_170, %dma_start3A_171, %dma_start3A_172] : memref<2x64x768xf32, #tpu.memory_space<vmem>> -> memref<1x64x768xf32, #tpu.memory_space<vmem>>
    %dma_start3A_174 = tpu.memref_squeeze %dma_start3A_173 : memref<1x64x768xf32, #tpu.memory_space<vmem>> -> memref<64x768xf32, #tpu.memory_space<vmem>>
    %dma_start3A_175 = arith.constant 0 : i32
    %dma_start3A_176 = tpu.memref_slice %arg6[%dma_start3A, %dma_start3A_175] : memref<2x64xi32, #tpu.memory_space<vmem>> -> memref<1x64xi32, #tpu.memory_space<vmem>>
    %dma_start3A_177 = tpu.memref_squeeze %dma_start3A_176 : memref<1x64xi32, #tpu.memory_space<vmem>> -> memref<64xi32, #tpu.memory_space<vmem>>
    %dma_start3A_178 = arith.constant 0 : i32
    %dma_start3A_179 = arith.constant 0 : i32
    %dma_start3A_180 = tpu.memref_slice %arg2[%dma_start3A_178, %dma_start3A_179] : memref<16392x768xf32, #tpu.memory_space<hbm>> -> memref<16392x768xf32, #tpu.memory_space<hbm>>
    tpu.enqueue_indirect_dma source(%dma_start3A_180 : memref<16392x768xf32, #tpu.memory_space<hbm>>) target(%dma_start3A_174 : memref<64x768xf32, #tpu.memory_space<vmem>>) offsets(%dma_start3A_177 : memref<64xi32, #tpu.memory_space<vmem>>) semaphore(%arg9 : memref<!tpu.dma_semaphore, #tpu.memory_space<semaphore_mem>>)
    %dma_wait3A = arith.constant 0 : i32
    %dma_wait3A_181 = arith.constant 0 : i32
    %dma_wait3A_182 = arith.constant 0 : i32
    %dma_wait3A_183 = arith.constant 0 : i32
    %dma_wait3A_184 = tpu.memref_slice %arg5[%dma_wait3A_181, %dma_wait3A_182, %dma_wait3A_183] : memref<2x64x768xf32, #tpu.memory_space<vmem>> -> memref<1x64x768xf32, #tpu.memory_space<vmem>>
    %dma_wait3A_185 = tpu.memref_squeeze %dma_wait3A_184 : memref<1x64x768xf32, #tpu.memory_space<vmem>> -> memref<64x768xf32, #tpu.memory_space<vmem>>
    %dma_wait3A_186 = arith.constant 0 : i32
    %dma_wait3A_187 = tpu.memref_slice %arg6[%dma_wait3A, %dma_wait3A_186] : memref<2x64xi32, #tpu.memory_space<vmem>> -> memref<1x64xi32, #tpu.memory_space<vmem>>
    %dma_wait3A_188 = tpu.memref_squeeze %dma_wait3A_187 : memref<1x64xi32, #tpu.memory_space<vmem>> -> memref<64xi32, #tpu.memory_space<vmem>>
    %dma_wait3A_189 = arith.constant 0 : i32
    %dma_wait3A_190 = arith.constant 0 : i32
    %dma_wait3A_191 = tpu.memref_slice %arg2[%dma_wait3A_189, %dma_wait3A_190] : memref<16392x768xf32, #tpu.memory_space<hbm>> -> memref<16392x768xf32, #tpu.memory_space<hbm>>
    tpu.wait_indirect_dma semaphore(%arg9 : memref<!tpu.dma_semaphore, #tpu.memory_space<semaphore_mem>>) src(%dma_wait3A_191 : memref<16392x768xf32, #tpu.memory_space<hbm>>) dst(%dma_wait3A_185 : memref<64x768xf32, #tpu.memory_space<vmem>>)
    %dma_start3A_192 = arith.constant 0 : i32
    %dma_start3A_193 = arith.constant 0 : i32
    %dma_start3A_194 = arith.constant 0 : i32
    %dma_start3A_195 = arith.constant 0 : i32
    %dma_start3A_196 = tpu.memref_slice %arg5[%dma_start3A_192, %dma_start3A_194, %dma_start3A_195] : memref<2x64x768xf32, #tpu.memory_space<vmem>> -> memref<1x64x768xf32, #tpu.memory_space<vmem>>
    %dma_start3A_197 = tpu.memref_squeeze %dma_start3A_196 : memref<1x64x768xf32, #tpu.memory_space<vmem>> -> memref<64x768xf32, #tpu.memory_space<vmem>>
    %dma_start3A_198 = arith.constant 0 : i32
    %dma_start3A_199 = tpu.memref_slice %arg7[%dma_start3A_193, %dma_start3A_198] : memref<2x64xi32, #tpu.memory_space<vmem>> -> memref<1x64xi32, #tpu.memory_space<vmem>>
    %dma_start3A_200 = tpu.memref_squeeze %dma_start3A_199 : memref<1x64xi32, #tpu.memory_space<vmem>> -> memref<64xi32, #tpu.memory_space<vmem>>
    %dma_start3A_201 = arith.constant 0 : i32
    %dma_start3A_202 = arith.constant 0 : i32
    %dma_start3A_203 = tpu.memref_slice %arg4[%dma_start3A_201, %dma_start3A_202] : memref<16384x768xf32, #tpu.memory_space<hbm>> -> memref<16384x768xf32, #tpu.memory_space<hbm>>
    tpu.enqueue_indirect_dma source(%dma_start3A_197 : memref<64x768xf32, #tpu.memory_space<vmem>>) target(%dma_start3A_203 : memref<16384x768xf32, #tpu.memory_space<hbm>>) offsets(%dma_start3A_200 : memref<64xi32, #tpu.memory_space<vmem>>) semaphore(%arg10 : memref<!tpu.dma_semaphore, #tpu.memory_space<semaphore_mem>>)
    %add3A_204 = arith.constant 64 : i32
    %add3A_205 = arith.addi %mul3A_32, %add3A_204 : i32
    %add3A_206 = arith.constant 0 : i32
    %add3A_207 = arith.addi %add3A_205, %add3A_206 : i32
    %get3A_208 = arith.index_cast %add3A_207 : i32 to index
    %get3A_209 = tpu.vector_load %arg8[%get3A_208] {strides = array<i32>} : memref<2048xi32, #tpu.memory_space<vmem>>, vector<16xi32>,
    %get3A_210 = vector.shape_cast %get3A_209 : vector<16xi32> to vector<16xi32>
    %mul3A_211 = arith.constant 2048 : i32
    %mul3A_212 = arith.muli %select_n3A, %mul3A_211 : i32
    %add3A_213 = vector.broadcast %mul3A_212 : i32 to vector<16xi32>
    %add3A_214 = arith.addi %get3A_210, %add3A_213 : vector<16xi32>
    %swap3A_215 = arith.constant 1 : i32
    %swap3A_216 = arith.index_cast %swap3A_215 : i32 to index
    %swap3A_217 = arith.constant 0 : index
    %swap3A_218 = tpu.vector_load %arg6[%swap3A_216, %swap3A_217] {strides = array<i32>} : memref<2x64xi32, #tpu.memory_space<vmem>>, vector<1x16xi32>,
    %swap3A_219 = vector.shape_cast %swap3A_218 : vector<1x16xi32> to vector<16xi32>
    %swap3A_220 = vector.shape_cast %add3A_214 : vector<16xi32> to vector<1x16xi32>
    tpu.vector_store %arg6[%swap3A_216, %swap3A_217], %swap3A_220 {strides = array<i32>} : memref<2x64xi32, #tpu.memory_space<vmem>>, vector<1x16xi32>,
    %iota3A_221 = tpu.iota {dimensions = array<i32: 0>} : vector<16xi32>
    %add3A_222 = arith.constant 64 : i32
    %add3A_223 = arith.addi %mul3A_32, %add3A_222 : i32
    %add3A_224 = arith.constant 0 : i32
    %add3A_225 = arith.addi %add3A_223, %add3A_224 : i32
    %add3A_226 = vector.broadcast %add3A_225 : i32 to vector<16xi32>
    %add3A_227 = arith.addi %iota3A_221, %add3A_226 : vector<16xi32>
    %mul3A_228 = arith.constant 8 : i32
    %mul3A_229 = vector.broadcast %mul3A_228 : i32 to vector<16xi32>
    %mul3A_230 = arith.muli %add3A_227, %mul3A_229 : vector<16xi32>
    %add3A_231 = vector.broadcast %select_n3A : i32 to vector<16xi32>
    %add3A_232 = arith.addi %mul3A_230, %add3A_231 : vector<16xi32>
    %swap3A_233 = arith.constant 1 : i32
    %swap3A_234 = arith.index_cast %swap3A_233 : i32 to index
    %swap3A_235 = arith.constant 0 : index
    %swap3A_236 = tpu.vector_load %arg7[%swap3A_234, %swap3A_235] {strides = array<i32>} : memref<2x64xi32, #tpu.memory_space<vmem>>, vector<1x16xi32>,
    %swap3A_237 = vector.shape_cast %swap3A_236 : vector<1x16xi32> to vector<16xi32>
    %swap3A_238 = vector.shape_cast %add3A_232 : vector<16xi32> to vector<1x16xi32>
    tpu.vector_store %arg7[%swap3A_234, %swap3A_235], %swap3A_238 {strides = array<i32>} : memref<2x64xi32, #tpu.memory_space<vmem>>, vector<1x16xi32>,
    %add3A_239 = arith.constant 64 : i32
    %add3A_240 = arith.addi %mul3A_32, %add3A_239 : i32
    %add3A_241 = arith.constant 16 : i32
    %add3A_242 = arith.addi %add3A_240, %add3A_241 : i32
    %get3A_243 = arith.index_cast %add3A_242 : i32 to index
    %get3A_244 = tpu.vector_load %arg8[%get3A_243] {strides = array<i32>} : memref<2048xi32, #tpu.memory_space<vmem>>, vector<16xi32>,
    %get3A_245 = vector.shape_cast %get3A_244 : vector<16xi32> to vector<16xi32>
    %mul3A_246 = arith.constant 2048 : i32
    %mul3A_247 = arith.muli %select_n3A, %mul3A_246 : i32
    %add3A_248 = vector.broadcast %mul3A_247 : i32 to vector<16xi32>
    %add3A_249 = arith.addi %get3A_245, %add3A_248 : vector<16xi32>
    %swap3A_250 = arith.constant 1 : i32
    %swap3A_251 = arith.index_cast %swap3A_250 : i32 to index
    %swap3A_252 = arith.constant 16 : index
    %swap3A_253 = tpu.vector_load %arg6[%swap3A_251, %swap3A_252] {strides = array<i32>} : memref<2x64xi32, #tpu.memory_space<vmem>>, vector<1x16xi32>,
    %swap3A_254 = vector.shape_cast %swap3A_253 : vector<1x16xi32> to vector<16xi32>
    %swap3A_255 = vector.shape_cast %add3A_249 : vector<16xi32> to vector<1x16xi32>
    tpu.vector_store %arg6[%swap3A_251, %swap3A_252], %swap3A_255 {strides = array<i32>} : memref<2x64xi32, #tpu.memory_space<vmem>>, vector<1x16xi32>,
    %iota3A_256 = tpu.iota {dimensions = array<i32: 0>} : vector<16xi32>
    %add3A_257 = arith.constant 64 : i32
    %add3A_258 = arith.addi %mul3A_32, %add3A_257 : i32
    %add3A_259 = arith.constant 16 : i32
    %add3A_260 = arith.addi %add3A_258, %add3A_259 : i32
    %add3A_261 = vector.broadcast %add3A_260 : i32 to vector<16xi32>
    %add3A_262 = arith.addi %iota3A_256, %add3A_261 : vector<16xi32>
    %mul3A_263 = arith.constant 8 : i32
    %mul3A_264 = vector.broadcast %mul3A_263 : i32 to vector<16xi32>
    %mul3A_265 = arith.muli %add3A_262, %mul3A_264 : vector<16xi32>
    %add3A_266 = vector.broadcast %select_n3A : i32 to vector<16xi32>
    %add3A_267 = arith.addi %mul3A_265, %add3A_266 : vector<16xi32>
    %swap3A_268 = arith.constant 1 : i32
    %swap3A_269 = arith.index_cast %swap3A_268 : i32 to index
    %swap3A_270 = arith.constant 16 : index
    %swap3A_271 = tpu.vector_load %arg7[%swap3A_269, %swap3A_270] {strides = array<i32>} : memref<2x64xi32, #tpu.memory_space<vmem>>, vector<1x16xi32>,
    %swap3A_272 = vector.shape_cast %swap3A_271 : vector<1x16xi32> to vector<16xi32>
    %swap3A_273 = vector.shape_cast %add3A_267 : vector<16xi32> to vector<1x16xi32>
    tpu.vector_store %arg7[%swap3A_269, %swap3A_270], %swap3A_273 {strides = array<i32>} : memref<2x64xi32, #tpu.memory_space<vmem>>, vector<1x16xi32>,
    %add3A_274 = arith.constant 64 : i32
    %add3A_275 = arith.addi %mul3A_32, %add3A_274 : i32
    %add3A_276 = arith.constant 32 : i32
    %add3A_277 = arith.addi %add3A_275, %add3A_276 : i32
    %get3A_278 = arith.index_cast %add3A_277 : i32 to index
    %get3A_279 = tpu.vector_load %arg8[%get3A_278] {strides = array<i32>} : memref<2048xi32, #tpu.memory_space<vmem>>, vector<16xi32>,
    %get3A_280 = vector.shape_cast %get3A_279 : vector<16xi32> to vector<16xi32>
    %mul3A_281 = arith.constant 2048 : i32
    %mul3A_282 = arith.muli %select_n3A, %mul3A_281 : i32
    %add3A_283 = vector.broadcast %mul3A_282 : i32 to vector<16xi32>
    %add3A_284 = arith.addi %get3A_280, %add3A_283 : vector<16xi32>
    %swap3A_285 = arith.constant 1 : i32
    %swap3A_286 = arith.index_cast %swap3A_285 : i32 to index
    %swap3A_287 = arith.constant 32 : index
    %swap3A_288 = tpu.vector_load %arg6[%swap3A_286, %swap3A_287] {strides = array<i32>} : memref<2x64xi32, #tpu.memory_space<vmem>>, vector<1x16xi32>,
    %swap3A_289 = vector.shape_cast %swap3A_288 : vector<1x16xi32> to vector<16xi32>
    %swap3A_290 = vector.shape_cast %add3A_284 : vector<16xi32> to vector<1x16xi32>
    tpu.vector_store %arg6[%swap3A_286, %swap3A_287], %swap3A_290 {strides = array<i32>} : memref<2x64xi32, #tpu.memory_space<vmem>>, vector<1x16xi32>,
    %iota3A_291 = tpu.iota {dimensions = array<i32: 0>} : vector<16xi32>
    %add3A_292 = arith.constant 64 : i32
    %add3A_293 = arith.addi %mul3A_32, %add3A_292 : i32
    %add3A_294 = arith.constant 32 : i32
    %add3A_295 = arith.addi %add3A_293, %add3A_294 : i32
    %add3A_296 = vector.broadcast %add3A_295 : i32 to vector<16xi32>
    %add3A_297 = arith.addi %iota3A_291, %add3A_296 : vector<16xi32>
    %mul3A_298 = arith.constant 8 : i32
    %mul3A_299 = vector.broadcast %mul3A_298 : i32 to vector<16xi32>
    %mul3A_300 = arith.muli %add3A_297, %mul3A_299 : vector<16xi32>
    %add3A_301 = vector.broadcast %select_n3A : i32 to vector<16xi32>
    %add3A_302 = arith.addi %mul3A_300, %add3A_301 : vector<16xi32>
    %swap3A_303 = arith.constant 1 : i32
    %swap3A_304 = arith.index_cast %swap3A_303 : i32 to index
    %swap3A_305 = arith.constant 32 : index
    %swap3A_306 = tpu.vector_load %arg7[%swap3A_304, %swap3A_305] {strides = array<i32>} : memref<2x64xi32, #tpu.memory_space<vmem>>, vector<1x16xi32>,
    %swap3A_307 = vector.shape_cast %swap3A_306 : vector<1x16xi32> to vector<16xi32>
    %swap3A_308 = vector.shape_cast %add3A_302 : vector<16xi32> to vector<1x16xi32>
    tpu.vector_store %arg7[%swap3A_304, %swap3A_305], %swap3A_308 {strides = array<i32>} : memref<2x64xi32, #tpu.memory_space<vmem>>, vector<1x16xi32>,
    %add3A_309 = arith.constant 64 : i32
    %add3A_310 = arith.addi %mul3A_32, %add3A_309 : i32
    %add3A_311 = arith.constant 48 : i32
    %add3A_312 = arith.addi %add3A_310, %add3A_311 : i32
    %get3A_313 = arith.index_cast %add3A_312 : i32 to index
    %get3A_314 = tpu.vector_load %arg8[%get3A_313] {strides = array<i32>} : memref<2048xi32, #tpu.memory_space<vmem>>, vector<16xi32>,
    %get3A_315 = vector.shape_cast %get3A_314 : vector<16xi32> to vector<16xi32>
    %mul3A_316 = arith.constant 2048 : i32
    %mul3A_317 = arith.muli %select_n3A, %mul3A_316 : i32
    %add3A_318 = vector.broadcast %mul3A_317 : i32 to vector<16xi32>
    %add3A_319 = arith.addi %get3A_315, %add3A_318 : vector<16xi32>
    %swap3A_320 = arith.constant 1 : i32
    %swap3A_321 = arith.index_cast %swap3A_320 : i32 to index
    %swap3A_322 = arith.constant 48 : index
    %swap3A_323 = tpu.vector_load %arg6[%swap3A_321, %swap3A_322] {strides = array<i32>} : memref<2x64xi32, #tpu.memory_space<vmem>>, vector<1x16xi32>,
    %swap3A_324 = vector.shape_cast %swap3A_323 : vector<1x16xi32> to vector<16xi32>
    %swap3A_325 = vector.shape_cast %add3A_319 : vector<16xi32> to vector<1x16xi32>
    tpu.vector_store %arg6[%swap3A_321, %swap3A_322], %swap3A_325 {strides = array<i32>} : memref<2x64xi32, #tpu.memory_space<vmem>>, vector<1x16xi32>,
    %iota3A_326 = tpu.iota {dimensions = array<i32: 0>} : vector<16xi32>
    %add3A_327 = arith.constant 64 : i32
    %add3A_328 = arith.addi %mul3A_32, %add3A_327 : i32
    %add3A_329 = arith.constant 48 : i32
    %add3A_330 = arith.addi %add3A_328, %add3A_329 : i32
    %add3A_331 = vector.broadcast %add3A_330 : i32 to vector<16xi32>
    %add3A_332 = arith.addi %iota3A_326, %add3A_331 : vector<16xi32>
    %mul3A_333 = arith.constant 8 : i32
    %mul3A_334 = vector.broadcast %mul3A_333 : i32 to vector<16xi32>
    %mul3A_335 = arith.muli %add3A_332, %mul3A_334 : vector<16xi32>
    %add3A_336 = vector.broadcast %select_n3A : i32 to vector<16xi32>
    %add3A_337 = arith.addi %mul3A_335, %add3A_336 : vector<16xi32>
    %swap3A_338 = arith.constant 1 : i32
    %swap3A_339 = arith.index_cast %swap3A_338 : i32 to index
    %swap3A_340 = arith.constant 48 : index
    %swap3A_341 = tpu.vector_load %arg7[%swap3A_339, %swap3A_340] {strides = array<i32>} : memref<2x64xi32, #tpu.memory_space<vmem>>, vector<1x16xi32>,
    %swap3A_342 = vector.shape_cast %swap3A_341 : vector<1x16xi32> to vector<16xi32>
    %swap3A_343 = vector.shape_cast %add3A_337 : vector<16xi32> to vector<1x16xi32>
    tpu.vector_store %arg7[%swap3A_339, %swap3A_340], %swap3A_343 {strides = array<i32>} : memref<2x64xi32, #tpu.memory_space<vmem>>, vector<1x16xi32>,
    %dma_start3A_344 = arith.constant 1 : i32
    %dma_start3A_345 = arith.constant 1 : i32
    %dma_start3A_346 = arith.constant 0 : i32
    %dma_start3A_347 = arith.constant 0 : i32
    %dma_start3A_348 = tpu.memref_slice %arg5[%dma_start3A_345, %dma_start3A_346, %dma_start3A_347] : memref<2x64x768xf32, #tpu.memory_space<vmem>> -> memref<1x64x768xf32, #tpu.memory_space<vmem>>
    %dma_start3A_349 = tpu.memref_squeeze %dma_start3A_348 : memref<1x64x768xf32, #tpu.memory_space<vmem>> -> memref<64x768xf32, #tpu.memory_space<vmem>>
    %dma_start3A_350 = arith.constant 0 : i32
    %dma_start3A_351 = tpu.memref_slice %arg6[%dma_start3A_344, %dma_start3A_350] : memref<2x64xi32, #tpu.memory_space<vmem>> -> memref<1x64xi32, #tpu.memory_space<vmem>>
    %dma_start3A_352 = tpu.memref_squeeze %dma_start3A_351 : memref<1x64xi32, #tpu.memory_space<vmem>> -> memref<64xi32, #tpu.memory_space<vmem>>
    %dma_start3A_353 = arith.constant 0 : i32
    %dma_start3A_354 = arith.constant 0 : i32
    %dma_start3A_355 = tpu.memref_slice %arg2[%dma_start3A_353, %dma_start3A_354] : memref<16392x768xf32, #tpu.memory_space<hbm>> -> memref<16392x768xf32, #tpu.memory_space<hbm>>
    tpu.enqueue_indirect_dma source(%dma_start3A_355 : memref<16392x768xf32, #tpu.memory_space<hbm>>) target(%dma_start3A_349 : memref<64x768xf32, #tpu.memory_space<vmem>>) offsets(%dma_start3A_352 : memref<64xi32, #tpu.memory_space<vmem>>) semaphore(%arg9 : memref<!tpu.dma_semaphore, #tpu.memory_space<semaphore_mem>>)
    %dma_wait3A_356 = arith.constant 1 : i32
    %dma_wait3A_357 = arith.constant 1 : i32
    %dma_wait3A_358 = arith.constant 0 : i32
    %dma_wait3A_359 = arith.constant 0 : i32
    %dma_wait3A_360 = tpu.memref_slice %arg5[%dma_wait3A_357, %dma_wait3A_358, %dma_wait3A_359] : memref<2x64x768xf32, #tpu.memory_space<vmem>> -> memref<1x64x768xf32, #tpu.memory_space<vmem>>
    %dma_wait3A_361 = tpu.memref_squeeze %dma_wait3A_360 : memref<1x64x768xf32, #tpu.memory_space<vmem>> -> memref<64x768xf32, #tpu.memory_space<vmem>>
    %dma_wait3A_362 = arith.constant 0 : i32
    %dma_wait3A_363 = tpu.memref_slice %arg6[%dma_wait3A_356, %dma_wait3A_362] : memref<2x64xi32, #tpu.memory_space<vmem>> -> memref<1x64xi32, #tpu.memory_space<vmem>>
    %dma_wait3A_364 = tpu.memref_squeeze %dma_wait3A_363 : memref<1x64xi32, #tpu.memory_space<vmem>> -> memref<64xi32, #tpu.memory_space<vmem>>
    %dma_wait3A_365 = arith.constant 0 : i32
    %dma_wait3A_366 = arith.constant 0 : i32
    %dma_wait3A_367 = tpu.memref_slice %arg2[%dma_wait3A_365, %dma_wait3A_366] : memref<16392x768xf32, #tpu.memory_space<hbm>> -> memref<16392x768xf32, #tpu.memory_space<hbm>>
    tpu.wait_indirect_dma semaphore(%arg9 : memref<!tpu.dma_semaphore, #tpu.memory_space<semaphore_mem>>) src(%dma_wait3A_367 : memref<16392x768xf32, #tpu.memory_space<hbm>>) dst(%dma_wait3A_361 : memref<64x768xf32, #tpu.memory_space<vmem>>)
    %dma_start3A_368 = arith.constant 1 : i32
    %dma_start3A_369 = arith.constant 1 : i32
    %dma_start3A_370 = arith.constant 0 : i32
    %dma_start3A_371 = arith.constant 0 : i32
    %dma_start3A_372 = tpu.memref_slice %arg5[%dma_start3A_368, %dma_start3A_370, %dma_start3A_371] : memref<2x64x768xf32, #tpu.memory_space<vmem>> -> memref<1x64x768xf32, #tpu.memory_space<vmem>>
    %dma_start3A_373 = tpu.memref_squeeze %dma_start3A_372 : memref<1x64x768xf32, #tpu.memory_space<vmem>> -> memref<64x768xf32, #tpu.memory_space<vmem>>
    %dma_start3A_374 = arith.constant 0 : i32
    %dma_start3A_375 = tpu.memref_slice %arg7[%dma_start3A_369, %dma_start3A_374] : memref<2x64xi32, #tpu.memory_space<vmem>> -> memref<1x64xi32, #tpu.memory_space<vmem>>
    %dma_start3A_376 = tpu.memref_squeeze %dma_start3A_375 : memref<1x64xi32, #tpu.memory_space<vmem>> -> memref<64xi32, #tpu.memory_space<vmem>>
    %dma_start3A_377 = arith.constant 0 : i32
    %dma_start3A_378 = arith.constant 0 : i32
    %dma_start3A_379 = tpu.memref_slice %arg4[%dma_start3A_377, %dma_start3A_378] : memref<16384x768xf32, #tpu.memory_space<hbm>> -> memref<16384x768xf32, #tpu.memory_space<hbm>>
    tpu.enqueue_indirect_dma source(%dma_start3A_373 : memref<64x768xf32, #tpu.memory_space<vmem>>) target(%dma_start3A_379 : memref<16384x768xf32, #tpu.memory_space<hbm>>) offsets(%dma_start3A_376 : memref<64xi32, #tpu.memory_space<vmem>>) semaphore(%arg10 : memref<!tpu.dma_semaphore, #tpu.memory_space<semaphore_mem>>)
    %dma_wait3A_380 = arith.constant 0 : i32
    %dma_wait3A_381 = arith.constant 0 : i32
    %dma_wait3A_382 = arith.constant 0 : i32
    %dma_wait3A_383 = arith.constant 0 : i32
    %dma_wait3A_384 = tpu.memref_slice %arg5[%dma_wait3A_380, %dma_wait3A_382, %dma_wait3A_383] : memref<2x64x768xf32, #tpu.memory_space<vmem>> -> memref<1x64x768xf32, #tpu.memory_space<vmem>>
    %dma_wait3A_385 = tpu.memref_squeeze %dma_wait3A_384 : memref<1x64x768xf32, #tpu.memory_space<vmem>> -> memref<64x768xf32, #tpu.memory_space<vmem>>
    %dma_wait3A_386 = arith.constant 0 : i32
    %dma_wait3A_387 = tpu.memref_slice %arg7[%dma_wait3A_381, %dma_wait3A_386] : memref<2x64xi32, #tpu.memory_space<vmem>> -> memref<1x64xi32, #tpu.memory_space<vmem>>
    %dma_wait3A_388 = tpu.memref_squeeze %dma_wait3A_387 : memref<1x64xi32, #tpu.memory_space<vmem>> -> memref<64xi32, #tpu.memory_space<vmem>>
    %dma_wait3A_389 = arith.constant 0 : i32
    %dma_wait3A_390 = arith.constant 0 : i32
    %dma_wait3A_391 = tpu.memref_slice %arg4[%dma_wait3A_389, %dma_wait3A_390] : memref<16384x768xf32, #tpu.memory_space<hbm>> -> memref<16384x768xf32, #tpu.memory_space<hbm>>
    tpu.wait_indirect_dma semaphore(%arg10 : memref<!tpu.dma_semaphore, #tpu.memory_space<semaphore_mem>>) src(%dma_wait3A_385 : memref<64x768xf32, #tpu.memory_space<vmem>>) dst(%dma_wait3A_391 : memref<16384x768xf32, #tpu.memory_space<hbm>>)
    %add3A_392 = arith.constant 128 : i32
    %add3A_393 = arith.addi %mul3A_32, %add3A_392 : i32
    %add3A_394 = arith.constant 0 : i32
    %add3A_395 = arith.addi %add3A_393, %add3A_394 : i32
    %get3A_396 = arith.index_cast %add3A_395 : i32 to index
    %get3A_397 = tpu.vector_load %arg8[%get3A_396] {strides = array<i32>} : memref<2048xi32, #tpu.memory_space<vmem>>, vector<16xi32>,
    %get3A_398 = vector.shape_cast %get3A_397 : vector<16xi32> to vector<16xi32>
    %mul3A_399 = arith.constant 2048 : i32
    %mul3A_400 = arith.muli %select_n3A, %mul3A_399 : i32
    %add3A_401 = vector.broadcast %mul3A_400 : i32 to vector<16xi32>
    %add3A_402 = arith.addi %get3A_398, %add3A_401 : vector<16xi32>
    %swap3A_403 = arith.constant 0 : i32
    %swap3A_404 = arith.index_cast %swap3A_403 : i32 to index
    %swap3A_405 = arith.constant 0 : index
    %swap3A_406 = tpu.vector_load %arg6[%swap3A_404, %swap3A_405] {strides = array<i32>} : memref<2x64xi32, #tpu.memory_space<vmem>>, vector<1x16xi32>,
    %swap3A_407 = vector.shape_cast %swap3A_406 : vector<1x16xi32> to vector<16xi32>
    %swap3A_408 = vector.shape_cast %add3A_402 : vector<16xi32> to vector<1x16xi32>
    tpu.vector_store %arg6[%swap3A_404, %swap3A_405], %swap3A_408 {strides = array<i32>} : memref<2x64xi32, #tpu.memory_space<vmem>>, vector<1x16xi32>,
    %iota3A_409 = tpu.iota {dimensions = array<i32: 0>} : vector<16xi32>
    %add3A_410 = arith.constant 128 : i32
    %add3A_411 = arith.addi %mul3A_32, %add3A_410 : i32
    %add3A_412 = arith.constant 0 : i32
    %add3A_413 = arith.addi %add3A_411, %add3A_412 : i32
    %add3A_414 = vector.broadcast %add3A_413 : i32 to vector<16xi32>
    %add3A_415 = arith.addi %iota3A_409, %add3A_414 : vector<16xi32>
    %mul3A_416 = arith.constant 8 : i32
    %mul3A_417 = vector.broadcast %mul3A_416 : i32 to vector<16xi32>
    %mul3A_418 = arith.muli %add3A_415, %mul3A_417 : vector<16xi32>
    %add3A_419 = vector.broadcast %select_n3A : i32 to vector<16xi32>
    %add3A_420 = arith.addi %mul3A_418, %add3A_419 : vector<16xi32>
    %swap3A_421 = arith.constant 0 : i32
    %swap3A_422 = arith.index_cast %swap3A_421 : i32 to index
    %swap3A_423 = arith.constant 0 : index
    %swap3A_424 = tpu.vector_load %arg7[%swap3A_422, %swap3A_423] {strides = array<i32>} : memref<2x64xi32, #tpu.memory_space<vmem>>, vector<1x16xi32>,
    %swap3A_425 = vector.shape_cast %swap3A_424 : vector<1x16xi32> to vector<16xi32>
    %swap3A_426 = vector.shape_cast %add3A_420 : vector<16xi32> to vector<1x16xi32>
    tpu.vector_store %arg7[%swap3A_422, %swap3A_423], %swap3A_426 {strides = array<i32>} : memref<2x64xi32, #tpu.memory_space<vmem>>, vector<1x16xi32>,
    %add3A_427 = arith.constant 128 : i32
    %add3A_428 = arith.addi %mul3A_32, %add3A_427 : i32
    %add3A_429 = arith.constant 16 : i32
    %add3A_430 = arith.addi %add3A_428, %add3A_429 : i32
    %get3A_431 = arith.index_cast %add3A_430 : i32 to index
    %get3A_432 = tpu.vector_load %arg8[%get3A_431] {strides = array<i32>} : memref<2048xi32, #tpu.memory_space<vmem>>, vector<16xi32>,
    %get3A_433 = vector.shape_cast %get3A_432 : vector<16xi32> to vector<16xi32>
    %mul3A_434 = arith.constant 2048 : i32
    %mul3A_435 = arith.muli %select_n3A, %mul3A_434 : i32
    %add3A_436 = vector.broadcast %mul3A_435 : i32 to vector<16xi32>
    %add3A_437 = arith.addi %get3A_433, %add3A_436 : vector<16xi32>
    %swap3A_438 = arith.constant 0 : i32
    %swap3A_439 = arith.index_cast %swap3A_438 : i32 to index
    %swap3A_440 = arith.constant 16 : index
    %swap3A_441 = tpu.vector_load %arg6[%swap3A_439, %swap3A_440] {strides = array<i32>} : memref<2x64xi32, #tpu.memory_space<vmem>>, vector<1x16xi32>,
    %swap3A_442 = vector.shape_cast %swap3A_441 : vector<1x16xi32> to vector<16xi32>
    %swap3A_443 = vector.shape_cast %add3A_437 : vector<16xi32> to vector<1x16xi32>
    tpu.vector_store %arg6[%swap3A_439, %swap3A_440], %swap3A_443 {strides = array<i32>} : memref<2x64xi32, #tpu.memory_space<vmem>>, vector<1x16xi32>,
    %iota3A_444 = tpu.iota {dimensions = array<i32: 0>} : vector<16xi32>
    %add3A_445 = arith.constant 128 : i32
    %add3A_446 = arith.addi %mul3A_32, %add3A_445 : i32
    %add3A_447 = arith.constant 16 : i32
    %add3A_448 = arith.addi %add3A_446, %add3A_447 : i32
    %add3A_449 = vector.broadcast %add3A_448 : i32 to vector<16xi32>
    %add3A_450 = arith.addi %iota3A_444, %add3A_449 : vector<16xi32>
    %mul3A_451 = arith.constant 8 : i32
    %mul3A_452 = vector.broadcast %mul3A_451 : i32 to vector<16xi32>
    %mul3A_453 = arith.muli %add3A_450, %mul3A_452 : vector<16xi32>
    %add3A_454 = vector.broadcast %select_n3A : i32 to vector<16xi32>
    %add3A_455 = arith.addi %mul3A_453, %add3A_454 : vector<16xi32>
    %swap3A_456 = arith.constant 0 : i32
    %swap3A_457 = arith.index_cast %swap3A_456 : i32 to index
    %swap3A_458 = arith.constant 16 : index
    %swap3A_459 = tpu.vector_load %arg7[%swap3A_457, %swap3A_458] {strides = array<i32>} : memref<2x64xi32, #tpu.memory_space<vmem>>, vector<1x16xi32>,
    %swap3A_460 = vector.shape_cast %swap3A_459 : vector<1x16xi32> to vector<16xi32>
    %swap3A_461 = vector.shape_cast %add3A_455 : vector<16xi32> to vector<1x16xi32>
    tpu.vector_store %arg7[%swap3A_457, %swap3A_458], %swap3A_461 {strides = array<i32>} : memref<2x64xi32, #tpu.memory_space<vmem>>, vector<1x16xi32>,
    %add3A_462 = arith.constant 128 : i32
    %add3A_463 = arith.addi %mul3A_32, %add3A_462 : i32
    %add3A_464 = arith.constant 32 : i32
    %add3A_465 = arith.addi %add3A_463, %add3A_464 : i32
    %get3A_466 = arith.index_cast %add3A_465 : i32 to index
    %get3A_467 = tpu.vector_load %arg8[%get3A_466] {strides = array<i32>} : memref<2048xi32, #tpu.memory_space<vmem>>, vector<16xi32>,
    %get3A_468 = vector.shape_cast %get3A_467 : vector<16xi32> to vector<16xi32>
    %mul3A_469 = arith.constant 2048 : i32
    %mul3A_470 = arith.muli %select_n3A, %mul3A_469 : i32
    %add3A_471 = vector.broadcast %mul3A_470 : i32 to vector<16xi32>
    %add3A_472 = arith.addi %get3A_468, %add3A_471 : vector<16xi32>
    %swap3A_473 = arith.constant 0 : i32
    %swap3A_474 = arith.index_cast %swap3A_473 : i32 to index
    %swap3A_475 = arith.constant 32 : index
    %swap3A_476 = tpu.vector_load %arg6[%swap3A_474, %swap3A_475] {strides = array<i32>} : memref<2x64xi32, #tpu.memory_space<vmem>>, vector<1x16xi32>,
    %swap3A_477 = vector.shape_cast %swap3A_476 : vector<1x16xi32> to vector<16xi32>
    %swap3A_478 = vector.shape_cast %add3A_472 : vector<16xi32> to vector<1x16xi32>
    tpu.vector_store %arg6[%swap3A_474, %swap3A_475], %swap3A_478 {strides = array<i32>} : memref<2x64xi32, #tpu.memory_space<vmem>>, vector<1x16xi32>,
    %iota3A_479 = tpu.iota {dimensions = array<i32: 0>} : vector<16xi32>
    %add3A_480 = arith.constant 128 : i32
    %add3A_481 = arith.addi %mul3A_32, %add3A_480 : i32
    %add3A_482 = arith.constant 32 : i32
    %add3A_483 = arith.addi %add3A_481, %add3A_482 : i32
    %add3A_484 = vector.broadcast %add3A_483 : i32 to vector<16xi32>
    %add3A_485 = arith.addi %iota3A_479, %add3A_484 : vector<16xi32>
    %mul3A_486 = arith.constant 8 : i32
    %mul3A_487 = vector.broadcast %mul3A_486 : i32 to vector<16xi32>
    %mul3A_488 = arith.muli %add3A_485, %mul3A_487 : vector<16xi32>
    %add3A_489 = vector.broadcast %select_n3A : i32 to vector<16xi32>
    %add3A_490 = arith.addi %mul3A_488, %add3A_489 : vector<16xi32>
    %swap3A_491 = arith.constant 0 : i32
    %swap3A_492 = arith.index_cast %swap3A_491 : i32 to index
    %swap3A_493 = arith.constant 32 : index
    %swap3A_494 = tpu.vector_load %arg7[%swap3A_492, %swap3A_493] {strides = array<i32>} : memref<2x64xi32, #tpu.memory_space<vmem>>, vector<1x16xi32>,
    %swap3A_495 = vector.shape_cast %swap3A_494 : vector<1x16xi32> to vector<16xi32>
    %swap3A_496 = vector.shape_cast %add3A_490 : vector<16xi32> to vector<1x16xi32>
    tpu.vector_store %arg7[%swap3A_492, %swap3A_493], %swap3A_496 {strides = array<i32>} : memref<2x64xi32, #tpu.memory_space<vmem>>, vector<1x16xi32>,
    %add3A_497 = arith.constant 128 : i32
    %add3A_498 = arith.addi %mul3A_32, %add3A_497 : i32
    %add3A_499 = arith.constant 48 : i32
    %add3A_500 = arith.addi %add3A_498, %add3A_499 : i32
    %get3A_501 = arith.index_cast %add3A_500 : i32 to index
    %get3A_502 = tpu.vector_load %arg8[%get3A_501] {strides = array<i32>} : memref<2048xi32, #tpu.memory_space<vmem>>, vector<16xi32>,
    %get3A_503 = vector.shape_cast %get3A_502 : vector<16xi32> to vector<16xi32>
    %mul3A_504 = arith.constant 2048 : i32
    %mul3A_505 = arith.muli %select_n3A, %mul3A_504 : i32
    %add3A_506 = vector.broadcast %mul3A_505 : i32 to vector<16xi32>
    %add3A_507 = arith.addi %get3A_503, %add3A_506 : vector<16xi32>
    %swap3A_508 = arith.constant 0 : i32
    %swap3A_509 = arith.index_cast %swap3A_508 : i32 to index
    %swap3A_510 = arith.constant 48 : index
    %swap3A_511 = tpu.vector_load %arg6[%swap3A_509, %swap3A_510] {strides = array<i32>} : memref<2x64xi32, #tpu.memory_space<vmem>>, vector<1x16xi32>,
    %swap3A_512 = vector.shape_cast %swap3A_511 : vector<1x16xi32> to vector<16xi32>
    %swap3A_513 = vector.shape_cast %add3A_507 : vector<16xi32> to vector<1x16xi32>
    tpu.vector_store %arg6[%swap3A_509, %swap3A_510], %swap3A_513 {strides = array<i32>} : memref<2x64xi32, #tpu.memory_space<vmem>>, vector<1x16xi32>,
    %iota3A_514 = tpu.iota {dimensions = array<i32: 0>} : vector<16xi32>
    %add3A_515 = arith.constant 128 : i32
    %add3A_516 = arith.addi %mul3A_32, %add3A_515 : i32
    %add3A_517 = arith.constant 48 : i32
    %add3A_518 = arith.addi %add3A_516, %add3A_517 : i32
    %add3A_519 = vector.broadcast %add3A_518 : i32 to vector<16xi32>
    %add3A_520 = arith.addi %iota3A_514, %add3A_519 : vector<16xi32>
    %mul3A_521 = arith.constant 8 : i32
    %mul3A_522 = vector.broadcast %mul3A_521 : i32 to vector<16xi32>
    %mul3A_523 = arith.muli %add3A_520, %mul3A_522 : vector<16xi32>
    %add3A_524 = vector.broadcast %select_n3A : i32 to vector<16xi32>
    %add3A_525 = arith.addi %mul3A_523, %add3A_524 : vector<16xi32>
    %swap3A_526 = arith.constant 0 : i32
    %swap3A_527 = arith.index_cast %swap3A_526 : i32 to index
    %swap3A_528 = arith.constant 48 : index
    %swap3A_529 = tpu.vector_load %arg7[%swap3A_527, %swap3A_528] {strides = array<i32>} : memref<2x64xi32, #tpu.memory_space<vmem>>, vector<1x16xi32>,
    %swap3A_530 = vector.shape_cast %swap3A_529 : vector<1x16xi32> to vector<16xi32>
    %swap3A_531 = vector.shape_cast %add3A_525 : vector<16xi32> to vector<1x16xi32>
    tpu.vector_store %arg7[%swap3A_527, %swap3A_528], %swap3A_531 {strides = array<i32>} : memref<2x64xi32, #tpu.memory_space<vmem>>, vector<1x16xi32>,
    %dma_start3A_532 = arith.constant 0 : i32
    %dma_start3A_533 = arith.constant 0 : i32
    %dma_start3A_534 = arith.constant 0 : i32
    %dma_start3A_535 = arith.constant 0 : i32
    %dma_start3A_536 = tpu.memref_slice %arg5[%dma_start3A_533, %dma_start3A_534, %dma_start3A_535] : memref<2x64x768xf32, #tpu.memory_space<vmem>> -> memref<1x64x768xf32, #tpu.memory_space<vmem>>
    %dma_start3A_537 = tpu.memref_squeeze %dma_start3A_536 : memref<1x64x768xf32, #tpu.memory_space<vmem>> -> memref<64x768xf32, #tpu.memory_space<vmem>>
    %dma_start3A_538 = arith.constant 0 : i32
    %dma_start3A_539 = tpu.memref_slice %arg6[%dma_start3A_532, %dma_start3A_538] : memref<2x64xi32, #tpu.memory_space<vmem>> -> memref<1x64xi32, #tpu.memory_space<vmem>>
    %dma_start3A_540 = tpu.memref_squeeze %dma_start3A_539 : memref<1x64xi32, #tpu.memory_space<vmem>> -> memref<64xi32, #tpu.memory_space<vmem>>
    %dma_start3A_541 = arith.constant 0 : i32
    %dma_start3A_542 = arith.constant 0 : i32
    %dma_start3A_543 = tpu.memref_slice %arg2[%dma_start3A_541, %dma_start3A_542] : memref<16392x768xf32, #tpu.memory_space<hbm>> -> memref<16392x768xf32, #tpu.memory_space<hbm>>
    tpu.enqueue_indirect_dma source(%dma_start3A_543 : memref<16392x768xf32, #tpu.memory_space<hbm>>) target(%dma_start3A_537 : memref<64x768xf32, #tpu.memory_space<vmem>>) offsets(%dma_start3A_540 : memref<64xi32, #tpu.memory_space<vmem>>) semaphore(%arg9 : memref<!tpu.dma_semaphore, #tpu.memory_space<semaphore_mem>>)
    %dma_wait3A_544 = arith.constant 0 : i32
    %dma_wait3A_545 = arith.constant 0 : i32
    %dma_wait3A_546 = arith.constant 0 : i32
    %dma_wait3A_547 = arith.constant 0 : i32
    %dma_wait3A_548 = tpu.memref_slice %arg5[%dma_wait3A_545, %dma_wait3A_546, %dma_wait3A_547] : memref<2x64x768xf32, #tpu.memory_space<vmem>> -> memref<1x64x768xf32, #tpu.memory_space<vmem>>
    %dma_wait3A_549 = tpu.memref_squeeze %dma_wait3A_548 : memref<1x64x768xf32, #tpu.memory_space<vmem>> -> memref<64x768xf32, #tpu.memory_space<vmem>>
    %dma_wait3A_550 = arith.constant 0 : i32
    %dma_wait3A_551 = tpu.memref_slice %arg6[%dma_wait3A_544, %dma_wait3A_550] : memref<2x64xi32, #tpu.memory_space<vmem>> -> memref<1x64xi32, #tpu.memory_space<vmem>>
    %dma_wait3A_552 = tpu.memref_squeeze %dma_wait3A_551 : memref<1x64xi32, #tpu.memory_space<vmem>> -> memref<64xi32, #tpu.memory_space<vmem>>
    %dma_wait3A_553 = arith.constant 0 : i32
    %dma_wait3A_554 = arith.constant 0 : i32
    %dma_wait3A_555 = tpu.memref_slice %arg2[%dma_wait3A_553, %dma_wait3A_554] : memref<16392x768xf32, #tpu.memory_space<hbm>> -> memref<16392x768xf32, #tpu.memory_space<hbm>>
    tpu.wait_indirect_dma semaphore(%arg9 : memref<!tpu.dma_semaphore, #tpu.memory_space<semaphore_mem>>) src(%dma_wait3A_555 : memref<16392x768xf32, #tpu.memory_space<hbm>>) dst(%dma_wait3A_549 : memref<64x768xf32, #tpu.memory_space<vmem>>)
    %dma_start3A_556 = arith.constant 0 : i32
    %dma_start3A_557 = arith.constant 0 : i32
    %dma_start3A_558 = arith.constant 0 : i32
    %dma_start3A_559 = arith.constant 0 : i32
    %dma_start3A_560 = tpu.memref_slice %arg5[%dma_start3A_556, %dma_start3A_558, %dma_start3A_559] : memref<2x64x768xf32, #tpu.memory_space<vmem>> -> memref<1x64x768xf32, #tpu.memory_space<vmem>>
    %dma_start3A_561 = tpu.memref_squeeze %dma_start3A_560 : memref<1x64x768xf32, #tpu.memory_space<vmem>> -> memref<64x768xf32, #tpu.memory_space<vmem>>
    %dma_start3A_562 = arith.constant 0 : i32
    %dma_start3A_563 = tpu.memref_slice %arg7[%dma_start3A_557, %dma_start3A_562] : memref<2x64xi32, #tpu.memory_space<vmem>> -> memref<1x64xi32, #tpu.memory_space<vmem>>
    %dma_start3A_564 = tpu.memref_squeeze %dma_start3A_563 : memref<1x64xi32, #tpu.memory_space<vmem>> -> memref<64xi32, #tpu.memory_space<vmem>>
    %dma_start3A_565 = arith.constant 0 : i32
    %dma_start3A_566 = arith.constant 0 : i32
    %dma_start3A_567 = tpu.memref_slice %arg4[%dma_start3A_565, %dma_start3A_566] : memref<16384x768xf32, #tpu.memory_space<hbm>> -> memref<16384x768xf32, #tpu.memory_space<hbm>>
    tpu.enqueue_indirect_dma source(%dma_start3A_561 : memref<64x768xf32, #tpu.memory_space<vmem>>) target(%dma_start3A_567 : memref<16384x768xf32, #tpu.memory_space<hbm>>) offsets(%dma_start3A_564 : memref<64xi32, #tpu.memory_space<vmem>>) semaphore(%arg10 : memref<!tpu.dma_semaphore, #tpu.memory_space<semaphore_mem>>)
    %dma_wait3A_568 = arith.constant 1 : i32
    %dma_wait3A_569 = arith.constant 1 : i32
    %dma_wait3A_570 = arith.constant 0 : i32
    %dma_wait3A_571 = arith.constant 0 : i32
    %dma_wait3A_572 = tpu.memref_slice %arg5[%dma_wait3A_568, %dma_wait3A_570, %dma_wait3A_571] : memref<2x64x768xf32, #tpu.memory_space<vmem>> -> memref<1x64x768xf32, #tpu.memory_space<vmem>>
    %dma_wait3A_573 = tpu.memref_squeeze %dma_wait3A_572 : memref<1x64x768xf32, #tpu.memory_space<vmem>> -> memref<64x768xf32, #tpu.memory_space<vmem>>
    %dma_wait3A_574 = arith.constant 0 : i32
    %dma_wait3A_575 = tpu.memref_slice %arg7[%dma_wait3A_569, %dma_wait3A_574] : memref<2x64xi32, #tpu.memory_space<vmem>> -> memref<1x64xi32, #tpu.memory_space<vmem>>
    %dma_wait3A_576 = tpu.memref_squeeze %dma_wait3A_575 : memref<1x64xi32, #tpu.memory_space<vmem>> -> memref<64xi32, #tpu.memory_space<vmem>>
    %dma_wait3A_577 = arith.constant 0 : i32
    %dma_wait3A_578 = arith.constant 0 : i32
    %dma_wait3A_579 = tpu.memref_slice %arg4[%dma_wait3A_577, %dma_wait3A_578] : memref<16384x768xf32, #tpu.memory_space<hbm>> -> memref<16384x768xf32, #tpu.memory_space<hbm>>
    tpu.wait_indirect_dma semaphore(%arg10 : memref<!tpu.dma_semaphore, #tpu.memory_space<semaphore_mem>>) src(%dma_wait3A_573 : memref<64x768xf32, #tpu.memory_space<vmem>>) dst(%dma_wait3A_579 : memref<16384x768xf32, #tpu.memory_space<hbm>>)
    %add3A_580 = arith.constant 192 : i32
    %add3A_581 = arith.addi %mul3A_32, %add3A_580 : i32
    %add3A_582 = arith.constant 0 : i32
    %add3A_583 = arith.addi %add3A_581, %add3A_582 : i32
    %get3A_584 = arith.index_cast %add3A_583 : i32 to index
    %get3A_585 = tpu.vector_load %arg8[%get3A_584] {strides = array<i32>} : memref<2048xi32, #tpu.memory_space<vmem>>, vector<16xi32>,
    %get3A_586 = vector.shape_cast %get3A_585 : vector<16xi32> to vector<16xi32>
    %mul3A_587 = arith.constant 2048 : i32
    %mul3A_588 = arith.muli %select_n3A, %mul3A_587 : i32
    %add3A_589 = vector.broadcast %mul3A_588 : i32 to vector<16xi32>
    %add3A_590 = arith.addi %get3A_586, %add3A_589 : vector<16xi32>
    %swap3A_591 = arith.constant 1 : i32
    %swap3A_592 = arith.index_cast %swap3A_591 : i32 to index
    %swap3A_593 = arith.constant 0 : index
    %swap3A_594 = tpu.vector_load %arg6[%swap3A_592, %swap3A_593] {strides = array<i32>} : memref<2x64xi32, #tpu.memory_space<vmem>>, vector<1x16xi32>,
    %swap3A_595 = vector.shape_cast %swap3A_594 : vector<1x16xi32> to vector<16xi32>
    %swap3A_596 = vector.shape_cast %add3A_590 : vector<16xi32> to vector<1x16xi32>
    tpu.vector_store %arg6[%swap3A_592, %swap3A_593], %swap3A_596 {strides = array<i32>} : memref<2x64xi32, #tpu.memory_space<vmem>>, vector<1x16xi32>,
    %iota3A_597 = tpu.iota {dimensions = array<i32: 0>} : vector<16xi32>
    %add3A_598 = arith.constant 192 : i32
    %add3A_599 = arith.addi %mul3A_32, %add3A_598 : i32
    %add3A_600 = arith.constant 0 : i32
    %add3A_601 = arith.addi %add3A_599, %add3A_600 : i32
    %add3A_602 = vector.broadcast %add3A_601 : i32 to vector<16xi32>
    %add3A_603 = arith.addi %iota3A_597, %add3A_602 : vector<16xi32>
    %mul3A_604 = arith.constant 8 : i32
    %mul3A_605 = vector.broadcast %mul3A_604 : i32 to vector<16xi32>
    %mul3A_606 = arith.muli %add3A_603, %mul3A_605 : vector<16xi32>
    %add3A_607 = vector.broadcast %select_n3A : i32 to vector<16xi32>
    %add3A_608 = arith.addi %mul3A_606, %add3A_607 : vector<16xi32>
    %swap3A_609 = arith.constant 1 : i32
    %swap3A_610 = arith.index_cast %swap3A_609 : i32 to index
    %swap3A_611 = arith.constant 0 : index
    %swap3A_612 = tpu.vector_load %arg7[%swap3A_610, %swap3A_611] {strides = array<i32>} : memref<2x64xi32, #tpu.memory_space<vmem>>, vector<1x16xi32>,
    %swap3A_613 = vector.shape_cast %swap3A_612 : vector<1x16xi32> to vector<16xi32>
    %swap3A_614 = vector.shape_cast %add3A_608 : vector<16xi32> to vector<1x16xi32>
    tpu.vector_store %arg7[%swap3A_610, %swap3A_611], %swap3A_614 {strides = array<i32>} : memref<2x64xi32, #tpu.memory_space<vmem>>, vector<1x16xi32>,
    %add3A_615 = arith.constant 192 : i32
    %add3A_616 = arith.addi %mul3A_32, %add3A_615 : i32
    %add3A_617 = arith.constant 16 : i32
    %add3A_618 = arith.addi %add3A_616, %add3A_617 : i32
    %get3A_619 = arith.index_cast %add3A_618 : i32 to index
    %get3A_620 = tpu.vector_load %arg8[%get3A_619] {strides = array<i32>} : memref<2048xi32, #tpu.memory_space<vmem>>, vector<16xi32>,
    %get3A_621 = vector.shape_cast %get3A_620 : vector<16xi32> to vector<16xi32>
    %mul3A_622 = arith.constant 2048 : i32
    %mul3A_623 = arith.muli %select_n3A, %mul3A_622 : i32
    %add3A_624 = vector.broadcast %mul3A_623 : i32 to vector<16xi32>
    %add3A_625 = arith.addi %get3A_621, %add3A_624 : vector<16xi32>
    %swap3A_626 = arith.constant 1 : i32
    %swap3A_627 = arith.index_cast %swap3A_626 : i32 to index
    %swap3A_628 = arith.constant 16 : index
    %swap3A_629 = tpu.vector_load %arg6[%swap3A_627, %swap3A_628] {strides = array<i32>} : memref<2x64xi32, #tpu.memory_space<vmem>>, vector<1x16xi32>,
    %swap3A_630 = vector.shape_cast %swap3A_629 : vector<1x16xi32> to vector<16xi32>
    %swap3A_631 = vector.shape_cast %add3A_625 : vector<16xi32> to vector<1x16xi32>
    tpu.vector_store %arg6[%swap3A_627, %swap3A_628], %swap3A_631 {strides = array<i32>} : memref<2x64xi32, #tpu.memory_space<vmem>>, vector<1x16xi32>,
    %iota3A_632 = tpu.iota {dimensions = array<i32: 0>} : vector<16xi32>
    %add3A_633 = arith.constant 192 : i32
    %add3A_634 = arith.addi %mul3A_32, %add3A_633 : i32
    %add3A_635 = arith.constant 16 : i32
    %add3A_636 = arith.addi %add3A_634, %add3A_635 : i32
    %add3A_637 = vector.broadcast %add3A_636 : i32 to vector<16xi32>
    %add3A_638 = arith.addi %iota3A_632, %add3A_637 : vector<16xi32>
    %mul3A_639 = arith.constant 8 : i32
    %mul3A_640 = vector.broadcast %mul3A_639 : i32 to vector<16xi32>
    %mul3A_641 = arith.muli %add3A_638, %mul3A_640 : vector<16xi32>
    %add3A_642 = vector.broadcast %select_n3A : i32 to vector<16xi32>
    %add3A_643 = arith.addi %mul3A_641, %add3A_642 : vector<16xi32>
    %swap3A_644 = arith.constant 1 : i32
    %swap3A_645 = arith.index_cast %swap3A_644 : i32 to index
    %swap3A_646 = arith.constant 16 : index
    %swap3A_647 = tpu.vector_load %arg7[%swap3A_645, %swap3A_646] {strides = array<i32>} : memref<2x64xi32, #tpu.memory_space<vmem>>, vector<1x16xi32>,
    %swap3A_648 = vector.shape_cast %swap3A_647 : vector<1x16xi32> to vector<16xi32>
    %swap3A_649 = vector.shape_cast %add3A_643 : vector<16xi32> to vector<1x16xi32>
    tpu.vector_store %arg7[%swap3A_645, %swap3A_646], %swap3A_649 {strides = array<i32>} : memref<2x64xi32, #tpu.memory_space<vmem>>, vector<1x16xi32>,
    %add3A_650 = arith.constant 192 : i32
    %add3A_651 = arith.addi %mul3A_32, %add3A_650 : i32
    %add3A_652 = arith.constant 32 : i32
    %add3A_653 = arith.addi %add3A_651, %add3A_652 : i32
    %get3A_654 = arith.index_cast %add3A_653 : i32 to index
    %get3A_655 = tpu.vector_load %arg8[%get3A_654] {strides = array<i32>} : memref<2048xi32, #tpu.memory_space<vmem>>, vector<16xi32>,
    %get3A_656 = vector.shape_cast %get3A_655 : vector<16xi32> to vector<16xi32>
    %mul3A_657 = arith.constant 2048 : i32
    %mul3A_658 = arith.muli %select_n3A, %mul3A_657 : i32
    %add3A_659 = vector.broadcast %mul3A_658 : i32 to vector<16xi32>
    %add3A_660 = arith.addi %get3A_656, %add3A_659 : vector<16xi32>
    %swap3A_661 = arith.constant 1 : i32
    %swap3A_662 = arith.index_cast %swap3A_661 : i32 to index
    %swap3A_663 = arith.constant 32 : index
    %swap3A_664 = tpu.vector_load %arg6[%swap3A_662, %swap3A_663] {strides = array<i32>} : memref<2x64xi32, #tpu.memory_space<vmem>>, vector<1x16xi32>,
    %swap3A_665 = vector.shape_cast %swap3A_664 : vector<1x16xi32> to vector<16xi32>
    %swap3A_666 = vector.shape_cast %add3A_660 : vector<16xi32> to vector<1x16xi32>
    tpu.vector_store %arg6[%swap3A_662, %swap3A_663], %swap3A_666 {strides = array<i32>} : memref<2x64xi32, #tpu.memory_space<vmem>>, vector<1x16xi32>,
    %iota3A_667 = tpu.iota {dimensions = array<i32: 0>} : vector<16xi32>
    %add3A_668 = arith.constant 192 : i32
    %add3A_669 = arith.addi %mul3A_32, %add3A_668 : i32
    %add3A_670 = arith.constant 32 : i32
    %add3A_671 = arith.addi %add3A_669, %add3A_670 : i32
    %add3A_672 = vector.broadcast %add3A_671 : i32 to vector<16xi32>
    %add3A_673 = arith.addi %iota3A_667, %add3A_672 : vector<16xi32>
    %mul3A_674 = arith.constant 8 : i32
    %mul3A_675 = vector.broadcast %mul3A_674 : i32 to vector<16xi32>
    %mul3A_676 = arith.muli %add3A_673, %mul3A_675 : vector<16xi32>
    %add3A_677 = vector.broadcast %select_n3A : i32 to vector<16xi32>
    %add3A_678 = arith.addi %mul3A_676, %add3A_677 : vector<16xi32>
    %swap3A_679 = arith.constant 1 : i32
    %swap3A_680 = arith.index_cast %swap3A_679 : i32 to index
    %swap3A_681 = arith.constant 32 : index
    %swap3A_682 = tpu.vector_load %arg7[%swap3A_680, %swap3A_681] {strides = array<i32>} : memref<2x64xi32, #tpu.memory_space<vmem>>, vector<1x16xi32>,
    %swap3A_683 = vector.shape_cast %swap3A_682 : vector<1x16xi32> to vector<16xi32>
    %swap3A_684 = vector.shape_cast %add3A_678 : vector<16xi32> to vector<1x16xi32>
    tpu.vector_store %arg7[%swap3A_680, %swap3A_681], %swap3A_684 {strides = array<i32>} : memref<2x64xi32, #tpu.memory_space<vmem>>, vector<1x16xi32>,
    %add3A_685 = arith.constant 192 : i32
    %add3A_686 = arith.addi %mul3A_32, %add3A_685 : i32
    %add3A_687 = arith.constant 48 : i32
    %add3A_688 = arith.addi %add3A_686, %add3A_687 : i32
    %get3A_689 = arith.index_cast %add3A_688 : i32 to index
    %get3A_690 = tpu.vector_load %arg8[%get3A_689] {strides = array<i32>} : memref<2048xi32, #tpu.memory_space<vmem>>, vector<16xi32>,
    %get3A_691 = vector.shape_cast %get3A_690 : vector<16xi32> to vector<16xi32>
    %mul3A_692 = arith.constant 2048 : i32
    %mul3A_693 = arith.muli %select_n3A, %mul3A_692 : i32
    %add3A_694 = vector.broadcast %mul3A_693 : i32 to vector<16xi32>
    %add3A_695 = arith.addi %get3A_691, %add3A_694 : vector<16xi32>
    %swap3A_696 = arith.constant 1 : i32
    %swap3A_697 = arith.index_cast %swap3A_696 : i32 to index
    %swap3A_698 = arith.constant 48 : index
    %swap3A_699 = tpu.vector_load %arg6[%swap3A_697, %swap3A_698] {strides = array<i32>} : memref<2x64xi32, #tpu.memory_space<vmem>>, vector<1x16xi32>,
    %swap3A_700 = vector.shape_cast %swap3A_699 : vector<1x16xi32> to vector<16xi32>
    %swap3A_701 = vector.shape_cast %add3A_695 : vector<16xi32> to vector<1x16xi32>
    tpu.vector_store %arg6[%swap3A_697, %swap3A_698], %swap3A_701 {strides = array<i32>} : memref<2x64xi32, #tpu.memory_space<vmem>>, vector<1x16xi32>,
    %iota3A_702 = tpu.iota {dimensions = array<i32: 0>} : vector<16xi32>
    %add3A_703 = arith.constant 192 : i32
    %add3A_704 = arith.addi %mul3A_32, %add3A_703 : i32
    %add3A_705 = arith.constant 48 : i32
    %add3A_706 = arith.addi %add3A_704, %add3A_705 : i32
    %add3A_707 = vector.broadcast %add3A_706 : i32 to vector<16xi32>
    %add3A_708 = arith.addi %iota3A_702, %add3A_707 : vector<16xi32>
    %mul3A_709 = arith.constant 8 : i32
    %mul3A_710 = vector.broadcast %mul3A_709 : i32 to vector<16xi32>
    %mul3A_711 = arith.muli %add3A_708, %mul3A_710 : vector<16xi32>
    %add3A_712 = vector.broadcast %select_n3A : i32 to vector<16xi32>
    %add3A_713 = arith.addi %mul3A_711, %add3A_712 : vector<16xi32>
    %swap3A_714 = arith.constant 1 : i32
    %swap3A_715 = arith.index_cast %swap3A_714 : i32 to index
    %swap3A_716 = arith.constant 48 : index
    %swap3A_717 = tpu.vector_load %arg7[%swap3A_715, %swap3A_716] {strides = array<i32>} : memref<2x64xi32, #tpu.memory_space<vmem>>, vector<1x16xi32>,
    %swap3A_718 = vector.shape_cast %swap3A_717 : vector<1x16xi32> to vector<16xi32>
    %swap3A_719 = vector.shape_cast %add3A_713 : vector<16xi32> to vector<1x16xi32>
    tpu.vector_store %arg7[%swap3A_715, %swap3A_716], %swap3A_719 {strides = array<i32>} : memref<2x64xi32, #tpu.memory_space<vmem>>, vector<1x16xi32>,
    %dma_start3A_720 = arith.constant 1 : i32
    %dma_start3A_721 = arith.constant 1 : i32
    %dma_start3A_722 = arith.constant 0 : i32
    %dma_start3A_723 = arith.constant 0 : i32
    %dma_start3A_724 = tpu.memref_slice %arg5[%dma_start3A_721, %dma_start3A_722, %dma_start3A_723] : memref<2x64x768xf32, #tpu.memory_space<vmem>> -> memref<1x64x768xf32, #tpu.memory_space<vmem>>
    %dma_start3A_725 = tpu.memref_squeeze %dma_start3A_724 : memref<1x64x768xf32, #tpu.memory_space<vmem>> -> memref<64x768xf32, #tpu.memory_space<vmem>>
    %dma_start3A_726 = arith.constant 0 : i32
    %dma_start3A_727 = tpu.memref_slice %arg6[%dma_start3A_720, %dma_start3A_726] : memref<2x64xi32, #tpu.memory_space<vmem>> -> memref<1x64xi32, #tpu.memory_space<vmem>>
    %dma_start3A_728 = tpu.memref_squeeze %dma_start3A_727 : memref<1x64xi32, #tpu.memory_space<vmem>> -> memref<64xi32, #tpu.memory_space<vmem>>
    %dma_start3A_729 = arith.constant 0 : i32
    %dma_start3A_730 = arith.constant 0 : i32
    %dma_start3A_731 = tpu.memref_slice %arg2[%dma_start3A_729, %dma_start3A_730] : memref<16392x768xf32, #tpu.memory_space<hbm>> -> memref<16392x768xf32, #tpu.memory_space<hbm>>
    tpu.enqueue_indirect_dma source(%dma_start3A_731 : memref<16392x768xf32, #tpu.memory_space<hbm>>) target(%dma_start3A_725 : memref<64x768xf32, #tpu.memory_space<vmem>>) offsets(%dma_start3A_728 : memref<64xi32, #tpu.memory_space<vmem>>) semaphore(%arg9 : memref<!tpu.dma_semaphore, #tpu.memory_space<semaphore_mem>>)
    %dma_wait3A_732 = arith.constant 1 : i32
    %dma_wait3A_733 = arith.constant 1 : i32
    %dma_wait3A_734 = arith.constant 0 : i32
    %dma_wait3A_735 = arith.constant 0 : i32
    %dma_wait3A_736 = tpu.memref_slice %arg5[%dma_wait3A_733, %dma_wait3A_734, %dma_wait3A_735] : memref<2x64x768xf32, #tpu.memory_space<vmem>> -> memref<1x64x768xf32, #tpu.memory_space<vmem>>
    %dma_wait3A_737 = tpu.memref_squeeze %dma_wait3A_736 : memref<1x64x768xf32, #tpu.memory_space<vmem>> -> memref<64x768xf32, #tpu.memory_space<vmem>>
    %dma_wait3A_738 = arith.constant 0 : i32
    %dma_wait3A_739 = tpu.memref_slice %arg6[%dma_wait3A_732, %dma_wait3A_738] : memref<2x64xi32, #tpu.memory_space<vmem>> -> memref<1x64xi32, #tpu.memory_space<vmem>>
    %dma_wait3A_740 = tpu.memref_squeeze %dma_wait3A_739 : memref<1x64xi32, #tpu.memory_space<vmem>> -> memref<64xi32, #tpu.memory_space<vmem>>
    %dma_wait3A_741 = arith.constant 0 : i32
    %dma_wait3A_742 = arith.constant 0 : i32
    %dma_wait3A_743 = tpu.memref_slice %arg2[%dma_wait3A_741, %dma_wait3A_742] : memref<16392x768xf32, #tpu.memory_space<hbm>> -> memref<16392x768xf32, #tpu.memory_space<hbm>>
    tpu.wait_indirect_dma semaphore(%arg9 : memref<!tpu.dma_semaphore, #tpu.memory_space<semaphore_mem>>) src(%dma_wait3A_743 : memref<16392x768xf32, #tpu.memory_space<hbm>>) dst(%dma_wait3A_737 : memref<64x768xf32, #tpu.memory_space<vmem>>)
    %dma_start3A_744 = arith.constant 1 : i32
    %dma_start3A_745 = arith.constant 1 : i32
    %dma_start3A_746 = arith.constant 0 : i32
    %dma_start3A_747 = arith.constant 0 : i32
    %dma_start3A_748 = tpu.memref_slice %arg5[%dma_start3A_744, %dma_start3A_746, %dma_start3A_747] : memref<2x64x768xf32, #tpu.memory_space<vmem>> -> memref<1x64x768xf32, #tpu.memory_space<vmem>>
    %dma_start3A_749 = tpu.memref_squeeze %dma_start3A_748 : memref<1x64x768xf32, #tpu.memory_space<vmem>> -> memref<64x768xf32, #tpu.memory_space<vmem>>
    %dma_start3A_750 = arith.constant 0 : i32
    %dma_start3A_751 = tpu.memref_slice %arg7[%dma_start3A_745, %dma_start3A_750] : memref<2x64xi32, #tpu.memory_space<vmem>> -> memref<1x64xi32, #tpu.memory_space<vmem>>
    %dma_start3A_752 = tpu.memref_squeeze %dma_start3A_751 : memref<1x64xi32, #tpu.memory_space<vmem>> -> memref<64xi32, #tpu.memory_space<vmem>>
    %dma_start3A_753 = arith.constant 0 : i32
    %dma_start3A_754 = arith.constant 0 : i32
    %dma_start3A_755 = tpu.memref_slice %arg4[%dma_start3A_753, %dma_start3A_754] : memref<16384x768xf32, #tpu.memory_space<hbm>> -> memref<16384x768xf32, #tpu.memory_space<hbm>>
    tpu.enqueue_indirect_dma source(%dma_start3A_749 : memref<64x768xf32, #tpu.memory_space<vmem>>) target(%dma_start3A_755 : memref<16384x768xf32, #tpu.memory_space<hbm>>) offsets(%dma_start3A_752 : memref<64xi32, #tpu.memory_space<vmem>>) semaphore(%arg10 : memref<!tpu.dma_semaphore, #tpu.memory_space<semaphore_mem>>)
    %dma_wait3A_756 = arith.constant 0 : i32
    %dma_wait3A_757 = arith.constant 0 : i32
    %dma_wait3A_758 = arith.constant 0 : i32
    %dma_wait3A_759 = arith.constant 0 : i32
    %dma_wait3A_760 = tpu.memref_slice %arg5[%dma_wait3A_756, %dma_wait3A_758, %dma_wait3A_759] : memref<2x64x768xf32, #tpu.memory_space<vmem>> -> memref<1x64x768xf32, #tpu.memory_space<vmem>>
    %dma_wait3A_761 = tpu.memref_squeeze %dma_wait3A_760 : memref<1x64x768xf32, #tpu.memory_space<vmem>> -> memref<64x768xf32, #tpu.memory_space<vmem>>
    %dma_wait3A_762 = arith.constant 0 : i32
    %dma_wait3A_763 = tpu.memref_slice %arg7[%dma_wait3A_757, %dma_wait3A_762] : memref<2x64xi32, #tpu.memory_space<vmem>> -> memref<1x64xi32, #tpu.memory_space<vmem>>
    %dma_wait3A_764 = tpu.memref_squeeze %dma_wait3A_763 : memref<1x64xi32, #tpu.memory_space<vmem>> -> memref<64xi32, #tpu.memory_space<vmem>>
    %dma_wait3A_765 = arith.constant 0 : i32
    %dma_wait3A_766 = arith.constant 0 : i32
    %dma_wait3A_767 = tpu.memref_slice %arg4[%dma_wait3A_765, %dma_wait3A_766] : memref<16384x768xf32, #tpu.memory_space<hbm>> -> memref<16384x768xf32, #tpu.memory_space<hbm>>
    tpu.wait_indirect_dma semaphore(%arg10 : memref<!tpu.dma_semaphore, #tpu.memory_space<semaphore_mem>>) src(%dma_wait3A_761 : memref<64x768xf32, #tpu.memory_space<vmem>>) dst(%dma_wait3A_767 : memref<16384x768xf32, #tpu.memory_space<hbm>>)
    %add3A_768 = arith.constant 256 : i32
    %add3A_769 = arith.addi %mul3A_32, %add3A_768 : i32
    %add3A_770 = arith.constant 0 : i32
    %add3A_771 = arith.addi %add3A_769, %add3A_770 : i32
    %get3A_772 = arith.index_cast %add3A_771 : i32 to index
    %get3A_773 = tpu.vector_load %arg8[%get3A_772] {strides = array<i32>} : memref<2048xi32, #tpu.memory_space<vmem>>, vector<16xi32>,
    %get3A_774 = vector.shape_cast %get3A_773 : vector<16xi32> to vector<16xi32>
    %mul3A_775 = arith.constant 2048 : i32
    %mul3A_776 = arith.muli %select_n3A, %mul3A_775 : i32
    %add3A_777 = vector.broadcast %mul3A_776 : i32 to vector<16xi32>
    %add3A_778 = arith.addi %get3A_774, %add3A_777 : vector<16xi32>
    %swap3A_779 = arith.constant 0 : i32
    %swap3A_780 = arith.index_cast %swap3A_779 : i32 to index
    %swap3A_781 = arith.constant 0 : index
    %swap3A_782 = tpu.vector_load %arg6[%swap3A_780, %swap3A_781] {strides = array<i32>} : memref<2x64xi32, #tpu.memory_space<vmem>>, vector<1x16xi32>,
    %swap3A_783 = vector.shape_cast %swap3A_782 : vector<1x16xi32> to vector<16xi32>
    %swap3A_784 = vector.shape_cast %add3A_778 : vector<16xi32> to vector<1x16xi32>
    tpu.vector_store %arg6[%swap3A_780, %swap3A_781], %swap3A_784 {strides = array<i32>} : memref<2x64xi32, #tpu.memory_space<vmem>>, vector<1x16xi32>,
    %iota3A_785 = tpu.iota {dimensions = array<i32: 0>} : vector<16xi32>
    %add3A_786 = arith.constant 256 : i32
    %add3A_787 = arith.addi %mul3A_32, %add3A_786 : i32
    %add3A_788 = arith.constant 0 : i32
    %add3A_789 = arith.addi %add3A_787, %add3A_788 : i32
    %add3A_790 = vector.broadcast %add3A_789 : i32 to vector<16xi32>
    %add3A_791 = arith.addi %iota3A_785, %add3A_790 : vector<16xi32>
    %mul3A_792 = arith.constant 8 : i32
    %mul3A_793 = vector.broadcast %mul3A_792 : i32 to vector<16xi32>
    %mul3A_794 = arith.muli %add3A_791, %mul3A_793 : vector<16xi32>
    %add3A_795 = vector.broadcast %select_n3A : i32 to vector<16xi32>
    %add3A_796 = arith.addi %mul3A_794, %add3A_795 : vector<16xi32>
    %swap3A_797 = arith.constant 0 : i32
    %swap3A_798 = arith.index_cast %swap3A_797 : i32 to index
    %swap3A_799 = arith.constant 0 : index
    %swap3A_800 = tpu.vector_load %arg7[%swap3A_798, %swap3A_799] {strides = array<i32>} : memref<2x64xi32, #tpu.memory_space<vmem>>, vector<1x16xi32>,
    %swap3A_801 = vector.shape_cast %swap3A_800 : vector<1x16xi32> to vector<16xi32>
    %swap3A_802 = vector.shape_cast %add3A_796 : vector<16xi32> to vector<1x16xi32>
    tpu.vector_store %arg7[%swap3A_798, %swap3A_799], %swap3A_802 {strides = array<i32>} : memref<2x64xi32, #tpu.memory_space<vmem>>, vector<1x16xi32>,
    %add3A_803 = arith.constant 256 : i32
    %add3A_804 = arith.addi %mul3A_32, %add3A_803 : i32
    %add3A_805 = arith.constant 16 : i32
    %add3A_806 = arith.addi %add3A_804, %add3A_805 : i32
    %get3A_807 = arith.index_cast %add3A_806 : i32 to index
    %get3A_808 = tpu.vector_load %arg8[%get3A_807] {strides = array<i32>} : memref<2048xi32, #tpu.memory_space<vmem>>, vector<16xi32>,
    %get3A_809 = vector.shape_cast %get3A_808 : vector<16xi32> to vector<16xi32>
    %mul3A_810 = arith.constant 2048 : i32
    %mul3A_811 = arith.muli %select_n3A, %mul3A_810 : i32
    %add3A_812 = vector.broadcast %mul3A_811 : i32 to vector<16xi32>
    %add3A_813 = arith.addi %get3A_809, %add3A_812 : vector<16xi32>
    %swap3A_814 = arith.constant 0 : i32
    %swap3A_815 = arith.index_cast %swap3A_814 : i32 to index
    %swap3A_816 = arith.constant 16 : index
    %swap3A_817 = tpu.vector_load %arg6[%swap3A_815, %swap3A_816] {strides = array<i32>} : memref<2x64xi32, #tpu.memory_space<vmem>>, vector<1x16xi32>,
    %swap3A_818 = vector.shape_cast %swap3A_817 : vector<1x16xi32> to vector<16xi32>
    %swap3A_819 = vector.shape_cast %add3A_813 : vector<16xi32> to vector<1x16xi32>
    tpu.vector_store %arg6[%swap3A_815, %swap3A_816], %swap3A_819 {strides = array<i32>} : memref<2x64xi32, #tpu.memory_space<vmem>>, vector<1x16xi32>,
    %iota3A_820 = tpu.iota {dimensions = array<i32: 0>} : vector<16xi32>
    %add3A_821 = arith.constant 256 : i32
    %add3A_822 = arith.addi %mul3A_32, %add3A_821 : i32
    %add3A_823 = arith.constant 16 : i32
    %add3A_824 = arith.addi %add3A_822, %add3A_823 : i32
    %add3A_825 = vector.broadcast %add3A_824 : i32 to vector<16xi32>
    %add3A_826 = arith.addi %iota3A_820, %add3A_825 : vector<16xi32>
    %mul3A_827 = arith.constant 8 : i32
    %mul3A_828 = vector.broadcast %mul3A_827 : i32 to vector<16xi32>
    %mul3A_829 = arith.muli %add3A_826, %mul3A_828 : vector<16xi32>
    %add3A_830 = vector.broadcast %select_n3A : i32 to vector<16xi32>
    %add3A_831 = arith.addi %mul3A_829, %add3A_830 : vector<16xi32>
    %swap3A_832 = arith.constant 0 : i32
    %swap3A_833 = arith.index_cast %swap3A_832 : i32 to index
    %swap3A_834 = arith.constant 16 : index
    %swap3A_835 = tpu.vector_load %arg7[%swap3A_833, %swap3A_834] {strides = array<i32>} : memref<2x64xi32, #tpu.memory_space<vmem>>, vector<1x16xi32>,
    %swap3A_836 = vector.shape_cast %swap3A_835 : vector<1x16xi32> to vector<16xi32>
    %swap3A_837 = vector.shape_cast %add3A_831 : vector<16xi32> to vector<1x16xi32>
    tpu.vector_store %arg7[%swap3A_833, %swap3A_834], %swap3A_837 {strides = array<i32>} : memref<2x64xi32, #tpu.memory_space<vmem>>, vector<1x16xi32>,
    %add3A_838 = arith.constant 256 : i32
    %add3A_839 = arith.addi %mul3A_32, %add3A_838 : i32
    %add3A_840 = arith.constant 32 : i32
    %add3A_841 = arith.addi %add3A_839, %add3A_840 : i32
    %get3A_842 = arith.index_cast %add3A_841 : i32 to index
    %get3A_843 = tpu.vector_load %arg8[%get3A_842] {strides = array<i32>} : memref<2048xi32, #tpu.memory_space<vmem>>, vector<16xi32>,
    %get3A_844 = vector.shape_cast %get3A_843 : vector<16xi32> to vector<16xi32>
    %mul3A_845 = arith.constant 2048 : i32
    %mul3A_846 = arith.muli %select_n3A, %mul3A_845 : i32
    %add3A_847 = vector.broadcast %mul3A_846 : i32 to vector<16xi32>
    %add3A_848 = arith.addi %get3A_844, %add3A_847 : vector<16xi32>
    %swap3A_849 = arith.constant 0 : i32
    %swap3A_850 = arith.index_cast %swap3A_849 : i32 to index
    %swap3A_851 = arith.constant 32 : index
    %swap3A_852 = tpu.vector_load %arg6[%swap3A_850, %swap3A_851] {strides = array<i32>} : memref<2x64xi32, #tpu.memory_space<vmem>>, vector<1x16xi32>,
    %swap3A_853 = vector.shape_cast %swap3A_852 : vector<1x16xi32> to vector<16xi32>
    %swap3A_854 = vector.shape_cast %add3A_848 : vector<16xi32> to vector<1x16xi32>
    tpu.vector_store %arg6[%swap3A_850, %swap3A_851], %swap3A_854 {strides = array<i32>} : memref<2x64xi32, #tpu.memory_space<vmem>>, vector<1x16xi32>,
    %iota3A_855 = tpu.iota {dimensions = array<i32: 0>} : vector<16xi32>
    %add3A_856 = arith.constant 256 : i32
    %add3A_857 = arith.addi %mul3A_32, %add3A_856 : i32
    %add3A_858 = arith.constant 32 : i32
    %add3A_859 = arith.addi %add3A_857, %add3A_858 : i32
    %add3A_860 = vector.broadcast %add3A_859 : i32 to vector<16xi32>
    %add3A_861 = arith.addi %iota3A_855, %add3A_860 : vector<16xi32>
    %mul3A_862 = arith.constant 8 : i32
    %mul3A_863 = vector.broadcast %mul3A_862 : i32 to vector<16xi32>
    %mul3A_864 = arith.muli %add3A_861, %mul3A_863 : vector<16xi32>
    %add3A_865 = vector.broadcast %select_n3A : i32 to vector<16xi32>
    %add3A_866 = arith.addi %mul3A_864, %add3A_865 : vector<16xi32>
    %swap3A_867 = arith.constant 0 : i32
    %swap3A_868 = arith.index_cast %swap3A_867 : i32 to index
    %swap3A_869 = arith.constant 32 : index
    %swap3A_870 = tpu.vector_load %arg7[%swap3A_868, %swap3A_869] {strides = array<i32>} : memref<2x64xi32, #tpu.memory_space<vmem>>, vector<1x16xi32>,
    %swap3A_871 = vector.shape_cast %swap3A_870 : vector<1x16xi32> to vector<16xi32>
    %swap3A_872 = vector.shape_cast %add3A_866 : vector<16xi32> to vector<1x16xi32>
    tpu.vector_store %arg7[%swap3A_868, %swap3A_869], %swap3A_872 {strides = array<i32>} : memref<2x64xi32, #tpu.memory_space<vmem>>, vector<1x16xi32>,
    %add3A_873 = arith.constant 256 : i32
    %add3A_874 = arith.addi %mul3A_32, %add3A_873 : i32
    %add3A_875 = arith.constant 48 : i32
    %add3A_876 = arith.addi %add3A_874, %add3A_875 : i32
    %get3A_877 = arith.index_cast %add3A_876 : i32 to index
    %get3A_878 = tpu.vector_load %arg8[%get3A_877] {strides = array<i32>} : memref<2048xi32, #tpu.memory_space<vmem>>, vector<16xi32>,
    %get3A_879 = vector.shape_cast %get3A_878 : vector<16xi32> to vector<16xi32>
    %mul3A_880 = arith.constant 2048 : i32
    %mul3A_881 = arith.muli %select_n3A, %mul3A_880 : i32
    %add3A_882 = vector.broadcast %mul3A_881 : i32 to vector<16xi32>
    %add3A_883 = arith.addi %get3A_879, %add3A_882 : vector<16xi32>
    %swap3A_884 = arith.constant 0 : i32
    %swap3A_885 = arith.index_cast %swap3A_884 : i32 to index
    %swap3A_886 = arith.constant 48 : index
    %swap3A_887 = tpu.vector_load %arg6[%swap3A_885, %swap3A_886] {strides = array<i32>} : memref<2x64xi32, #tpu.memory_space<vmem>>, vector<1x16xi32>,
    %swap3A_888 = vector.shape_cast %swap3A_887 : vector<1x16xi32> to vector<16xi32>
    %swap3A_889 = vector.shape_cast %add3A_883 : vector<16xi32> to vector<1x16xi32>
    tpu.vector_store %arg6[%swap3A_885, %swap3A_886], %swap3A_889 {strides = array<i32>} : memref<2x64xi32, #tpu.memory_space<vmem>>, vector<1x16xi32>,
    %iota3A_890 = tpu.iota {dimensions = array<i32: 0>} : vector<16xi32>
    %add3A_891 = arith.constant 256 : i32
    %add3A_892 = arith.addi %mul3A_32, %add3A_891 : i32
    %add3A_893 = arith.constant 48 : i32
    %add3A_894 = arith.addi %add3A_892, %add3A_893 : i32
    %add3A_895 = vector.broadcast %add3A_894 : i32 to vector<16xi32>
    %add3A_896 = arith.addi %iota3A_890, %add3A_895 : vector<16xi32>
    %mul3A_897 = arith.constant 8 : i32
    %mul3A_898 = vector.broadcast %mul3A_897 : i32 to vector<16xi32>
    %mul3A_899 = arith.muli %add3A_896, %mul3A_898 : vector<16xi32>
    %add3A_900 = vector.broadcast %select_n3A : i32 to vector<16xi32>
    %add3A_901 = arith.addi %mul3A_899, %add3A_900 : vector<16xi32>
    %swap3A_902 = arith.constant 0 : i32
    %swap3A_903 = arith.index_cast %swap3A_902 : i32 to index
    %swap3A_904 = arith.constant 48 : index
    %swap3A_905 = tpu.vector_load %arg7[%swap3A_903, %swap3A_904] {strides = array<i32>} : memref<2x64xi32, #tpu.memory_space<vmem>>, vector<1x16xi32>,
    %swap3A_906 = vector.shape_cast %swap3A_905 : vector<1x16xi32> to vector<16xi32>
    %swap3A_907 = vector.shape_cast %add3A_901 : vector<16xi32> to vector<1x16xi32>
    tpu.vector_store %arg7[%swap3A_903, %swap3A_904], %swap3A_907 {strides = array<i32>} : memref<2x64xi32, #tpu.memory_space<vmem>>, vector<1x16xi32>,
    %dma_start3A_908 = arith.constant 0 : i32
    %dma_start3A_909 = arith.constant 0 : i32
    %dma_start3A_910 = arith.constant 0 : i32
    %dma_start3A_911 = arith.constant 0 : i32
    %dma_start3A_912 = tpu.memref_slice %arg5[%dma_start3A_909, %dma_start3A_910, %dma_start3A_911] : memref<2x64x768xf32, #tpu.memory_space<vmem>> -> memref<1x64x768xf32, #tpu.memory_space<vmem>>
    %dma_start3A_913 = tpu.memref_squeeze %dma_start3A_912 : memref<1x64x768xf32, #tpu.memory_space<vmem>> -> memref<64x768xf32, #tpu.memory_space<vmem>>
    %dma_start3A_914 = arith.constant 0 : i32
    %dma_start3A_915 = tpu.memref_slice %arg6[%dma_start3A_908, %dma_start3A_914] : memref<2x64xi32, #tpu.memory_space<vmem>> -> memref<1x64xi32, #tpu.memory_space<vmem>>
    %dma_start3A_916 = tpu.memref_squeeze %dma_start3A_915 : memref<1x64xi32, #tpu.memory_space<vmem>> -> memref<64xi32, #tpu.memory_space<vmem>>
    %dma_start3A_917 = arith.constant 0 : i32
    %dma_start3A_918 = arith.constant 0 : i32
    %dma_start3A_919 = tpu.memref_slice %arg2[%dma_start3A_917, %dma_start3A_918] : memref<16392x768xf32, #tpu.memory_space<hbm>> -> memref<16392x768xf32, #tpu.memory_space<hbm>>
    tpu.enqueue_indirect_dma source(%dma_start3A_919 : memref<16392x768xf32, #tpu.memory_space<hbm>>) target(%dma_start3A_913 : memref<64x768xf32, #tpu.memory_space<vmem>>) offsets(%dma_start3A_916 : memref<64xi32, #tpu.memory_space<vmem>>) semaphore(%arg9 : memref<!tpu.dma_semaphore, #tpu.memory_space<semaphore_mem>>)
    %dma_wait3A_920 = arith.constant 0 : i32
    %dma_wait3A_921 = arith.constant 0 : i32
    %dma_wait3A_922 = arith.constant 0 : i32
    %dma_wait3A_923 = arith.constant 0 : i32
    %dma_wait3A_924 = tpu.memref_slice %arg5[%dma_wait3A_921, %dma_wait3A_922, %dma_wait3A_923] : memref<2x64x768xf32, #tpu.memory_space<vmem>> -> memref<1x64x768xf32, #tpu.memory_space<vmem>>
    %dma_wait3A_925 = tpu.memref_squeeze %dma_wait3A_924 : memref<1x64x768xf32, #tpu.memory_space<vmem>> -> memref<64x768xf32, #tpu.memory_space<vmem>>
    %dma_wait3A_926 = arith.constant 0 : i32
    %dma_wait3A_927 = tpu.memref_slice %arg6[%dma_wait3A_920, %dma_wait3A_926] : memref<2x64xi32, #tpu.memory_space<vmem>> -> memref<1x64xi32, #tpu.memory_space<vmem>>
    %dma_wait3A_928 = tpu.memref_squeeze %dma_wait3A_927 : memref<1x64xi32, #tpu.memory_space<vmem>> -> memref<64xi32, #tpu.memory_space<vmem>>
    %dma_wait3A_929 = arith.constant 0 : i32
    %dma_wait3A_930 = arith.constant 0 : i32
    %dma_wait3A_931 = tpu.memref_slice %arg2[%dma_wait3A_929, %dma_wait3A_930] : memref<16392x768xf32, #tpu.memory_space<hbm>> -> memref<16392x768xf32, #tpu.memory_space<hbm>>
    tpu.wait_indirect_dma semaphore(%arg9 : memref<!tpu.dma_semaphore, #tpu.memory_space<semaphore_mem>>) src(%dma_wait3A_931 : memref<16392x768xf32, #tpu.memory_space<hbm>>) dst(%dma_wait3A_925 : memref<64x768xf32, #tpu.memory_space<vmem>>)
    %dma_start3A_932 = arith.constant 0 : i32
    %dma_start3A_933 = arith.constant 0 : i32
    %dma_start3A_934 = arith.constant 0 : i32
    %dma_start3A_935 = arith.constant 0 : i32
    %dma_start3A_936 = tpu.memref_slice %arg5[%dma_start3A_932, %dma_start3A_934, %dma_start3A_935] : memref<2x64x768xf32, #tpu.memory_space<vmem>> -> memref<1x64x768xf32, #tpu.memory_space<vmem>>
    %dma_start3A_937 = tpu.memref_squeeze %dma_start3A_936 : memref<1x64x768xf32, #tpu.memory_space<vmem>> -> memref<64x768xf32, #tpu.memory_space<vmem>>
    %dma_start3A_938 = arith.constant 0 : i32
    %dma_start3A_939 = tpu.memref_slice %arg7[%dma_start3A_933, %dma_start3A_938] : memref<2x64xi32, #tpu.memory_space<vmem>> -> memref<1x64xi32, #tpu.memory_space<vmem>>
    %dma_start3A_940 = tpu.memref_squeeze %dma_start3A_939 : memref<1x64xi32, #tpu.memory_space<vmem>> -> memref<64xi32, #tpu.memory_space<vmem>>
    %dma_start3A_941 = arith.constant 0 : i32
    %dma_start3A_942 = arith.constant 0 : i32
    %dma_start3A_943 = tpu.memref_slice %arg4[%dma_start3A_941, %dma_start3A_942] : memref<16384x768xf32, #tpu.memory_space<hbm>> -> memref<16384x768xf32, #tpu.memory_space<hbm>>
    tpu.enqueue_indirect_dma source(%dma_start3A_937 : memref<64x768xf32, #tpu.memory_space<vmem>>) target(%dma_start3A_943 : memref<16384x768xf32, #tpu.memory_space<hbm>>) offsets(%dma_start3A_940 : memref<64xi32, #tpu.memory_space<vmem>>) semaphore(%arg10 : memref<!tpu.dma_semaphore, #tpu.memory_space<semaphore_mem>>)
    %dma_wait3A_944 = arith.constant 1 : i32
    %dma_wait3A_945 = arith.constant 1 : i32
    %dma_wait3A_946 = arith.constant 0 : i32
    %dma_wait3A_947 = arith.constant 0 : i32
    %dma_wait3A_948 = tpu.memref_slice %arg5[%dma_wait3A_944, %dma_wait3A_946, %dma_wait3A_947] : memref<2x64x768xf32, #tpu.memory_space<vmem>> -> memref<1x64x768xf32, #tpu.memory_space<vmem>>
    %dma_wait3A_949 = tpu.memref_squeeze %dma_wait3A_948 : memref<1x64x768xf32, #tpu.memory_space<vmem>> -> memref<64x768xf32, #tpu.memory_space<vmem>>
    %dma_wait3A_950 = arith.constant 0 : i32
    %dma_wait3A_951 = tpu.memref_slice %arg7[%dma_wait3A_945, %dma_wait3A_950] : memref<2x64xi32, #tpu.memory_space<vmem>> -> memref<1x64xi32, #tpu.memory_space<vmem>>
    %dma_wait3A_952 = tpu.memref_squeeze %dma_wait3A_951 : memref<1x64xi32, #tpu.memory_space<vmem>> -> memref<64xi32, #tpu.memory_space<vmem>>
    %dma_wait3A_953 = arith.constant 0 : i32
    %dma_wait3A_954 = arith.constant 0 : i32
    %dma_wait3A_955 = tpu.memref_slice %arg4[%dma_wait3A_953, %dma_wait3A_954] : memref<16384x768xf32, #tpu.memory_space<hbm>> -> memref<16384x768xf32, #tpu.memory_space<hbm>>
    tpu.wait_indirect_dma semaphore(%arg10 : memref<!tpu.dma_semaphore, #tpu.memory_space<semaphore_mem>>) src(%dma_wait3A_949 : memref<64x768xf32, #tpu.memory_space<vmem>>) dst(%dma_wait3A_955 : memref<16384x768xf32, #tpu.memory_space<hbm>>)
    %add3A_956 = arith.constant 320 : i32
    %add3A_957 = arith.addi %mul3A_32, %add3A_956 : i32
    %add3A_958 = arith.constant 0 : i32
    %add3A_959 = arith.addi %add3A_957, %add3A_958 : i32
    %get3A_960 = arith.index_cast %add3A_959 : i32 to index
    %get3A_961 = tpu.vector_load %arg8[%get3A_960] {strides = array<i32>} : memref<2048xi32, #tpu.memory_space<vmem>>, vector<16xi32>,
    %get3A_962 = vector.shape_cast %get3A_961 : vector<16xi32> to vector<16xi32>
    %mul3A_963 = arith.constant 2048 : i32
    %mul3A_964 = arith.muli %select_n3A, %mul3A_963 : i32
    %add3A_965 = vector.broadcast %mul3A_964 : i32 to vector<16xi32>
    %add3A_966 = arith.addi %get3A_962, %add3A_965 : vector<16xi32>
    %swap3A_967 = arith.constant 1 : i32
    %swap3A_968 = arith.index_cast %swap3A_967 : i32 to index
    %swap3A_969 = arith.constant 0 : index
    %swap3A_970 = tpu.vector_load %arg6[%swap3A_968, %swap3A_969] {strides = array<i32>} : memref<2x64xi32, #tpu.memory_space<vmem>>, vector<1x16xi32>,
    %swap3A_971 = vector.shape_cast %swap3A_970 : vector<1x16xi32> to vector<16xi32>
    %swap3A_972 = vector.shape_cast %add3A_966 : vector<16xi32> to vector<1x16xi32>
    tpu.vector_store %arg6[%swap3A_968, %swap3A_969], %swap3A_972 {strides = array<i32>} : memref<2x64xi32, #tpu.memory_space<vmem>>, vector<1x16xi32>,
    %iota3A_973 = tpu.iota {dimensions = array<i32: 0>} : vector<16xi32>
    %add3A_974 = arith.constant 320 : i32
    %add3A_975 = arith.addi %mul3A_32, %add3A_974 : i32
    %add3A_976 = arith.constant 0 : i32
    %add3A_977 = arith.addi %add3A_975, %add3A_976 : i32
    %add3A_978 = vector.broadcast %add3A_977 : i32 to vector<16xi32>
    %add3A_979 = arith.addi %iota3A_973, %add3A_978 : vector<16xi32>
    %mul3A_980 = arith.constant 8 : i32
    %mul3A_981 = vector.broadcast %mul3A_980 : i32 to vector<16xi32>
    %mul3A_982 = arith.muli %add3A_979, %mul3A_981 : vector<16xi32>
    %add3A_983 = vector.broadcast %select_n3A : i32 to vector<16xi32>
    %add3A_984 = arith.addi %mul3A_982, %add3A_983 : vector<16xi32>
    %swap3A_985 = arith.constant 1 : i32
    %swap3A_986 = arith.index_cast %swap3A_985 : i32 to index
    %swap3A_987 = arith.constant 0 : index
    %swap3A_988 = tpu.vector_load %arg7[%swap3A_986, %swap3A_987] {strides = array<i32>} : memref<2x64xi32, #tpu.memory_space<vmem>>, vector<1x16xi32>,
    %swap3A_989 = vector.shape_cast %swap3A_988 : vector<1x16xi32> to vector<16xi32>
    %swap3A_990 = vector.shape_cast %add3A_984 : vector<16xi32> to vector<1x16xi32>
    tpu.vector_store %arg7[%swap3A_986, %swap3A_987], %swap3A_990 {strides = array<i32>} : memref<2x64xi32, #tpu.memory_space<vmem>>, vector<1x16xi32>,
    %add3A_991 = arith.constant 320 : i32
    %add3A_992 = arith.addi %mul3A_32, %add3A_991 : i32
    %add3A_993 = arith.constant 16 : i32
    %add3A_994 = arith.addi %add3A_992, %add3A_993 : i32
    %get3A_995 = arith.index_cast %add3A_994 : i32 to index
    %get3A_996 = tpu.vector_load %arg8[%get3A_995] {strides = array<i32>} : memref<2048xi32, #tpu.memory_space<vmem>>, vector<16xi32>,
    %get3A_997 = vector.shape_cast %get3A_996 : vector<16xi32> to vector<16xi32>
    %mul3A_998 = arith.constant 2048 : i32
    %mul3A_999 = arith.muli %select_n3A, %mul3A_998 : i32
    %add3A_1000 = vector.broadcast %mul3A_999 : i32 to vector<16xi32>
    %add3A_1001 = arith.addi %get3A_997, %add3A_1000 : vector<16xi32>
    %swap3A_1002 = arith.constant 1 : i32
    %swap3A_1003 = arith.index_cast %swap3A_1002 : i32 to index
    %swap3A_1004 = arith.constant 16 : index
    %swap3A_1005 = tpu.vector_load %arg6[%swap3A_1003, %swap3A_1004] {strides = array<i32>} : memref<2x64xi32, #tpu.memory_space<vmem>>, vector<1x16xi32>,
    %swap3A_1006 = vector.shape_cast %swap3A_1005 : vector<1x16xi32> to vector<16xi32>
    %swap3A_1007 = vector.shape_cast %add3A_1001 : vector<16xi32> to vector<1x16xi32>
    tpu.vector_store %arg6[%swap3A_1003, %swap3A_1004], %swap3A_1007 {strides = array<i32>} : memref<2x64xi32, #tpu.memory_space<vmem>>, vector<1x16xi32>,
    %iota3A_1008 = tpu.iota {dimensions = array<i32: 0>} : vector<16xi32>
    %add3A_1009 = arith.constant 320 : i32
    %add3A_1010 = arith.addi %mul3A_32, %add3A_1009 : i32
    %add3A_1011 = arith.constant 16 : i32
    %add3A_1012 = arith.addi %add3A_1010, %add3A_1011 : i32
    %add3A_1013 = vector.broadcast %add3A_1012 : i32 to vector<16xi32>
    %add3A_1014 = arith.addi %iota3A_1008, %add3A_1013 : vector<16xi32>
    %mul3A_1015 = arith.constant 8 : i32
    %mul3A_1016 = vector.broadcast %mul3A_1015 : i32 to vector<16xi32>
    %mul3A_1017 = arith.muli %add3A_1014, %mul3A_1016 : vector<16xi32>
    %add3A_1018 = vector.broadcast %select_n3A : i32 to vector<16xi32>
    %add3A_1019 = arith.addi %mul3A_1017, %add3A_1018 : vector<16xi32>
    %swap3A_1020 = arith.constant 1 : i32
    %swap3A_1021 = arith.index_cast %swap3A_1020 : i32 to index
    %swap3A_1022 = arith.constant 16 : index
    %swap3A_1023 = tpu.vector_load %arg7[%swap3A_1021, %swap3A_1022] {strides = array<i32>} : memref<2x64xi32, #tpu.memory_space<vmem>>, vector<1x16xi32>,
    %swap3A_1024 = vector.shape_cast %swap3A_1023 : vector<1x16xi32> to vector<16xi32>
    %swap3A_1025 = vector.shape_cast %add3A_1019 : vector<16xi32> to vector<1x16xi32>
    tpu.vector_store %arg7[%swap3A_1021, %swap3A_1022], %swap3A_1025 {strides = array<i32>} : memref<2x64xi32, #tpu.memory_space<vmem>>, vector<1x16xi32>,
    %add3A_1026 = arith.constant 320 : i32
    %add3A_1027 = arith.addi %mul3A_32, %add3A_1026 : i32
    %add3A_1028 = arith.constant 32 : i32
    %add3A_1029 = arith.addi %add3A_1027, %add3A_1028 : i32
    %get3A_1030 = arith.index_cast %add3A_1029 : i32 to index
    %get3A_1031 = tpu.vector_load %arg8[%get3A_1030] {strides = array<i32>} : memref<2048xi32, #tpu.memory_space<vmem>>, vector<16xi32>,
    %get3A_1032 = vector.shape_cast %get3A_1031 : vector<16xi32> to vector<16xi32>
    %mul3A_1033 = arith.constant 2048 : i32
    %mul3A_1034 = arith.muli %select_n3A, %mul3A_1033 : i32
    %add3A_1035 = vector.broadcast %mul3A_1034 : i32 to vector<16xi32>
    %add3A_1036 = arith.addi %get3A_1032, %add3A_1035 : vector<16xi32>
    %swap3A_1037 = arith.constant 1 : i32
    %swap3A_1038 = arith.index_cast %swap3A_1037 : i32 to index
    %swap3A_1039 = arith.constant 32 : index
    %swap3A_1040 = tpu.vector_load %arg6[%swap3A_1038, %swap3A_1039] {strides = array<i32>} : memref<2x64xi32, #tpu.memory_space<vmem>>, vector<1x16xi32>,
    %swap3A_1041 = vector.shape_cast %swap3A_1040 : vector<1x16xi32> to vector<16xi32>
    %swap3A_1042 = vector.shape_cast %add3A_1036 : vector<16xi32> to vector<1x16xi32>
    tpu.vector_store %arg6[%swap3A_1038, %swap3A_1039], %swap3A_1042 {strides = array<i32>} : memref<2x64xi32, #tpu.memory_space<vmem>>, vector<1x16xi32>,
    %iota3A_1043 = tpu.iota {dimensions = array<i32: 0>} : vector<16xi32>
    %add3A_1044 = arith.constant 320 : i32
    %add3A_1045 = arith.addi %mul3A_32, %add3A_1044 : i32
    %add3A_1046 = arith.constant 32 : i32
    %add3A_1047 = arith.addi %add3A_1045, %add3A_1046 : i32
    %add3A_1048 = vector.broadcast %add3A_1047 : i32 to vector<16xi32>
    %add3A_1049 = arith.addi %iota3A_1043, %add3A_1048 : vector<16xi32>
    %mul3A_1050 = arith.constant 8 : i32
    %mul3A_1051 = vector.broadcast %mul3A_1050 : i32 to vector<16xi32>
    %mul3A_1052 = arith.muli %add3A_1049, %mul3A_1051 : vector<16xi32>
    %add3A_1053 = vector.broadcast %select_n3A : i32 to vector<16xi32>
    %add3A_1054 = arith.addi %mul3A_1052, %add3A_1053 : vector<16xi32>
    %swap3A_1055 = arith.constant 1 : i32
    %swap3A_1056 = arith.index_cast %swap3A_1055 : i32 to index
    %swap3A_1057 = arith.constant 32 : index
    %swap3A_1058 = tpu.vector_load %arg7[%swap3A_1056, %swap3A_1057] {strides = array<i32>} : memref<2x64xi32, #tpu.memory_space<vmem>>, vector<1x16xi32>,
    %swap3A_1059 = vector.shape_cast %swap3A_1058 : vector<1x16xi32> to vector<16xi32>
    %swap3A_1060 = vector.shape_cast %add3A_1054 : vector<16xi32> to vector<1x16xi32>
    tpu.vector_store %arg7[%swap3A_1056, %swap3A_1057], %swap3A_1060 {strides = array<i32>} : memref<2x64xi32, #tpu.memory_space<vmem>>, vector<1x16xi32>,
    %add3A_1061 = arith.constant 320 : i32
    %add3A_1062 = arith.addi %mul3A_32, %add3A_1061 : i32
    %add3A_1063 = arith.constant 48 : i32
    %add3A_1064 = arith.addi %add3A_1062, %add3A_1063 : i32
    %get3A_1065 = arith.index_cast %add3A_1064 : i32 to index
    %get3A_1066 = tpu.vector_load %arg8[%get3A_1065] {strides = array<i32>} : memref<2048xi32, #tpu.memory_space<vmem>>, vector<16xi32>,
    %get3A_1067 = vector.shape_cast %get3A_1066 : vector<16xi32> to vector<16xi32>
    %mul3A_1068 = arith.constant 2048 : i32
    %mul3A_1069 = arith.muli %select_n3A, %mul3A_1068 : i32
    %add3A_1070 = vector.broadcast %mul3A_1069 : i32 to vector<16xi32>
    %add3A_1071 = arith.addi %get3A_1067, %add3A_1070 : vector<16xi32>
    %swap3A_1072 = arith.constant 1 : i32
    %swap3A_1073 = arith.index_cast %swap3A_1072 : i32 to index
    %swap3A_1074 = arith.constant 48 : index
    %swap3A_1075 = tpu.vector_load %arg6[%swap3A_1073, %swap3A_1074] {strides = array<i32>} : memref<2x64xi32, #tpu.memory_space<vmem>>, vector<1x16xi32>,
    %swap3A_1076 = vector.shape_cast %swap3A_1075 : vector<1x16xi32> to vector<16xi32>
    %swap3A_1077 = vector.shape_cast %add3A_1071 : vector<16xi32> to vector<1x16xi32>
    tpu.vector_store %arg6[%swap3A_1073, %swap3A_1074], %swap3A_1077 {strides = array<i32>} : memref<2x64xi32, #tpu.memory_space<vmem>>, vector<1x16xi32>,
    %iota3A_1078 = tpu.iota {dimensions = array<i32: 0>} : vector<16xi32>
    %add3A_1079 = arith.constant 320 : i32
    %add3A_1080 = arith.addi %mul3A_32, %add3A_1079 : i32
    %add3A_1081 = arith.constant 48 : i32
    %add3A_1082 = arith.addi %add3A_1080, %add3A_1081 : i32
    %add3A_1083 = vector.broadcast %add3A_1082 : i32 to vector<16xi32>
    %add3A_1084 = arith.addi %iota3A_1078, %add3A_1083 : vector<16xi32>
    %mul3A_1085 = arith.constant 8 : i32
    %mul3A_1086 = vector.broadcast %mul3A_1085 : i32 to vector<16xi32>
    %mul3A_1087 = arith.muli %add3A_1084, %mul3A_1086 : vector<16xi32>
    %add3A_1088 = vector.broadcast %select_n3A : i32 to vector<16xi32>
    %add3A_1089 = arith.addi %mul3A_1087, %add3A_1088 : vector<16xi32>
    %swap3A_1090 = arith.constant 1 : i32
    %swap3A_1091 = arith.index_cast %swap3A_1090 : i32 to index
    %swap3A_1092 = arith.constant 48 : index
    %swap3A_1093 = tpu.vector_load %arg7[%swap3A_1091, %swap3A_1092] {strides = array<i32>} : memref<2x64xi32, #tpu.memory_space<vmem>>, vector<1x16xi32>,
    %swap3A_1094 = vector.shape_cast %swap3A_1093 : vector<1x16xi32> to vector<16xi32>
    %swap3A_1095 = vector.shape_cast %add3A_1089 : vector<16xi32> to vector<1x16xi32>
    tpu.vector_store %arg7[%swap3A_1091, %swap3A_1092], %swap3A_1095 {strides = array<i32>} : memref<2x64xi32, #tpu.memory_space<vmem>>, vector<1x16xi32>,
    %dma_start3A_1096 = arith.constant 1 : i32
    %dma_start3A_1097 = arith.constant 1 : i32
    %dma_start3A_1098 = arith.constant 0 : i32
    %dma_start3A_1099 = arith.constant 0 : i32
    %dma_start3A_1100 = tpu.memref_slice %arg5[%dma_start3A_1097, %dma_start3A_1098, %dma_start3A_1099] : memref<2x64x768xf32, #tpu.memory_space<vmem>> -> memref<1x64x768xf32, #tpu.memory_space<vmem>>
    %dma_start3A_1101 = tpu.memref_squeeze %dma_start3A_1100 : memref<1x64x768xf32, #tpu.memory_space<vmem>> -> memref<64x768xf32, #tpu.memory_space<vmem>>
    %dma_start3A_1102 = arith.constant 0 : i32
    %dma_start3A_1103 = tpu.memref_slice %arg6[%dma_start3A_1096, %dma_start3A_1102] : memref<2x64xi32, #tpu.memory_space<vmem>> -> memref<1x64xi32, #tpu.memory_space<vmem>>
    %dma_start3A_1104 = tpu.memref_squeeze %dma_start3A_1103 : memref<1x64xi32, #tpu.memory_space<vmem>> -> memref<64xi32, #tpu.memory_space<vmem>>
    %dma_start3A_1105 = arith.constant 0 : i32
    %dma_start3A_1106 = arith.constant 0 : i32
    %dma_start3A_1107 = tpu.memref_slice %arg2[%dma_start3A_1105, %dma_start3A_1106] : memref<16392x768xf32, #tpu.memory_space<hbm>> -> memref<16392x768xf32, #tpu.memory_space<hbm>>
    tpu.enqueue_indirect_dma source(%dma_start3A_1107 : memref<16392x768xf32, #tpu.memory_space<hbm>>) target(%dma_start3A_1101 : memref<64x768xf32, #tpu.memory_space<vmem>>) offsets(%dma_start3A_1104 : memref<64xi32, #tpu.memory_space<vmem>>) semaphore(%arg9 : memref<!tpu.dma_semaphore, #tpu.memory_space<semaphore_mem>>)
    %dma_wait3A_1108 = arith.constant 1 : i32
    %dma_wait3A_1109 = arith.constant 1 : i32
    %dma_wait3A_1110 = arith.constant 0 : i32
    %dma_wait3A_1111 = arith.constant 0 : i32
    %dma_wait3A_1112 = tpu.memref_slice %arg5[%dma_wait3A_1109, %dma_wait3A_1110, %dma_wait3A_1111] : memref<2x64x768xf32, #tpu.memory_space<vmem>> -> memref<1x64x768xf32, #tpu.memory_space<vmem>>
    %dma_wait3A_1113 = tpu.memref_squeeze %dma_wait3A_1112 : memref<1x64x768xf32, #tpu.memory_space<vmem>> -> memref<64x768xf32, #tpu.memory_space<vmem>>
    %dma_wait3A_1114 = arith.constant 0 : i32
    %dma_wait3A_1115 = tpu.memref_slice %arg6[%dma_wait3A_1108, %dma_wait3A_1114] : memref<2x64xi32, #tpu.memory_space<vmem>> -> memref<1x64xi32, #tpu.memory_space<vmem>>
    %dma_wait3A_1116 = tpu.memref_squeeze %dma_wait3A_1115 : memref<1x64xi32, #tpu.memory_space<vmem>> -> memref<64xi32, #tpu.memory_space<vmem>>
    %dma_wait3A_1117 = arith.constant 0 : i32
    %dma_wait3A_1118 = arith.constant 0 : i32
    %dma_wait3A_1119 = tpu.memref_slice %arg2[%dma_wait3A_1117, %dma_wait3A_1118] : memref<16392x768xf32, #tpu.memory_space<hbm>> -> memref<16392x768xf32, #tpu.memory_space<hbm>>
    tpu.wait_indirect_dma semaphore(%arg9 : memref<!tpu.dma_semaphore, #tpu.memory_space<semaphore_mem>>) src(%dma_wait3A_1119 : memref<16392x768xf32, #tpu.memory_space<hbm>>) dst(%dma_wait3A_1113 : memref<64x768xf32, #tpu.memory_space<vmem>>)
    %dma_start3A_1120 = arith.constant 1 : i32
    %dma_start3A_1121 = arith.constant 1 : i32
    %dma_start3A_1122 = arith.constant 0 : i32
    %dma_start3A_1123 = arith.constant 0 : i32
    %dma_start3A_1124 = tpu.memref_slice %arg5[%dma_start3A_1120, %dma_start3A_1122, %dma_start3A_1123] : memref<2x64x768xf32, #tpu.memory_space<vmem>> -> memref<1x64x768xf32, #tpu.memory_space<vmem>>
    %dma_start3A_1125 = tpu.memref_squeeze %dma_start3A_1124 : memref<1x64x768xf32, #tpu.memory_space<vmem>> -> memref<64x768xf32, #tpu.memory_space<vmem>>
    %dma_start3A_1126 = arith.constant 0 : i32
    %dma_start3A_1127 = tpu.memref_slice %arg7[%dma_start3A_1121, %dma_start3A_1126] : memref<2x64xi32, #tpu.memory_space<vmem>> -> memref<1x64xi32, #tpu.memory_space<vmem>>
    %dma_start3A_1128 = tpu.memref_squeeze %dma_start3A_1127 : memref<1x64xi32, #tpu.memory_space<vmem>> -> memref<64xi32, #tpu.memory_space<vmem>>
    %dma_start3A_1129 = arith.constant 0 : i32
    %dma_start3A_1130 = arith.constant 0 : i32
    %dma_start3A_1131 = tpu.memref_slice %arg4[%dma_start3A_1129, %dma_start3A_1130] : memref<16384x768xf32, #tpu.memory_space<hbm>> -> memref<16384x768xf32, #tpu.memory_space<hbm>>
    tpu.enqueue_indirect_dma source(%dma_start3A_1125 : memref<64x768xf32, #tpu.memory_space<vmem>>) target(%dma_start3A_1131 : memref<16384x768xf32, #tpu.memory_space<hbm>>) offsets(%dma_start3A_1128 : memref<64xi32, #tpu.memory_space<vmem>>) semaphore(%arg10 : memref<!tpu.dma_semaphore, #tpu.memory_space<semaphore_mem>>)
    %dma_wait3A_1132 = arith.constant 0 : i32
    %dma_wait3A_1133 = arith.constant 0 : i32
    %dma_wait3A_1134 = arith.constant 0 : i32
    %dma_wait3A_1135 = arith.constant 0 : i32
    %dma_wait3A_1136 = tpu.memref_slice %arg5[%dma_wait3A_1132, %dma_wait3A_1134, %dma_wait3A_1135] : memref<2x64x768xf32, #tpu.memory_space<vmem>> -> memref<1x64x768xf32, #tpu.memory_space<vmem>>
    %dma_wait3A_1137 = tpu.memref_squeeze %dma_wait3A_1136 : memref<1x64x768xf32, #tpu.memory_space<vmem>> -> memref<64x768xf32, #tpu.memory_space<vmem>>
    %dma_wait3A_1138 = arith.constant 0 : i32
    %dma_wait3A_1139 = tpu.memref_slice %arg7[%dma_wait3A_1133, %dma_wait3A_1138] : memref<2x64xi32, #tpu.memory_space<vmem>> -> memref<1x64xi32, #tpu.memory_space<vmem>>
    %dma_wait3A_1140 = tpu.memref_squeeze %dma_wait3A_1139 : memref<1x64xi32, #tpu.memory_space<vmem>> -> memref<64xi32, #tpu.memory_space<vmem>>
    %dma_wait3A_1141 = arith.constant 0 : i32
    %dma_wait3A_1142 = arith.constant 0 : i32
    %dma_wait3A_1143 = tpu.memref_slice %arg4[%dma_wait3A_1141, %dma_wait3A_1142] : memref<16384x768xf32, #tpu.memory_space<hbm>> -> memref<16384x768xf32, #tpu.memory_space<hbm>>
    tpu.wait_indirect_dma semaphore(%arg10 : memref<!tpu.dma_semaphore, #tpu.memory_space<semaphore_mem>>) src(%dma_wait3A_1137 : memref<64x768xf32, #tpu.memory_space<vmem>>) dst(%dma_wait3A_1143 : memref<16384x768xf32, #tpu.memory_space<hbm>>)
    %add3A_1144 = arith.constant 384 : i32
    %add3A_1145 = arith.addi %mul3A_32, %add3A_1144 : i32
    %add3A_1146 = arith.constant 0 : i32
    %add3A_1147 = arith.addi %add3A_1145, %add3A_1146 : i32
    %get3A_1148 = arith.index_cast %add3A_1147 : i32 to index
    %get3A_1149 = tpu.vector_load %arg8[%get3A_1148] {strides = array<i32>} : memref<2048xi32, #tpu.memory_space<vmem>>, vector<16xi32>,
    %get3A_1150 = vector.shape_cast %get3A_1149 : vector<16xi32> to vector<16xi32>
    %mul3A_1151 = arith.constant 2048 : i32
    %mul3A_1152 = arith.muli %select_n3A, %mul3A_1151 : i32
    %add3A_1153 = vector.broadcast %mul3A_1152 : i32 to vector<16xi32>
    %add3A_1154 = arith.addi %get3A_1150, %add3A_1153 : vector<16xi32>
    %swap3A_1155 = arith.constant 0 : i32
    %swap3A_1156 = arith.index_cast %swap3A_1155 : i32 to index
    %swap3A_1157 = arith.constant 0 : index
    %swap3A_1158 = tpu.vector_load %arg6[%swap3A_1156, %swap3A_1157] {strides = array<i32>} : memref<2x64xi32, #tpu.memory_space<vmem>>, vector<1x16xi32>,
    %swap3A_1159 = vector.shape_cast %swap3A_1158 : vector<1x16xi32> to vector<16xi32>
    %swap3A_1160 = vector.shape_cast %add3A_1154 : vector<16xi32> to vector<1x16xi32>
    tpu.vector_store %arg6[%swap3A_1156, %swap3A_1157], %swap3A_1160 {strides = array<i32>} : memref<2x64xi32, #tpu.memory_space<vmem>>, vector<1x16xi32>,
    %iota3A_1161 = tpu.iota {dimensions = array<i32: 0>} : vector<16xi32>
    %add3A_1162 = arith.constant 384 : i32
    %add3A_1163 = arith.addi %mul3A_32, %add3A_1162 : i32
    %add3A_1164 = arith.constant 0 : i32
    %add3A_1165 = arith.addi %add3A_1163, %add3A_1164 : i32
    %add3A_1166 = vector.broadcast %add3A_1165 : i32 to vector<16xi32>
    %add3A_1167 = arith.addi %iota3A_1161, %add3A_1166 : vector<16xi32>
    %mul3A_1168 = arith.constant 8 : i32
    %mul3A_1169 = vector.broadcast %mul3A_1168 : i32 to vector<16xi32>
    %mul3A_1170 = arith.muli %add3A_1167, %mul3A_1169 : vector<16xi32>
    %add3A_1171 = vector.broadcast %select_n3A : i32 to vector<16xi32>
    %add3A_1172 = arith.addi %mul3A_1170, %add3A_1171 : vector<16xi32>
    %swap3A_1173 = arith.constant 0 : i32
    %swap3A_1174 = arith.index_cast %swap3A_1173 : i32 to index
    %swap3A_1175 = arith.constant 0 : index
    %swap3A_1176 = tpu.vector_load %arg7[%swap3A_1174, %swap3A_1175] {strides = array<i32>} : memref<2x64xi32, #tpu.memory_space<vmem>>, vector<1x16xi32>,
    %swap3A_1177 = vector.shape_cast %swap3A_1176 : vector<1x16xi32> to vector<16xi32>
    %swap3A_1178 = vector.shape_cast %add3A_1172 : vector<16xi32> to vector<1x16xi32>
    tpu.vector_store %arg7[%swap3A_1174, %swap3A_1175], %swap3A_1178 {strides = array<i32>} : memref<2x64xi32, #tpu.memory_space<vmem>>, vector<1x16xi32>,
    %add3A_1179 = arith.constant 384 : i32
    %add3A_1180 = arith.addi %mul3A_32, %add3A_1179 : i32
    %add3A_1181 = arith.constant 16 : i32
    %add3A_1182 = arith.addi %add3A_1180, %add3A_1181 : i32
    %get3A_1183 = arith.index_cast %add3A_1182 : i32 to index
    %get3A_1184 = tpu.vector_load %arg8[%get3A_1183] {strides = array<i32>} : memref<2048xi32, #tpu.memory_space<vmem>>, vector<16xi32>,
    %get3A_1185 = vector.shape_cast %get3A_1184 : vector<16xi32> to vector<16xi32>
    %mul3A_1186 = arith.constant 2048 : i32
    %mul3A_1187 = arith.muli %select_n3A, %mul3A_1186 : i32
    %add3A_1188 = vector.broadcast %mul3A_1187 : i32 to vector<16xi32>
    %add3A_1189 = arith.addi %get3A_1185, %add3A_1188 : vector<16xi32>
    %swap3A_1190 = arith.constant 0 : i32
    %swap3A_1191 = arith.index_cast %swap3A_1190 : i32 to index
    %swap3A_1192 = arith.constant 16 : index
    %swap3A_1193 = tpu.vector_load %arg6[%swap3A_1191, %swap3A_1192] {strides = array<i32>} : memref<2x64xi32, #tpu.memory_space<vmem>>, vector<1x16xi32>,
    %swap3A_1194 = vector.shape_cast %swap3A_1193 : vector<1x16xi32> to vector<16xi32>
    %swap3A_1195 = vector.shape_cast %add3A_1189 : vector<16xi32> to vector<1x16xi32>
    tpu.vector_store %arg6[%swap3A_1191, %swap3A_1192], %swap3A_1195 {strides = array<i32>} : memref<2x64xi32, #tpu.memory_space<vmem>>, vector<1x16xi32>,
    %iota3A_1196 = tpu.iota {dimensions = array<i32: 0>} : vector<16xi32>
    %add3A_1197 = arith.constant 384 : i32
    %add3A_1198 = arith.addi %mul3A_32, %add3A_1197 : i32
    %add3A_1199 = arith.constant 16 : i32
    %add3A_1200 = arith.addi %add3A_1198, %add3A_1199 : i32
    %add3A_1201 = vector.broadcast %add3A_1200 : i32 to vector<16xi32>
    %add3A_1202 = arith.addi %iota3A_1196, %add3A_1201 : vector<16xi32>
    %mul3A_1203 = arith.constant 8 : i32
    %mul3A_1204 = vector.broadcast %mul3A_1203 : i32 to vector<16xi32>
    %mul3A_1205 = arith.muli %add3A_1202, %mul3A_1204 : vector<16xi32>
    %add3A_1206 = vector.broadcast %select_n3A : i32 to vector<16xi32>
    %add3A_1207 = arith.addi %mul3A_1205, %add3A_1206 : vector<16xi32>
    %swap3A_1208 = arith.constant 0 : i32
    %swap3A_1209 = arith.index_cast %swap3A_1208 : i32 to index
    %swap3A_1210 = arith.constant 16 : index
    %swap3A_1211 = tpu.vector_load %arg7[%swap3A_1209, %swap3A_1210] {strides = array<i32>} : memref<2x64xi32, #tpu.memory_space<vmem>>, vector<1x16xi32>,
    %swap3A_1212 = vector.shape_cast %swap3A_1211 : vector<1x16xi32> to vector<16xi32>
    %swap3A_1213 = vector.shape_cast %add3A_1207 : vector<16xi32> to vector<1x16xi32>
    tpu.vector_store %arg7[%swap3A_1209, %swap3A_1210], %swap3A_1213 {strides = array<i32>} : memref<2x64xi32, #tpu.memory_space<vmem>>, vector<1x16xi32>,
    %add3A_1214 = arith.constant 384 : i32
    %add3A_1215 = arith.addi %mul3A_32, %add3A_1214 : i32
    %add3A_1216 = arith.constant 32 : i32
    %add3A_1217 = arith.addi %add3A_1215, %add3A_1216 : i32
    %get3A_1218 = arith.index_cast %add3A_1217 : i32 to index
    %get3A_1219 = tpu.vector_load %arg8[%get3A_1218] {strides = array<i32>} : memref<2048xi32, #tpu.memory_space<vmem>>, vector<16xi32>,
    %get3A_1220 = vector.shape_cast %get3A_1219 : vector<16xi32> to vector<16xi32>
    %mul3A_1221 = arith.constant 2048 : i32
    %mul3A_1222 = arith.muli %select_n3A, %mul3A_1221 : i32
    %add3A_1223 = vector.broadcast %mul3A_1222 : i32 to vector<16xi32>
    %add3A_1224 = arith.addi %get3A_1220, %add3A_1223 : vector<16xi32>
    %swap3A_1225 = arith.constant 0 : i32
    %swap3A_1226 = arith.index_cast %swap3A_1225 : i32 to index
    %swap3A_1227 = arith.constant 32 : index
    %swap3A_1228 = tpu.vector_load %arg6[%swap3A_1226, %swap3A_1227] {strides = array<i32>} : memref<2x64xi32, #tpu.memory_space<vmem>>, vector<1x16xi32>,
    %swap3A_1229 = vector.shape_cast %swap3A_1228 : vector<1x16xi32> to vector<16xi32>
    %swap3A_1230 = vector.shape_cast %add3A_1224 : vector<16xi32> to vector<1x16xi32>
    tpu.vector_store %arg6[%swap3A_1226, %swap3A_1227], %swap3A_1230 {strides = array<i32>} : memref<2x64xi32, #tpu.memory_space<vmem>>, vector<1x16xi32>,
    %iota3A_1231 = tpu.iota {dimensions = array<i32: 0>} : vector<16xi32>
    %add3A_1232 = arith.constant 384 : i32
    %add3A_1233 = arith.addi %mul3A_32, %add3A_1232 : i32
    %add3A_1234 = arith.constant 32 : i32
    %add3A_1235 = arith.addi %add3A_1233, %add3A_1234 : i32
    %add3A_1236 = vector.broadcast %add3A_1235 : i32 to vector<16xi32>
    %add3A_1237 = arith.addi %iota3A_1231, %add3A_1236 : vector<16xi32>
    %mul3A_1238 = arith.constant 8 : i32
    %mul3A_1239 = vector.broadcast %mul3A_1238 : i32 to vector<16xi32>
    %mul3A_1240 = arith.muli %add3A_1237, %mul3A_1239 : vector<16xi32>
    %add3A_1241 = vector.broadcast %select_n3A : i32 to vector<16xi32>
    %add3A_1242 = arith.addi %mul3A_1240, %add3A_1241 : vector<16xi32>
    %swap3A_1243 = arith.constant 0 : i32
    %swap3A_1244 = arith.index_cast %swap3A_1243 : i32 to index
    %swap3A_1245 = arith.constant 32 : index
    %swap3A_1246 = tpu.vector_load %arg7[%swap3A_1244, %swap3A_1245] {strides = array<i32>} : memref<2x64xi32, #tpu.memory_space<vmem>>, vector<1x16xi32>,
    %swap3A_1247 = vector.shape_cast %swap3A_1246 : vector<1x16xi32> to vector<16xi32>
    %swap3A_1248 = vector.shape_cast %add3A_1242 : vector<16xi32> to vector<1x16xi32>
    tpu.vector_store %arg7[%swap3A_1244, %swap3A_1245], %swap3A_1248 {strides = array<i32>} : memref<2x64xi32, #tpu.memory_space<vmem>>, vector<1x16xi32>,
    %add3A_1249 = arith.constant 384 : i32
    %add3A_1250 = arith.addi %mul3A_32, %add3A_1249 : i32
    %add3A_1251 = arith.constant 48 : i32
    %add3A_1252 = arith.addi %add3A_1250, %add3A_1251 : i32
    %get3A_1253 = arith.index_cast %add3A_1252 : i32 to index
    %get3A_1254 = tpu.vector_load %arg8[%get3A_1253] {strides = array<i32>} : memref<2048xi32, #tpu.memory_space<vmem>>, vector<16xi32>,
    %get3A_1255 = vector.shape_cast %get3A_1254 : vector<16xi32> to vector<16xi32>
    %mul3A_1256 = arith.constant 2048 : i32
    %mul3A_1257 = arith.muli %select_n3A, %mul3A_1256 : i32
    %add3A_1258 = vector.broadcast %mul3A_1257 : i32 to vector<16xi32>
    %add3A_1259 = arith.addi %get3A_1255, %add3A_1258 : vector<16xi32>
    %swap3A_1260 = arith.constant 0 : i32
    %swap3A_1261 = arith.index_cast %swap3A_1260 : i32 to index
    %swap3A_1262 = arith.constant 48 : index
    %swap3A_1263 = tpu.vector_load %arg6[%swap3A_1261, %swap3A_1262] {strides = array<i32>} : memref<2x64xi32, #tpu.memory_space<vmem>>, vector<1x16xi32>,
    %swap3A_1264 = vector.shape_cast %swap3A_1263 : vector<1x16xi32> to vector<16xi32>
    %swap3A_1265 = vector.shape_cast %add3A_1259 : vector<16xi32> to vector<1x16xi32>
    tpu.vector_store %arg6[%swap3A_1261, %swap3A_1262], %swap3A_1265 {strides = array<i32>} : memref<2x64xi32, #tpu.memory_space<vmem>>, vector<1x16xi32>,
    %iota3A_1266 = tpu.iota {dimensions = array<i32: 0>} : vector<16xi32>
    %add3A_1267 = arith.constant 384 : i32
    %add3A_1268 = arith.addi %mul3A_32, %add3A_1267 : i32
    %add3A_1269 = arith.constant 48 : i32
    %add3A_1270 = arith.addi %add3A_1268, %add3A_1269 : i32
    %add3A_1271 = vector.broadcast %add3A_1270 : i32 to vector<16xi32>
    %add3A_1272 = arith.addi %iota3A_1266, %add3A_1271 : vector<16xi32>
    %mul3A_1273 = arith.constant 8 : i32
    %mul3A_1274 = vector.broadcast %mul3A_1273 : i32 to vector<16xi32>
    %mul3A_1275 = arith.muli %add3A_1272, %mul3A_1274 : vector<16xi32>
    %add3A_1276 = vector.broadcast %select_n3A : i32 to vector<16xi32>
    %add3A_1277 = arith.addi %mul3A_1275, %add3A_1276 : vector<16xi32>
    %swap3A_1278 = arith.constant 0 : i32
    %swap3A_1279 = arith.index_cast %swap3A_1278 : i32 to index
    %swap3A_1280 = arith.constant 48 : index
    %swap3A_1281 = tpu.vector_load %arg7[%swap3A_1279, %swap3A_1280] {strides = array<i32>} : memref<2x64xi32, #tpu.memory_space<vmem>>, vector<1x16xi32>,
    %swap3A_1282 = vector.shape_cast %swap3A_1281 : vector<1x16xi32> to vector<16xi32>
    %swap3A_1283 = vector.shape_cast %add3A_1277 : vector<16xi32> to vector<1x16xi32>
    tpu.vector_store %arg7[%swap3A_1279, %swap3A_1280], %swap3A_1283 {strides = array<i32>} : memref<2x64xi32, #tpu.memory_space<vmem>>, vector<1x16xi32>,
    %dma_start3A_1284 = arith.constant 0 : i32
    %dma_start3A_1285 = arith.constant 0 : i32
    %dma_start3A_1286 = arith.constant 0 : i32
    %dma_start3A_1287 = arith.constant 0 : i32
    %dma_start3A_1288 = tpu.memref_slice %arg5[%dma_start3A_1285, %dma_start3A_1286, %dma_start3A_1287] : memref<2x64x768xf32, #tpu.memory_space<vmem>> -> memref<1x64x768xf32, #tpu.memory_space<vmem>>
    %dma_start3A_1289 = tpu.memref_squeeze %dma_start3A_1288 : memref<1x64x768xf32, #tpu.memory_space<vmem>> -> memref<64x768xf32, #tpu.memory_space<vmem>>
    %dma_start3A_1290 = arith.constant 0 : i32
    %dma_start3A_1291 = tpu.memref_slice %arg6[%dma_start3A_1284, %dma_start3A_1290] : memref<2x64xi32, #tpu.memory_space<vmem>> -> memref<1x64xi32, #tpu.memory_space<vmem>>
    %dma_start3A_1292 = tpu.memref_squeeze %dma_start3A_1291 : memref<1x64xi32, #tpu.memory_space<vmem>> -> memref<64xi32, #tpu.memory_space<vmem>>
    %dma_start3A_1293 = arith.constant 0 : i32
    %dma_start3A_1294 = arith.constant 0 : i32
    %dma_start3A_1295 = tpu.memref_slice %arg2[%dma_start3A_1293, %dma_start3A_1294] : memref<16392x768xf32, #tpu.memory_space<hbm>> -> memref<16392x768xf32, #tpu.memory_space<hbm>>
    tpu.enqueue_indirect_dma source(%dma_start3A_1295 : memref<16392x768xf32, #tpu.memory_space<hbm>>) target(%dma_start3A_1289 : memref<64x768xf32, #tpu.memory_space<vmem>>) offsets(%dma_start3A_1292 : memref<64xi32, #tpu.memory_space<vmem>>) semaphore(%arg9 : memref<!tpu.dma_semaphore, #tpu.memory_space<semaphore_mem>>)
    %dma_wait3A_1296 = arith.constant 0 : i32
    %dma_wait3A_1297 = arith.constant 0 : i32
    %dma_wait3A_1298 = arith.constant 0 : i32
    %dma_wait3A_1299 = arith.constant 0 : i32
    %dma_wait3A_1300 = tpu.memref_slice %arg5[%dma_wait3A_1297, %dma_wait3A_1298, %dma_wait3A_1299] : memref<2x64x768xf32, #tpu.memory_space<vmem>> -> memref<1x64x768xf32, #tpu.memory_space<vmem>>
    %dma_wait3A_1301 = tpu.memref_squeeze %dma_wait3A_1300 : memref<1x64x768xf32, #tpu.memory_space<vmem>> -> memref<64x768xf32, #tpu.memory_space<vmem>>
    %dma_wait3A_1302 = arith.constant 0 : i32
    %dma_wait3A_1303 = tpu.memref_slice %arg6[%dma_wait3A_1296, %dma_wait3A_1302] : memref<2x64xi32, #tpu.memory_space<vmem>> -> memref<1x64xi32, #tpu.memory_space<vmem>>
    %dma_wait3A_1304 = tpu.memref_squeeze %dma_wait3A_1303 : memref<1x64xi32, #tpu.memory_space<vmem>> -> memref<64xi32, #tpu.memory_space<vmem>>
    %dma_wait3A_1305 = arith.constant 0 : i32
    %dma_wait3A_1306 = arith.constant 0 : i32
    %dma_wait3A_1307 = tpu.memref_slice %arg2[%dma_wait3A_1305, %dma_wait3A_1306] : memref<16392x768xf32, #tpu.memory_space<hbm>> -> memref<16392x768xf32, #tpu.memory_space<hbm>>
    tpu.wait_indirect_dma semaphore(%arg9 : memref<!tpu.dma_semaphore, #tpu.memory_space<semaphore_mem>>) src(%dma_wait3A_1307 : memref<16392x768xf32, #tpu.memory_space<hbm>>) dst(%dma_wait3A_1301 : memref<64x768xf32, #tpu.memory_space<vmem>>)
    %dma_start3A_1308 = arith.constant 0 : i32
    %dma_start3A_1309 = arith.constant 0 : i32
    %dma_start3A_1310 = arith.constant 0 : i32
    %dma_start3A_1311 = arith.constant 0 : i32
    %dma_start3A_1312 = tpu.memref_slice %arg5[%dma_start3A_1308, %dma_start3A_1310, %dma_start3A_1311] : memref<2x64x768xf32, #tpu.memory_space<vmem>> -> memref<1x64x768xf32, #tpu.memory_space<vmem>>
    %dma_start3A_1313 = tpu.memref_squeeze %dma_start3A_1312 : memref<1x64x768xf32, #tpu.memory_space<vmem>> -> memref<64x768xf32, #tpu.memory_space<vmem>>
    %dma_start3A_1314 = arith.constant 0 : i32
    %dma_start3A_1315 = tpu.memref_slice %arg7[%dma_start3A_1309, %dma_start3A_1314] : memref<2x64xi32, #tpu.memory_space<vmem>> -> memref<1x64xi32, #tpu.memory_space<vmem>>
    %dma_start3A_1316 = tpu.memref_squeeze %dma_start3A_1315 : memref<1x64xi32, #tpu.memory_space<vmem>> -> memref<64xi32, #tpu.memory_space<vmem>>
    %dma_start3A_1317 = arith.constant 0 : i32
    %dma_start3A_1318 = arith.constant 0 : i32
    %dma_start3A_1319 = tpu.memref_slice %arg4[%dma_start3A_1317, %dma_start3A_1318] : memref<16384x768xf32, #tpu.memory_space<hbm>> -> memref<16384x768xf32, #tpu.memory_space<hbm>>
    tpu.enqueue_indirect_dma source(%dma_start3A_1313 : memref<64x768xf32, #tpu.memory_space<vmem>>) target(%dma_start3A_1319 : memref<16384x768xf32, #tpu.memory_space<hbm>>) offsets(%dma_start3A_1316 : memref<64xi32, #tpu.memory_space<vmem>>) semaphore(%arg10 : memref<!tpu.dma_semaphore, #tpu.memory_space<semaphore_mem>>)
    %dma_wait3A_1320 = arith.constant 1 : i32
    %dma_wait3A_1321 = arith.constant 1 : i32
    %dma_wait3A_1322 = arith.constant 0 : i32
    %dma_wait3A_1323 = arith.constant 0 : i32
    %dma_wait3A_1324 = tpu.memref_slice %arg5[%dma_wait3A_1320, %dma_wait3A_1322, %dma_wait3A_1323] : memref<2x64x768xf32, #tpu.memory_space<vmem>> -> memref<1x64x768xf32, #tpu.memory_space<vmem>>
    %dma_wait3A_1325 = tpu.memref_squeeze %dma_wait3A_1324 : memref<1x64x768xf32, #tpu.memory_space<vmem>> -> memref<64x768xf32, #tpu.memory_space<vmem>>
    %dma_wait3A_1326 = arith.constant 0 : i32
    %dma_wait3A_1327 = tpu.memref_slice %arg7[%dma_wait3A_1321, %dma_wait3A_1326] : memref<2x64xi32, #tpu.memory_space<vmem>> -> memref<1x64xi32, #tpu.memory_space<vmem>>
    %dma_wait3A_1328 = tpu.memref_squeeze %dma_wait3A_1327 : memref<1x64xi32, #tpu.memory_space<vmem>> -> memref<64xi32, #tpu.memory_space<vmem>>
    %dma_wait3A_1329 = arith.constant 0 : i32
    %dma_wait3A_1330 = arith.constant 0 : i32
    %dma_wait3A_1331 = tpu.memref_slice %arg4[%dma_wait3A_1329, %dma_wait3A_1330] : memref<16384x768xf32, #tpu.memory_space<hbm>> -> memref<16384x768xf32, #tpu.memory_space<hbm>>
    tpu.wait_indirect_dma semaphore(%arg10 : memref<!tpu.dma_semaphore, #tpu.memory_space<semaphore_mem>>) src(%dma_wait3A_1325 : memref<64x768xf32, #tpu.memory_space<vmem>>) dst(%dma_wait3A_1331 : memref<16384x768xf32, #tpu.memory_space<hbm>>)
    %add3A_1332 = arith.constant 448 : i32
    %add3A_1333 = arith.addi %mul3A_32, %add3A_1332 : i32
    %add3A_1334 = arith.constant 0 : i32
    %add3A_1335 = arith.addi %add3A_1333, %add3A_1334 : i32
    %get3A_1336 = arith.index_cast %add3A_1335 : i32 to index
    %get3A_1337 = tpu.vector_load %arg8[%get3A_1336] {strides = array<i32>} : memref<2048xi32, #tpu.memory_space<vmem>>, vector<16xi32>,
    %get3A_1338 = vector.shape_cast %get3A_1337 : vector<16xi32> to vector<16xi32>
    %mul3A_1339 = arith.constant 2048 : i32
    %mul3A_1340 = arith.muli %select_n3A, %mul3A_1339 : i32
    %add3A_1341 = vector.broadcast %mul3A_1340 : i32 to vector<16xi32>
    %add3A_1342 = arith.addi %get3A_1338, %add3A_1341 : vector<16xi32>
    %swap3A_1343 = arith.constant 1 : i32
    %swap3A_1344 = arith.index_cast %swap3A_1343 : i32 to index
    %swap3A_1345 = arith.constant 0 : index
    %swap3A_1346 = tpu.vector_load %arg6[%swap3A_1344, %swap3A_1345] {strides = array<i32>} : memref<2x64xi32, #tpu.memory_space<vmem>>, vector<1x16xi32>,
    %swap3A_1347 = vector.shape_cast %swap3A_1346 : vector<1x16xi32> to vector<16xi32>
    %swap3A_1348 = vector.shape_cast %add3A_1342 : vector<16xi32> to vector<1x16xi32>
    tpu.vector_store %arg6[%swap3A_1344, %swap3A_1345], %swap3A_1348 {strides = array<i32>} : memref<2x64xi32, #tpu.memory_space<vmem>>, vector<1x16xi32>,
    %iota3A_1349 = tpu.iota {dimensions = array<i32: 0>} : vector<16xi32>
    %add3A_1350 = arith.constant 448 : i32
    %add3A_1351 = arith.addi %mul3A_32, %add3A_1350 : i32
    %add3A_1352 = arith.constant 0 : i32
    %add3A_1353 = arith.addi %add3A_1351, %add3A_1352 : i32
    %add3A_1354 = vector.broadcast %add3A_1353 : i32 to vector<16xi32>
    %add3A_1355 = arith.addi %iota3A_1349, %add3A_1354 : vector<16xi32>
    %mul3A_1356 = arith.constant 8 : i32
    %mul3A_1357 = vector.broadcast %mul3A_1356 : i32 to vector<16xi32>
    %mul3A_1358 = arith.muli %add3A_1355, %mul3A_1357 : vector<16xi32>
    %add3A_1359 = vector.broadcast %select_n3A : i32 to vector<16xi32>
    %add3A_1360 = arith.addi %mul3A_1358, %add3A_1359 : vector<16xi32>
    %swap3A_1361 = arith.constant 1 : i32
    %swap3A_1362 = arith.index_cast %swap3A_1361 : i32 to index
    %swap3A_1363 = arith.constant 0 : index
    %swap3A_1364 = tpu.vector_load %arg7[%swap3A_1362, %swap3A_1363] {strides = array<i32>} : memref<2x64xi32, #tpu.memory_space<vmem>>, vector<1x16xi32>,
    %swap3A_1365 = vector.shape_cast %swap3A_1364 : vector<1x16xi32> to vector<16xi32>
    %swap3A_1366 = vector.shape_cast %add3A_1360 : vector<16xi32> to vector<1x16xi32>
    tpu.vector_store %arg7[%swap3A_1362, %swap3A_1363], %swap3A_1366 {strides = array<i32>} : memref<2x64xi32, #tpu.memory_space<vmem>>, vector<1x16xi32>,
    %add3A_1367 = arith.constant 448 : i32
    %add3A_1368 = arith.addi %mul3A_32, %add3A_1367 : i32
    %add3A_1369 = arith.constant 16 : i32
    %add3A_1370 = arith.addi %add3A_1368, %add3A_1369 : i32
    %get3A_1371 = arith.index_cast %add3A_1370 : i32 to index
    %get3A_1372 = tpu.vector_load %arg8[%get3A_1371] {strides = array<i32>} : memref<2048xi32, #tpu.memory_space<vmem>>, vector<16xi32>,
    %get3A_1373 = vector.shape_cast %get3A_1372 : vector<16xi32> to vector<16xi32>
    %mul3A_1374 = arith.constant 2048 : i32
    %mul3A_1375 = arith.muli %select_n3A, %mul3A_1374 : i32
    %add3A_1376 = vector.broadcast %mul3A_1375 : i32 to vector<16xi32>
    %add3A_1377 = arith.addi %get3A_1373, %add3A_1376 : vector<16xi32>
    %swap3A_1378 = arith.constant 1 : i32
    %swap3A_1379 = arith.index_cast %swap3A_1378 : i32 to index
    %swap3A_1380 = arith.constant 16 : index
    %swap3A_1381 = tpu.vector_load %arg6[%swap3A_1379, %swap3A_1380] {strides = array<i32>} : memref<2x64xi32, #tpu.memory_space<vmem>>, vector<1x16xi32>,
    %swap3A_1382 = vector.shape_cast %swap3A_1381 : vector<1x16xi32> to vector<16xi32>
    %swap3A_1383 = vector.shape_cast %add3A_1377 : vector<16xi32> to vector<1x16xi32>
    tpu.vector_store %arg6[%swap3A_1379, %swap3A_1380], %swap3A_1383 {strides = array<i32>} : memref<2x64xi32, #tpu.memory_space<vmem>>, vector<1x16xi32>,
    %iota3A_1384 = tpu.iota {dimensions = array<i32: 0>} : vector<16xi32>
    %add3A_1385 = arith.constant 448 : i32
    %add3A_1386 = arith.addi %mul3A_32, %add3A_1385 : i32
    %add3A_1387 = arith.constant 16 : i32
    %add3A_1388 = arith.addi %add3A_1386, %add3A_1387 : i32
    %add3A_1389 = vector.broadcast %add3A_1388 : i32 to vector<16xi32>
    %add3A_1390 = arith.addi %iota3A_1384, %add3A_1389 : vector<16xi32>
    %mul3A_1391 = arith.constant 8 : i32
    %mul3A_1392 = vector.broadcast %mul3A_1391 : i32 to vector<16xi32>
    %mul3A_1393 = arith.muli %add3A_1390, %mul3A_1392 : vector<16xi32>
    %add3A_1394 = vector.broadcast %select_n3A : i32 to vector<16xi32>
    %add3A_1395 = arith.addi %mul3A_1393, %add3A_1394 : vector<16xi32>
    %swap3A_1396 = arith.constant 1 : i32
    %swap3A_1397 = arith.index_cast %swap3A_1396 : i32 to index
    %swap3A_1398 = arith.constant 16 : index
    %swap3A_1399 = tpu.vector_load %arg7[%swap3A_1397, %swap3A_1398] {strides = array<i32>} : memref<2x64xi32, #tpu.memory_space<vmem>>, vector<1x16xi32>,
    %swap3A_1400 = vector.shape_cast %swap3A_1399 : vector<1x16xi32> to vector<16xi32>
    %swap3A_1401 = vector.shape_cast %add3A_1395 : vector<16xi32> to vector<1x16xi32>
    tpu.vector_store %arg7[%swap3A_1397, %swap3A_1398], %swap3A_1401 {strides = array<i32>} : memref<2x64xi32, #tpu.memory_space<vmem>>, vector<1x16xi32>,
    %add3A_1402 = arith.constant 448 : i32
    %add3A_1403 = arith.addi %mul3A_32, %add3A_1402 : i32
    %add3A_1404 = arith.constant 32 : i32
    %add3A_1405 = arith.addi %add3A_1403, %add3A_1404 : i32
    %get3A_1406 = arith.index_cast %add3A_1405 : i32 to index
    %get3A_1407 = tpu.vector_load %arg8[%get3A_1406] {strides = array<i32>} : memref<2048xi32, #tpu.memory_space<vmem>>, vector<16xi32>,
    %get3A_1408 = vector.shape_cast %get3A_1407 : vector<16xi32> to vector<16xi32>
    %mul3A_1409 = arith.constant 2048 : i32
    %mul3A_1410 = arith.muli %select_n3A, %mul3A_1409 : i32
    %add3A_1411 = vector.broadcast %mul3A_1410 : i32 to vector<16xi32>
    %add3A_1412 = arith.addi %get3A_1408, %add3A_1411 : vector<16xi32>
    %swap3A_1413 = arith.constant 1 : i32
    %swap3A_1414 = arith.index_cast %swap3A_1413 : i32 to index
    %swap3A_1415 = arith.constant 32 : index
    %swap3A_1416 = tpu.vector_load %arg6[%swap3A_1414, %swap3A_1415] {strides = array<i32>} : memref<2x64xi32, #tpu.memory_space<vmem>>, vector<1x16xi32>,
    %swap3A_1417 = vector.shape_cast %swap3A_1416 : vector<1x16xi32> to vector<16xi32>
    %swap3A_1418 = vector.shape_cast %add3A_1412 : vector<16xi32> to vector<1x16xi32>
    tpu.vector_store %arg6[%swap3A_1414, %swap3A_1415], %swap3A_1418 {strides = array<i32>} : memref<2x64xi32, #tpu.memory_space<vmem>>, vector<1x16xi32>,
    %iota3A_1419 = tpu.iota {dimensions = array<i32: 0>} : vector<16xi32>
    %add3A_1420 = arith.constant 448 : i32
    %add3A_1421 = arith.addi %mul3A_32, %add3A_1420 : i32
    %add3A_1422 = arith.constant 32 : i32
    %add3A_1423 = arith.addi %add3A_1421, %add3A_1422 : i32
    %add3A_1424 = vector.broadcast %add3A_1423 : i32 to vector<16xi32>
    %add3A_1425 = arith.addi %iota3A_1419, %add3A_1424 : vector<16xi32>
    %mul3A_1426 = arith.constant 8 : i32
    %mul3A_1427 = vector.broadcast %mul3A_1426 : i32 to vector<16xi32>
    %mul3A_1428 = arith.muli %add3A_1425, %mul3A_1427 : vector<16xi32>
    %add3A_1429 = vector.broadcast %select_n3A : i32 to vector<16xi32>
    %add3A_1430 = arith.addi %mul3A_1428, %add3A_1429 : vector<16xi32>
    %swap3A_1431 = arith.constant 1 : i32
    %swap3A_1432 = arith.index_cast %swap3A_1431 : i32 to index
    %swap3A_1433 = arith.constant 32 : index
    %swap3A_1434 = tpu.vector_load %arg7[%swap3A_1432, %swap3A_1433] {strides = array<i32>} : memref<2x64xi32, #tpu.memory_space<vmem>>, vector<1x16xi32>,
    %swap3A_1435 = vector.shape_cast %swap3A_1434 : vector<1x16xi32> to vector<16xi32>
    %swap3A_1436 = vector.shape_cast %add3A_1430 : vector<16xi32> to vector<1x16xi32>
    tpu.vector_store %arg7[%swap3A_1432, %swap3A_1433], %swap3A_1436 {strides = array<i32>} : memref<2x64xi32, #tpu.memory_space<vmem>>, vector<1x16xi32>,
    %add3A_1437 = arith.constant 448 : i32
    %add3A_1438 = arith.addi %mul3A_32, %add3A_1437 : i32
    %add3A_1439 = arith.constant 48 : i32
    %add3A_1440 = arith.addi %add3A_1438, %add3A_1439 : i32
    %get3A_1441 = arith.index_cast %add3A_1440 : i32 to index
    %get3A_1442 = tpu.vector_load %arg8[%get3A_1441] {strides = array<i32>} : memref<2048xi32, #tpu.memory_space<vmem>>, vector<16xi32>,
    %get3A_1443 = vector.shape_cast %get3A_1442 : vector<16xi32> to vector<16xi32>
    %mul3A_1444 = arith.constant 2048 : i32
    %mul3A_1445 = arith.muli %select_n3A, %mul3A_1444 : i32
    %add3A_1446 = vector.broadcast %mul3A_1445 : i32 to vector<16xi32>
    %add3A_1447 = arith.addi %get3A_1443, %add3A_1446 : vector<16xi32>
    %swap3A_1448 = arith.constant 1 : i32
    %swap3A_1449 = arith.index_cast %swap3A_1448 : i32 to index
    %swap3A_1450 = arith.constant 48 : index
    %swap3A_1451 = tpu.vector_load %arg6[%swap3A_1449, %swap3A_1450] {strides = array<i32>} : memref<2x64xi32, #tpu.memory_space<vmem>>, vector<1x16xi32>,
    %swap3A_1452 = vector.shape_cast %swap3A_1451 : vector<1x16xi32> to vector<16xi32>
    %swap3A_1453 = vector.shape_cast %add3A_1447 : vector<16xi32> to vector<1x16xi32>
    tpu.vector_store %arg6[%swap3A_1449, %swap3A_1450], %swap3A_1453 {strides = array<i32>} : memref<2x64xi32, #tpu.memory_space<vmem>>, vector<1x16xi32>,
    %iota3A_1454 = tpu.iota {dimensions = array<i32: 0>} : vector<16xi32>
    %add3A_1455 = arith.constant 448 : i32
    %add3A_1456 = arith.addi %mul3A_32, %add3A_1455 : i32
    %add3A_1457 = arith.constant 48 : i32
    %add3A_1458 = arith.addi %add3A_1456, %add3A_1457 : i32
    %add3A_1459 = vector.broadcast %add3A_1458 : i32 to vector<16xi32>
    %add3A_1460 = arith.addi %iota3A_1454, %add3A_1459 : vector<16xi32>
    %mul3A_1461 = arith.constant 8 : i32
    %mul3A_1462 = vector.broadcast %mul3A_1461 : i32 to vector<16xi32>
    %mul3A_1463 = arith.muli %add3A_1460, %mul3A_1462 : vector<16xi32>
    %add3A_1464 = vector.broadcast %select_n3A : i32 to vector<16xi32>
    %add3A_1465 = arith.addi %mul3A_1463, %add3A_1464 : vector<16xi32>
    %swap3A_1466 = arith.constant 1 : i32
    %swap3A_1467 = arith.index_cast %swap3A_1466 : i32 to index
    %swap3A_1468 = arith.constant 48 : index
    %swap3A_1469 = tpu.vector_load %arg7[%swap3A_1467, %swap3A_1468] {strides = array<i32>} : memref<2x64xi32, #tpu.memory_space<vmem>>, vector<1x16xi32>,
    %swap3A_1470 = vector.shape_cast %swap3A_1469 : vector<1x16xi32> to vector<16xi32>
    %swap3A_1471 = vector.shape_cast %add3A_1465 : vector<16xi32> to vector<1x16xi32>
    tpu.vector_store %arg7[%swap3A_1467, %swap3A_1468], %swap3A_1471 {strides = array<i32>} : memref<2x64xi32, #tpu.memory_space<vmem>>, vector<1x16xi32>,
    %dma_start3A_1472 = arith.constant 1 : i32
    %dma_start3A_1473 = arith.constant 1 : i32
    %dma_start3A_1474 = arith.constant 0 : i32
    %dma_start3A_1475 = arith.constant 0 : i32
    %dma_start3A_1476 = tpu.memref_slice %arg5[%dma_start3A_1473, %dma_start3A_1474, %dma_start3A_1475] : memref<2x64x768xf32, #tpu.memory_space<vmem>> -> memref<1x64x768xf32, #tpu.memory_space<vmem>>
    %dma_start3A_1477 = tpu.memref_squeeze %dma_start3A_1476 : memref<1x64x768xf32, #tpu.memory_space<vmem>> -> memref<64x768xf32, #tpu.memory_space<vmem>>
    %dma_start3A_1478 = arith.constant 0 : i32
    %dma_start3A_1479 = tpu.memref_slice %arg6[%dma_start3A_1472, %dma_start3A_1478] : memref<2x64xi32, #tpu.memory_space<vmem>> -> memref<1x64xi32, #tpu.memory_space<vmem>>
    %dma_start3A_1480 = tpu.memref_squeeze %dma_start3A_1479 : memref<1x64xi32, #tpu.memory_space<vmem>> -> memref<64xi32, #tpu.memory_space<vmem>>
    %dma_start3A_1481 = arith.constant 0 : i32
    %dma_start3A_1482 = arith.constant 0 : i32
    %dma_start3A_1483 = tpu.memref_slice %arg2[%dma_start3A_1481, %dma_start3A_1482] : memref<16392x768xf32, #tpu.memory_space<hbm>> -> memref<16392x768xf32, #tpu.memory_space<hbm>>
    tpu.enqueue_indirect_dma source(%dma_start3A_1483 : memref<16392x768xf32, #tpu.memory_space<hbm>>) target(%dma_start3A_1477 : memref<64x768xf32, #tpu.memory_space<vmem>>) offsets(%dma_start3A_1480 : memref<64xi32, #tpu.memory_space<vmem>>) semaphore(%arg9 : memref<!tpu.dma_semaphore, #tpu.memory_space<semaphore_mem>>)
    %dma_wait3A_1484 = arith.constant 1 : i32
    %dma_wait3A_1485 = arith.constant 1 : i32
    %dma_wait3A_1486 = arith.constant 0 : i32
    %dma_wait3A_1487 = arith.constant 0 : i32
    %dma_wait3A_1488 = tpu.memref_slice %arg5[%dma_wait3A_1485, %dma_wait3A_1486, %dma_wait3A_1487] : memref<2x64x768xf32, #tpu.memory_space<vmem>> -> memref<1x64x768xf32, #tpu.memory_space<vmem>>
    %dma_wait3A_1489 = tpu.memref_squeeze %dma_wait3A_1488 : memref<1x64x768xf32, #tpu.memory_space<vmem>> -> memref<64x768xf32, #tpu.memory_space<vmem>>
    %dma_wait3A_1490 = arith.constant 0 : i32
    %dma_wait3A_1491 = tpu.memref_slice %arg6[%dma_wait3A_1484, %dma_wait3A_1490] : memref<2x64xi32, #tpu.memory_space<vmem>> -> memref<1x64xi32, #tpu.memory_space<vmem>>
    %dma_wait3A_1492 = tpu.memref_squeeze %dma_wait3A_1491 : memref<1x64xi32, #tpu.memory_space<vmem>> -> memref<64xi32, #tpu.memory_space<vmem>>
    %dma_wait3A_1493 = arith.constant 0 : i32
    %dma_wait3A_1494 = arith.constant 0 : i32
    %dma_wait3A_1495 = tpu.memref_slice %arg2[%dma_wait3A_1493, %dma_wait3A_1494] : memref<16392x768xf32, #tpu.memory_space<hbm>> -> memref<16392x768xf32, #tpu.memory_space<hbm>>
    tpu.wait_indirect_dma semaphore(%arg9 : memref<!tpu.dma_semaphore, #tpu.memory_space<semaphore_mem>>) src(%dma_wait3A_1495 : memref<16392x768xf32, #tpu.memory_space<hbm>>) dst(%dma_wait3A_1489 : memref<64x768xf32, #tpu.memory_space<vmem>>)
    %dma_start3A_1496 = arith.constant 1 : i32
    %dma_start3A_1497 = arith.constant 1 : i32
    %dma_start3A_1498 = arith.constant 0 : i32
    %dma_start3A_1499 = arith.constant 0 : i32
    %dma_start3A_1500 = tpu.memref_slice %arg5[%dma_start3A_1496, %dma_start3A_1498, %dma_start3A_1499] : memref<2x64x768xf32, #tpu.memory_space<vmem>> -> memref<1x64x768xf32, #tpu.memory_space<vmem>>
    %dma_start3A_1501 = tpu.memref_squeeze %dma_start3A_1500 : memref<1x64x768xf32, #tpu.memory_space<vmem>> -> memref<64x768xf32, #tpu.memory_space<vmem>>
    %dma_start3A_1502 = arith.constant 0 : i32
    %dma_start3A_1503 = tpu.memref_slice %arg7[%dma_start3A_1497, %dma_start3A_1502] : memref<2x64xi32, #tpu.memory_space<vmem>> -> memref<1x64xi32, #tpu.memory_space<vmem>>
    %dma_start3A_1504 = tpu.memref_squeeze %dma_start3A_1503 : memref<1x64xi32, #tpu.memory_space<vmem>> -> memref<64xi32, #tpu.memory_space<vmem>>
    %dma_start3A_1505 = arith.constant 0 : i32
    %dma_start3A_1506 = arith.constant 0 : i32
    %dma_start3A_1507 = tpu.memref_slice %arg4[%dma_start3A_1505, %dma_start3A_1506] : memref<16384x768xf32, #tpu.memory_space<hbm>> -> memref<16384x768xf32, #tpu.memory_space<hbm>>
    tpu.enqueue_indirect_dma source(%dma_start3A_1501 : memref<64x768xf32, #tpu.memory_space<vmem>>) target(%dma_start3A_1507 : memref<16384x768xf32, #tpu.memory_space<hbm>>) offsets(%dma_start3A_1504 : memref<64xi32, #tpu.memory_space<vmem>>) semaphore(%arg10 : memref<!tpu.dma_semaphore, #tpu.memory_space<semaphore_mem>>)
    %dma_wait3A_1508 = arith.constant 0 : i32
    %dma_wait3A_1509 = arith.constant 0 : i32
    %dma_wait3A_1510 = arith.constant 0 : i32
    %dma_wait3A_1511 = arith.constant 0 : i32
    %dma_wait3A_1512 = tpu.memref_slice %arg5[%dma_wait3A_1508, %dma_wait3A_1510, %dma_wait3A_1511] : memref<2x64x768xf32, #tpu.memory_space<vmem>> -> memref<1x64x768xf32, #tpu.memory_space<vmem>>
    %dma_wait3A_1513 = tpu.memref_squeeze %dma_wait3A_1512 : memref<1x64x768xf32, #tpu.memory_space<vmem>> -> memref<64x768xf32, #tpu.memory_space<vmem>>
    %dma_wait3A_1514 = arith.constant 0 : i32
    %dma_wait3A_1515 = tpu.memref_slice %arg7[%dma_wait3A_1509, %dma_wait3A_1514] : memref<2x64xi32, #tpu.memory_space<vmem>> -> memref<1x64xi32, #tpu.memory_space<vmem>>
    %dma_wait3A_1516 = tpu.memref_squeeze %dma_wait3A_1515 : memref<1x64xi32, #tpu.memory_space<vmem>> -> memref<64xi32, #tpu.memory_space<vmem>>
    %dma_wait3A_1517 = arith.constant 0 : i32
    %dma_wait3A_1518 = arith.constant 0 : i32
    %dma_wait3A_1519 = tpu.memref_slice %arg4[%dma_wait3A_1517, %dma_wait3A_1518] : memref<16384x768xf32, #tpu.memory_space<hbm>> -> memref<16384x768xf32, #tpu.memory_space<hbm>>
    tpu.wait_indirect_dma semaphore(%arg10 : memref<!tpu.dma_semaphore, #tpu.memory_space<semaphore_mem>>) src(%dma_wait3A_1513 : memref<64x768xf32, #tpu.memory_space<vmem>>) dst(%dma_wait3A_1519 : memref<16384x768xf32, #tpu.memory_space<hbm>>)
    %dma_wait3A_1520 = arith.constant 1 : i32
    %dma_wait3A_1521 = arith.constant 1 : i32
    %dma_wait3A_1522 = arith.constant 0 : i32
    %dma_wait3A_1523 = arith.constant 0 : i32
    %dma_wait3A_1524 = tpu.memref_slice %arg5[%dma_wait3A_1520, %dma_wait3A_1522, %dma_wait3A_1523] : memref<2x64x768xf32, #tpu.memory_space<vmem>> -> memref<1x64x768xf32, #tpu.memory_space<vmem>>
    %dma_wait3A_1525 = tpu.memref_squeeze %dma_wait3A_1524 : memref<1x64x768xf32, #tpu.memory_space<vmem>> -> memref<64x768xf32, #tpu.memory_space<vmem>>
    %dma_wait3A_1526 = arith.constant 0 : i32
    %dma_wait3A_1527 = tpu.memref_slice %arg7[%dma_wait3A_1521, %dma_wait3A_1526] : memref<2x64xi32, #tpu.memory_space<vmem>> -> memref<1x64xi32, #tpu.memory_space<vmem>>
    %dma_wait3A_1528 = tpu.memref_squeeze %dma_wait3A_1527 : memref<1x64xi32, #tpu.memory_space<vmem>> -> memref<64xi32, #tpu.memory_space<vmem>>
    %dma_wait3A_1529 = arith.constant 0 : i32
    %dma_wait3A_1530 = arith.constant 0 : i32
    %dma_wait3A_1531 = tpu.memref_slice %arg4[%dma_wait3A_1529, %dma_wait3A_1530] : memref<16384x768xf32, #tpu.memory_space<hbm>> -> memref<16384x768xf32, #tpu.memory_space<hbm>>
    tpu.wait_indirect_dma semaphore(%arg10 : memref<!tpu.dma_semaphore, #tpu.memory_space<semaphore_mem>>) src(%dma_wait3A_1525 : memref<64x768xf32, #tpu.memory_space<vmem>>) dst(%dma_wait3A_1531 : memref<16384x768xf32, #tpu.memory_space<hbm>>)
    return
  }
}

#map = affine_map<(d0, d1) -> (0, 0)>
module attributes {stable_mosaic.version = 14 : i64} {
  func.func @_permute_body(%arg0: i32, %arg1: i32, %arg2: memref<2048x384xi32, #tpu.memory_space<hbm>>, %arg3: memref<8x2048xi32, #tpu.memory_space<hbm>>, %arg4: memref<16384x384xi32, #tpu.memory_space<hbm>>, %arg5: memref<512xi32, #tpu.memory_space<vmem>>, %arg6: memref<2x128xi32, #tpu.memory_space<vmem>>, %arg7: memref<2x128x384xi32, #tpu.memory_space<vmem>>, %arg8: memref<!tpu.dma_semaphore, #tpu.memory_space<semaphore_mem>>, %arg9: memref<!tpu.dma_semaphore, #tpu.memory_space<semaphore_mem>>) attributes {dimension_semantics = [#tpu.dimension_semantics<core_parallel>, #tpu.dimension_semantics<subcore_parallel>], iteration_bounds = array<i64: 2, 16>, scalar_prefetch = 0 : i64, scratch_operands = 5 : i64, tpu.core_type = #tpu.core_type<sc_vector_subcore>, window_params = [{transform_indices = #map}, {transform_indices = #map}, {transform_indices = #map}]} {
    %mul3A = arith.constant 2 : i32
    %mul3A_0 = arith.muli %arg1, %mul3A : i32
    %add3A = arith.addi %mul3A_0, %arg0 : i32
    %jit3A = arith.constant 4 : i32
    %div3A = arith.divsi %add3A, %jit3A : i32
    %sign3A = arith.constant 0 : i32
    %sign3A_1 = arith.cmpi sgt, %add3A, %sign3A : i32
    %sign3A_2 = arith.extui %sign3A_1 : i1 to i32
    %sign3A_3 = arith.constant 0 : i32
    %sign3A_4 = arith.cmpi slt, %add3A, %sign3A_3 : i32
    %sign3A_5 = arith.extui %sign3A_4 : i1 to i32
    %sign3A_6 = arith.subi %sign3A_2, %sign3A_5 : i32
    %sign3A_7 = arith.constant 0 : i32
    %sign3A_8 = arith.cmpi sgt, %jit3A, %sign3A_7 : i32
    %sign3A_9 = arith.extui %sign3A_8 : i1 to i32
    %sign3A_10 = arith.constant 0 : i32
    %sign3A_11 = arith.cmpi slt, %jit3A, %sign3A_10 : i32
    %sign3A_12 = arith.extui %sign3A_11 : i1 to i32
    %sign3A_13 = arith.subi %sign3A_9, %sign3A_12 : i32
    %ne3A = arith.cmpi ne, %sign3A_6, %sign3A_13 : i32
    %rem3A = arith.remsi %add3A, %jit3A : i32
    %ne3A_14 = arith.constant 0 : i32
    %ne3A_15 = arith.cmpi ne, %rem3A, %ne3A_14 : i32
    %and3A = arith.andi %ne3A, %ne3A_15 : i1
    %sub3A = arith.constant 1 : i32
    %sub3A_16 = arith.subi %div3A, %sub3A : i32
    %select_n3A = arith.select %and3A, %sub3A_16, %div3A : i32
    %jit3A_17 = arith.constant 4 : i32
    %eq3A = arith.constant 0 : i32
    %eq3A_18 = arith.cmpi eq, %jit3A_17, %eq3A : i32
    %jit3A_19 = arith.constant 1 : i32
    %select_n3A_20 = arith.select %eq3A_18, %jit3A_19, %jit3A_17 : i32
    %rem3A_21 = arith.remsi %add3A, %select_n3A_20 : i32
    %ne3A_22 = arith.constant 0 : i32
    %ne3A_23 = arith.cmpi ne, %rem3A_21, %ne3A_22 : i32
    %lt3A = arith.constant 0 : i32
    %lt3A_24 = arith.cmpi slt, %rem3A_21, %lt3A : i32
    %lt3A_25 = arith.constant 0 : i32
    %lt3A_26 = arith.cmpi slt, %select_n3A_20, %lt3A_25 : i32
    %ne3A_27 = arith.xori %lt3A_24, %lt3A_26 : i1
    %and3A_28 = arith.andi %ne3A_27, %ne3A_23 : i1
    %add3A_29 = arith.addi %rem3A_21, %select_n3A_20 : i32
    %select_n3A_30 = arith.select %and3A_28, %add3A_29, %rem3A_21 : i32
    %mul3A_31 = arith.constant 512 : i32
    %mul3A_32 = arith.muli %select_n3A_30, %mul3A_31 : i32
    "tpu.region"() ({
      %run_scoped3A = tpu.sem_alloc : memref<!tpu.dma_semaphore, #tpu.memory_space<semaphore_mem>>
      %dma_start3A_653 = tpu.memref_slice %arg3[%select_n3A, %mul3A_32] : memref<8x2048xi32, #tpu.memory_space<hbm>> -> memref<1x512xi32, #tpu.memory_space<hbm>>
      %dma_start3A_654 = tpu.memref_squeeze %dma_start3A_653 : memref<1x512xi32, #tpu.memory_space<hbm>> -> memref<512xi32, #tpu.memory_space<hbm>>
      %dma_start3A_655 = tpu.memref_slice %arg3[%select_n3A, %mul3A_32] : memref<8x2048xi32, #tpu.memory_space<hbm>> -> memref<1x512xi32, #tpu.memory_space<hbm>>
      %dma_start3A_656 = tpu.memref_squeeze %dma_start3A_655 : memref<1x512xi32, #tpu.memory_space<hbm>> -> memref<512xi32, #tpu.memory_space<hbm>>
      tpu.enqueue_dma source(%dma_start3A_656 : memref<512xi32, #tpu.memory_space<hbm>>) target(%arg5 : memref<512xi32, #tpu.memory_space<vmem>>) target_semaphore(%run_scoped3A : memref<!tpu.dma_semaphore, #tpu.memory_space<semaphore_mem>>)
      %dma_wait3A_657 = tpu.memref_slice %arg3[%select_n3A, %mul3A_32] : memref<8x2048xi32, #tpu.memory_space<hbm>> -> memref<1x512xi32, #tpu.memory_space<hbm>>
      %dma_wait3A_658 = tpu.memref_squeeze %dma_wait3A_657 : memref<1x512xi32, #tpu.memory_space<hbm>> -> memref<512xi32, #tpu.memory_space<hbm>>
      %dma_wait3A_659 = tpu.memref_slice %arg3[%select_n3A, %mul3A_32] : memref<8x2048xi32, #tpu.memory_space<hbm>> -> memref<1x512xi32, #tpu.memory_space<hbm>>
      %dma_wait3A_660 = tpu.memref_squeeze %dma_wait3A_659 : memref<1x512xi32, #tpu.memory_space<hbm>> -> memref<512xi32, #tpu.memory_space<hbm>>
      tpu.wait_dma2 semaphore(%run_scoped3A : memref<!tpu.dma_semaphore, #tpu.memory_space<semaphore_mem>>) src(%dma_wait3A_660 : memref<512xi32, #tpu.memory_space<hbm>>) dst(%arg5 : memref<512xi32, #tpu.memory_space<vmem>>)
      tpu.yield
    }) : () -> ()
    %add3A_33 = arith.constant 0 : i32
    %add3A_34 = arith.addi %mul3A_32, %add3A_33 : i32
    %dma_start3A = arith.constant 0 : i32
    %dma_start3A_35 = arith.constant 0 : i32
    %dma_start3A_36 = arith.constant 0 : i32
    %dma_start3A_37 = tpu.memref_slice %arg7[%dma_start3A, %dma_start3A_35, %dma_start3A_36] : memref<2x128x384xi32, #tpu.memory_space<vmem>> -> memref<1x128x384xi32, #tpu.memory_space<vmem>>
    %dma_start3A_38 = tpu.memref_squeeze %dma_start3A_37 : memref<1x128x384xi32, #tpu.memory_space<vmem>> -> memref<128x384xi32, #tpu.memory_space<vmem>>
    %dma_start3A_39 = arith.constant 0 : i32
    %dma_start3A_40 = tpu.memref_slice %arg2[%add3A_34, %dma_start3A_39] : memref<2048x384xi32, #tpu.memory_space<hbm>> -> memref<128x384xi32, #tpu.memory_space<hbm>>
    %dma_start3A_41 = arith.constant 0 : i32
    %dma_start3A_42 = arith.constant 0 : i32
    %dma_start3A_43 = tpu.memref_slice %arg7[%dma_start3A, %dma_start3A_41, %dma_start3A_42] : memref<2x128x384xi32, #tpu.memory_space<vmem>> -> memref<1x128x384xi32, #tpu.memory_space<vmem>>
    %dma_start3A_44 = tpu.memref_squeeze %dma_start3A_43 : memref<1x128x384xi32, #tpu.memory_space<vmem>> -> memref<128x384xi32, #tpu.memory_space<vmem>>
    %dma_start3A_45 = arith.constant 0 : i32
    %dma_start3A_46 = tpu.memref_slice %arg2[%add3A_34, %dma_start3A_45] : memref<2048x384xi32, #tpu.memory_space<hbm>> -> memref<128x384xi32, #tpu.memory_space<hbm>>
    tpu.enqueue_dma source(%dma_start3A_46 : memref<128x384xi32, #tpu.memory_space<hbm>>) target(%dma_start3A_44 : memref<128x384xi32, #tpu.memory_space<vmem>>) target_semaphore(%arg8 : memref<!tpu.dma_semaphore, #tpu.memory_space<semaphore_mem>>)
    %dma_wait3A = arith.constant 0 : i32
    %dma_wait3A_47 = arith.constant 0 : i32
    %dma_wait3A_48 = arith.constant 0 : i32
    %dma_wait3A_49 = tpu.memref_slice %arg7[%dma_wait3A, %dma_wait3A_47, %dma_wait3A_48] : memref<2x128x384xi32, #tpu.memory_space<vmem>> -> memref<1x128x384xi32, #tpu.memory_space<vmem>>
    %dma_wait3A_50 = tpu.memref_squeeze %dma_wait3A_49 : memref<1x128x384xi32, #tpu.memory_space<vmem>> -> memref<128x384xi32, #tpu.memory_space<vmem>>
    %dma_wait3A_51 = arith.constant 0 : i32
    %dma_wait3A_52 = tpu.memref_slice %arg2[%add3A_34, %dma_wait3A_51] : memref<2048x384xi32, #tpu.memory_space<hbm>> -> memref<128x384xi32, #tpu.memory_space<hbm>>
    %dma_wait3A_53 = arith.constant 0 : i32
    %dma_wait3A_54 = arith.constant 0 : i32
    %dma_wait3A_55 = tpu.memref_slice %arg7[%dma_wait3A, %dma_wait3A_53, %dma_wait3A_54] : memref<2x128x384xi32, #tpu.memory_space<vmem>> -> memref<1x128x384xi32, #tpu.memory_space<vmem>>
    %dma_wait3A_56 = tpu.memref_squeeze %dma_wait3A_55 : memref<1x128x384xi32, #tpu.memory_space<vmem>> -> memref<128x384xi32, #tpu.memory_space<vmem>>
    %dma_wait3A_57 = arith.constant 0 : i32
    %dma_wait3A_58 = tpu.memref_slice %arg2[%add3A_34, %dma_wait3A_57] : memref<2048x384xi32, #tpu.memory_space<hbm>> -> memref<128x384xi32, #tpu.memory_space<hbm>>
    tpu.wait_dma2 semaphore(%arg8 : memref<!tpu.dma_semaphore, #tpu.memory_space<semaphore_mem>>) src(%dma_wait3A_58 : memref<128x384xi32, #tpu.memory_space<hbm>>) dst(%dma_wait3A_56 : memref<128x384xi32, #tpu.memory_space<vmem>>)
    %get3A = arith.constant 0 : index
    %get3A_59 = tpu.vector_load %arg5[%get3A] {strides = array<i32>} : memref<512xi32, #tpu.memory_space<vmem>>, vector<16xi32>,
    %get3A_60 = vector.shape_cast %get3A_59 : vector<16xi32> to vector<16xi32>
    %mul3A_61 = arith.constant 2048 : i32
    %mul3A_62 = arith.muli %select_n3A, %mul3A_61 : i32
    %add3A_63 = vector.broadcast %mul3A_62 : i32 to vector<16xi32>
    %add3A_64 = arith.addi %get3A_60, %add3A_63 : vector<16xi32>
    %swap3A = arith.constant 0 : i32
    %swap3A_65 = arith.index_cast %swap3A : i32 to index
    %swap3A_66 = arith.constant 0 : index
    %swap3A_67 = tpu.vector_load %arg6[%swap3A_65, %swap3A_66] {strides = array<i32>} : memref<2x128xi32, #tpu.memory_space<vmem>>, vector<1x16xi32>,
    %swap3A_68 = vector.shape_cast %swap3A_67 : vector<1x16xi32> to vector<16xi32>
    %swap3A_69 = vector.shape_cast %add3A_64 : vector<16xi32> to vector<1x16xi32>
    tpu.vector_store %arg6[%swap3A_65, %swap3A_66], %swap3A_69 {strides = array<i32>} : memref<2x128xi32, #tpu.memory_space<vmem>>, vector<1x16xi32>,
    %get3A_70 = arith.constant 16 : index
    %get3A_71 = tpu.vector_load %arg5[%get3A_70] {strides = array<i32>} : memref<512xi32, #tpu.memory_space<vmem>>, vector<16xi32>,
    %get3A_72 = vector.shape_cast %get3A_71 : vector<16xi32> to vector<16xi32>
    %mul3A_73 = arith.constant 2048 : i32
    %mul3A_74 = arith.muli %select_n3A, %mul3A_73 : i32
    %add3A_75 = vector.broadcast %mul3A_74 : i32 to vector<16xi32>
    %add3A_76 = arith.addi %get3A_72, %add3A_75 : vector<16xi32>
    %swap3A_77 = arith.constant 0 : i32
    %swap3A_78 = arith.index_cast %swap3A_77 : i32 to index
    %swap3A_79 = arith.constant 16 : index
    %swap3A_80 = tpu.vector_load %arg6[%swap3A_78, %swap3A_79] {strides = array<i32>} : memref<2x128xi32, #tpu.memory_space<vmem>>, vector<1x16xi32>,
    %swap3A_81 = vector.shape_cast %swap3A_80 : vector<1x16xi32> to vector<16xi32>
    %swap3A_82 = vector.shape_cast %add3A_76 : vector<16xi32> to vector<1x16xi32>
    tpu.vector_store %arg6[%swap3A_78, %swap3A_79], %swap3A_82 {strides = array<i32>} : memref<2x128xi32, #tpu.memory_space<vmem>>, vector<1x16xi32>,
    %get3A_83 = arith.constant 32 : index
    %get3A_84 = tpu.vector_load %arg5[%get3A_83] {strides = array<i32>} : memref<512xi32, #tpu.memory_space<vmem>>, vector<16xi32>,
    %get3A_85 = vector.shape_cast %get3A_84 : vector<16xi32> to vector<16xi32>
    %mul3A_86 = arith.constant 2048 : i32
    %mul3A_87 = arith.muli %select_n3A, %mul3A_86 : i32
    %add3A_88 = vector.broadcast %mul3A_87 : i32 to vector<16xi32>
    %add3A_89 = arith.addi %get3A_85, %add3A_88 : vector<16xi32>
    %swap3A_90 = arith.constant 0 : i32
    %swap3A_91 = arith.index_cast %swap3A_90 : i32 to index
    %swap3A_92 = arith.constant 32 : index
    %swap3A_93 = tpu.vector_load %arg6[%swap3A_91, %swap3A_92] {strides = array<i32>} : memref<2x128xi32, #tpu.memory_space<vmem>>, vector<1x16xi32>,
    %swap3A_94 = vector.shape_cast %swap3A_93 : vector<1x16xi32> to vector<16xi32>
    %swap3A_95 = vector.shape_cast %add3A_89 : vector<16xi32> to vector<1x16xi32>
    tpu.vector_store %arg6[%swap3A_91, %swap3A_92], %swap3A_95 {strides = array<i32>} : memref<2x128xi32, #tpu.memory_space<vmem>>, vector<1x16xi32>,
    %get3A_96 = arith.constant 48 : index
    %get3A_97 = tpu.vector_load %arg5[%get3A_96] {strides = array<i32>} : memref<512xi32, #tpu.memory_space<vmem>>, vector<16xi32>,
    %get3A_98 = vector.shape_cast %get3A_97 : vector<16xi32> to vector<16xi32>
    %mul3A_99 = arith.constant 2048 : i32
    %mul3A_100 = arith.muli %select_n3A, %mul3A_99 : i32
    %add3A_101 = vector.broadcast %mul3A_100 : i32 to vector<16xi32>
    %add3A_102 = arith.addi %get3A_98, %add3A_101 : vector<16xi32>
    %swap3A_103 = arith.constant 0 : i32
    %swap3A_104 = arith.index_cast %swap3A_103 : i32 to index
    %swap3A_105 = arith.constant 48 : index
    %swap3A_106 = tpu.vector_load %arg6[%swap3A_104, %swap3A_105] {strides = array<i32>} : memref<2x128xi32, #tpu.memory_space<vmem>>, vector<1x16xi32>,
    %swap3A_107 = vector.shape_cast %swap3A_106 : vector<1x16xi32> to vector<16xi32>
    %swap3A_108 = vector.shape_cast %add3A_102 : vector<16xi32> to vector<1x16xi32>
    tpu.vector_store %arg6[%swap3A_104, %swap3A_105], %swap3A_108 {strides = array<i32>} : memref<2x128xi32, #tpu.memory_space<vmem>>, vector<1x16xi32>,
    %get3A_109 = arith.constant 64 : index
    %get3A_110 = tpu.vector_load %arg5[%get3A_109] {strides = array<i32>} : memref<512xi32, #tpu.memory_space<vmem>>, vector<16xi32>,
    %get3A_111 = vector.shape_cast %get3A_110 : vector<16xi32> to vector<16xi32>
    %mul3A_112 = arith.constant 2048 : i32
    %mul3A_113 = arith.muli %select_n3A, %mul3A_112 : i32
    %add3A_114 = vector.broadcast %mul3A_113 : i32 to vector<16xi32>
    %add3A_115 = arith.addi %get3A_111, %add3A_114 : vector<16xi32>
    %swap3A_116 = arith.constant 0 : i32
    %swap3A_117 = arith.index_cast %swap3A_116 : i32 to index
    %swap3A_118 = arith.constant 64 : index
    %swap3A_119 = tpu.vector_load %arg6[%swap3A_117, %swap3A_118] {strides = array<i32>} : memref<2x128xi32, #tpu.memory_space<vmem>>, vector<1x16xi32>,
    %swap3A_120 = vector.shape_cast %swap3A_119 : vector<1x16xi32> to vector<16xi32>
    %swap3A_121 = vector.shape_cast %add3A_115 : vector<16xi32> to vector<1x16xi32>
    tpu.vector_store %arg6[%swap3A_117, %swap3A_118], %swap3A_121 {strides = array<i32>} : memref<2x128xi32, #tpu.memory_space<vmem>>, vector<1x16xi32>,
    %get3A_122 = arith.constant 80 : index
    %get3A_123 = tpu.vector_load %arg5[%get3A_122] {strides = array<i32>} : memref<512xi32, #tpu.memory_space<vmem>>, vector<16xi32>,
    %get3A_124 = vector.shape_cast %get3A_123 : vector<16xi32> to vector<16xi32>
    %mul3A_125 = arith.constant 2048 : i32
    %mul3A_126 = arith.muli %select_n3A, %mul3A_125 : i32
    %add3A_127 = vector.broadcast %mul3A_126 : i32 to vector<16xi32>
    %add3A_128 = arith.addi %get3A_124, %add3A_127 : vector<16xi32>
    %swap3A_129 = arith.constant 0 : i32
    %swap3A_130 = arith.index_cast %swap3A_129 : i32 to index
    %swap3A_131 = arith.constant 80 : index
    %swap3A_132 = tpu.vector_load %arg6[%swap3A_130, %swap3A_131] {strides = array<i32>} : memref<2x128xi32, #tpu.memory_space<vmem>>, vector<1x16xi32>,
    %swap3A_133 = vector.shape_cast %swap3A_132 : vector<1x16xi32> to vector<16xi32>
    %swap3A_134 = vector.shape_cast %add3A_128 : vector<16xi32> to vector<1x16xi32>
    tpu.vector_store %arg6[%swap3A_130, %swap3A_131], %swap3A_134 {strides = array<i32>} : memref<2x128xi32, #tpu.memory_space<vmem>>, vector<1x16xi32>,
    %get3A_135 = arith.constant 96 : index
    %get3A_136 = tpu.vector_load %arg5[%get3A_135] {strides = array<i32>} : memref<512xi32, #tpu.memory_space<vmem>>, vector<16xi32>,
    %get3A_137 = vector.shape_cast %get3A_136 : vector<16xi32> to vector<16xi32>
    %mul3A_138 = arith.constant 2048 : i32
    %mul3A_139 = arith.muli %select_n3A, %mul3A_138 : i32
    %add3A_140 = vector.broadcast %mul3A_139 : i32 to vector<16xi32>
    %add3A_141 = arith.addi %get3A_137, %add3A_140 : vector<16xi32>
    %swap3A_142 = arith.constant 0 : i32
    %swap3A_143 = arith.index_cast %swap3A_142 : i32 to index
    %swap3A_144 = arith.constant 96 : index
    %swap3A_145 = tpu.vector_load %arg6[%swap3A_143, %swap3A_144] {strides = array<i32>} : memref<2x128xi32, #tpu.memory_space<vmem>>, vector<1x16xi32>,
    %swap3A_146 = vector.shape_cast %swap3A_145 : vector<1x16xi32> to vector<16xi32>
    %swap3A_147 = vector.shape_cast %add3A_141 : vector<16xi32> to vector<1x16xi32>
    tpu.vector_store %arg6[%swap3A_143, %swap3A_144], %swap3A_147 {strides = array<i32>} : memref<2x128xi32, #tpu.memory_space<vmem>>, vector<1x16xi32>,
    %get3A_148 = arith.constant 112 : index
    %get3A_149 = tpu.vector_load %arg5[%get3A_148] {strides = array<i32>} : memref<512xi32, #tpu.memory_space<vmem>>, vector<16xi32>,
    %get3A_150 = vector.shape_cast %get3A_149 : vector<16xi32> to vector<16xi32>
    %mul3A_151 = arith.constant 2048 : i32
    %mul3A_152 = arith.muli %select_n3A, %mul3A_151 : i32
    %add3A_153 = vector.broadcast %mul3A_152 : i32 to vector<16xi32>
    %add3A_154 = arith.addi %get3A_150, %add3A_153 : vector<16xi32>
    %swap3A_155 = arith.constant 0 : i32
    %swap3A_156 = arith.index_cast %swap3A_155 : i32 to index
    %swap3A_157 = arith.constant 112 : index
    %swap3A_158 = tpu.vector_load %arg6[%swap3A_156, %swap3A_157] {strides = array<i32>} : memref<2x128xi32, #tpu.memory_space<vmem>>, vector<1x16xi32>,
    %swap3A_159 = vector.shape_cast %swap3A_158 : vector<1x16xi32> to vector<16xi32>
    %swap3A_160 = vector.shape_cast %add3A_154 : vector<16xi32> to vector<1x16xi32>
    tpu.vector_store %arg6[%swap3A_156, %swap3A_157], %swap3A_160 {strides = array<i32>} : memref<2x128xi32, #tpu.memory_space<vmem>>, vector<1x16xi32>,
    %dma_start3A_161 = arith.constant 0 : i32
    %dma_start3A_162 = arith.constant 0 : i32
    %dma_start3A_163 = arith.constant 0 : i32
    %dma_start3A_164 = arith.constant 0 : i32
    %dma_start3A_165 = tpu.memref_slice %arg7[%dma_start3A_161, %dma_start3A_163, %dma_start3A_164] : memref<2x128x384xi32, #tpu.memory_space<vmem>> -> memref<1x128x384xi32, #tpu.memory_space<vmem>>
    %dma_start3A_166 = tpu.memref_squeeze %dma_start3A_165 : memref<1x128x384xi32, #tpu.memory_space<vmem>> -> memref<128x384xi32, #tpu.memory_space<vmem>>
    %dma_start3A_167 = arith.constant 0 : i32
    %dma_start3A_168 = tpu.memref_slice %arg6[%dma_start3A_162, %dma_start3A_167] : memref<2x128xi32, #tpu.memory_space<vmem>> -> memref<1x128xi32, #tpu.memory_space<vmem>>
    %dma_start3A_169 = tpu.memref_squeeze %dma_start3A_168 : memref<1x128xi32, #tpu.memory_space<vmem>> -> memref<128xi32, #tpu.memory_space<vmem>>
    %dma_start3A_170 = arith.constant 0 : i32
    %dma_start3A_171 = arith.constant 0 : i32
    %dma_start3A_172 = tpu.memref_slice %arg4[%dma_start3A_170, %dma_start3A_171] : memref<16384x384xi32, #tpu.memory_space<hbm>> -> memref<16384x384xi32, #tpu.memory_space<hbm>>
    tpu.enqueue_indirect_dma source(%dma_start3A_166 : memref<128x384xi32, #tpu.memory_space<vmem>>) target(%dma_start3A_172 : memref<16384x384xi32, #tpu.memory_space<hbm>>) offsets(%dma_start3A_169 : memref<128xi32, #tpu.memory_space<vmem>>) semaphore(%arg9 : memref<!tpu.dma_semaphore, #tpu.memory_space<semaphore_mem>>)
    %add3A_173 = arith.constant 128 : i32
    %add3A_174 = arith.addi %mul3A_32, %add3A_173 : i32
    %dma_start3A_175 = arith.constant 1 : i32
    %dma_start3A_176 = arith.constant 0 : i32
    %dma_start3A_177 = arith.constant 0 : i32
    %dma_start3A_178 = tpu.memref_slice %arg7[%dma_start3A_175, %dma_start3A_176, %dma_start3A_177] : memref<2x128x384xi32, #tpu.memory_space<vmem>> -> memref<1x128x384xi32, #tpu.memory_space<vmem>>
    %dma_start3A_179 = tpu.memref_squeeze %dma_start3A_178 : memref<1x128x384xi32, #tpu.memory_space<vmem>> -> memref<128x384xi32, #tpu.memory_space<vmem>>
    %dma_start3A_180 = arith.constant 0 : i32
    %dma_start3A_181 = tpu.memref_slice %arg2[%add3A_174, %dma_start3A_180] : memref<2048x384xi32, #tpu.memory_space<hbm>> -> memref<128x384xi32, #tpu.memory_space<hbm>>
    %dma_start3A_182 = arith.constant 0 : i32
    %dma_start3A_183 = arith.constant 0 : i32
    %dma_start3A_184 = tpu.memref_slice %arg7[%dma_start3A_175, %dma_start3A_182, %dma_start3A_183] : memref<2x128x384xi32, #tpu.memory_space<vmem>> -> memref<1x128x384xi32, #tpu.memory_space<vmem>>
    %dma_start3A_185 = tpu.memref_squeeze %dma_start3A_184 : memref<1x128x384xi32, #tpu.memory_space<vmem>> -> memref<128x384xi32, #tpu.memory_space<vmem>>
    %dma_start3A_186 = arith.constant 0 : i32
    %dma_start3A_187 = tpu.memref_slice %arg2[%add3A_174, %dma_start3A_186] : memref<2048x384xi32, #tpu.memory_space<hbm>> -> memref<128x384xi32, #tpu.memory_space<hbm>>
    tpu.enqueue_dma source(%dma_start3A_187 : memref<128x384xi32, #tpu.memory_space<hbm>>) target(%dma_start3A_185 : memref<128x384xi32, #tpu.memory_space<vmem>>) target_semaphore(%arg8 : memref<!tpu.dma_semaphore, #tpu.memory_space<semaphore_mem>>)
    %dma_wait3A_188 = arith.constant 1 : i32
    %dma_wait3A_189 = arith.constant 0 : i32
    %dma_wait3A_190 = arith.constant 0 : i32
    %dma_wait3A_191 = tpu.memref_slice %arg7[%dma_wait3A_188, %dma_wait3A_189, %dma_wait3A_190] : memref<2x128x384xi32, #tpu.memory_space<vmem>> -> memref<1x128x384xi32, #tpu.memory_space<vmem>>
    %dma_wait3A_192 = tpu.memref_squeeze %dma_wait3A_191 : memref<1x128x384xi32, #tpu.memory_space<vmem>> -> memref<128x384xi32, #tpu.memory_space<vmem>>
    %dma_wait3A_193 = arith.constant 0 : i32
    %dma_wait3A_194 = tpu.memref_slice %arg2[%add3A_174, %dma_wait3A_193] : memref<2048x384xi32, #tpu.memory_space<hbm>> -> memref<128x384xi32, #tpu.memory_space<hbm>>
    %dma_wait3A_195 = arith.constant 0 : i32
    %dma_wait3A_196 = arith.constant 0 : i32
    %dma_wait3A_197 = tpu.memref_slice %arg7[%dma_wait3A_188, %dma_wait3A_195, %dma_wait3A_196] : memref<2x128x384xi32, #tpu.memory_space<vmem>> -> memref<1x128x384xi32, #tpu.memory_space<vmem>>
    %dma_wait3A_198 = tpu.memref_squeeze %dma_wait3A_197 : memref<1x128x384xi32, #tpu.memory_space<vmem>> -> memref<128x384xi32, #tpu.memory_space<vmem>>
    %dma_wait3A_199 = arith.constant 0 : i32
    %dma_wait3A_200 = tpu.memref_slice %arg2[%add3A_174, %dma_wait3A_199] : memref<2048x384xi32, #tpu.memory_space<hbm>> -> memref<128x384xi32, #tpu.memory_space<hbm>>
    tpu.wait_dma2 semaphore(%arg8 : memref<!tpu.dma_semaphore, #tpu.memory_space<semaphore_mem>>) src(%dma_wait3A_200 : memref<128x384xi32, #tpu.memory_space<hbm>>) dst(%dma_wait3A_198 : memref<128x384xi32, #tpu.memory_space<vmem>>)
    %get3A_201 = arith.constant 128 : index
    %get3A_202 = tpu.vector_load %arg5[%get3A_201] {strides = array<i32>} : memref<512xi32, #tpu.memory_space<vmem>>, vector<16xi32>,
    %get3A_203 = vector.shape_cast %get3A_202 : vector<16xi32> to vector<16xi32>
    %mul3A_204 = arith.constant 2048 : i32
    %mul3A_205 = arith.muli %select_n3A, %mul3A_204 : i32
    %add3A_206 = vector.broadcast %mul3A_205 : i32 to vector<16xi32>
    %add3A_207 = arith.addi %get3A_203, %add3A_206 : vector<16xi32>
    %swap3A_208 = arith.constant 1 : i32
    %swap3A_209 = arith.index_cast %swap3A_208 : i32 to index
    %swap3A_210 = arith.constant 0 : index
    %swap3A_211 = tpu.vector_load %arg6[%swap3A_209, %swap3A_210] {strides = array<i32>} : memref<2x128xi32, #tpu.memory_space<vmem>>, vector<1x16xi32>,
    %swap3A_212 = vector.shape_cast %swap3A_211 : vector<1x16xi32> to vector<16xi32>
    %swap3A_213 = vector.shape_cast %add3A_207 : vector<16xi32> to vector<1x16xi32>
    tpu.vector_store %arg6[%swap3A_209, %swap3A_210], %swap3A_213 {strides = array<i32>} : memref<2x128xi32, #tpu.memory_space<vmem>>, vector<1x16xi32>,
    %get3A_214 = arith.constant 144 : index
    %get3A_215 = tpu.vector_load %arg5[%get3A_214] {strides = array<i32>} : memref<512xi32, #tpu.memory_space<vmem>>, vector<16xi32>,
    %get3A_216 = vector.shape_cast %get3A_215 : vector<16xi32> to vector<16xi32>
    %mul3A_217 = arith.constant 2048 : i32
    %mul3A_218 = arith.muli %select_n3A, %mul3A_217 : i32
    %add3A_219 = vector.broadcast %mul3A_218 : i32 to vector<16xi32>
    %add3A_220 = arith.addi %get3A_216, %add3A_219 : vector<16xi32>
    %swap3A_221 = arith.constant 1 : i32
    %swap3A_222 = arith.index_cast %swap3A_221 : i32 to index
    %swap3A_223 = arith.constant 16 : index
    %swap3A_224 = tpu.vector_load %arg6[%swap3A_222, %swap3A_223] {strides = array<i32>} : memref<2x128xi32, #tpu.memory_space<vmem>>, vector<1x16xi32>,
    %swap3A_225 = vector.shape_cast %swap3A_224 : vector<1x16xi32> to vector<16xi32>
    %swap3A_226 = vector.shape_cast %add3A_220 : vector<16xi32> to vector<1x16xi32>
    tpu.vector_store %arg6[%swap3A_222, %swap3A_223], %swap3A_226 {strides = array<i32>} : memref<2x128xi32, #tpu.memory_space<vmem>>, vector<1x16xi32>,
    %get3A_227 = arith.constant 160 : index
    %get3A_228 = tpu.vector_load %arg5[%get3A_227] {strides = array<i32>} : memref<512xi32, #tpu.memory_space<vmem>>, vector<16xi32>,
    %get3A_229 = vector.shape_cast %get3A_228 : vector<16xi32> to vector<16xi32>
    %mul3A_230 = arith.constant 2048 : i32
    %mul3A_231 = arith.muli %select_n3A, %mul3A_230 : i32
    %add3A_232 = vector.broadcast %mul3A_231 : i32 to vector<16xi32>
    %add3A_233 = arith.addi %get3A_229, %add3A_232 : vector<16xi32>
    %swap3A_234 = arith.constant 1 : i32
    %swap3A_235 = arith.index_cast %swap3A_234 : i32 to index
    %swap3A_236 = arith.constant 32 : index
    %swap3A_237 = tpu.vector_load %arg6[%swap3A_235, %swap3A_236] {strides = array<i32>} : memref<2x128xi32, #tpu.memory_space<vmem>>, vector<1x16xi32>,
    %swap3A_238 = vector.shape_cast %swap3A_237 : vector<1x16xi32> to vector<16xi32>
    %swap3A_239 = vector.shape_cast %add3A_233 : vector<16xi32> to vector<1x16xi32>
    tpu.vector_store %arg6[%swap3A_235, %swap3A_236], %swap3A_239 {strides = array<i32>} : memref<2x128xi32, #tpu.memory_space<vmem>>, vector<1x16xi32>,
    %get3A_240 = arith.constant 176 : index
    %get3A_241 = tpu.vector_load %arg5[%get3A_240] {strides = array<i32>} : memref<512xi32, #tpu.memory_space<vmem>>, vector<16xi32>,
    %get3A_242 = vector.shape_cast %get3A_241 : vector<16xi32> to vector<16xi32>
    %mul3A_243 = arith.constant 2048 : i32
    %mul3A_244 = arith.muli %select_n3A, %mul3A_243 : i32
    %add3A_245 = vector.broadcast %mul3A_244 : i32 to vector<16xi32>
    %add3A_246 = arith.addi %get3A_242, %add3A_245 : vector<16xi32>
    %swap3A_247 = arith.constant 1 : i32
    %swap3A_248 = arith.index_cast %swap3A_247 : i32 to index
    %swap3A_249 = arith.constant 48 : index
    %swap3A_250 = tpu.vector_load %arg6[%swap3A_248, %swap3A_249] {strides = array<i32>} : memref<2x128xi32, #tpu.memory_space<vmem>>, vector<1x16xi32>,
    %swap3A_251 = vector.shape_cast %swap3A_250 : vector<1x16xi32> to vector<16xi32>
    %swap3A_252 = vector.shape_cast %add3A_246 : vector<16xi32> to vector<1x16xi32>
    tpu.vector_store %arg6[%swap3A_248, %swap3A_249], %swap3A_252 {strides = array<i32>} : memref<2x128xi32, #tpu.memory_space<vmem>>, vector<1x16xi32>,
    %get3A_253 = arith.constant 192 : index
    %get3A_254 = tpu.vector_load %arg5[%get3A_253] {strides = array<i32>} : memref<512xi32, #tpu.memory_space<vmem>>, vector<16xi32>,
    %get3A_255 = vector.shape_cast %get3A_254 : vector<16xi32> to vector<16xi32>
    %mul3A_256 = arith.constant 2048 : i32
    %mul3A_257 = arith.muli %select_n3A, %mul3A_256 : i32
    %add3A_258 = vector.broadcast %mul3A_257 : i32 to vector<16xi32>
    %add3A_259 = arith.addi %get3A_255, %add3A_258 : vector<16xi32>
    %swap3A_260 = arith.constant 1 : i32
    %swap3A_261 = arith.index_cast %swap3A_260 : i32 to index
    %swap3A_262 = arith.constant 64 : index
    %swap3A_263 = tpu.vector_load %arg6[%swap3A_261, %swap3A_262] {strides = array<i32>} : memref<2x128xi32, #tpu.memory_space<vmem>>, vector<1x16xi32>,
    %swap3A_264 = vector.shape_cast %swap3A_263 : vector<1x16xi32> to vector<16xi32>
    %swap3A_265 = vector.shape_cast %add3A_259 : vector<16xi32> to vector<1x16xi32>
    tpu.vector_store %arg6[%swap3A_261, %swap3A_262], %swap3A_265 {strides = array<i32>} : memref<2x128xi32, #tpu.memory_space<vmem>>, vector<1x16xi32>,
    %get3A_266 = arith.constant 208 : index
    %get3A_267 = tpu.vector_load %arg5[%get3A_266] {strides = array<i32>} : memref<512xi32, #tpu.memory_space<vmem>>, vector<16xi32>,
    %get3A_268 = vector.shape_cast %get3A_267 : vector<16xi32> to vector<16xi32>
    %mul3A_269 = arith.constant 2048 : i32
    %mul3A_270 = arith.muli %select_n3A, %mul3A_269 : i32
    %add3A_271 = vector.broadcast %mul3A_270 : i32 to vector<16xi32>
    %add3A_272 = arith.addi %get3A_268, %add3A_271 : vector<16xi32>
    %swap3A_273 = arith.constant 1 : i32
    %swap3A_274 = arith.index_cast %swap3A_273 : i32 to index
    %swap3A_275 = arith.constant 80 : index
    %swap3A_276 = tpu.vector_load %arg6[%swap3A_274, %swap3A_275] {strides = array<i32>} : memref<2x128xi32, #tpu.memory_space<vmem>>, vector<1x16xi32>,
    %swap3A_277 = vector.shape_cast %swap3A_276 : vector<1x16xi32> to vector<16xi32>
    %swap3A_278 = vector.shape_cast %add3A_272 : vector<16xi32> to vector<1x16xi32>
    tpu.vector_store %arg6[%swap3A_274, %swap3A_275], %swap3A_278 {strides = array<i32>} : memref<2x128xi32, #tpu.memory_space<vmem>>, vector<1x16xi32>,
    %get3A_279 = arith.constant 224 : index
    %get3A_280 = tpu.vector_load %arg5[%get3A_279] {strides = array<i32>} : memref<512xi32, #tpu.memory_space<vmem>>, vector<16xi32>,
    %get3A_281 = vector.shape_cast %get3A_280 : vector<16xi32> to vector<16xi32>
    %mul3A_282 = arith.constant 2048 : i32
    %mul3A_283 = arith.muli %select_n3A, %mul3A_282 : i32
    %add3A_284 = vector.broadcast %mul3A_283 : i32 to vector<16xi32>
    %add3A_285 = arith.addi %get3A_281, %add3A_284 : vector<16xi32>
    %swap3A_286 = arith.constant 1 : i32
    %swap3A_287 = arith.index_cast %swap3A_286 : i32 to index
    %swap3A_288 = arith.constant 96 : index
    %swap3A_289 = tpu.vector_load %arg6[%swap3A_287, %swap3A_288] {strides = array<i32>} : memref<2x128xi32, #tpu.memory_space<vmem>>, vector<1x16xi32>,
    %swap3A_290 = vector.shape_cast %swap3A_289 : vector<1x16xi32> to vector<16xi32>
    %swap3A_291 = vector.shape_cast %add3A_285 : vector<16xi32> to vector<1x16xi32>
    tpu.vector_store %arg6[%swap3A_287, %swap3A_288], %swap3A_291 {strides = array<i32>} : memref<2x128xi32, #tpu.memory_space<vmem>>, vector<1x16xi32>,
    %get3A_292 = arith.constant 240 : index
    %get3A_293 = tpu.vector_load %arg5[%get3A_292] {strides = array<i32>} : memref<512xi32, #tpu.memory_space<vmem>>, vector<16xi32>,
    %get3A_294 = vector.shape_cast %get3A_293 : vector<16xi32> to vector<16xi32>
    %mul3A_295 = arith.constant 2048 : i32
    %mul3A_296 = arith.muli %select_n3A, %mul3A_295 : i32
    %add3A_297 = vector.broadcast %mul3A_296 : i32 to vector<16xi32>
    %add3A_298 = arith.addi %get3A_294, %add3A_297 : vector<16xi32>
    %swap3A_299 = arith.constant 1 : i32
    %swap3A_300 = arith.index_cast %swap3A_299 : i32 to index
    %swap3A_301 = arith.constant 112 : index
    %swap3A_302 = tpu.vector_load %arg6[%swap3A_300, %swap3A_301] {strides = array<i32>} : memref<2x128xi32, #tpu.memory_space<vmem>>, vector<1x16xi32>,
    %swap3A_303 = vector.shape_cast %swap3A_302 : vector<1x16xi32> to vector<16xi32>
    %swap3A_304 = vector.shape_cast %add3A_298 : vector<16xi32> to vector<1x16xi32>
    tpu.vector_store %arg6[%swap3A_300, %swap3A_301], %swap3A_304 {strides = array<i32>} : memref<2x128xi32, #tpu.memory_space<vmem>>, vector<1x16xi32>,
    %dma_start3A_305 = arith.constant 1 : i32
    %dma_start3A_306 = arith.constant 1 : i32
    %dma_start3A_307 = arith.constant 0 : i32
    %dma_start3A_308 = arith.constant 0 : i32
    %dma_start3A_309 = tpu.memref_slice %arg7[%dma_start3A_305, %dma_start3A_307, %dma_start3A_308] : memref<2x128x384xi32, #tpu.memory_space<vmem>> -> memref<1x128x384xi32, #tpu.memory_space<vmem>>
    %dma_start3A_310 = tpu.memref_squeeze %dma_start3A_309 : memref<1x128x384xi32, #tpu.memory_space<vmem>> -> memref<128x384xi32, #tpu.memory_space<vmem>>
    %dma_start3A_311 = arith.constant 0 : i32
    %dma_start3A_312 = tpu.memref_slice %arg6[%dma_start3A_306, %dma_start3A_311] : memref<2x128xi32, #tpu.memory_space<vmem>> -> memref<1x128xi32, #tpu.memory_space<vmem>>
    %dma_start3A_313 = tpu.memref_squeeze %dma_start3A_312 : memref<1x128xi32, #tpu.memory_space<vmem>> -> memref<128xi32, #tpu.memory_space<vmem>>
    %dma_start3A_314 = arith.constant 0 : i32
    %dma_start3A_315 = arith.constant 0 : i32
    %dma_start3A_316 = tpu.memref_slice %arg4[%dma_start3A_314, %dma_start3A_315] : memref<16384x384xi32, #tpu.memory_space<hbm>> -> memref<16384x384xi32, #tpu.memory_space<hbm>>
    tpu.enqueue_indirect_dma source(%dma_start3A_310 : memref<128x384xi32, #tpu.memory_space<vmem>>) target(%dma_start3A_316 : memref<16384x384xi32, #tpu.memory_space<hbm>>) offsets(%dma_start3A_313 : memref<128xi32, #tpu.memory_space<vmem>>) semaphore(%arg9 : memref<!tpu.dma_semaphore, #tpu.memory_space<semaphore_mem>>)
    %dma_wait3A_317 = arith.constant 0 : i32
    %dma_wait3A_318 = arith.constant 0 : i32
    %dma_wait3A_319 = arith.constant 0 : i32
    %dma_wait3A_320 = arith.constant 0 : i32
    %dma_wait3A_321 = tpu.memref_slice %arg7[%dma_wait3A_317, %dma_wait3A_319, %dma_wait3A_320] : memref<2x128x384xi32, #tpu.memory_space<vmem>> -> memref<1x128x384xi32, #tpu.memory_space<vmem>>
    %dma_wait3A_322 = tpu.memref_squeeze %dma_wait3A_321 : memref<1x128x384xi32, #tpu.memory_space<vmem>> -> memref<128x384xi32, #tpu.memory_space<vmem>>
    %dma_wait3A_323 = arith.constant 0 : i32
    %dma_wait3A_324 = tpu.memref_slice %arg6[%dma_wait3A_318, %dma_wait3A_323] : memref<2x128xi32, #tpu.memory_space<vmem>> -> memref<1x128xi32, #tpu.memory_space<vmem>>
    %dma_wait3A_325 = tpu.memref_squeeze %dma_wait3A_324 : memref<1x128xi32, #tpu.memory_space<vmem>> -> memref<128xi32, #tpu.memory_space<vmem>>
    %dma_wait3A_326 = arith.constant 0 : i32
    %dma_wait3A_327 = arith.constant 0 : i32
    %dma_wait3A_328 = tpu.memref_slice %arg4[%dma_wait3A_326, %dma_wait3A_327] : memref<16384x384xi32, #tpu.memory_space<hbm>> -> memref<16384x384xi32, #tpu.memory_space<hbm>>
    tpu.wait_indirect_dma semaphore(%arg9 : memref<!tpu.dma_semaphore, #tpu.memory_space<semaphore_mem>>) src(%dma_wait3A_322 : memref<128x384xi32, #tpu.memory_space<vmem>>) dst(%dma_wait3A_328 : memref<16384x384xi32, #tpu.memory_space<hbm>>)
    %add3A_329 = arith.constant 256 : i32
    %add3A_330 = arith.addi %mul3A_32, %add3A_329 : i32
    %dma_start3A_331 = arith.constant 0 : i32
    %dma_start3A_332 = arith.constant 0 : i32
    %dma_start3A_333 = arith.constant 0 : i32
    %dma_start3A_334 = tpu.memref_slice %arg7[%dma_start3A_331, %dma_start3A_332, %dma_start3A_333] : memref<2x128x384xi32, #tpu.memory_space<vmem>> -> memref<1x128x384xi32, #tpu.memory_space<vmem>>
    %dma_start3A_335 = tpu.memref_squeeze %dma_start3A_334 : memref<1x128x384xi32, #tpu.memory_space<vmem>> -> memref<128x384xi32, #tpu.memory_space<vmem>>
    %dma_start3A_336 = arith.constant 0 : i32
    %dma_start3A_337 = tpu.memref_slice %arg2[%add3A_330, %dma_start3A_336] : memref<2048x384xi32, #tpu.memory_space<hbm>> -> memref<128x384xi32, #tpu.memory_space<hbm>>
    %dma_start3A_338 = arith.constant 0 : i32
    %dma_start3A_339 = arith.constant 0 : i32
    %dma_start3A_340 = tpu.memref_slice %arg7[%dma_start3A_331, %dma_start3A_338, %dma_start3A_339] : memref<2x128x384xi32, #tpu.memory_space<vmem>> -> memref<1x128x384xi32, #tpu.memory_space<vmem>>
    %dma_start3A_341 = tpu.memref_squeeze %dma_start3A_340 : memref<1x128x384xi32, #tpu.memory_space<vmem>> -> memref<128x384xi32, #tpu.memory_space<vmem>>
    %dma_start3A_342 = arith.constant 0 : i32
    %dma_start3A_343 = tpu.memref_slice %arg2[%add3A_330, %dma_start3A_342] : memref<2048x384xi32, #tpu.memory_space<hbm>> -> memref<128x384xi32, #tpu.memory_space<hbm>>
    tpu.enqueue_dma source(%dma_start3A_343 : memref<128x384xi32, #tpu.memory_space<hbm>>) target(%dma_start3A_341 : memref<128x384xi32, #tpu.memory_space<vmem>>) target_semaphore(%arg8 : memref<!tpu.dma_semaphore, #tpu.memory_space<semaphore_mem>>)
    %dma_wait3A_344 = arith.constant 0 : i32
    %dma_wait3A_345 = arith.constant 0 : i32
    %dma_wait3A_346 = arith.constant 0 : i32
    %dma_wait3A_347 = tpu.memref_slice %arg7[%dma_wait3A_344, %dma_wait3A_345, %dma_wait3A_346] : memref<2x128x384xi32, #tpu.memory_space<vmem>> -> memref<1x128x384xi32, #tpu.memory_space<vmem>>
    %dma_wait3A_348 = tpu.memref_squeeze %dma_wait3A_347 : memref<1x128x384xi32, #tpu.memory_space<vmem>> -> memref<128x384xi32, #tpu.memory_space<vmem>>
    %dma_wait3A_349 = arith.constant 0 : i32
    %dma_wait3A_350 = tpu.memref_slice %arg2[%add3A_330, %dma_wait3A_349] : memref<2048x384xi32, #tpu.memory_space<hbm>> -> memref<128x384xi32, #tpu.memory_space<hbm>>
    %dma_wait3A_351 = arith.constant 0 : i32
    %dma_wait3A_352 = arith.constant 0 : i32
    %dma_wait3A_353 = tpu.memref_slice %arg7[%dma_wait3A_344, %dma_wait3A_351, %dma_wait3A_352] : memref<2x128x384xi32, #tpu.memory_space<vmem>> -> memref<1x128x384xi32, #tpu.memory_space<vmem>>
    %dma_wait3A_354 = tpu.memref_squeeze %dma_wait3A_353 : memref<1x128x384xi32, #tpu.memory_space<vmem>> -> memref<128x384xi32, #tpu.memory_space<vmem>>
    %dma_wait3A_355 = arith.constant 0 : i32
    %dma_wait3A_356 = tpu.memref_slice %arg2[%add3A_330, %dma_wait3A_355] : memref<2048x384xi32, #tpu.memory_space<hbm>> -> memref<128x384xi32, #tpu.memory_space<hbm>>
    tpu.wait_dma2 semaphore(%arg8 : memref<!tpu.dma_semaphore, #tpu.memory_space<semaphore_mem>>) src(%dma_wait3A_356 : memref<128x384xi32, #tpu.memory_space<hbm>>) dst(%dma_wait3A_354 : memref<128x384xi32, #tpu.memory_space<vmem>>)
    %get3A_357 = arith.constant 256 : index
    %get3A_358 = tpu.vector_load %arg5[%get3A_357] {strides = array<i32>} : memref<512xi32, #tpu.memory_space<vmem>>, vector<16xi32>,
    %get3A_359 = vector.shape_cast %get3A_358 : vector<16xi32> to vector<16xi32>
    %mul3A_360 = arith.constant 2048 : i32
    %mul3A_361 = arith.muli %select_n3A, %mul3A_360 : i32
    %add3A_362 = vector.broadcast %mul3A_361 : i32 to vector<16xi32>
    %add3A_363 = arith.addi %get3A_359, %add3A_362 : vector<16xi32>
    %swap3A_364 = arith.constant 0 : i32
    %swap3A_365 = arith.index_cast %swap3A_364 : i32 to index
    %swap3A_366 = arith.constant 0 : index
    %swap3A_367 = tpu.vector_load %arg6[%swap3A_365, %swap3A_366] {strides = array<i32>} : memref<2x128xi32, #tpu.memory_space<vmem>>, vector<1x16xi32>,
    %swap3A_368 = vector.shape_cast %swap3A_367 : vector<1x16xi32> to vector<16xi32>
    %swap3A_369 = vector.shape_cast %add3A_363 : vector<16xi32> to vector<1x16xi32>
    tpu.vector_store %arg6[%swap3A_365, %swap3A_366], %swap3A_369 {strides = array<i32>} : memref<2x128xi32, #tpu.memory_space<vmem>>, vector<1x16xi32>,
    %get3A_370 = arith.constant 272 : index
    %get3A_371 = tpu.vector_load %arg5[%get3A_370] {strides = array<i32>} : memref<512xi32, #tpu.memory_space<vmem>>, vector<16xi32>,
    %get3A_372 = vector.shape_cast %get3A_371 : vector<16xi32> to vector<16xi32>
    %mul3A_373 = arith.constant 2048 : i32
    %mul3A_374 = arith.muli %select_n3A, %mul3A_373 : i32
    %add3A_375 = vector.broadcast %mul3A_374 : i32 to vector<16xi32>
    %add3A_376 = arith.addi %get3A_372, %add3A_375 : vector<16xi32>
    %swap3A_377 = arith.constant 0 : i32
    %swap3A_378 = arith.index_cast %swap3A_377 : i32 to index
    %swap3A_379 = arith.constant 16 : index
    %swap3A_380 = tpu.vector_load %arg6[%swap3A_378, %swap3A_379] {strides = array<i32>} : memref<2x128xi32, #tpu.memory_space<vmem>>, vector<1x16xi32>,
    %swap3A_381 = vector.shape_cast %swap3A_380 : vector<1x16xi32> to vector<16xi32>
    %swap3A_382 = vector.shape_cast %add3A_376 : vector<16xi32> to vector<1x16xi32>
    tpu.vector_store %arg6[%swap3A_378, %swap3A_379], %swap3A_382 {strides = array<i32>} : memref<2x128xi32, #tpu.memory_space<vmem>>, vector<1x16xi32>,
    %get3A_383 = arith.constant 288 : index
    %get3A_384 = tpu.vector_load %arg5[%get3A_383] {strides = array<i32>} : memref<512xi32, #tpu.memory_space<vmem>>, vector<16xi32>,
    %get3A_385 = vector.shape_cast %get3A_384 : vector<16xi32> to vector<16xi32>
    %mul3A_386 = arith.constant 2048 : i32
    %mul3A_387 = arith.muli %select_n3A, %mul3A_386 : i32
    %add3A_388 = vector.broadcast %mul3A_387 : i32 to vector<16xi32>
    %add3A_389 = arith.addi %get3A_385, %add3A_388 : vector<16xi32>
    %swap3A_390 = arith.constant 0 : i32
    %swap3A_391 = arith.index_cast %swap3A_390 : i32 to index
    %swap3A_392 = arith.constant 32 : index
    %swap3A_393 = tpu.vector_load %arg6[%swap3A_391, %swap3A_392] {strides = array<i32>} : memref<2x128xi32, #tpu.memory_space<vmem>>, vector<1x16xi32>,
    %swap3A_394 = vector.shape_cast %swap3A_393 : vector<1x16xi32> to vector<16xi32>
    %swap3A_395 = vector.shape_cast %add3A_389 : vector<16xi32> to vector<1x16xi32>
    tpu.vector_store %arg6[%swap3A_391, %swap3A_392], %swap3A_395 {strides = array<i32>} : memref<2x128xi32, #tpu.memory_space<vmem>>, vector<1x16xi32>,
    %get3A_396 = arith.constant 304 : index
    %get3A_397 = tpu.vector_load %arg5[%get3A_396] {strides = array<i32>} : memref<512xi32, #tpu.memory_space<vmem>>, vector<16xi32>,
    %get3A_398 = vector.shape_cast %get3A_397 : vector<16xi32> to vector<16xi32>
    %mul3A_399 = arith.constant 2048 : i32
    %mul3A_400 = arith.muli %select_n3A, %mul3A_399 : i32
    %add3A_401 = vector.broadcast %mul3A_400 : i32 to vector<16xi32>
    %add3A_402 = arith.addi %get3A_398, %add3A_401 : vector<16xi32>
    %swap3A_403 = arith.constant 0 : i32
    %swap3A_404 = arith.index_cast %swap3A_403 : i32 to index
    %swap3A_405 = arith.constant 48 : index
    %swap3A_406 = tpu.vector_load %arg6[%swap3A_404, %swap3A_405] {strides = array<i32>} : memref<2x128xi32, #tpu.memory_space<vmem>>, vector<1x16xi32>,
    %swap3A_407 = vector.shape_cast %swap3A_406 : vector<1x16xi32> to vector<16xi32>
    %swap3A_408 = vector.shape_cast %add3A_402 : vector<16xi32> to vector<1x16xi32>
    tpu.vector_store %arg6[%swap3A_404, %swap3A_405], %swap3A_408 {strides = array<i32>} : memref<2x128xi32, #tpu.memory_space<vmem>>, vector<1x16xi32>,
    %get3A_409 = arith.constant 320 : index
    %get3A_410 = tpu.vector_load %arg5[%get3A_409] {strides = array<i32>} : memref<512xi32, #tpu.memory_space<vmem>>, vector<16xi32>,
    %get3A_411 = vector.shape_cast %get3A_410 : vector<16xi32> to vector<16xi32>
    %mul3A_412 = arith.constant 2048 : i32
    %mul3A_413 = arith.muli %select_n3A, %mul3A_412 : i32
    %add3A_414 = vector.broadcast %mul3A_413 : i32 to vector<16xi32>
    %add3A_415 = arith.addi %get3A_411, %add3A_414 : vector<16xi32>
    %swap3A_416 = arith.constant 0 : i32
    %swap3A_417 = arith.index_cast %swap3A_416 : i32 to index
    %swap3A_418 = arith.constant 64 : index
    %swap3A_419 = tpu.vector_load %arg6[%swap3A_417, %swap3A_418] {strides = array<i32>} : memref<2x128xi32, #tpu.memory_space<vmem>>, vector<1x16xi32>,
    %swap3A_420 = vector.shape_cast %swap3A_419 : vector<1x16xi32> to vector<16xi32>
    %swap3A_421 = vector.shape_cast %add3A_415 : vector<16xi32> to vector<1x16xi32>
    tpu.vector_store %arg6[%swap3A_417, %swap3A_418], %swap3A_421 {strides = array<i32>} : memref<2x128xi32, #tpu.memory_space<vmem>>, vector<1x16xi32>,
    %get3A_422 = arith.constant 336 : index
    %get3A_423 = tpu.vector_load %arg5[%get3A_422] {strides = array<i32>} : memref<512xi32, #tpu.memory_space<vmem>>, vector<16xi32>,
    %get3A_424 = vector.shape_cast %get3A_423 : vector<16xi32> to vector<16xi32>
    %mul3A_425 = arith.constant 2048 : i32
    %mul3A_426 = arith.muli %select_n3A, %mul3A_425 : i32
    %add3A_427 = vector.broadcast %mul3A_426 : i32 to vector<16xi32>
    %add3A_428 = arith.addi %get3A_424, %add3A_427 : vector<16xi32>
    %swap3A_429 = arith.constant 0 : i32
    %swap3A_430 = arith.index_cast %swap3A_429 : i32 to index
    %swap3A_431 = arith.constant 80 : index
    %swap3A_432 = tpu.vector_load %arg6[%swap3A_430, %swap3A_431] {strides = array<i32>} : memref<2x128xi32, #tpu.memory_space<vmem>>, vector<1x16xi32>,
    %swap3A_433 = vector.shape_cast %swap3A_432 : vector<1x16xi32> to vector<16xi32>
    %swap3A_434 = vector.shape_cast %add3A_428 : vector<16xi32> to vector<1x16xi32>
    tpu.vector_store %arg6[%swap3A_430, %swap3A_431], %swap3A_434 {strides = array<i32>} : memref<2x128xi32, #tpu.memory_space<vmem>>, vector<1x16xi32>,
    %get3A_435 = arith.constant 352 : index
    %get3A_436 = tpu.vector_load %arg5[%get3A_435] {strides = array<i32>} : memref<512xi32, #tpu.memory_space<vmem>>, vector<16xi32>,
    %get3A_437 = vector.shape_cast %get3A_436 : vector<16xi32> to vector<16xi32>
    %mul3A_438 = arith.constant 2048 : i32
    %mul3A_439 = arith.muli %select_n3A, %mul3A_438 : i32
    %add3A_440 = vector.broadcast %mul3A_439 : i32 to vector<16xi32>
    %add3A_441 = arith.addi %get3A_437, %add3A_440 : vector<16xi32>
    %swap3A_442 = arith.constant 0 : i32
    %swap3A_443 = arith.index_cast %swap3A_442 : i32 to index
    %swap3A_444 = arith.constant 96 : index
    %swap3A_445 = tpu.vector_load %arg6[%swap3A_443, %swap3A_444] {strides = array<i32>} : memref<2x128xi32, #tpu.memory_space<vmem>>, vector<1x16xi32>,
    %swap3A_446 = vector.shape_cast %swap3A_445 : vector<1x16xi32> to vector<16xi32>
    %swap3A_447 = vector.shape_cast %add3A_441 : vector<16xi32> to vector<1x16xi32>
    tpu.vector_store %arg6[%swap3A_443, %swap3A_444], %swap3A_447 {strides = array<i32>} : memref<2x128xi32, #tpu.memory_space<vmem>>, vector<1x16xi32>,
    %get3A_448 = arith.constant 368 : index
    %get3A_449 = tpu.vector_load %arg5[%get3A_448] {strides = array<i32>} : memref<512xi32, #tpu.memory_space<vmem>>, vector<16xi32>,
    %get3A_450 = vector.shape_cast %get3A_449 : vector<16xi32> to vector<16xi32>
    %mul3A_451 = arith.constant 2048 : i32
    %mul3A_452 = arith.muli %select_n3A, %mul3A_451 : i32
    %add3A_453 = vector.broadcast %mul3A_452 : i32 to vector<16xi32>
    %add3A_454 = arith.addi %get3A_450, %add3A_453 : vector<16xi32>
    %swap3A_455 = arith.constant 0 : i32
    %swap3A_456 = arith.index_cast %swap3A_455 : i32 to index
    %swap3A_457 = arith.constant 112 : index
    %swap3A_458 = tpu.vector_load %arg6[%swap3A_456, %swap3A_457] {strides = array<i32>} : memref<2x128xi32, #tpu.memory_space<vmem>>, vector<1x16xi32>,
    %swap3A_459 = vector.shape_cast %swap3A_458 : vector<1x16xi32> to vector<16xi32>
    %swap3A_460 = vector.shape_cast %add3A_454 : vector<16xi32> to vector<1x16xi32>
    tpu.vector_store %arg6[%swap3A_456, %swap3A_457], %swap3A_460 {strides = array<i32>} : memref<2x128xi32, #tpu.memory_space<vmem>>, vector<1x16xi32>,
    %dma_start3A_461 = arith.constant 0 : i32
    %dma_start3A_462 = arith.constant 0 : i32
    %dma_start3A_463 = arith.constant 0 : i32
    %dma_start3A_464 = arith.constant 0 : i32
    %dma_start3A_465 = tpu.memref_slice %arg7[%dma_start3A_461, %dma_start3A_463, %dma_start3A_464] : memref<2x128x384xi32, #tpu.memory_space<vmem>> -> memref<1x128x384xi32, #tpu.memory_space<vmem>>
    %dma_start3A_466 = tpu.memref_squeeze %dma_start3A_465 : memref<1x128x384xi32, #tpu.memory_space<vmem>> -> memref<128x384xi32, #tpu.memory_space<vmem>>
    %dma_start3A_467 = arith.constant 0 : i32
    %dma_start3A_468 = tpu.memref_slice %arg6[%dma_start3A_462, %dma_start3A_467] : memref<2x128xi32, #tpu.memory_space<vmem>> -> memref<1x128xi32, #tpu.memory_space<vmem>>
    %dma_start3A_469 = tpu.memref_squeeze %dma_start3A_468 : memref<1x128xi32, #tpu.memory_space<vmem>> -> memref<128xi32, #tpu.memory_space<vmem>>
    %dma_start3A_470 = arith.constant 0 : i32
    %dma_start3A_471 = arith.constant 0 : i32
    %dma_start3A_472 = tpu.memref_slice %arg4[%dma_start3A_470, %dma_start3A_471] : memref<16384x384xi32, #tpu.memory_space<hbm>> -> memref<16384x384xi32, #tpu.memory_space<hbm>>
    tpu.enqueue_indirect_dma source(%dma_start3A_466 : memref<128x384xi32, #tpu.memory_space<vmem>>) target(%dma_start3A_472 : memref<16384x384xi32, #tpu.memory_space<hbm>>) offsets(%dma_start3A_469 : memref<128xi32, #tpu.memory_space<vmem>>) semaphore(%arg9 : memref<!tpu.dma_semaphore, #tpu.memory_space<semaphore_mem>>)
    %dma_wait3A_473 = arith.constant 1 : i32
    %dma_wait3A_474 = arith.constant 1 : i32
    %dma_wait3A_475 = arith.constant 0 : i32
    %dma_wait3A_476 = arith.constant 0 : i32
    %dma_wait3A_477 = tpu.memref_slice %arg7[%dma_wait3A_473, %dma_wait3A_475, %dma_wait3A_476] : memref<2x128x384xi32, #tpu.memory_space<vmem>> -> memref<1x128x384xi32, #tpu.memory_space<vmem>>
    %dma_wait3A_478 = tpu.memref_squeeze %dma_wait3A_477 : memref<1x128x384xi32, #tpu.memory_space<vmem>> -> memref<128x384xi32, #tpu.memory_space<vmem>>
    %dma_wait3A_479 = arith.constant 0 : i32
    %dma_wait3A_480 = tpu.memref_slice %arg6[%dma_wait3A_474, %dma_wait3A_479] : memref<2x128xi32, #tpu.memory_space<vmem>> -> memref<1x128xi32, #tpu.memory_space<vmem>>
    %dma_wait3A_481 = tpu.memref_squeeze %dma_wait3A_480 : memref<1x128xi32, #tpu.memory_space<vmem>> -> memref<128xi32, #tpu.memory_space<vmem>>
    %dma_wait3A_482 = arith.constant 0 : i32
    %dma_wait3A_483 = arith.constant 0 : i32
    %dma_wait3A_484 = tpu.memref_slice %arg4[%dma_wait3A_482, %dma_wait3A_483] : memref<16384x384xi32, #tpu.memory_space<hbm>> -> memref<16384x384xi32, #tpu.memory_space<hbm>>
    tpu.wait_indirect_dma semaphore(%arg9 : memref<!tpu.dma_semaphore, #tpu.memory_space<semaphore_mem>>) src(%dma_wait3A_478 : memref<128x384xi32, #tpu.memory_space<vmem>>) dst(%dma_wait3A_484 : memref<16384x384xi32, #tpu.memory_space<hbm>>)
    %add3A_485 = arith.constant 384 : i32
    %add3A_486 = arith.addi %mul3A_32, %add3A_485 : i32
    %dma_start3A_487 = arith.constant 1 : i32
    %dma_start3A_488 = arith.constant 0 : i32
    %dma_start3A_489 = arith.constant 0 : i32
    %dma_start3A_490 = tpu.memref_slice %arg7[%dma_start3A_487, %dma_start3A_488, %dma_start3A_489] : memref<2x128x384xi32, #tpu.memory_space<vmem>> -> memref<1x128x384xi32, #tpu.memory_space<vmem>>
    %dma_start3A_491 = tpu.memref_squeeze %dma_start3A_490 : memref<1x128x384xi32, #tpu.memory_space<vmem>> -> memref<128x384xi32, #tpu.memory_space<vmem>>
    %dma_start3A_492 = arith.constant 0 : i32
    %dma_start3A_493 = tpu.memref_slice %arg2[%add3A_486, %dma_start3A_492] : memref<2048x384xi32, #tpu.memory_space<hbm>> -> memref<128x384xi32, #tpu.memory_space<hbm>>
    %dma_start3A_494 = arith.constant 0 : i32
    %dma_start3A_495 = arith.constant 0 : i32
    %dma_start3A_496 = tpu.memref_slice %arg7[%dma_start3A_487, %dma_start3A_494, %dma_start3A_495] : memref<2x128x384xi32, #tpu.memory_space<vmem>> -> memref<1x128x384xi32, #tpu.memory_space<vmem>>
    %dma_start3A_497 = tpu.memref_squeeze %dma_start3A_496 : memref<1x128x384xi32, #tpu.memory_space<vmem>> -> memref<128x384xi32, #tpu.memory_space<vmem>>
    %dma_start3A_498 = arith.constant 0 : i32
    %dma_start3A_499 = tpu.memref_slice %arg2[%add3A_486, %dma_start3A_498] : memref<2048x384xi32, #tpu.memory_space<hbm>> -> memref<128x384xi32, #tpu.memory_space<hbm>>
    tpu.enqueue_dma source(%dma_start3A_499 : memref<128x384xi32, #tpu.memory_space<hbm>>) target(%dma_start3A_497 : memref<128x384xi32, #tpu.memory_space<vmem>>) target_semaphore(%arg8 : memref<!tpu.dma_semaphore, #tpu.memory_space<semaphore_mem>>)
    %dma_wait3A_500 = arith.constant 1 : i32
    %dma_wait3A_501 = arith.constant 0 : i32
    %dma_wait3A_502 = arith.constant 0 : i32
    %dma_wait3A_503 = tpu.memref_slice %arg7[%dma_wait3A_500, %dma_wait3A_501, %dma_wait3A_502] : memref<2x128x384xi32, #tpu.memory_space<vmem>> -> memref<1x128x384xi32, #tpu.memory_space<vmem>>
    %dma_wait3A_504 = tpu.memref_squeeze %dma_wait3A_503 : memref<1x128x384xi32, #tpu.memory_space<vmem>> -> memref<128x384xi32, #tpu.memory_space<vmem>>
    %dma_wait3A_505 = arith.constant 0 : i32
    %dma_wait3A_506 = tpu.memref_slice %arg2[%add3A_486, %dma_wait3A_505] : memref<2048x384xi32, #tpu.memory_space<hbm>> -> memref<128x384xi32, #tpu.memory_space<hbm>>
    %dma_wait3A_507 = arith.constant 0 : i32
    %dma_wait3A_508 = arith.constant 0 : i32
    %dma_wait3A_509 = tpu.memref_slice %arg7[%dma_wait3A_500, %dma_wait3A_507, %dma_wait3A_508] : memref<2x128x384xi32, #tpu.memory_space<vmem>> -> memref<1x128x384xi32, #tpu.memory_space<vmem>>
    %dma_wait3A_510 = tpu.memref_squeeze %dma_wait3A_509 : memref<1x128x384xi32, #tpu.memory_space<vmem>> -> memref<128x384xi32, #tpu.memory_space<vmem>>
    %dma_wait3A_511 = arith.constant 0 : i32
    %dma_wait3A_512 = tpu.memref_slice %arg2[%add3A_486, %dma_wait3A_511] : memref<2048x384xi32, #tpu.memory_space<hbm>> -> memref<128x384xi32, #tpu.memory_space<hbm>>
    tpu.wait_dma2 semaphore(%arg8 : memref<!tpu.dma_semaphore, #tpu.memory_space<semaphore_mem>>) src(%dma_wait3A_512 : memref<128x384xi32, #tpu.memory_space<hbm>>) dst(%dma_wait3A_510 : memref<128x384xi32, #tpu.memory_space<vmem>>)
    %get3A_513 = arith.constant 384 : index
    %get3A_514 = tpu.vector_load %arg5[%get3A_513] {strides = array<i32>} : memref<512xi32, #tpu.memory_space<vmem>>, vector<16xi32>,
    %get3A_515 = vector.shape_cast %get3A_514 : vector<16xi32> to vector<16xi32>
    %mul3A_516 = arith.constant 2048 : i32
    %mul3A_517 = arith.muli %select_n3A, %mul3A_516 : i32
    %add3A_518 = vector.broadcast %mul3A_517 : i32 to vector<16xi32>
    %add3A_519 = arith.addi %get3A_515, %add3A_518 : vector<16xi32>
    %swap3A_520 = arith.constant 1 : i32
    %swap3A_521 = arith.index_cast %swap3A_520 : i32 to index
    %swap3A_522 = arith.constant 0 : index
    %swap3A_523 = tpu.vector_load %arg6[%swap3A_521, %swap3A_522] {strides = array<i32>} : memref<2x128xi32, #tpu.memory_space<vmem>>, vector<1x16xi32>,
    %swap3A_524 = vector.shape_cast %swap3A_523 : vector<1x16xi32> to vector<16xi32>
    %swap3A_525 = vector.shape_cast %add3A_519 : vector<16xi32> to vector<1x16xi32>
    tpu.vector_store %arg6[%swap3A_521, %swap3A_522], %swap3A_525 {strides = array<i32>} : memref<2x128xi32, #tpu.memory_space<vmem>>, vector<1x16xi32>,
    %get3A_526 = arith.constant 400 : index
    %get3A_527 = tpu.vector_load %arg5[%get3A_526] {strides = array<i32>} : memref<512xi32, #tpu.memory_space<vmem>>, vector<16xi32>,
    %get3A_528 = vector.shape_cast %get3A_527 : vector<16xi32> to vector<16xi32>
    %mul3A_529 = arith.constant 2048 : i32
    %mul3A_530 = arith.muli %select_n3A, %mul3A_529 : i32
    %add3A_531 = vector.broadcast %mul3A_530 : i32 to vector<16xi32>
    %add3A_532 = arith.addi %get3A_528, %add3A_531 : vector<16xi32>
    %swap3A_533 = arith.constant 1 : i32
    %swap3A_534 = arith.index_cast %swap3A_533 : i32 to index
    %swap3A_535 = arith.constant 16 : index
    %swap3A_536 = tpu.vector_load %arg6[%swap3A_534, %swap3A_535] {strides = array<i32>} : memref<2x128xi32, #tpu.memory_space<vmem>>, vector<1x16xi32>,
    %swap3A_537 = vector.shape_cast %swap3A_536 : vector<1x16xi32> to vector<16xi32>
    %swap3A_538 = vector.shape_cast %add3A_532 : vector<16xi32> to vector<1x16xi32>
    tpu.vector_store %arg6[%swap3A_534, %swap3A_535], %swap3A_538 {strides = array<i32>} : memref<2x128xi32, #tpu.memory_space<vmem>>, vector<1x16xi32>,
    %get3A_539 = arith.constant 416 : index
    %get3A_540 = tpu.vector_load %arg5[%get3A_539] {strides = array<i32>} : memref<512xi32, #tpu.memory_space<vmem>>, vector<16xi32>,
    %get3A_541 = vector.shape_cast %get3A_540 : vector<16xi32> to vector<16xi32>
    %mul3A_542 = arith.constant 2048 : i32
    %mul3A_543 = arith.muli %select_n3A, %mul3A_542 : i32
    %add3A_544 = vector.broadcast %mul3A_543 : i32 to vector<16xi32>
    %add3A_545 = arith.addi %get3A_541, %add3A_544 : vector<16xi32>
    %swap3A_546 = arith.constant 1 : i32
    %swap3A_547 = arith.index_cast %swap3A_546 : i32 to index
    %swap3A_548 = arith.constant 32 : index
    %swap3A_549 = tpu.vector_load %arg6[%swap3A_547, %swap3A_548] {strides = array<i32>} : memref<2x128xi32, #tpu.memory_space<vmem>>, vector<1x16xi32>,
    %swap3A_550 = vector.shape_cast %swap3A_549 : vector<1x16xi32> to vector<16xi32>
    %swap3A_551 = vector.shape_cast %add3A_545 : vector<16xi32> to vector<1x16xi32>
    tpu.vector_store %arg6[%swap3A_547, %swap3A_548], %swap3A_551 {strides = array<i32>} : memref<2x128xi32, #tpu.memory_space<vmem>>, vector<1x16xi32>,
    %get3A_552 = arith.constant 432 : index
    %get3A_553 = tpu.vector_load %arg5[%get3A_552] {strides = array<i32>} : memref<512xi32, #tpu.memory_space<vmem>>, vector<16xi32>,
    %get3A_554 = vector.shape_cast %get3A_553 : vector<16xi32> to vector<16xi32>
    %mul3A_555 = arith.constant 2048 : i32
    %mul3A_556 = arith.muli %select_n3A, %mul3A_555 : i32
    %add3A_557 = vector.broadcast %mul3A_556 : i32 to vector<16xi32>
    %add3A_558 = arith.addi %get3A_554, %add3A_557 : vector<16xi32>
    %swap3A_559 = arith.constant 1 : i32
    %swap3A_560 = arith.index_cast %swap3A_559 : i32 to index
    %swap3A_561 = arith.constant 48 : index
    %swap3A_562 = tpu.vector_load %arg6[%swap3A_560, %swap3A_561] {strides = array<i32>} : memref<2x128xi32, #tpu.memory_space<vmem>>, vector<1x16xi32>,
    %swap3A_563 = vector.shape_cast %swap3A_562 : vector<1x16xi32> to vector<16xi32>
    %swap3A_564 = vector.shape_cast %add3A_558 : vector<16xi32> to vector<1x16xi32>
    tpu.vector_store %arg6[%swap3A_560, %swap3A_561], %swap3A_564 {strides = array<i32>} : memref<2x128xi32, #tpu.memory_space<vmem>>, vector<1x16xi32>,
    %get3A_565 = arith.constant 448 : index
    %get3A_566 = tpu.vector_load %arg5[%get3A_565] {strides = array<i32>} : memref<512xi32, #tpu.memory_space<vmem>>, vector<16xi32>,
    %get3A_567 = vector.shape_cast %get3A_566 : vector<16xi32> to vector<16xi32>
    %mul3A_568 = arith.constant 2048 : i32
    %mul3A_569 = arith.muli %select_n3A, %mul3A_568 : i32
    %add3A_570 = vector.broadcast %mul3A_569 : i32 to vector<16xi32>
    %add3A_571 = arith.addi %get3A_567, %add3A_570 : vector<16xi32>
    %swap3A_572 = arith.constant 1 : i32
    %swap3A_573 = arith.index_cast %swap3A_572 : i32 to index
    %swap3A_574 = arith.constant 64 : index
    %swap3A_575 = tpu.vector_load %arg6[%swap3A_573, %swap3A_574] {strides = array<i32>} : memref<2x128xi32, #tpu.memory_space<vmem>>, vector<1x16xi32>,
    %swap3A_576 = vector.shape_cast %swap3A_575 : vector<1x16xi32> to vector<16xi32>
    %swap3A_577 = vector.shape_cast %add3A_571 : vector<16xi32> to vector<1x16xi32>
    tpu.vector_store %arg6[%swap3A_573, %swap3A_574], %swap3A_577 {strides = array<i32>} : memref<2x128xi32, #tpu.memory_space<vmem>>, vector<1x16xi32>,
    %get3A_578 = arith.constant 464 : index
    %get3A_579 = tpu.vector_load %arg5[%get3A_578] {strides = array<i32>} : memref<512xi32, #tpu.memory_space<vmem>>, vector<16xi32>,
    %get3A_580 = vector.shape_cast %get3A_579 : vector<16xi32> to vector<16xi32>
    %mul3A_581 = arith.constant 2048 : i32
    %mul3A_582 = arith.muli %select_n3A, %mul3A_581 : i32
    %add3A_583 = vector.broadcast %mul3A_582 : i32 to vector<16xi32>
    %add3A_584 = arith.addi %get3A_580, %add3A_583 : vector<16xi32>
    %swap3A_585 = arith.constant 1 : i32
    %swap3A_586 = arith.index_cast %swap3A_585 : i32 to index
    %swap3A_587 = arith.constant 80 : index
    %swap3A_588 = tpu.vector_load %arg6[%swap3A_586, %swap3A_587] {strides = array<i32>} : memref<2x128xi32, #tpu.memory_space<vmem>>, vector<1x16xi32>,
    %swap3A_589 = vector.shape_cast %swap3A_588 : vector<1x16xi32> to vector<16xi32>
    %swap3A_590 = vector.shape_cast %add3A_584 : vector<16xi32> to vector<1x16xi32>
    tpu.vector_store %arg6[%swap3A_586, %swap3A_587], %swap3A_590 {strides = array<i32>} : memref<2x128xi32, #tpu.memory_space<vmem>>, vector<1x16xi32>,
    %get3A_591 = arith.constant 480 : index
    %get3A_592 = tpu.vector_load %arg5[%get3A_591] {strides = array<i32>} : memref<512xi32, #tpu.memory_space<vmem>>, vector<16xi32>,
    %get3A_593 = vector.shape_cast %get3A_592 : vector<16xi32> to vector<16xi32>
    %mul3A_594 = arith.constant 2048 : i32
    %mul3A_595 = arith.muli %select_n3A, %mul3A_594 : i32
    %add3A_596 = vector.broadcast %mul3A_595 : i32 to vector<16xi32>
    %add3A_597 = arith.addi %get3A_593, %add3A_596 : vector<16xi32>
    %swap3A_598 = arith.constant 1 : i32
    %swap3A_599 = arith.index_cast %swap3A_598 : i32 to index
    %swap3A_600 = arith.constant 96 : index
    %swap3A_601 = tpu.vector_load %arg6[%swap3A_599, %swap3A_600] {strides = array<i32>} : memref<2x128xi32, #tpu.memory_space<vmem>>, vector<1x16xi32>,
    %swap3A_602 = vector.shape_cast %swap3A_601 : vector<1x16xi32> to vector<16xi32>
    %swap3A_603 = vector.shape_cast %add3A_597 : vector<16xi32> to vector<1x16xi32>
    tpu.vector_store %arg6[%swap3A_599, %swap3A_600], %swap3A_603 {strides = array<i32>} : memref<2x128xi32, #tpu.memory_space<vmem>>, vector<1x16xi32>,
    %get3A_604 = arith.constant 496 : index
    %get3A_605 = tpu.vector_load %arg5[%get3A_604] {strides = array<i32>} : memref<512xi32, #tpu.memory_space<vmem>>, vector<16xi32>,
    %get3A_606 = vector.shape_cast %get3A_605 : vector<16xi32> to vector<16xi32>
    %mul3A_607 = arith.constant 2048 : i32
    %mul3A_608 = arith.muli %select_n3A, %mul3A_607 : i32
    %add3A_609 = vector.broadcast %mul3A_608 : i32 to vector<16xi32>
    %add3A_610 = arith.addi %get3A_606, %add3A_609 : vector<16xi32>
    %swap3A_611 = arith.constant 1 : i32
    %swap3A_612 = arith.index_cast %swap3A_611 : i32 to index
    %swap3A_613 = arith.constant 112 : index
    %swap3A_614 = tpu.vector_load %arg6[%swap3A_612, %swap3A_613] {strides = array<i32>} : memref<2x128xi32, #tpu.memory_space<vmem>>, vector<1x16xi32>,
    %swap3A_615 = vector.shape_cast %swap3A_614 : vector<1x16xi32> to vector<16xi32>
    %swap3A_616 = vector.shape_cast %add3A_610 : vector<16xi32> to vector<1x16xi32>
    tpu.vector_store %arg6[%swap3A_612, %swap3A_613], %swap3A_616 {strides = array<i32>} : memref<2x128xi32, #tpu.memory_space<vmem>>, vector<1x16xi32>,
    %dma_start3A_617 = arith.constant 1 : i32
    %dma_start3A_618 = arith.constant 1 : i32
    %dma_start3A_619 = arith.constant 0 : i32
    %dma_start3A_620 = arith.constant 0 : i32
    %dma_start3A_621 = tpu.memref_slice %arg7[%dma_start3A_617, %dma_start3A_619, %dma_start3A_620] : memref<2x128x384xi32, #tpu.memory_space<vmem>> -> memref<1x128x384xi32, #tpu.memory_space<vmem>>
    %dma_start3A_622 = tpu.memref_squeeze %dma_start3A_621 : memref<1x128x384xi32, #tpu.memory_space<vmem>> -> memref<128x384xi32, #tpu.memory_space<vmem>>
    %dma_start3A_623 = arith.constant 0 : i32
    %dma_start3A_624 = tpu.memref_slice %arg6[%dma_start3A_618, %dma_start3A_623] : memref<2x128xi32, #tpu.memory_space<vmem>> -> memref<1x128xi32, #tpu.memory_space<vmem>>
    %dma_start3A_625 = tpu.memref_squeeze %dma_start3A_624 : memref<1x128xi32, #tpu.memory_space<vmem>> -> memref<128xi32, #tpu.memory_space<vmem>>
    %dma_start3A_626 = arith.constant 0 : i32
    %dma_start3A_627 = arith.constant 0 : i32
    %dma_start3A_628 = tpu.memref_slice %arg4[%dma_start3A_626, %dma_start3A_627] : memref<16384x384xi32, #tpu.memory_space<hbm>> -> memref<16384x384xi32, #tpu.memory_space<hbm>>
    tpu.enqueue_indirect_dma source(%dma_start3A_622 : memref<128x384xi32, #tpu.memory_space<vmem>>) target(%dma_start3A_628 : memref<16384x384xi32, #tpu.memory_space<hbm>>) offsets(%dma_start3A_625 : memref<128xi32, #tpu.memory_space<vmem>>) semaphore(%arg9 : memref<!tpu.dma_semaphore, #tpu.memory_space<semaphore_mem>>)
    %dma_wait3A_629 = arith.constant 0 : i32
    %dma_wait3A_630 = arith.constant 0 : i32
    %dma_wait3A_631 = arith.constant 0 : i32
    %dma_wait3A_632 = arith.constant 0 : i32
    %dma_wait3A_633 = tpu.memref_slice %arg7[%dma_wait3A_629, %dma_wait3A_631, %dma_wait3A_632] : memref<2x128x384xi32, #tpu.memory_space<vmem>> -> memref<1x128x384xi32, #tpu.memory_space<vmem>>
    %dma_wait3A_634 = tpu.memref_squeeze %dma_wait3A_633 : memref<1x128x384xi32, #tpu.memory_space<vmem>> -> memref<128x384xi32, #tpu.memory_space<vmem>>
    %dma_wait3A_635 = arith.constant 0 : i32
    %dma_wait3A_636 = tpu.memref_slice %arg6[%dma_wait3A_630, %dma_wait3A_635] : memref<2x128xi32, #tpu.memory_space<vmem>> -> memref<1x128xi32, #tpu.memory_space<vmem>>
    %dma_wait3A_637 = tpu.memref_squeeze %dma_wait3A_636 : memref<1x128xi32, #tpu.memory_space<vmem>> -> memref<128xi32, #tpu.memory_space<vmem>>
    %dma_wait3A_638 = arith.constant 0 : i32
    %dma_wait3A_639 = arith.constant 0 : i32
    %dma_wait3A_640 = tpu.memref_slice %arg4[%dma_wait3A_638, %dma_wait3A_639] : memref<16384x384xi32, #tpu.memory_space<hbm>> -> memref<16384x384xi32, #tpu.memory_space<hbm>>
    tpu.wait_indirect_dma semaphore(%arg9 : memref<!tpu.dma_semaphore, #tpu.memory_space<semaphore_mem>>) src(%dma_wait3A_634 : memref<128x384xi32, #tpu.memory_space<vmem>>) dst(%dma_wait3A_640 : memref<16384x384xi32, #tpu.memory_space<hbm>>)
    %dma_wait3A_641 = arith.constant 1 : i32
    %dma_wait3A_642 = arith.constant 1 : i32
    %dma_wait3A_643 = arith.constant 0 : i32
    %dma_wait3A_644 = arith.constant 0 : i32
    %dma_wait3A_645 = tpu.memref_slice %arg7[%dma_wait3A_641, %dma_wait3A_643, %dma_wait3A_644] : memref<2x128x384xi32, #tpu.memory_space<vmem>> -> memref<1x128x384xi32, #tpu.memory_space<vmem>>
    %dma_wait3A_646 = tpu.memref_squeeze %dma_wait3A_645 : memref<1x128x384xi32, #tpu.memory_space<vmem>> -> memref<128x384xi32, #tpu.memory_space<vmem>>
    %dma_wait3A_647 = arith.constant 0 : i32
    %dma_wait3A_648 = tpu.memref_slice %arg6[%dma_wait3A_642, %dma_wait3A_647] : memref<2x128xi32, #tpu.memory_space<vmem>> -> memref<1x128xi32, #tpu.memory_space<vmem>>
    %dma_wait3A_649 = tpu.memref_squeeze %dma_wait3A_648 : memref<1x128xi32, #tpu.memory_space<vmem>> -> memref<128xi32, #tpu.memory_space<vmem>>
    %dma_wait3A_650 = arith.constant 0 : i32
    %dma_wait3A_651 = arith.constant 0 : i32
    %dma_wait3A_652 = tpu.memref_slice %arg4[%dma_wait3A_650, %dma_wait3A_651] : memref<16384x384xi32, #tpu.memory_space<hbm>> -> memref<16384x384xi32, #tpu.memory_space<hbm>>
    tpu.wait_indirect_dma semaphore(%arg9 : memref<!tpu.dma_semaphore, #tpu.memory_space<semaphore_mem>>) src(%dma_wait3A_646 : memref<128x384xi32, #tpu.memory_space<vmem>>) dst(%dma_wait3A_652 : memref<16384x384xi32, #tpu.memory_space<hbm>>)
    return
  }
}

module attributes {stable_mosaic.version = 14 : i64} {
  func.func @_router_body(%arg0: memref<2048x768xf32, #tpu.memory_space<vmem>>, %arg1: memref<768x8xf32, #tpu.memory_space<vmem>>, %arg2: memref<1x8xf32, #tpu.memory_space<vmem>>, %arg3: memref<2048x8xf32, #tpu.memory_space<vmem>>, %arg4: memref<2048x8xf32, #tpu.memory_space<vmem>>, %arg5: memref<2048x8xf32, #tpu.memory_space<vmem>>, %arg6: memref<2048x1xi32, #tpu.memory_space<vmem>>) attributes {dimension_semantics = [], scalar_prefetch = 0 : i64, scratch_operands = 0 : i64, tpu.core_type = #tpu.core_type<tc>} {
    %get3A = arith.constant 0 : index
    %get3A_0 = arith.constant 0 : index
    %get3A_1 = vector.load %arg0[%get3A, %get3A_0] : memref<2048x768xf32, #tpu.memory_space<vmem>>, vector<2048x768xf32>
    %get3A_2 = arith.constant 0 : index
    %get3A_3 = arith.constant 0 : index
    %get3A_4 = vector.load %arg1[%get3A_2, %get3A_3] : memref<768x8xf32, #tpu.memory_space<vmem>>, vector<768x8xf32>
    %get3A_5 = arith.constant 0 : index
    %get3A_6 = arith.constant 0 : index
    %get3A_7 = vector.load %arg2[%get3A_5, %get3A_6] : memref<1x8xf32, #tpu.memory_space<vmem>>, vector<1x8xf32>
    %mul3A = arith.mulf %get3A_4, %get3A_4 : vector<768x8xf32>
    %reduce_sum3A = arith.constant dense<0.000000e+00> : vector<8xf32>
    %reduce_sum3A_8 = vector.multi_reduction <add>, %mul3A, %reduce_sum3A [0] : vector<768x8xf32> to vector<8xf32>
    %broadcast_in_dim3A = vector.shape_cast %reduce_sum3A_8 : vector<8xf32> to vector<1x8xf32>
    %sqrt3A = math.sqrt %broadcast_in_dim3A : vector<1x8xf32>
    %max3A = arith.constant 9.99999996E-13 : f32
    %max3A_9 = vector.broadcast %max3A : f32 to vector<1x8xf32>
    %max3A_10 = arith.maximumf %sqrt3A, %max3A_9 : vector<1x8xf32>
    %div3A = vector.broadcast %max3A_10 : vector<1x8xf32> to vector<768x8xf32>
    %div3A_11 = arith.divf %get3A_4, %div3A : vector<768x8xf32>
    %mul3A_12 = arith.mulf %get3A_1, %get3A_1 : vector<2048x768xf32>
    %reduce_sum3A_13 = arith.constant dense<0.000000e+00> : vector<2048xf32>
    %reduce_sum3A_14 = vector.multi_reduction <add>, %mul3A_12, %reduce_sum3A_13 [1] : vector<2048x768xf32> to vector<2048xf32>
    %broadcast_in_dim3A_15 = vector.shape_cast %reduce_sum3A_14 : vector<2048xf32> to vector<2048x1xf32>
    %sqrt3A_16 = math.sqrt %broadcast_in_dim3A_15 : vector<2048x1xf32>
    %max3A_17 = arith.constant 9.99999996E-13 : f32
    %max3A_18 = vector.broadcast %max3A_17 : f32 to vector<2048x1xf32>
    %max3A_19 = arith.maximumf %sqrt3A_16, %max3A_18 : vector<2048x1xf32>
    %div3A_20 = vector.broadcast %max3A_19 : vector<2048x1xf32> to vector<2048x768xf32>
    %div3A_21 = arith.divf %get3A_1, %div3A_20 : vector<2048x768xf32>
    %convert_element_type3A = arith.truncf %div3A_21 : vector<2048x768xf32> to vector<2048x768xbf16>
    %convert_element_type3A_22 = arith.truncf %div3A_11 : vector<768x8xf32> to vector<768x8xbf16>
    %dot_general3A = arith.constant dense<0.000000e+00> : vector<2048x8xf32>
    %dot_general3A_23 = tpu.matmul %convert_element_type3A, %convert_element_type3A_22, %dot_general3A {dimension_numbers = #tpu.dot_dimension_numbers<[1], [0], [0], [1], [0, 0, 1, 1], [], []>, transpose_lhs_hint = false} : vector<2048x768xbf16>, vector<768x8xbf16>, vector<2048x8xf32> -> vector<2048x8xf32>
    %logistic3A = arith.negf %get3A_7 : vector<1x8xf32>
    %logistic3A_24 = math.exp %logistic3A : vector<1x8xf32>
    %logistic3A_25 = arith.constant 1.000000e+00 : f32
    %logistic3A_26 = vector.broadcast %logistic3A_25 : f32 to vector<1x8xf32>
    %logistic3A_27 = arith.addf %logistic3A_26, %logistic3A_24 : vector<1x8xf32>
    %logistic3A_28 = arith.divf %logistic3A_26, %logistic3A_27 : vector<1x8xf32>
    %sub3A = vector.broadcast %logistic3A_28 : vector<1x8xf32> to vector<2048x8xf32>
    %sub3A_29 = arith.subf %dot_general3A_23, %sub3A : vector<2048x8xf32>
    %max3A_30 = arith.constant 0.000000e+00 : f32
    %max3A_31 = vector.broadcast %max3A_30 : f32 to vector<2048x8xf32>
    %max3A_32 = arith.maximumf %sub3A_29, %max3A_31 : vector<2048x8xf32>
    %gt3A = arith.constant 0.000000e+00 : f32
    %gt3A_33 = vector.broadcast %gt3A : f32 to vector<2048x8xf32>
    %gt3A_34 = arith.cmpf ogt, %max3A_32, %gt3A_33 : vector<2048x8xf32>
    %convert_element_type3A_35 = arith.extui %gt3A_34 : vector<2048x8xi1> to vector<2048x8xi32>
    %convert_element_type3A_36 = arith.sitofp %convert_element_type3A_35 : vector<2048x8xi32> to vector<2048x8xf32>
    %reduce_sum3A_37 = arith.constant dense<0.000000e+00> : vector<2048xf32>
    %reduce_sum3A_38 = vector.multi_reduction <add>, %convert_element_type3A_36, %reduce_sum3A_37 [1] : vector<2048x8xf32> to vector<2048xf32>
    %broadcast_in_dim3A_39 = vector.shape_cast %reduce_sum3A_38 : vector<2048xf32> to vector<2048x1xf32>
    %reduce_max3A = arith.constant dense<0xFF800000> : vector<2048xf32>
    %reduce_max3A_40 = vector.multi_reduction <maximumf>, %dot_general3A_23, %reduce_max3A [1] : vector<2048x8xf32> to vector<2048xf32>
    %broadcast_in_dim3A_41 = vector.shape_cast %reduce_max3A_40 : vector<2048xf32> to vector<2048x1xf32>
    %iota3A = tpu.iota {dimensions = array<i32: 1>} : vector<2048x8xi32>
    %eq3A = vector.broadcast %broadcast_in_dim3A_41 : vector<2048x1xf32> to vector<2048x8xf32>
    %eq3A_42 = arith.cmpf oeq, %dot_general3A_23, %eq3A : vector<2048x8xf32>
    %jit3A = arith.constant 8 : i32
    %broadcast_in_dim3A_43 = vector.broadcast %jit3A : i32 to vector<2048x8xi32>
    %select_n3A = arith.select %eq3A_42, %iota3A, %broadcast_in_dim3A_43 : vector<2048x8xi1>, vector<2048x8xi32>
    %reduce_min3A = arith.constant dense<2147483647> : vector<2048xi32>
    %reduce_min3A_44 = vector.multi_reduction <minsi>, %select_n3A, %reduce_min3A [1] : vector<2048x8xi32> to vector<2048xi32>
    %broadcast_in_dim3A_45 = vector.shape_cast %reduce_min3A_44 : vector<2048xi32> to vector<2048x1xi32>
    %eq3A_46 = vector.broadcast %broadcast_in_dim3A_45 : vector<2048x1xi32> to vector<2048x8xi32>
    %eq3A_47 = arith.cmpi eq, %iota3A, %eq3A_46 : vector<2048x8xi32>
    %convert_element_type3A_48 = arith.extui %eq3A_47 : vector<2048x8xi1> to vector<2048x8xi32>
    %convert_element_type3A_49 = arith.sitofp %convert_element_type3A_48 : vector<2048x8xi32> to vector<2048x8xf32>
    %eq3A_50 = arith.constant 0.000000e+00 : f32
    %eq3A_51 = vector.broadcast %eq3A_50 : f32 to vector<2048x1xf32>
    %eq3A_52 = arith.cmpf oeq, %broadcast_in_dim3A_39, %eq3A_51 : vector<2048x1xf32>
    %broadcast_in_dim3A_53 = vector.shape_cast %eq3A_52 : vector<2048x1xi1> to vector<2048x1xi1>
    %broadcast_in_dim3A_54 = vector.broadcast %broadcast_in_dim3A_53 : vector<2048x1xi1> to vector<2048x8xi1>
    %select_n3A_55 = arith.select %broadcast_in_dim3A_54, %convert_element_type3A_49, %convert_element_type3A_36 : vector<2048x8xi1>, vector<2048x8xf32>
    %gt3A_56 = arith.constant 0.000000e+00 : f32
    %gt3A_57 = vector.broadcast %gt3A_56 : f32 to vector<2048x8xf32>
    %gt3A_58 = arith.cmpf ogt, %select_n3A_55, %gt3A_57 : vector<2048x8xf32>
    %jit3A_59 = arith.constant -1.000000e+09 : f32
    %broadcast_in_dim3A_60 = vector.broadcast %jit3A_59 : f32 to vector<2048x8xf32>
    %select_n3A_61 = arith.select %gt3A_58, %max3A_32, %broadcast_in_dim3A_60 : vector<2048x8xi1>, vector<2048x8xf32>
    %reduce_max3A_62 = arith.constant dense<0xFF800000> : vector<2048xf32>
    %reduce_max3A_63 = vector.multi_reduction <maximumf>, %select_n3A_61, %reduce_max3A_62 [1] : vector<2048x8xf32> to vector<2048xf32>
    %broadcast_in_dim3A_64 = vector.shape_cast %reduce_max3A_63 : vector<2048xf32> to vector<2048x1xf32>
    %sub3A_65 = vector.broadcast %broadcast_in_dim3A_64 : vector<2048x1xf32> to vector<2048x8xf32>
    %sub3A_66 = arith.subf %select_n3A_61, %sub3A_65 : vector<2048x8xf32>
    %exp3A = math.exp %sub3A_66 : vector<2048x8xf32>
    %reduce_sum3A_67 = arith.constant dense<0.000000e+00> : vector<2048xf32>
    %reduce_sum3A_68 = vector.multi_reduction <add>, %exp3A, %reduce_sum3A_67 [1] : vector<2048x8xf32> to vector<2048xf32>
    %broadcast_in_dim3A_69 = vector.shape_cast %reduce_sum3A_68 : vector<2048xf32> to vector<2048x1xf32>
    %div3A_70 = vector.broadcast %broadcast_in_dim3A_69 : vector<2048x1xf32> to vector<2048x8xf32>
    %div3A_71 = arith.divf %exp3A, %div3A_70 : vector<2048x8xf32>
    %swap3A = arith.constant 0 : index
    %swap3A_72 = arith.constant 0 : index
    %swap3A_73 = vector.load %arg3[%swap3A, %swap3A_72] : memref<2048x8xf32, #tpu.memory_space<vmem>>, vector<2048x8xf32>
    tpu.vector_store %arg3[%swap3A, %swap3A_72], %dot_general3A_23 {strides = array<i32>} : memref<2048x8xf32, #tpu.memory_space<vmem>>, vector<2048x8xf32>,
    %swap3A_74 = arith.constant 0 : index
    %swap3A_75 = arith.constant 0 : index
    %swap3A_76 = vector.load %arg4[%swap3A_74, %swap3A_75] : memref<2048x8xf32, #tpu.memory_space<vmem>>, vector<2048x8xf32>
    tpu.vector_store %arg4[%swap3A_74, %swap3A_75], %select_n3A_55 {strides = array<i32>} : memref<2048x8xf32, #tpu.memory_space<vmem>>, vector<2048x8xf32>,
    %swap3A_77 = arith.constant 0 : index
    %swap3A_78 = arith.constant 0 : index
    %swap3A_79 = vector.load %arg5[%swap3A_77, %swap3A_78] : memref<2048x8xf32, #tpu.memory_space<vmem>>, vector<2048x8xf32>
    tpu.vector_store %arg5[%swap3A_77, %swap3A_78], %div3A_71 {strides = array<i32>} : memref<2048x8xf32, #tpu.memory_space<vmem>>, vector<2048x8xf32>,
    %iota3A_80 = tpu.iota {dimensions = array<i32: 1>} : vector<1x8xi32>
    %shift_left3A = arith.constant 1 : i32
    %shift_left3A_81 = vector.broadcast %shift_left3A : i32 to vector<1x8xi32>
    %shift_left3A_82 = arith.shli %shift_left3A_81, %iota3A_80 : vector<1x8xi32>
    %convert_element_type3A_83 = arith.sitofp %shift_left3A_82 : vector<1x8xi32> to vector<1x8xf32>
    %mul3A_84 = vector.broadcast %convert_element_type3A_83 : vector<1x8xf32> to vector<2048x8xf32>
    %mul3A_85 = arith.mulf %select_n3A_55, %mul3A_84 : vector<2048x8xf32>
    %reduce_sum3A_86 = arith.constant dense<0.000000e+00> : vector<2048xf32>
    %reduce_sum3A_87 = vector.multi_reduction <add>, %mul3A_85, %reduce_sum3A_86 [1] : vector<2048x8xf32> to vector<2048xf32>
    %broadcast_in_dim3A_88 = vector.shape_cast %reduce_sum3A_87 : vector<2048xf32> to vector<2048x1xf32>
    %convert_element_type3A_89 = arith.fptosi %broadcast_in_dim3A_88 : vector<2048x1xf32> to vector<2048x1xi32>
    %swap3A_90 = arith.constant 0 : index
    %swap3A_91 = arith.constant 0 : index
    %swap3A_92 = vector.load %arg6[%swap3A_90, %swap3A_91] : memref<2048x1xi32, #tpu.memory_space<vmem>>, vector<2048x1xi32>
    tpu.vector_store %arg6[%swap3A_90, %swap3A_91], %convert_element_type3A_89 {strides = array<i32>} : memref<2048x1xi32, #tpu.memory_space<vmem>>, vector<2048x1xi32>,
    return
  }
}

module attributes {stable_mosaic.version = 14 : i64} {
  func.func @_expert_body(%arg0: i32, %arg1: i32, %arg2: memref<8xi32, #tpu.memory_space<smem>>, %arg3: memref<256x768xbf16, #tpu.memory_space<vmem>>, %arg4: memref<1x3072x768xbf16, #tpu.memory_space<vmem>>, %arg5: memref<1x768x3072xbf16, #tpu.memory_space<vmem>>, %arg6: memref<256x768xf32, #tpu.memory_space<vmem>>) attributes {dimension_semantics = [#tpu.dimension_semantics<arbitrary>, #tpu.dimension_semantics<arbitrary>], iteration_bounds = array<i64: 8, 8>, scalar_prefetch = 1 : i64, scratch_operands = 0 : i64, tpu.core_type = #tpu.core_type<tc>, window_params = [{transform_indices = @transform_0, window_bounds = array<i64: 256, 768>}, {transform_indices = @transform_1, window_bounds = array<i64: 1, 3072, 768>}, {transform_indices = @transform_2, window_bounds = array<i64: 1, 768, 3072>}, {transform_indices = @transform_3, window_bounds = array<i64: 256, 768>}]} {
    %get3A = arith.index_cast %arg0 : i32 to index
    %get3A_0 = memref.load %arg2[%get3A] : memref<8xi32, #tpu.memory_space<smem>>
    %add3A = arith.constant 256 : i32
    %add3A_1 = arith.addi %get3A_0, %add3A : i32
    %sub3A = arith.constant 1 : i32
    %sub3A_2 = arith.subi %add3A_1, %sub3A : i32
    %jit3A = arith.constant 256 : i32
    %div3A = arith.divsi %sub3A_2, %jit3A : i32
    %sign3A = arith.constant 0 : i32
    %sign3A_3 = arith.cmpi sgt, %sub3A_2, %sign3A : i32
    %sign3A_4 = arith.extui %sign3A_3 : i1 to i32
    %sign3A_5 = arith.constant 0 : i32
    %sign3A_6 = arith.cmpi slt, %sub3A_2, %sign3A_5 : i32
    %sign3A_7 = arith.extui %sign3A_6 : i1 to i32
    %sign3A_8 = arith.subi %sign3A_4, %sign3A_7 : i32
    %sign3A_9 = arith.constant 0 : i32
    %sign3A_10 = arith.cmpi sgt, %jit3A, %sign3A_9 : i32
    %sign3A_11 = arith.extui %sign3A_10 : i1 to i32
    %sign3A_12 = arith.constant 0 : i32
    %sign3A_13 = arith.cmpi slt, %jit3A, %sign3A_12 : i32
    %sign3A_14 = arith.extui %sign3A_13 : i1 to i32
    %sign3A_15 = arith.subi %sign3A_11, %sign3A_14 : i32
    %ne3A = arith.cmpi ne, %sign3A_8, %sign3A_15 : i32
    %rem3A = arith.remsi %sub3A_2, %jit3A : i32
    %ne3A_16 = arith.constant 0 : i32
    %ne3A_17 = arith.cmpi ne, %rem3A, %ne3A_16 : i32
    %and3A = arith.andi %ne3A, %ne3A_17 : i1
    %sub3A_18 = arith.constant 1 : i32
    %sub3A_19 = arith.subi %div3A, %sub3A_18 : i32
    %select_n3A = arith.select %and3A, %sub3A_19, %div3A : i32
    %lt3A = arith.cmpi slt, %arg1, %select_n3A : i32
    %convert_element_type3A = arith.extui %lt3A : i1 to i32
    %cond3A = arith.constant 0 : i32
    %cond3A_20 = arith.cmpi ne, %convert_element_type3A, %cond3A : i32
    scf.if %cond3A_20 {
      %get3A_24 = arith.constant 0 : index
      %get3A_25 = arith.constant 0 : index
      %get3A_26 = vector.load %arg3[%get3A_24, %get3A_25] : memref<256x768xbf16, #tpu.memory_space<vmem>>, vector<256x768xbf16>
      %get3A_27 = arith.constant 0 : index
      %get3A_28 = arith.constant 0 : index
      %get3A_29 = arith.constant 0 : index
      %get3A_30 = vector.load %arg4[%get3A_27, %get3A_28, %get3A_29] : memref<1x3072x768xbf16, #tpu.memory_space<vmem>>, vector<1x3072x768xbf16>
      %get3A_31 = vector.shape_cast %get3A_30 : vector<1x3072x768xbf16> to vector<3072x768xbf16>
      %dot_general3A = arith.constant dense<0.000000e+00> : vector<256x3072xf32>
      %dot_general3A_32 = tpu.matmul %get3A_26, %get3A_31, %dot_general3A {dimension_numbers = #tpu.dot_dimension_numbers<[1], [1], [0], [0], [0, 0, 1, 0], [], []>, transpose_lhs_hint = false} : vector<256x768xbf16>, vector<3072x768xbf16>, vector<256x3072xf32> -> vector<256x3072xf32>
      %mul3A = arith.constant 5.000000e-01 : f32
      %mul3A_33 = vector.broadcast %mul3A : f32 to vector<256x3072xf32>
      %mul3A_34 = arith.mulf %mul3A_33, %dot_general3A_32 : vector<256x3072xf32>
      %mul3A_35 = arith.constant 0.707106769 : f32
      %mul3A_36 = vector.broadcast %mul3A_35 : f32 to vector<256x3072xf32>
      %mul3A_37 = arith.mulf %dot_general3A_32, %mul3A_36 : vector<256x3072xf32>
      %erf3A = math.erf %mul3A_37 : vector<256x3072xf32>
      %add3A_38 = arith.constant 1.000000e+00 : f32
      %add3A_39 = vector.broadcast %add3A_38 : f32 to vector<256x3072xf32>
      %add3A_40 = arith.addf %add3A_39, %erf3A : vector<256x3072xf32>
      %mul3A_41 = arith.mulf %mul3A_34, %add3A_40 : vector<256x3072xf32>
      %get3A_42 = arith.constant 0 : index
      %get3A_43 = arith.constant 0 : index
      %get3A_44 = arith.constant 0 : index
      %get3A_45 = vector.load %arg5[%get3A_42, %get3A_43, %get3A_44] : memref<1x768x3072xbf16, #tpu.memory_space<vmem>>, vector<1x768x3072xbf16>
      %get3A_46 = vector.shape_cast %get3A_45 : vector<1x768x3072xbf16> to vector<768x3072xbf16>
      %convert_element_type3A_47 = arith.truncf %mul3A_41 : vector<256x3072xf32> to vector<256x3072xbf16>
      %dot_general3A_48 = arith.constant dense<0.000000e+00> : vector<256x768xf32>
      %dot_general3A_49 = tpu.matmul %convert_element_type3A_47, %get3A_46, %dot_general3A_48 {dimension_numbers = #tpu.dot_dimension_numbers<[1], [1], [0], [0], [0, 0, 1, 0], [], []>, transpose_lhs_hint = false} : vector<256x3072xbf16>, vector<768x3072xbf16>, vector<256x768xf32> -> vector<256x768xf32>
      %mul3A_50 = arith.constant 256 : i32
      %mul3A_51 = arith.muli %arg1, %mul3A_50 : i32
      %iota3A = tpu.iota {dimensions = array<i32: 0>} : vector<256x1xi32>
      %add3A_52 = vector.broadcast %mul3A_51 : i32 to vector<256x1xi32>
      %add3A_53 = arith.addi %add3A_52, %iota3A : vector<256x1xi32>
      %lt3A_54 = vector.broadcast %get3A_0 : i32 to vector<256x1xi32>
      %lt3A_55 = arith.cmpi slt, %add3A_53, %lt3A_54 : vector<256x1xi32>
      %jit3A_56 = arith.constant 0.000000e+00 : f32
      %broadcast_in_dim3A = vector.shape_cast %lt3A_55 : vector<256x1xi1> to vector<256x1xi1>
      %broadcast_in_dim3A_57 = vector.broadcast %broadcast_in_dim3A : vector<256x1xi1> to vector<256x768xi1>
      %broadcast_in_dim3A_58 = vector.broadcast %jit3A_56 : f32 to vector<256x768xf32>
      %select_n3A_59 = arith.select %broadcast_in_dim3A_57, %dot_general3A_49, %broadcast_in_dim3A_58 : vector<256x768xi1>, vector<256x768xf32>
      %swap3A = arith.constant 0 : index
      %swap3A_60 = arith.constant 0 : index
      %swap3A_61 = vector.load %arg6[%swap3A, %swap3A_60] : memref<256x768xf32, #tpu.memory_space<vmem>>, vector<256x768xf32>
      tpu.vector_store %arg6[%swap3A, %swap3A_60], %select_n3A_59 {strides = array<i32>} : memref<256x768xf32, #tpu.memory_space<vmem>>, vector<256x768xf32>,
    } else {
    }
    %ge3A = arith.cmpi sge, %arg1, %select_n3A : i32
    %convert_element_type3A_21 = arith.extui %ge3A : i1 to i32
    %cond3A_22 = arith.constant 0 : i32
    %cond3A_23 = arith.cmpi ne, %convert_element_type3A_21, %cond3A_22 : i32
    scf.if %cond3A_23 {
      %broadcast_in_dim3A = arith.constant 0.000000e+00 : f32
      %broadcast_in_dim3A_24 = vector.broadcast %broadcast_in_dim3A : f32 to vector<256x768xf32>
      %swap3A = arith.constant 0 : index
      %swap3A_25 = arith.constant 0 : index
      %swap3A_26 = vector.load %arg6[%swap3A, %swap3A_25] : memref<256x768xf32, #tpu.memory_space<vmem>>, vector<256x768xf32>
      tpu.vector_store %arg6[%swap3A, %swap3A_25], %broadcast_in_dim3A_24 {strides = array<i32>} : memref<256x768xf32, #tpu.memory_space<vmem>>, vector<256x768xf32>,
    } else {
    }
    return
  }
  func.func @transform_0(%arg0: i32, %arg1: i32, %arg2: memref<8xi32, #tpu.memory_space<smem>>) -> (i32, i32) {
    %get3A = arith.index_cast %arg0 : i32 to index
    %get3A_0 = memref.load %arg2[%get3A] : memref<8xi32, #tpu.memory_space<smem>>
    %add3A = arith.constant 256 : i32
    %add3A_1 = arith.addi %get3A_0, %add3A : i32
    %sub3A = arith.constant 1 : i32
    %sub3A_2 = arith.subi %add3A_1, %sub3A : i32
    %jit3A = arith.constant 256 : i32
    %div3A = arith.divsi %sub3A_2, %jit3A : i32
    %sign3A = arith.constant 0 : i32
    %sign3A_3 = arith.cmpi sgt, %sub3A_2, %sign3A : i32
    %sign3A_4 = arith.extui %sign3A_3 : i1 to i32
    %sign3A_5 = arith.constant 0 : i32
    %sign3A_6 = arith.cmpi slt, %sub3A_2, %sign3A_5 : i32
    %sign3A_7 = arith.extui %sign3A_6 : i1 to i32
    %sign3A_8 = arith.subi %sign3A_4, %sign3A_7 : i32
    %sign3A_9 = arith.constant 0 : i32
    %sign3A_10 = arith.cmpi sgt, %jit3A, %sign3A_9 : i32
    %sign3A_11 = arith.extui %sign3A_10 : i1 to i32
    %sign3A_12 = arith.constant 0 : i32
    %sign3A_13 = arith.cmpi slt, %jit3A, %sign3A_12 : i32
    %sign3A_14 = arith.extui %sign3A_13 : i1 to i32
    %sign3A_15 = arith.subi %sign3A_11, %sign3A_14 : i32
    %ne3A = arith.cmpi ne, %sign3A_8, %sign3A_15 : i32
    %rem3A = arith.remsi %sub3A_2, %jit3A : i32
    %ne3A_16 = arith.constant 0 : i32
    %ne3A_17 = arith.cmpi ne, %rem3A, %ne3A_16 : i32
    %and3A = arith.andi %ne3A, %ne3A_17 : i1
    %sub3A_18 = arith.constant 1 : i32
    %sub3A_19 = arith.subi %div3A, %sub3A_18 : i32
    %select_n3A = arith.select %and3A, %sub3A_19, %div3A : i32
    %mul3A = arith.constant 8 : i32
    %mul3A_20 = arith.muli %arg0, %mul3A : i32
    %sub3A_21 = arith.constant 1 : i32
    %sub3A_22 = arith.subi %select_n3A, %sub3A_21 : i32
    %max3A = arith.constant 0 : i32
    %max3A_23 = arith.maxsi %sub3A_22, %max3A : i32
    %min3A = arith.minsi %arg1, %max3A_23 : i32
    %add3A_24 = arith.addi %mul3A_20, %min3A : i32
    %c0_i32 = arith.constant 0 : i32
    %c0_i32_25 = arith.constant 0 : i32
    return %add3A_24, %c0_i32 : i32, i32
  }
  func.func @transform_1(%arg0: i32, %arg1: i32, %arg2: memref<8xi32, #tpu.memory_space<smem>>) -> (i32, i32, i32) {
    %c0_i32 = arith.constant 0 : i32
    %c0_i32_0 = arith.constant 0 : i32
    %c0_i32_1 = arith.constant 0 : i32
    return %arg0, %c0_i32, %c0_i32_0 : i32, i32, i32
  }
  func.func @transform_2(%arg0: i32, %arg1: i32, %arg2: memref<8xi32, #tpu.memory_space<smem>>) -> (i32, i32, i32) {
    %c0_i32 = arith.constant 0 : i32
    %c0_i32_0 = arith.constant 0 : i32
    %c0_i32_1 = arith.constant 0 : i32
    return %arg0, %c0_i32, %c0_i32_0 : i32, i32, i32
  }
  func.func @transform_3(%arg0: i32, %arg1: i32, %arg2: memref<8xi32, #tpu.memory_space<smem>>) -> (i32, i32) {
    %mul3A = arith.constant 8 : i32
    %mul3A_0 = arith.muli %arg0, %mul3A : i32
    %add3A = arith.addi %mul3A_0, %arg1 : i32
    %c0_i32 = arith.constant 0 : i32
    %c0_i32_1 = arith.constant 0 : i32
    return %add3A, %c0_i32 : i32, i32
  }
}

module attributes {stable_mosaic.version = 14 : i64} {
  func.func @_combine_body(%arg0: i32, %arg1: memref<2048x768xf32, #tpu.memory_space<vmem>>, %arg2: memref<256x8xf32, #tpu.memory_space<vmem>>, %arg3: memref<256x768xf32, #tpu.memory_space<vmem>>) attributes {dimension_semantics = [#tpu.dimension_semantics<arbitrary>], iteration_bounds = array<i64: 8>, scalar_prefetch = 0 : i64, scratch_operands = 0 : i64, tpu.core_type = #tpu.core_type<tc>, window_params = [{transform_indices = @transform_0, window_bounds = array<i64: 2048, 768>}, {transform_indices = @transform_1, window_bounds = array<i64: 256, 8>}, {transform_indices = @transform_2, window_bounds = array<i64: 256, 768>}]} {
    %get3A = arith.constant 0 : index
    %get3A_0 = arith.constant 0 : index
    %get3A_1 = vector.load %arg1[%get3A, %get3A_0] : memref<2048x768xf32, #tpu.memory_space<vmem>>, vector<2048x768xf32>
    %reshape3A = vector.shape_cast %get3A_1 : vector<2048x768xf32> to vector<256x8x768xf32>
    %get3A_2 = arith.constant 0 : index
    %get3A_3 = arith.constant 0 : index
    %get3A_4 = vector.load %arg2[%get3A_2, %get3A_3] : memref<256x8xf32, #tpu.memory_space<vmem>>, vector<256x8xf32>
    %broadcast_in_dim3A = arith.constant 0.000000e+00 : f32
    %broadcast_in_dim3A_5 = vector.broadcast %broadcast_in_dim3A : f32 to vector<256x768xf32>
    %iota3A = tpu.iota {dimensions = array<i32: 0>} : vector<8x1xi32>
    %eq3A = arith.constant 0 : i32
    %eq3A_6 = vector.broadcast %eq3A : i32 to vector<8x1xi32>
    %eq3A_7 = arith.cmpi eq, %iota3A, %eq3A_6 : vector<8x1xi32>
    %convert_element_type3A = arith.extui %eq3A_7 : vector<8x1xi1> to vector<8x1xi32>
    %convert_element_type3A_8 = arith.sitofp %convert_element_type3A : vector<8x1xi32> to vector<8x1xf32>
    %dot_general3A = arith.constant dense<0.000000e+00> : vector<256x1xf32>
    %dot_general3A_9 = tpu.matmul %get3A_4, %convert_element_type3A_8, %dot_general3A {dimension_numbers = #tpu.dot_dimension_numbers<[1], [0], [0], [1], [0, 0, 1, 1], [], []>, transpose_lhs_hint = false} : vector<256x8xf32>, vector<8x1xf32>, vector<256x1xf32> -> vector<256x1xf32>
    %slice3A = vector.extract_strided_slice %reshape3A {offsets = [0, 0, 0], sizes = [256, 1, 768], strides = [1, 1, 1]} : vector<256x8x768xf32> to vector<256x1x768xf32>
    %squeeze3A = vector.shape_cast %slice3A : vector<256x1x768xf32> to vector<256x768xf32>
    %mul3A = vector.broadcast %dot_general3A_9 : vector<256x1xf32> to vector<256x768xf32>
    %mul3A_10 = arith.mulf %mul3A, %squeeze3A : vector<256x768xf32>
    %add3A = arith.addf %broadcast_in_dim3A_5, %mul3A_10 : vector<256x768xf32>
    %iota3A_11 = tpu.iota {dimensions = array<i32: 0>} : vector<8x1xi32>
    %eq3A_12 = arith.constant 1 : i32
    %eq3A_13 = vector.broadcast %eq3A_12 : i32 to vector<8x1xi32>
    %eq3A_14 = arith.cmpi eq, %iota3A_11, %eq3A_13 : vector<8x1xi32>
    %convert_element_type3A_15 = arith.extui %eq3A_14 : vector<8x1xi1> to vector<8x1xi32>
    %convert_element_type3A_16 = arith.sitofp %convert_element_type3A_15 : vector<8x1xi32> to vector<8x1xf32>
    %dot_general3A_17 = arith.constant dense<0.000000e+00> : vector<256x1xf32>
    %dot_general3A_18 = tpu.matmul %get3A_4, %convert_element_type3A_16, %dot_general3A_17 {dimension_numbers = #tpu.dot_dimension_numbers<[1], [0], [0], [1], [0, 0, 1, 1], [], []>, transpose_lhs_hint = false} : vector<256x8xf32>, vector<8x1xf32>, vector<256x1xf32> -> vector<256x1xf32>
    %slice3A_19 = vector.extract_strided_slice %reshape3A {offsets = [0, 1, 0], sizes = [256, 1, 768], strides = [1, 1, 1]} : vector<256x8x768xf32> to vector<256x1x768xf32>
    %squeeze3A_20 = vector.shape_cast %slice3A_19 : vector<256x1x768xf32> to vector<256x768xf32>
    %mul3A_21 = vector.broadcast %dot_general3A_18 : vector<256x1xf32> to vector<256x768xf32>
    %mul3A_22 = arith.mulf %mul3A_21, %squeeze3A_20 : vector<256x768xf32>
    %add3A_23 = arith.addf %add3A, %mul3A_22 : vector<256x768xf32>
    %iota3A_24 = tpu.iota {dimensions = array<i32: 0>} : vector<8x1xi32>
    %eq3A_25 = arith.constant 2 : i32
    %eq3A_26 = vector.broadcast %eq3A_25 : i32 to vector<8x1xi32>
    %eq3A_27 = arith.cmpi eq, %iota3A_24, %eq3A_26 : vector<8x1xi32>
    %convert_element_type3A_28 = arith.extui %eq3A_27 : vector<8x1xi1> to vector<8x1xi32>
    %convert_element_type3A_29 = arith.sitofp %convert_element_type3A_28 : vector<8x1xi32> to vector<8x1xf32>
    %dot_general3A_30 = arith.constant dense<0.000000e+00> : vector<256x1xf32>
    %dot_general3A_31 = tpu.matmul %get3A_4, %convert_element_type3A_29, %dot_general3A_30 {dimension_numbers = #tpu.dot_dimension_numbers<[1], [0], [0], [1], [0, 0, 1, 1], [], []>, transpose_lhs_hint = false} : vector<256x8xf32>, vector<8x1xf32>, vector<256x1xf32> -> vector<256x1xf32>
    %slice3A_32 = vector.extract_strided_slice %reshape3A {offsets = [0, 2, 0], sizes = [256, 1, 768], strides = [1, 1, 1]} : vector<256x8x768xf32> to vector<256x1x768xf32>
    %squeeze3A_33 = vector.shape_cast %slice3A_32 : vector<256x1x768xf32> to vector<256x768xf32>
    %mul3A_34 = vector.broadcast %dot_general3A_31 : vector<256x1xf32> to vector<256x768xf32>
    %mul3A_35 = arith.mulf %mul3A_34, %squeeze3A_33 : vector<256x768xf32>
    %add3A_36 = arith.addf %add3A_23, %mul3A_35 : vector<256x768xf32>
    %iota3A_37 = tpu.iota {dimensions = array<i32: 0>} : vector<8x1xi32>
    %eq3A_38 = arith.constant 3 : i32
    %eq3A_39 = vector.broadcast %eq3A_38 : i32 to vector<8x1xi32>
    %eq3A_40 = arith.cmpi eq, %iota3A_37, %eq3A_39 : vector<8x1xi32>
    %convert_element_type3A_41 = arith.extui %eq3A_40 : vector<8x1xi1> to vector<8x1xi32>
    %convert_element_type3A_42 = arith.sitofp %convert_element_type3A_41 : vector<8x1xi32> to vector<8x1xf32>
    %dot_general3A_43 = arith.constant dense<0.000000e+00> : vector<256x1xf32>
    %dot_general3A_44 = tpu.matmul %get3A_4, %convert_element_type3A_42, %dot_general3A_43 {dimension_numbers = #tpu.dot_dimension_numbers<[1], [0], [0], [1], [0, 0, 1, 1], [], []>, transpose_lhs_hint = false} : vector<256x8xf32>, vector<8x1xf32>, vector<256x1xf32> -> vector<256x1xf32>
    %slice3A_45 = vector.extract_strided_slice %reshape3A {offsets = [0, 3, 0], sizes = [256, 1, 768], strides = [1, 1, 1]} : vector<256x8x768xf32> to vector<256x1x768xf32>
    %squeeze3A_46 = vector.shape_cast %slice3A_45 : vector<256x1x768xf32> to vector<256x768xf32>
    %mul3A_47 = vector.broadcast %dot_general3A_44 : vector<256x1xf32> to vector<256x768xf32>
    %mul3A_48 = arith.mulf %mul3A_47, %squeeze3A_46 : vector<256x768xf32>
    %add3A_49 = arith.addf %add3A_36, %mul3A_48 : vector<256x768xf32>
    %iota3A_50 = tpu.iota {dimensions = array<i32: 0>} : vector<8x1xi32>
    %eq3A_51 = arith.constant 4 : i32
    %eq3A_52 = vector.broadcast %eq3A_51 : i32 to vector<8x1xi32>
    %eq3A_53 = arith.cmpi eq, %iota3A_50, %eq3A_52 : vector<8x1xi32>
    %convert_element_type3A_54 = arith.extui %eq3A_53 : vector<8x1xi1> to vector<8x1xi32>
    %convert_element_type3A_55 = arith.sitofp %convert_element_type3A_54 : vector<8x1xi32> to vector<8x1xf32>
    %dot_general3A_56 = arith.constant dense<0.000000e+00> : vector<256x1xf32>
    %dot_general3A_57 = tpu.matmul %get3A_4, %convert_element_type3A_55, %dot_general3A_56 {dimension_numbers = #tpu.dot_dimension_numbers<[1], [0], [0], [1], [0, 0, 1, 1], [], []>, transpose_lhs_hint = false} : vector<256x8xf32>, vector<8x1xf32>, vector<256x1xf32> -> vector<256x1xf32>
    %slice3A_58 = vector.extract_strided_slice %reshape3A {offsets = [0, 4, 0], sizes = [256, 1, 768], strides = [1, 1, 1]} : vector<256x8x768xf32> to vector<256x1x768xf32>
    %squeeze3A_59 = vector.shape_cast %slice3A_58 : vector<256x1x768xf32> to vector<256x768xf32>
    %mul3A_60 = vector.broadcast %dot_general3A_57 : vector<256x1xf32> to vector<256x768xf32>
    %mul3A_61 = arith.mulf %mul3A_60, %squeeze3A_59 : vector<256x768xf32>
    %add3A_62 = arith.addf %add3A_49, %mul3A_61 : vector<256x768xf32>
    %iota3A_63 = tpu.iota {dimensions = array<i32: 0>} : vector<8x1xi32>
    %eq3A_64 = arith.constant 5 : i32
    %eq3A_65 = vector.broadcast %eq3A_64 : i32 to vector<8x1xi32>
    %eq3A_66 = arith.cmpi eq, %iota3A_63, %eq3A_65 : vector<8x1xi32>
    %convert_element_type3A_67 = arith.extui %eq3A_66 : vector<8x1xi1> to vector<8x1xi32>
    %convert_element_type3A_68 = arith.sitofp %convert_element_type3A_67 : vector<8x1xi32> to vector<8x1xf32>
    %dot_general3A_69 = arith.constant dense<0.000000e+00> : vector<256x1xf32>
    %dot_general3A_70 = tpu.matmul %get3A_4, %convert_element_type3A_68, %dot_general3A_69 {dimension_numbers = #tpu.dot_dimension_numbers<[1], [0], [0], [1], [0, 0, 1, 1], [], []>, transpose_lhs_hint = false} : vector<256x8xf32>, vector<8x1xf32>, vector<256x1xf32> -> vector<256x1xf32>
    %slice3A_71 = vector.extract_strided_slice %reshape3A {offsets = [0, 5, 0], sizes = [256, 1, 768], strides = [1, 1, 1]} : vector<256x8x768xf32> to vector<256x1x768xf32>
    %squeeze3A_72 = vector.shape_cast %slice3A_71 : vector<256x1x768xf32> to vector<256x768xf32>
    %mul3A_73 = vector.broadcast %dot_general3A_70 : vector<256x1xf32> to vector<256x768xf32>
    %mul3A_74 = arith.mulf %mul3A_73, %squeeze3A_72 : vector<256x768xf32>
    %add3A_75 = arith.addf %add3A_62, %mul3A_74 : vector<256x768xf32>
    %iota3A_76 = tpu.iota {dimensions = array<i32: 0>} : vector<8x1xi32>
    %eq3A_77 = arith.constant 6 : i32
    %eq3A_78 = vector.broadcast %eq3A_77 : i32 to vector<8x1xi32>
    %eq3A_79 = arith.cmpi eq, %iota3A_76, %eq3A_78 : vector<8x1xi32>
    %convert_element_type3A_80 = arith.extui %eq3A_79 : vector<8x1xi1> to vector<8x1xi32>
    %convert_element_type3A_81 = arith.sitofp %convert_element_type3A_80 : vector<8x1xi32> to vector<8x1xf32>
    %dot_general3A_82 = arith.constant dense<0.000000e+00> : vector<256x1xf32>
    %dot_general3A_83 = tpu.matmul %get3A_4, %convert_element_type3A_81, %dot_general3A_82 {dimension_numbers = #tpu.dot_dimension_numbers<[1], [0], [0], [1], [0, 0, 1, 1], [], []>, transpose_lhs_hint = false} : vector<256x8xf32>, vector<8x1xf32>, vector<256x1xf32> -> vector<256x1xf32>
    %slice3A_84 = vector.extract_strided_slice %reshape3A {offsets = [0, 6, 0], sizes = [256, 1, 768], strides = [1, 1, 1]} : vector<256x8x768xf32> to vector<256x1x768xf32>
    %squeeze3A_85 = vector.shape_cast %slice3A_84 : vector<256x1x768xf32> to vector<256x768xf32>
    %mul3A_86 = vector.broadcast %dot_general3A_83 : vector<256x1xf32> to vector<256x768xf32>
    %mul3A_87 = arith.mulf %mul3A_86, %squeeze3A_85 : vector<256x768xf32>
    %add3A_88 = arith.addf %add3A_75, %mul3A_87 : vector<256x768xf32>
    %iota3A_89 = tpu.iota {dimensions = array<i32: 0>} : vector<8x1xi32>
    %eq3A_90 = arith.constant 7 : i32
    %eq3A_91 = vector.broadcast %eq3A_90 : i32 to vector<8x1xi32>
    %eq3A_92 = arith.cmpi eq, %iota3A_89, %eq3A_91 : vector<8x1xi32>
    %convert_element_type3A_93 = arith.extui %eq3A_92 : vector<8x1xi1> to vector<8x1xi32>
    %convert_element_type3A_94 = arith.sitofp %convert_element_type3A_93 : vector<8x1xi32> to vector<8x1xf32>
    %dot_general3A_95 = arith.constant dense<0.000000e+00> : vector<256x1xf32>
    %dot_general3A_96 = tpu.matmul %get3A_4, %convert_element_type3A_94, %dot_general3A_95 {dimension_numbers = #tpu.dot_dimension_numbers<[1], [0], [0], [1], [0, 0, 1, 1], [], []>, transpose_lhs_hint = false} : vector<256x8xf32>, vector<8x1xf32>, vector<256x1xf32> -> vector<256x1xf32>
    %slice3A_97 = vector.extract_strided_slice %reshape3A {offsets = [0, 7, 0], sizes = [256, 1, 768], strides = [1, 1, 1]} : vector<256x8x768xf32> to vector<256x1x768xf32>
    %squeeze3A_98 = vector.shape_cast %slice3A_97 : vector<256x1x768xf32> to vector<256x768xf32>
    %mul3A_99 = vector.broadcast %dot_general3A_96 : vector<256x1xf32> to vector<256x768xf32>
    %mul3A_100 = arith.mulf %mul3A_99, %squeeze3A_98 : vector<256x768xf32>
    %add3A_101 = arith.addf %add3A_88, %mul3A_100 : vector<256x768xf32>
    %swap3A = arith.constant 0 : index
    %swap3A_102 = arith.constant 0 : index
    %swap3A_103 = vector.load %arg3[%swap3A, %swap3A_102] : memref<256x768xf32, #tpu.memory_space<vmem>>, vector<256x768xf32>
    tpu.vector_store %arg3[%swap3A, %swap3A_102], %add3A_101 {strides = array<i32>} : memref<256x768xf32, #tpu.memory_space<vmem>>, vector<256x768xf32>,
    return
  }
  func.func @transform_0(%arg0: i32) -> (i32, i32) {
    %c0_i32 = arith.constant 0 : i32
    %c0_i32_0 = arith.constant 0 : i32
    return %arg0, %c0_i32 : i32, i32
  }
  func.func @transform_1(%arg0: i32) -> (i32, i32) {
    %c0_i32 = arith.constant 0 : i32
    %c0_i32_0 = arith.constant 0 : i32
    return %arg0, %c0_i32 : i32, i32
  }
  func.func @transform_2(%arg0: i32) -> (i32, i32) {
    %c0_i32 = arith.constant 0 : i32
    %c0_i32_0 = arith.constant 0 : i32
    return %arg0, %c0_i32 : i32, i32
  }
}

</mosaic_0001>

<sc_bundles>
// kernel: kernel.11.cloned.1.call-start
scs
__scs_entry_jumppad:
0x0: {  	(pc) =	sbr.rel $0x88, $3  }
0x1: {  	(tag) =	ssettag $0x0;
	lr =	simm.s32 $0x1  }
0x2: {  	[smem:$0x3F9C] =	sst lr;
	_ =	strace $0xD0000000  }
0x3: {  	_ = 	snop  }
0x4: {  	_ = 	snop  }
0x5: {  	_ = 	snop  }
0x6: {  	_ = 	snop  }
0x7: {  	_ = 	snop  }
__scs_overlays_trampoline_lowered:
0x8: {  	[smem:$0x3FAB] =	sst s0  }
0x9: {  	[smem:$0x3FAC] =	sst s1  }
0xa: {  	[smem:$0x3FAD] =	sst s2  }
0xb: {  	[smem:$0x3FAE] =	sst s3  }
0xc: {  	[smem:$0x3FAF] =	sst s4  }
0xd: {  	[smem:$0x3FB0] =	sst s5  }
0xe: {  	[smem:$0x3FB1] =	sst s6  }
0xf: {  	[smem:$0x3FB2] =	sst s7  }
0x10: {  	[smem:$0x3FB3] =	sst s8  }
0x11: {  	[smem:$0x3FB4] =	sst s9;
	s0 =	simm.s32 @!p0 $0x0  }
0x12: {  	s1 =	sld [smem:$0x3F9A];
	s0 =	simm.s32 @p0 $0x1  }
0x13: {  	[smem:$0x3FB5] =	sst s0;
	s0 =	simm.s32 @!p1 $0x0  }
0x14: {  	s2 =	sld [smem:$0x3F99];
	s0 =	simm.s32 @p1 $0x1  }
0x15: {  	[smem:$0x3FB6] =	sst s0;
	s0 =	simm.s32 @!p2 $0x0  }
0x16: {  	s3 =	sld [smem:$0x3FDB];
	s0 =	simm.s32 @p2 $0x1  }
0x17: {  	s4 =	simm.s32 $0x1BF5;
	[smem:$0x3FB8] =	sst s0  }
0x18: {  	s0 =	sld [smem:$0x3F9B];
	_ =	swait.ge [sflag:s4], $0x0  }
0x19: {  	s7 =	sld [smem:$0x3F9C]  }
0x1a: {  	s8 =	sadd.s32 $0xFFFFE003, lr  }
0x1b: {  	s9 =	sadd.s32 $0xFFFFFEF7, lr;
	s5 =	simm.s32 $0xFFFFFFFF;
	p2 =	slt.u32 s8, $0xFFFFF086  }
0x1c: {  	p1 =	slt.u32 s9, $0xF7A;
	s5 =	simm.s32 @!p2 $0x0  }
0x1d: {  	s5 =	simm.s32 @p1 $0x1;
	p0 =	seq.s32 s7, s2  }
0x1e: {  	s7 =	smul.u32 @!p0 $0xF7A, s2;
	p2 =	seq.s32 @!p0 s5, $0x0  }
0x1f: {  	s9 =	smul.u32 $0xF7A, s1;
	s8 =	simm.s32 @!p0 $0x1BF5;
	p2 =	por !p2, p0  }
0x20: {  	[sflag:s8] =	ssyncset.s32 @!p0 $0xFFFFF086;
	s6 =	sadd.s32 @!p0 s3, s7;
	s7 =	simm.s32 @!p0 $0x108  }
0x21: {  	s3 =	sadd.s32 s3, s9;
	s6 =	sadd.s32 @!p0 $0x88, s6;
	s7 =	simm.s32 @p2 $0x1082  }
0x22: {  	[simem:s7], [sflag:s8] =	dma.local @!p0 [hbm:s6], $0xF7A  }
0x23: {  	s9 =	sor.u32 $0xD0000000, s2;
	s6 =	simm.s32 $0x108;
	_ =	swait.ge @!p0 [sflag:s8], $0x0  }
0x24: {  	s3 =	sadd.s32 $0x88, s3;
	s6 =	simm.s32 @!p1 $0x1082;
	[sflag:s4] =	ssyncset.s32 $0xFFFFF086  }
0x25: {  	[simem:s6], [sflag:s4] =	dma.local [hbm:s3], $0xF7A  }
0x26: {  	[smem:$0x3F9C] =	sst s1;
	(tag) =	ssettag s2;
	_ =	strace s9  }
0x27: {  	s1 =	sld [smem:$0x3FAC]  }
0x28: {  	s2 =	sld [smem:$0x3FAD]  }
0x29: {  	s4 =	sld [smem:$0x3FAF]  }
0x2a: {  	p0 =	seq.s32 s5, $0x0;
	s5 =	sld [smem:$0x3FB0]  }
0x2b: {  	s6 =	sld [smem:$0x3FB1]  }
0x2c: {  	s7 =	sld [smem:$0x3FB2]  }
0x2d: {  	s3 =	simm.s32 $0x108;
	s8 =	sld [smem:$0x3FB3]  }
0x2e: {  	s3 =	simm.s32 @!p0 $0x1082;
	s9 =	sld [smem:$0x3FB4]  }
0x2f: {  	lr =	sadd.s32 s0, s3;
	s0 =	sld [smem:$0x3FAB]  }
0x30: {  	s3 =	sld [smem:$0x3FAE]  }
0x31: {  	[smem:$0x3FB7] =	sst s10  }
0x32: {  	s10 =	sld [smem:$0x3FB5];
	_ =	sdelay $0x3  }
0x33: {  	p0 =	seq.s32 s10, $0x1;
	s10 =	sld [smem:$0x3FB7];
	_ =	sdelay $0x3  }
0x34: {  	[smem:$0x3FB7] =	sst s10  }
0x35: {  	s10 =	sld [smem:$0x3FB6];
	_ =	sdelay $0x3  }
0x36: {  	p1 =	seq.s32 s10, $0x1;
	s10 =	sld [smem:$0x3FB7];
	_ =	sdelay $0x3  }
0x37: {  	[smem:$0x3FB7] =	sst s10  }
0x38: {  	s10 =	sld [smem:$0x3FB8]  }
0x39: {  	_ = 	snop;
	(pc) =	sbr.ind lr, $3  }
0x3a: {  	_ = 	snop  }
0x3b: {  	_ = 	snop  }
0x3c: {  	p2 =	seq.s32 s10, $0x1;
	s10 =	sld [smem:$0x3FB7]  }
0x3d: {  	_ =	shalt  }
0x3e: {  	_ =	shalt  }
0x3f: {  	_ =	shalt  }
0x40: {  	_ =	shalt  }
0x41: {  	_ =	shalt  }
0x42: {  	_ =	shalt  }
0x43: {  	_ =	shalt  }
0x44: {  	_ =	shalt  }
0x45: {  	_ =	shalt  }
0x46: {  	_ =	shalt  }
0x47: {  	_ =	shalt  }
0x48: {  	_ =	shalt  }
0x49: {  	_ =	shalt  }
0x4a: {  	_ =	shalt  }
0x4b: {  	_ =	shalt  }
0x4c: {  	_ =	shalt  }
0x4d: {  	_ =	shalt  }
0x4e: {  	_ =	shalt  }
0x4f: {  	_ =	shalt  }
0x50: {  	_ =	shalt  }
0x51: {  	_ =	shalt  }
0x52: {  	_ =	shalt  }
0x53: {  	_ =	shalt  }
0x54: {  	_ =	shalt  }
0x55: {  	_ =	shalt  }
0x56: {  	_ =	shalt  }
0x57: {  	_ =	shalt  }
0x58: {  	_ =	shalt  }
0x59: {  	_ =	shalt  }
0x5a: {  	_ =	shalt  }
0x5b: {  	_ =	shalt  }
0x5c: {  	_ =	shalt  }
0x5d: {  	_ =	shalt  }
0x5e: {  	_ =	shalt  }
0x5f: {  	_ =	shalt  }
0x60: {  	_ =	shalt  }
0x61: {  	_ =	shalt  }
0x62: {  	_ =	shalt  }
0x63: {  	_ =	shalt  }
0x64: {  	_ =	shalt  }
0x65: {  	_ =	shalt  }
0x66: {  	_ =	shalt  }
0x67: {  	_ =	shalt  }
0x68: {  	_ =	shalt  }
0x69: {  	_ =	shalt  }
0x6a: {  	_ =	shalt  }
0x6b: {  	_ =	shalt  }
0x6c: {  	_ =	shalt  }
0x6d: {  	_ =	shalt  }
0x6e: {  	_ =	shalt  }
0x6f: {  	_ =	shalt  }
0x70: {  	_ =	shalt  }
0x71: {  	_ =	shalt  }
0x72: {  	_ =	shalt  }
0x73: {  	_ =	shalt  }
0x74: {  	_ =	shalt  }
0x75: {  	_ =	shalt  }
0x76: {  	_ =	shalt  }
0x77: {  	_ =	shalt  }
0x78: {  	_ =	shalt  }
0x79: {  	_ =	shalt  }
0x7a: {  	_ =	shalt  }
0x7b: {  	_ =	shalt  }
0x7c: {  	_ =	shalt  }
0x7d: {  	_ =	shalt  }
0x7e: {  	_ =	shalt  }
0x7f: {  	_ =	shalt  }
0x80: {  	_ =	shalt  }
0x81: {  	_ =	shalt  }
0x82: {  	_ =	shalt  }
0x83: {  	_ =	shalt  }
0x84: {  	_ =	shalt  }
0x85: {  	_ =	shalt  }
0x86: {  	_ =	shalt  }
0x87: {  	_ =	shalt  }
.Lfunc_end0:
.L_simem_size_0:
called_computation.2_lowered:
.L_overlay_start_0:
0x88: {  	s2 =	sld [smem:$0x3FD9]  }
0x89: {  	s3 =	sld [smem:$0x3FFE];
	_ =	sdelay $0x1  }
0x8a: {  	s1 =	srdreg.scid  }
0x8b: {  	s0 =	sand.u32 $0x1, s1  }
0x8c: {  	s14 =	sshll.u32 s0, $0xA;
	s2 =	sadd.s32 s3, s2  }
0x8d: {  	s2 =	sadd.s32 s2, s14  }
0x8e: {  	[smem:$0x3FC3] =	sst s2  }
0x8f: {  	_ = 	snop  }
0x90: {  	s2 =	sld [smem:$0x3FD0];
	_ =	sdelay $0x2  }
0x91: {  	s15 =	simm.s32 $0xA;
	s4 =	simm.s32 $0x10  }
0x92: {  	[smem:s4], [sflag:s15] =	dma.local [hbm:s2], $0x1  }
0x93: {  	_ =	swait.eq [sflag:s15], $0x1  }
0x94: {  	[sflag:s15] =	ssyncset.done $0x0  }
0x95: {  	s16 =	sld [smem:$0x10];
	[sflag:s15] =	ssyncadd.s32 $0xFFFFFFFF  }
0x96: {  	s17 =	sld [smem:$0x11];
	(tm) =	ssettm $0x1  }
0x97: {  	s18 =	sld [smem:$0x3FFB];
	_ =	sdelay $0x3  }
0x98: {  	_ =	strace s18  }
0x99: {  	s4 =	sld [smem:$0x3FFC];
	_ =	sdelay $0x3  }
0x9a: {  	_ =	strace s4  }
0x9b: {  	s4 =	sld [smem:$0x3FFD];
	_ =	sdelay $0x3  }
0x9c: {  	_ =	strace s4  }
0x9d: {  	_ =	strace $0x8FFFFFFF  }
0x9e: {  	s19 =	sld [smem:$0x3FDB];
	_ =	sdelay $0x1  }
0x9f: {  	s5 =	simm.s32 $_scs_section_size  }
0xa0: {  	s6 =	simm.s32 $_size__tile_overlayer_lowered;
	s7 =	simm.s32 $_tile_overlayer_lowered  }
0xa1: {  	s22 =	simm.s32 $0x1BFF;
	s21 =	sshll.u32 s7, $0x1;
	s4 =	sadd.s32 s5, s19  }
0xa2: {  	s8 =	simm.s32 $0x0;
	s20 =	sshll.u32 s6, $0x1;
	s6 =	sadd.s32 s21, s4  }
0xa3: {  	[timem:s8], [sflag:s22] =	dma.local [hbm:s6], s20  }
0xa4: {  	_ =	swait.ge [sflag:s22], s20  }
0xa5: {  	s5 =	ssub.s32 $0x0, s20;
	[sflag:s22] =	ssyncset.done $0x0  }
0xa6: {  	[sflag:s22] =	ssyncadd.s32 s5;
	_ =	sdelay $0x1  }
0xa7: {  	s23 =	simm.s32 $0x1B8B  }
0xa8: {  	_ =	swait.ge [sflag:s23], $0x1  }
0xa9: {  	[sflag:s23] =	ssyncset.done $0x0  }
0xaa: {  	s25 =	simm.s32 $0x1B8E;
	s24 =	sld [smem:$0x3FFE];
	[sflag:s23] =	ssyncadd.s32 $0xFFFFFFFF  }
0xab: {  	s26 =	simm.s32 $execute0_lowered;
	[smem:$0x3FD2] =	sst s25  }
0xac: {  	s6 =	sshll.u32 s26, $0x1;
	_ =	strace $0x80000049;
	[dreg:$0x1] =	wrdreg $0xFFFFFFFF  }
0xad: {  	s28 =	simm.s32 $_size_execute0_lowered;
	s4 =	sadd.s32 s4, s6;
	[dreg:$0x0] =	wrdreg $0x0  }
0xae: {  	s6 =	sshll.u32 s28, $0x1;
	[dreg:$0x2] =	wrdreg s4  }
0xaf: {  	[dreg:$0x3] =	wrdreg s6  }
0xb0: {  	[dreg:$0x4] =	wrdreg $0xC0  }
0xb1: {  	_ =	task [dreg:s8], $0x5FFFF  }
0xb2: {  	[dreg:$0x1] =	wrdreg $0xFFFFFFFF  }
0xb3: {  	[dreg:$0x0] =	wrdreg $0x60  }
0xb4: {  	[dreg:$0x2] =	wrdreg s16  }
0xb5: {  	[dreg:$0x3] =	wrdreg s24  }
0xb6: {  	[dreg:$0x4] =	wrdreg s17  }
0xb7: {  	[dreg:$0x5] =	wrdreg $0x9  }
0xb8: {  	_ =	task.clear_ibuf [dreg:s8], $0x6FFFF;
	_ =	strace $0x90000049  }
0xb9: {  	s29 =	simm.s32 $0x9;
	_ =	strace $0x8000004B  }
0xba: {  	_ =	swait.ge [sflag:s29], $0x1  }
0xbb: {  	[sflag:s29] =	ssyncadd.s32 $0xFFFFFFFF  }
0xbc: {  	_ =	strace $0x9000004B  }
0xbd: {  	_ =	sfence  }
0xbe: {  	s30 =	sld [smem:$0x0];
	_ =	sdelay $0x2  }
0xbf: {  	s31 =	sshll.u32 s1, $0xD;
	s1 =	sshrl.u32 s1, $0x2  }
0xc0: {  	s3 =	sand.u32 $0x4000, s31;
	s1 =	sadd.s32 s1, s30  }
0xc1: {  	s0 =	sor.u32 s3, s0;
	s1 =	sshll.u32 s1, $0x11  }
0xc2: {  	s0 =	sor.u32 s1, s0  }
0xc3: {  	s0 =	sadd.s32 $0x8F2B, s0  }
0xc4: {  	[sflag:s0] =	ssyncadd.remote.s32 $0x1  }
0xc5: {  	_ =	sfence.sel $0xFFFF  }
0xc6: {  	[dreg:$0x0] =	wrdreg $0xFFFFFFFF;
	(pc) =	sbr.abs _section_cstart, $3  }
0xc7: {  	[dreg:$0x1] =	wrdreg $0xFFFFFFFF  }
0xc8: {  	_ =	task.clear_ibuf [dreg:s8], $0x2FFFF;
	_ =	strace $0x9FFFFFFF  }
0xc9: {  	(tm) =	ssettm $0x7FFFFFFF  }
tec
execute0_lowered:
.L_overlay_start_1:
0x0: {  	(tag) =	ssettag $0x1  }
0x1: {  	s0 =	rddreg [dreg:$0x0]  }
0x2: {  	s1 =	rddreg [dreg:$0x1];
	s6 =	stileid.u32  }
0x3: {  	s2 =	rddreg [dreg:$0x2];
	s3 =	srdreg.scid;
	s29 =	simm.s32 $0x80  }
0x4: {  	s30 =	simm.s32 $0x400;
	s9 =	simm.s32 $0x1;
	s31 =	simm.s32 $0x1700  }
0x5: {  	s10 =	simm.s32 $0x2700;
	s11 =	simm.s32 $0x2F00;
	s12 =	simm.s32 $0x3300  }
0x6: {  	s13 =	simm.s32 $0x3B00;
	s14 =	simm.s32 $0x3F00;
	s15 =	simm.s32 $0x4700  }
0x7: {  	s16 =	simm.s32 $0x4B00;
	s17 =	simm.s32 $0x5300;
	s18 =	simm.s32 $0x5700  }
0x8: {  	s19 =	simm.s32 $0x5F00;
	s20 =	simm.s32 $0x6300;
	s22 =	simm.s32 $0x6F00  }
0x9: {  	s4 =	sshll.u32 s6, $0x1;
	s5 =	sand.u32 $0x1, s3;
	s3 =	simm.s32 $0x0  }
0xa: {  	s6 =	sshrl.u32 s6, $0x1;
	s4 =	sand.u32 $0x2, s4;
	[smem:$0x7FF] =	sst s3  }
0xb: {  	s7 =	sshll.u32 s6, $0x4;
	s21 =	sshll.u32 s6, $0xB;
	s4 =	sor.u32 s5, s4  }
0xc: {  	s1 =	sadd.s32 s7, s1;
	_ =	strace $0x8000004A;
	[dreg:$0x8] =	wrdreg s29  }
0xd: {  	s5 =	ssub.s32 $0x2, s5;
	[dreg:$0x9] =	wrdreg s30;
	v0 =	vmov s21;
	s21 =	simm.s32 $0x6B00  }
0xe: {  	s7 =	simm.s32 $0x8700;
	s8 =	smul.u32 $0x6000, s4;
	s23 =	sshll.u32 s4, $0x9  }
0xf: {  	s4 =	smul.u32 $0x30000, s4;
	s26 =	sshrl.u32 s5, $0x1;
	s1 =	sadd.s32 s23, s1  }
0x10: {  	s23 =	simm.s32 $0x7700;
	s1 =	sadd.s32 $0x19800, s1;
	s24 =	sadd.s32 s0, s8  }
0x11: {  	s4 =	sshrl.u32 s4, $0x3;
	s8 =	simm.s32 $0x8F00;
	[dreg:$0x4] =	wrdreg s1  }
0x12: {  	[dreg:$0xa] =	wrdreg s24;
	s25 =	sadd.s32 $0x1800, s24;
	s0 =	sadd.s32 s0, s4  }
0x13: {  	s4 =	ssub.s32 s5, s26;
	s5 =	sadd.s32 $0x100, s2;
	s26 =	simm.s32 $0x2  }
0x14: {  	v3 =	vlaneseq.u32;
	s24 =	simm.s32 $0x7B00;
	[dreg:$0x5] =	wrdreg s25;
	s28 =	sadd.s32 $0x3000, s0  }
0x15: {  	vm0 =	vmmov $0xffff;
	vm1 =	vmmov $0xff;
	v2 =	vshrl.u32 v3, $0x3;
	s1 =	simm.s32 $0xBF00;
	s0 =	sadd.s32 $0x4800, s0;
	[dreg:$0x6] =	wrdreg s28  }
0x16: {  	v1 =	vand.u32 $0x7, v3;
	v3 =	vor.u32 $0x8, v3;
	v2 =	vmul.u32 $0x8, v2;
	s6 =	smax.u32 s4, $0x1;
	s25 =	simm.s32 $0x8300;
	[dreg:$0x7] =	wrdreg s0  }
.LBB2_1:
0x17: {  	s28 =	rddreg [dreg:$0x4]  }
0x18: {  	s29 =	rddreg [dreg:$0x8]  }
0x19: {  	s30 =	rddreg [dreg:$0x9];
	s0 =	simm.s32 $0x3  }
0x1a: {  	[tilespmem:s3], [sflag:$0x3] =	stream.strided.gather [hbm4b:s28+s29], $0x200, s30, s29, $0x38;
	[tilespmem:$0x18300] =	vst v63  }
0x1b: {  	_ =	swait.ge [sflag:s0], $0x200  }
0x1c: {  	[sflag:s0] =	ssyncset.done $0x0  }
0x1d: {  	s4 =	simm.s32 $0x300;
	[sflag:s0] =	ssyncadd.s32 $0xFFFFFE00;
	s0 =	rddreg [dreg:$0xa]  }
0x1e: {  	[tilespmem:s4], [sflag:$0x1] =	stream.linear.gather [hbm4b:s0+s3], $0xC000, $0x38;
	[tilespmem:$0x18300] =	vst v63  }
0x1f: {  	_ =	swait.ge [sflag:s9], $0xC000  }
0x20: {  	[sflag:s9] =	ssyncset.done $0x0  }
0x21: {  	[sflag:s9] =	ssyncadd.s32 $0xFFFF4000  }
0x22: {  	v4 =	vld [tilespmem:$0x0];
	_ =	sdelay $0x3  }
0x23: {  	v5 =	vld [tilespmem:$0x10]  }
0x24: {  	v7 =	vld [tilespmem:$0x20];
	v6 =	vadd.s32 v0, v4  }
0x25: {  	v8 =	vld [tilespmem:$0x30];
	v9 =	vshrl.u32 v6, $0x3  }
0x26: {  	v10 =	vld [tilespmem:$0x40];
	v9 =	vmul.u32 $0x18, v9  }
0x27: {  	v11 =	vld [tilespmem:$0x50];
	v4 =	vand.u32 $0x7, v4  }
0x28: {  	v34 =	vld [tilespmem:$0x60];
	v5 =	vadd.s32 v0, v5;
	[tilespmem:$0x200] =	vst v6;
	v4 =	vor.u32 v4, v9  }
0x29: {  	v35 =	vld [tilespmem:$0x70];
	[tilespmem:$0x210] =	vst v5;
	v5 =	vadd.s32 v0, v7;
	v9 =	vperm.xlane v4, v1  }
0x2a: {  	[tilespmem:$0x220] =	vst v5;
	v5 =	vadd.s32 v0, v8  }
0x2b: {  	[tilespmem:$0x230] =	vst v5;
	v5 =	vadd.s32 v0, v10;
	v36 =	vadd.s32 v2, v9  }
0x2c: {  	[tilespmem:$0x240] =	vst v5;
	v5 =	vadd.s32 v0, v11  }
0x2d: {  	[tilespmem:$0x250] =	vst v5;
	v5 =	vadd.s32 v0, v34;
	v4 =	vperm.xlane v4, v3  }
0x2e: {  	[tilespmem:$0x260] =	vst v5;
	v5 =	vadd.s32 v0, v35  }
0x2f: {  	[tilespmem:$0x270] =	vst v5;
	v4 =	vadd.s32 v2, v4  }
0x30: {  	[hbm4b:s2+s3] =	stream.indirect_vreg.scatter [tilespmem:s4], [sflag:$0x2], $0x80, v36, vm0, $0xb8;
	[tilespmem:$0x18300] =	vst v63  }
0x31: {  	s29 =	simm.s32 $0xB00  }
0x32: {  	[hbm4b:s5+s3] =	stream.indirect_vreg.scatter [tilespmem:s29], [sflag:$0x2], $0x80, v36, vm1, $0xb8;
	[tilespmem:$0x18300] =	vst v63  }
0x33: {  	s30 =	simm.s32 $0xF00  }
0x34: {  	[hbm4b:s2+s3] =	stream.indirect_vreg.scatter [tilespmem:s30], [sflag:$0x2], $0x80, v4, vm0, $0xb8;
	[tilespmem:$0x18300] =	vst v63  }
0x35: {  	_ = 	snop  }
0x36: {  	[hbm4b:s5+s3] =	stream.indirect_vreg.scatter [tilespmem:s31], [sflag:$0x2], $0x80, v4, vm1, $0xb8;
	[tilespmem:$0x18300] =	vst v63  }
0x37: {  	v4 =	vld [tilespmem:$0x210];
	_ =	sdelay $0x4  }
0x38: {  	v5 =	vshrl.u32 v4, $0x3  }
0x39: {  	v5 =	vmul.u32 $0x18, v5  }
0x3a: {  	v4 =	vand.u32 $0x7, v4  }
0x3b: {  	v4 =	vor.u32 v4, v5  }
0x3c: {  	v5 =	vperm.xlane v4, v1;
	_ =	sdelay $0x1  }
0x3d: {  	v5 =	vadd.s32 v2, v5;
	_ =	sdelay $0x1  }
0x3e: {  	v4 =	vperm.xlane v4, v3;
	_ =	sdelay $0x1  }
0x3f: {  	s28 =	simm.s32 $0x1B00;
	v4 =	vadd.s32 v2, v4  }
0x40: {  	[hbm4b:s2+s3] =	stream.indirect_vreg.scatter [tilespmem:s28], [sflag:$0x2], $0x80, v5, vm0, $0xb8;
	[tilespmem:$0x18300] =	vst v63  }
0x41: {  	s28 =	simm.s32 $0x2300  }
0x42: {  	[hbm4b:s5+s3] =	stream.indirect_vreg.scatter [tilespmem:s28], [sflag:$0x2], $0x80, v5, vm1, $0xb8;
	[tilespmem:$0x18300] =	vst v63  }
0x43: {  	_ = 	snop  }
0x44: {  	[hbm4b:s2+s3] =	stream.indirect_vreg.scatter [tilespmem:s10], [sflag:$0x2], $0x80, v4, vm0, $0xb8;
	[tilespmem:$0x18300] =	vst v63  }
0x45: {  	_ = 	snop  }
0x46: {  	[hbm4b:s5+s3] =	stream.indirect_vreg.scatter [tilespmem:s11], [sflag:$0x2], $0x80, v4, vm1, $0xb8;
	[tilespmem:$0x18300] =	vst v63  }
0x47: {  	v4 =	vld [tilespmem:$0x220];
	_ =	sdelay $0x4  }
0x48: {  	v5 =	vshrl.u32 v4, $0x3  }
0x49: {  	v5 =	vmul.u32 $0x18, v5  }
0x4a: {  	v4 =	vand.u32 $0x7, v4  }
0x4b: {  	v4 =	vor.u32 v4, v5  }
0x4c: {  	v5 =	vperm.xlane v4, v1;
	_ =	sdelay $0x1  }
0x4d: {  	v5 =	vadd.s32 v2, v5;
	_ =	sdelay $0x1  }
0x4e: {  	v4 =	vperm.xlane v4, v3;
	_ =	sdelay $0x1  }
0x4f: {  	v4 =	vadd.s32 v2, v4  }
0x50: {  	[hbm4b:s2+s3] =	stream.indirect_vreg.scatter [tilespmem:s12], [sflag:$0x2], $0x80, v5, vm0, $0xb8;
	[tilespmem:$0x18300] =	vst v63  }
0x51: {  	_ = 	snop  }
0x52: {  	[hbm4b:s5+s3] =	stream.indirect_vreg.scatter [tilespmem:s13], [sflag:$0x2], $0x80, v5, vm1, $0xb8;
	[tilespmem:$0x18300] =	vst v63  }
0x53: {  	_ = 	snop  }
0x54: {  	[hbm4b:s2+s3] =	stream.indirect_vreg.scatter [tilespmem:s14], [sflag:$0x2], $0x80, v4, vm0, $0xb8;
	[tilespmem:$0x18300] =	vst v63  }
0x55: {  	_ = 	snop  }
0x56: {  	[hbm4b:s5+s3] =	stream.indirect_vreg.scatter [tilespmem:s15], [sflag:$0x2], $0x80, v4, vm1, $0xb8;
	[tilespmem:$0x18300] =	vst v63  }
0x57: {  	v4 =	vld [tilespmem:$0x230];
	_ =	sdelay $0x4  }
0x58: {  	v5 =	vshrl.u32 v4, $0x3  }
0x59: {  	v5 =	vmul.u32 $0x18, v5  }
0x5a: {  	v4 =	vand.u32 $0x7, v4  }
0x5b: {  	v4 =	vor.u32 v4, v5  }
0x5c: {  	v5 =	vperm.xlane v4, v1;
	_ =	sdelay $0x1  }
0x5d: {  	v5 =	vadd.s32 v2, v5;
	_ =	sdelay $0x1  }
0x5e: {  	v4 =	vperm.xlane v4, v3;
	_ =	sdelay $0x1  }
0x5f: {  	v4 =	vadd.s32 v2, v4  }
0x60: {  	[hbm4b:s2+s3] =	stream.indirect_vreg.scatter [tilespmem:s16], [sflag:$0x2], $0x80, v5, vm0, $0xb8;
	[tilespmem:$0x18300] =	vst v63  }
0x61: {  	_ = 	snop  }
0x62: {  	[hbm4b:s5+s3] =	stream.indirect_vreg.scatter [tilespmem:s17], [sflag:$0x2], $0x80, v5, vm1, $0xb8;
	[tilespmem:$0x18300] =	vst v63  }
0x63: {  	_ = 	snop  }
0x64: {  	[hbm4b:s2+s3] =	stream.indirect_vreg.scatter [tilespmem:s18], [sflag:$0x2], $0x80, v4, vm0, $0xb8;
	[tilespmem:$0x18300] =	vst v63  }
0x65: {  	_ = 	snop  }
0x66: {  	[hbm4b:s5+s3] =	stream.indirect_vreg.scatter [tilespmem:s19], [sflag:$0x2], $0x80, v4, vm1, $0xb8;
	[tilespmem:$0x18300] =	vst v63  }
0x67: {  	v4 =	vld [tilespmem:$0x240];
	_ =	sdelay $0x4  }
0x68: {  	v5 =	vshrl.u32 v4, $0x3  }
0x69: {  	v5 =	vmul.u32 $0x18, v5  }
0x6a: {  	v4 =	vand.u32 $0x7, v4  }
0x6b: {  	v4 =	vor.u32 v4, v5  }
0x6c: {  	v5 =	vperm.xlane v4, v1;
	_ =	sdelay $0x1  }
0x6d: {  	v5 =	vadd.s32 v2, v5;
	_ =	sdelay $0x1  }
0x6e: {  	v4 =	vperm.xlane v4, v3;
	_ =	sdelay $0x1  }
0x6f: {  	v4 =	vadd.s32 v2, v4  }
0x70: {  	[hbm4b:s2+s3] =	stream.indirect_vreg.scatter [tilespmem:s20], [sflag:$0x2], $0x80, v5, vm0, $0xb8;
	[tilespmem:$0x18300] =	vst v63  }
0x71: {  	_ = 	snop  }
0x72: {  	[hbm4b:s5+s3] =	stream.indirect_vreg.scatter [tilespmem:s21], [sflag:$0x2], $0x80, v5, vm1, $0xb8;
	[tilespmem:$0x18300] =	vst v63  }
0x73: {  	_ = 	snop  }
0x74: {  	[hbm4b:s2+s3] =	stream.indirect_vreg.scatter [tilespmem:s22], [sflag:$0x2], $0x80, v4, vm0, $0xb8;
	[tilespmem:$0x18300] =	vst v63  }
0x75: {  	_ = 	snop  }
0x76: {  	[hbm4b:s5+s3] =	stream.indirect_vreg.scatter [tilespmem:s23], [sflag:$0x2], $0x80, v4, vm1, $0xb8;
	[tilespmem:$0x18300] =	vst v63  }
0x77: {  	v4 =	vld [tilespmem:$0x250];
	_ =	sdelay $0x4  }
0x78: {  	v5 =	vshrl.u32 v4, $0x3  }
0x79: {  	v5 =	vmul.u32 $0x18, v5  }
0x7a: {  	v4 =	vand.u32 $0x7, v4  }
0x7b: {  	v4 =	vor.u32 v4, v5  }
0x7c: {  	v5 =	vperm.xlane v4, v1;
	_ =	sdelay $0x1  }
0x7d: {  	v5 =	vadd.s32 v2, v5;
	_ =	sdelay $0x1  }
0x7e: {  	v4 =	vperm.xlane v4, v3;
	_ =	sdelay $0x1  }
0x7f: {  	v4 =	vadd.s32 v2, v4  }
0x80: {  	[hbm4b:s2+s3] =	stream.indirect_vreg.scatter [tilespmem:s24], [sflag:$0x2], $0x80, v5, vm0, $0xb8;
	[tilespmem:$0x18300] =	vst v63  }
0x81: {  	_ = 	snop  }
0x82: {  	[hbm4b:s5+s3] =	stream.indirect_vreg.scatter [tilespmem:s25], [sflag:$0x2], $0x80, v5, vm1, $0xb8;
	[tilespmem:$0x18300] =	vst v63  }
0x83: {  	_ = 	snop  }
0x84: {  	[hbm4b:s2+s3] =	stream.indirect_vreg.scatter [tilespmem:s7], [sflag:$0x2], $0x80, v4, vm0, $0xb8;
	[tilespmem:$0x18300] =	vst v63  }
0x85: {  	_ = 	snop  }
0x86: {  	[hbm4b:s5+s3] =	stream.indirect_vreg.scatter [tilespmem:s8], [sflag:$0x2], $0x80, v4, vm1, $0xb8;
	[tilespmem:$0x18300] =	vst v63  }
0x87: {  	v4 =	vld [tilespmem:$0x260];
	_ =	sdelay $0x4  }
0x88: {  	v5 =	vshrl.u32 v4, $0x3  }
0x89: {  	v5 =	vmul.u32 $0x18, v5  }
0x8a: {  	v4 =	vand.u32 $0x7, v4  }
0x8b: {  	v4 =	vor.u32 v4, v5  }
0x8c: {  	v5 =	vperm.xlane v4, v1;
	_ =	sdelay $0x1  }
0x8d: {  	v5 =	vadd.s32 v2, v5;
	_ =	sdelay $0x1  }
0x8e: {  	v4 =	vperm.xlane v4, v3;
	_ =	sdelay $0x1  }
0x8f: {  	s28 =	simm.s32 $0x9300;
	v4 =	vadd.s32 v2, v4  }
0x90: {  	[hbm4b:s2+s3] =	stream.indirect_vreg.scatter [tilespmem:s28], [sflag:$0x2], $0x80, v5, vm0, $0xb8;
	[tilespmem:$0x18300] =	vst v63  }
0x91: {  	s28 =	simm.s32 $0x9B00  }
0x92: {  	[hbm4b:s5+s3] =	stream.indirect_vreg.scatter [tilespmem:s28], [sflag:$0x2], $0x80, v5, vm1, $0xb8;
	[tilespmem:$0x18300] =	vst v63  }
0x93: {  	s28 =	simm.s32 $0x9F00  }
0x94: {  	[hbm4b:s2+s3] =	stream.indirect_vreg.scatter [tilespmem:s28], [sflag:$0x2], $0x80, v4, vm0, $0xb8;
	[tilespmem:$0x18300] =	vst v63  }
0x95: {  	s28 =	simm.s32 $0xA700  }
0x96: {  	[hbm4b:s5+s3] =	stream.indirect_vreg.scatter [tilespmem:s28], [sflag:$0x2], $0x80, v4, vm1, $0xb8;
	[tilespmem:$0x18300] =	vst v63  }
0x97: {  	v4 =	vld [tilespmem:$0x270];
	_ =	sdelay $0x4  }
0x98: {  	v5 =	vshrl.u32 v4, $0x3  }
0x99: {  	v5 =	vmul.u32 $0x18, v5  }
0x9a: {  	v4 =	vand.u32 $0x7, v4  }
0x9b: {  	v4 =	vor.u32 v4, v5  }
0x9c: {  	v5 =	vperm.xlane v4, v1;
	_ =	sdelay $0x1  }
0x9d: {  	v5 =	vadd.s32 v2, v5;
	_ =	sdelay $0x1  }
0x9e: {  	v4 =	vperm.xlane v4, v3;
	_ =	sdelay $0x1  }
0x9f: {  	s28 =	simm.s32 $0xAB00;
	v4 =	vadd.s32 v2, v4  }
0xa0: {  	[hbm4b:s2+s3] =	stream.indirect_vreg.scatter [tilespmem:s28], [sflag:$0x2], $0x80, v5, vm0, $0xb8;
	[tilespmem:$0x18300] =	vst v63  }
0xa1: {  	s28 =	simm.s32 $0xB300  }
0xa2: {  	[hbm4b:s5+s3] =	stream.indirect_vreg.scatter [tilespmem:s28], [sflag:$0x2], $0x80, v5, vm1, $0xb8;
	[tilespmem:$0x18300] =	vst v63  }
0xa3: {  	s28 =	simm.s32 $0xB700  }
0xa4: {  	[hbm4b:s2+s3] =	stream.indirect_vreg.scatter [tilespmem:s28], [sflag:$0x2], $0x80, v4, vm0, $0xb8;
	[tilespmem:$0x18300] =	vst v63  }
0xa5: {  	_ = 	snop  }
0xa6: {  	[hbm4b:s5+s3] =	stream.indirect_vreg.scatter [tilespmem:s1], [sflag:$0x2], $0x80, v4, vm1, $0xb8;
	[tilespmem:$0x18300] =	vst v63  }
0xa7: {  	s0 =	simm.s32 $0xC300;
	s28 =	rddreg [dreg:$0x5]  }
0xa8: {  	[tilespmem:s0], [sflag:$0x1] =	stream.linear.gather [hbm4b:s28+s3], $0xC000, $0x38;
	[tilespmem:$0x18300] =	vst v63  }
0xa9: {  	_ =	swait.ge [sflag:s9], $0xC000  }
0xaa: {  	[sflag:s9] =	ssyncset.done $0x0  }
0xab: {  	[sflag:s9] =	ssyncadd.s32 $0xFFFF4000  }
0xac: {  	v4 =	vld [tilespmem:$0x80];
	_ =	sdelay $0x3  }
0xad: {  	v5 =	vld [tilespmem:$0x90]  }
0xae: {  	v38 =	vld [tilespmem:$0xA0];
	v37 =	vadd.s32 v0, v4  }
0xaf: {  	v39 =	vld [tilespmem:$0xB0];
	v40 =	vshrl.u32 v37, $0x3  }
0xb0: {  	v41 =	vld [tilespmem:$0xC0];
	v9 =	vmul.u32 $0x18, v40  }
0xb1: {  	v42 =	vld [tilespmem:$0xD0];
	v4 =	vand.u32 $0x7, v4  }
0xb2: {  	v43 =	vld [tilespmem:$0xE0];
	v5 =	vadd.s32 v0, v5;
	[tilespmem:$0x280] =	vst v37;
	v4 =	vor.u32 v4, v9  }
0xb3: {  	v44 =	vld [tilespmem:$0xF0];
	[tilespmem:$0x290] =	vst v5;
	v5 =	vadd.s32 v0, v38;
	v9 =	vperm.xlane v4, v1  }
0xb4: {  	[tilespmem:$0x2A0] =	vst v5;
	v5 =	vadd.s32 v0, v39  }
0xb5: {  	[tilespmem:$0x2B0] =	vst v5;
	v5 =	vadd.s32 v0, v41;
	v45 =	vadd.s32 v2, v9  }
0xb6: {  	[tilespmem:$0x2C0] =	vst v5;
	v5 =	vadd.s32 v0, v42  }
0xb7: {  	[tilespmem:$0x2D0] =	vst v5;
	v5 =	vadd.s32 v0, v43;
	v4 =	vperm.xlane v4, v3  }
0xb8: {  	[tilespmem:$0x2E0] =	vst v5;
	v5 =	vadd.s32 v0, v44  }
0xb9: {  	[tilespmem:$0x2F0] =	vst v5;
	v4 =	vadd.s32 v2, v4  }
0xba: {  	[hbm4b:s2+s3] =	stream.indirect_vreg.scatter [tilespmem:s0], [sflag:$0x2], $0x80, v45, vm0, $0xb8;
	[tilespmem:$0x18300] =	vst v63  }
0xbb: {  	s28 =	simm.s32 $0xCB00  }
0xbc: {  	[hbm4b:s5+s3] =	stream.indirect_vreg.scatter [tilespmem:s28], [sflag:$0x2], $0x80, v45, vm1, $0xb8;
	[tilespmem:$0x18300] =	vst v63  }
0xbd: {  	s28 =	simm.s32 $0xCF00  }
0xbe: {  	[hbm4b:s2+s3] =	stream.indirect_vreg.scatter [tilespmem:s28], [sflag:$0x2], $0x80, v4, vm0, $0xb8;
	[tilespmem:$0x18300] =	vst v63  }
0xbf: {  	s28 =	simm.s32 $0xD700  }
0xc0: {  	[hbm4b:s5+s3] =	stream.indirect_vreg.scatter [tilespmem:s28], [sflag:$0x2], $0x80, v4, vm1, $0xb8;
	[tilespmem:$0x18300] =	vst v63  }
0xc1: {  	v4 =	vld [tilespmem:$0x290];
	_ =	sdelay $0x4  }
0xc2: {  	v5 =	vshrl.u32 v4, $0x3  }
0xc3: {  	v5 =	vmul.u32 $0x18, v5  }
0xc4: {  	v4 =	vand.u32 $0x7, v4  }
0xc5: {  	v4 =	vor.u32 v4, v5  }
0xc6: {  	v5 =	vperm.xlane v4, v1;
	_ =	sdelay $0x1  }
0xc7: {  	v5 =	vadd.s32 v2, v5;
	_ =	sdelay $0x1  }
0xc8: {  	v4 =	vperm.xlane v4, v3;
	_ =	sdelay $0x1  }
0xc9: {  	s28 =	simm.s32 $0xDB00;
	v4 =	vadd.s32 v2, v4  }
0xca: {  	[hbm4b:s2+s3] =	stream.indirect_vreg.scatter [tilespmem:s28], [sflag:$0x2], $0x80, v5, vm0, $0xb8;
	[tilespmem:$0x18300] =	vst v63  }
0xcb: {  	s28 =	simm.s32 $0xE300  }
0xcc: {  	[hbm4b:s5+s3] =	stream.indirect_vreg.scatter [tilespmem:s28], [sflag:$0x2], $0x80, v5, vm1, $0xb8;
	[tilespmem:$0x18300] =	vst v63  }
0xcd: {  	s28 =	simm.s32 $0xE700  }
0xce: {  	[hbm4b:s2+s3] =	stream.indirect_vreg.scatter [tilespmem:s28], [sflag:$0x2], $0x80, v4, vm0, $0xb8;
	[tilespmem:$0x18300] =	vst v63  }
0xcf: {  	s28 =	simm.s32 $0xEF00  }
0xd0: {  	[hbm4b:s5+s3] =	stream.indirect_vreg.scatter [tilespmem:s28], [sflag:$0x2], $0x80, v4, vm1, $0xb8;
	[tilespmem:$0x18300] =	vst v63  }
0xd1: {  	v4 =	vld [tilespmem:$0x2A0];
	_ =	sdelay $0x4  }
0xd2: {  	v5 =	vshrl.u32 v4, $0x3  }
0xd3: {  	v5 =	vmul.u32 $0x18, v5  }
0xd4: {  	v4 =	vand.u32 $0x7, v4  }
0xd5: {  	v4 =	vor.u32 v4, v5  }
0xd6: {  	v5 =	vperm.xlane v4, v1;
	_ =	sdelay $0x1  }
0xd7: {  	v5 =	vadd.s32 v2, v5;
	_ =	sdelay $0x1  }
0xd8: {  	v4 =	vperm.xlane v4, v3;
	_ =	sdelay $0x1  }
0xd9: {  	s28 =	simm.s32 $0xF300;
	v4 =	vadd.s32 v2, v4  }
0xda: {  	[hbm4b:s2+s3] =	stream.indirect_vreg.scatter [tilespmem:s28], [sflag:$0x2], $0x80, v5, vm0, $0xb8;
	[tilespmem:$0x18300] =	vst v63  }
0xdb: {  	s28 =	simm.s32 $0xFB00  }
0xdc: {  	[hbm4b:s5+s3] =	stream.indirect_vreg.scatter [tilespmem:s28], [sflag:$0x2], $0x80, v5, vm1, $0xb8;
	[tilespmem:$0x18300] =	vst v63  }
0xdd: {  	s28 =	simm.s32 $0xFF00  }
0xde: {  	[hbm4b:s2+s3] =	stream.indirect_vreg.scatter [tilespmem:s28], [sflag:$0x2], $0x80, v4, vm0, $0xb8;
	[tilespmem:$0x18300] =	vst v63  }
0xdf: {  	s28 =	simm.s32 $0x10700  }
0xe0: {  	[hbm4b:s5+s3] =	stream.indirect_vreg.scatter [tilespmem:s28], [sflag:$0x2], $0x80, v4, vm1, $0xb8;
	[tilespmem:$0x18300] =	vst v63  }
0xe1: {  	v4 =	vld [tilespmem:$0x2B0];
	_ =	sdelay $0x4  }
0xe2: {  	v5 =	vshrl.u32 v4, $0x3  }
0xe3: {  	v5 =	vmul.u32 $0x18, v5  }
0xe4: {  	v4 =	vand.u32 $0x7, v4  }
0xe5: {  	v4 =	vor.u32 v4, v5  }
0xe6: {  	v5 =	vperm.xlane v4, v1;
	_ =	sdelay $0x1  }
0xe7: {  	v5 =	vadd.s32 v2, v5;
	_ =	sdelay $0x1  }
0xe8: {  	v4 =	vperm.xlane v4, v3;
	_ =	sdelay $0x1  }
0xe9: {  	s28 =	simm.s32 $0x10B00;
	v4 =	vadd.s32 v2, v4  }
0xea: {  	[hbm4b:s2+s3] =	stream.indirect_vreg.scatter [tilespmem:s28], [sflag:$0x2], $0x80, v5, vm0, $0xb8;
	[tilespmem:$0x18300] =	vst v63  }
0xeb: {  	s28 =	simm.s32 $0x11300  }
0xec: {  	[hbm4b:s5+s3] =	stream.indirect_vreg.scatter [tilespmem:s28], [sflag:$0x2], $0x80, v5, vm1, $0xb8;
	[tilespmem:$0x18300] =	vst v63  }
0xed: {  	s28 =	simm.s32 $0x11700  }
0xee: {  	[hbm4b:s2+s3] =	stream.indirect_vreg.scatter [tilespmem:s28], [sflag:$0x2], $0x80, v4, vm0, $0xb8;
	[tilespmem:$0x18300] =	vst v63  }
0xef: {  	s28 =	simm.s32 $0x11F00  }
0xf0: {  	[hbm4b:s5+s3] =	stream.indirect_vreg.scatter [tilespmem:s28], [sflag:$0x2], $0x80, v4, vm1, $0xb8;
	[tilespmem:$0x18300] =	vst v63  }
0xf1: {  	v4 =	vld [tilespmem:$0x2C0];
	_ =	sdelay $0x4  }
0xf2: {  	v5 =	vshrl.u32 v4, $0x3  }
0xf3: {  	v5 =	vmul.u32 $0x18, v5  }
0xf4: {  	v4 =	vand.u32 $0x7, v4  }
0xf5: {  	v4 =	vor.u32 v4, v5  }
0xf6: {  	v5 =	vperm.xlane v4, v1;
	_ =	sdelay $0x1  }
0xf7: {  	v5 =	vadd.s32 v2, v5;
	_ =	sdelay $0x1  }
0xf8: {  	v4 =	vperm.xlane v4, v3;
	_ =	sdelay $0x1  }
0xf9: {  	s28 =	simm.s32 $0x12300;
	v4 =	vadd.s32 v2, v4  }
0xfa: {  	[hbm4b:s2+s3] =	stream.indirect_vreg.scatter [tilespmem:s28], [sflag:$0x2], $0x80, v5, vm0, $0xb8;
	[tilespmem:$0x18300] =	vst v63  }
0xfb: {  	s28 =	simm.s32 $0x12B00  }
0xfc: {  	[hbm4b:s5+s3] =	stream.indirect_vreg.scatter [tilespmem:s28], [sflag:$0x2], $0x80, v5, vm1, $0xb8;
	[tilespmem:$0x18300] =	vst v63  }
0xfd: {  	s28 =	simm.s32 $0x12F00  }
0xfe: {  	[hbm4b:s2+s3] =	stream.indirect_vreg.scatter [tilespmem:s28], [sflag:$0x2], $0x80, v4, vm0, $0xb8;
	[tilespmem:$0x18300] =	vst v63  }
0xff: {  	s28 =	simm.s32 $0x13700  }
0x100: {  	[hbm4b:s5+s3] =	stream.indirect_vreg.scatter [tilespmem:s28], [sflag:$0x2], $0x80, v4, vm1, $0xb8;
	[tilespmem:$0x18300] =	vst v63  }
0x101: {  	v4 =	vld [tilespmem:$0x2D0];
	_ =	sdelay $0x4  }
0x102: {  	v5 =	vshrl.u32 v4, $0x3  }
0x103: {  	v5 =	vmul.u32 $0x18, v5  }
0x104: {  	v4 =	vand.u32 $0x7, v4  }
0x105: {  	v4 =	vor.u32 v4, v5  }
0x106: {  	v5 =	vperm.xlane v4, v1;
	_ =	sdelay $0x1  }
0x107: {  	v5 =	vadd.s32 v2, v5;
	_ =	sdelay $0x1  }
0x108: {  	v4 =	vperm.xlane v4, v3;
	_ =	sdelay $0x1  }
0x109: {  	s28 =	simm.s32 $0x13B00;
	v4 =	vadd.s32 v2, v4  }
0x10a: {  	[hbm4b:s2+s3] =	stream.indirect_vreg.scatter [tilespmem:s28], [sflag:$0x2], $0x80, v5, vm0, $0xb8;
	[tilespmem:$0x18300] =	vst v63  }
0x10b: {  	s28 =	simm.s32 $0x14300  }
0x10c: {  	[hbm4b:s5+s3] =	stream.indirect_vreg.scatter [tilespmem:s28], [sflag:$0x2], $0x80, v5, vm1, $0xb8;
	[tilespmem:$0x18300] =	vst v63  }
0x10d: {  	s28 =	simm.s32 $0x14700  }
0x10e: {  	[hbm4b:s2+s3] =	stream.indirect_vreg.scatter [tilespmem:s28], [sflag:$0x2], $0x80, v4, vm0, $0xb8;
	[tilespmem:$0x18300] =	vst v63  }
0x10f: {  	s28 =	simm.s32 $0x14F00  }
0x110: {  	[hbm4b:s5+s3] =	stream.indirect_vreg.scatter [tilespmem:s28], [sflag:$0x2], $0x80, v4, vm1, $0xb8;
	[tilespmem:$0x18300] =	vst v63  }
0x111: {  	v4 =	vld [tilespmem:$0x2E0];
	_ =	sdelay $0x4  }
0x112: {  	v5 =	vshrl.u32 v4, $0x3  }
0x113: {  	v5 =	vmul.u32 $0x18, v5  }
0x114: {  	v4 =	vand.u32 $0x7, v4  }
0x115: {  	v4 =	vor.u32 v4, v5  }
0x116: {  	v5 =	vperm.xlane v4, v1;
	_ =	sdelay $0x1  }
0x117: {  	v5 =	vadd.s32 v2, v5;
	_ =	sdelay $0x1  }
0x118: {  	v4 =	vperm.xlane v4, v3;
	_ =	sdelay $0x1  }
0x119: {  	s28 =	simm.s32 $0x15300;
	v4 =	vadd.s32 v2, v4  }
0x11a: {  	[hbm4b:s2+s3] =	stream.indirect_vreg.scatter [tilespmem:s28], [sflag:$0x2], $0x80, v5, vm0, $0xb8;
	[tilespmem:$0x18300] =	vst v63  }
0x11b: {  	s28 =	simm.s32 $0x15B00  }
0x11c: {  	[hbm4b:s5+s3] =	stream.indirect_vreg.scatter [tilespmem:s28], [sflag:$0x2], $0x80, v5, vm1, $0xb8;
	[tilespmem:$0x18300] =	vst v63  }
0x11d: {  	s28 =	simm.s32 $0x15F00  }
0x11e: {  	[hbm4b:s2+s3] =	stream.indirect_vreg.scatter [tilespmem:s28], [sflag:$0x2], $0x80, v4, vm0, $0xb8;
	[tilespmem:$0x18300] =	vst v63  }
0x11f: {  	s28 =	simm.s32 $0x16700  }
0x120: {  	[hbm4b:s5+s3] =	stream.indirect_vreg.scatter [tilespmem:s28], [sflag:$0x2], $0x80, v4, vm1, $0xb8;
	[tilespmem:$0x18300] =	vst v63  }
0x121: {  	v4 =	vld [tilespmem:$0x2F0];
	_ =	sdelay $0x4  }
0x122: {  	v5 =	vshrl.u32 v4, $0x3  }
0x123: {  	v5 =	vmul.u32 $0x18, v5  }
0x124: {  	v4 =	vand.u32 $0x7, v4  }
0x125: {  	v4 =	vor.u32 v4, v5  }
0x126: {  	v5 =	vperm.xlane v4, v1;
	_ =	sdelay $0x1  }
0x127: {  	v5 =	vadd.s32 v2, v5;
	_ =	sdelay $0x1  }
0x128: {  	v4 =	vperm.xlane v4, v3;
	_ =	sdelay $0x1  }
0x129: {  	s28 =	simm.s32 $0x16B00;
	v4 =	vadd.s32 v2, v4  }
0x12a: {  	[hbm4b:s2+s3] =	stream.indirect_vreg.scatter [tilespmem:s28], [sflag:$0x2], $0x80, v5, vm0, $0xb8;
	[tilespmem:$0x18300] =	vst v63  }
0x12b: {  	s28 =	simm.s32 $0x17300  }
0x12c: {  	[hbm4b:s5+s3] =	stream.indirect_vreg.scatter [tilespmem:s28], [sflag:$0x2], $0x80, v5, vm1, $0xb8;
	[tilespmem:$0x18300] =	vst v63  }
0x12d: {  	s28 =	simm.s32 $0x17700  }
0x12e: {  	[hbm4b:s2+s3] =	stream.indirect_vreg.scatter [tilespmem:s28], [sflag:$0x2], $0x80, v4, vm0, $0xb8;
	[tilespmem:$0x18300] =	vst v63  }
0x12f: {  	s28 =	simm.s32 $0x17F00  }
0x130: {  	[hbm4b:s5+s3] =	stream.indirect_vreg.scatter [tilespmem:s28], [sflag:$0x2], $0x80, v4, vm1, $0xb8;
	[tilespmem:$0x18300] =	vst v63  }
0x131: {  	_ =	swait.ge [sflag:s26], $0xC000  }
0x132: {  	[sflag:s26] =	ssyncset.done $0x0  }
0x133: {  	s28 =	rddreg [dreg:$0x6];
	[sflag:s26] =	ssyncadd.s32 $0xFFFF4000  }
0x134: {  	[tilespmem:s4], [sflag:$0x1] =	stream.linear.gather [hbm4b:s28+s3], $0xC000, $0x38;
	[tilespmem:$0x18300] =	vst v63  }
0x135: {  	_ =	swait.ge [sflag:s9], $0xC000  }
0x136: {  	[sflag:s9] =	ssyncset.done $0x0  }
0x137: {  	[sflag:s9] =	ssyncadd.s32 $0xFFFF4000  }
0x138: {  	v4 =	vld [tilespmem:$0x100];
	_ =	sdelay $0x3  }
0x139: {  	v5 =	vld [tilespmem:$0x110]  }
0x13a: {  	v47 =	vld [tilespmem:$0x120];
	v46 =	vadd.s32 v0, v4  }
0x13b: {  	v48 =	vld [tilespmem:$0x130];
	v49 =	vshrl.u32 v46, $0x3  }
0x13c: {  	v50 =	vld [tilespmem:$0x140];
	v9 =	vmul.u32 $0x18, v49  }
0x13d: {  	v51 =	vld [tilespmem:$0x150];
	v4 =	vand.u32 $0x7, v4  }
0x13e: {  	v52 =	vld [tilespmem:$0x160];
	v5 =	vadd.s32 v0, v5;
	[tilespmem:$0x200] =	vst v46;
	v4 =	vor.u32 v4, v9  }
0x13f: {  	v53 =	vld [tilespmem:$0x170];
	[tilespmem:$0x210] =	vst v5;
	v5 =	vadd.s32 v0, v47;
	v9 =	vperm.xlane v4, v1  }
0x140: {  	[tilespmem:$0x220] =	vst v5;
	v5 =	vadd.s32 v0, v48  }
0x141: {  	[tilespmem:$0x230] =	vst v5;
	v5 =	vadd.s32 v0, v50;
	v54 =	vadd.s32 v2, v9  }
0x142: {  	[tilespmem:$0x240] =	vst v5;
	v5 =	vadd.s32 v0, v51  }
0x143: {  	[tilespmem:$0x250] =	vst v5;
	v5 =	vadd.s32 v0, v52;
	v4 =	vperm.xlane v4, v3  }
0x144: {  	[tilespmem:$0x260] =	vst v5;
	v5 =	vadd.s32 v0, v53  }
0x145: {  	[tilespmem:$0x270] =	vst v5;
	v4 =	vadd.s32 v2, v4  }
0x146: {  	[hbm4b:s2+s3] =	stream.indirect_vreg.scatter [tilespmem:s4], [sflag:$0x2], $0x80, v54, vm0, $0xb8;
	[tilespmem:$0x18300] =	vst v63  }
0x147: {  	_ = 	snop  }
0x148: {  	[hbm4b:s5+s3] =	stream.indirect_vreg.scatter [tilespmem:s29], [sflag:$0x2], $0x80, v54, vm1, $0xb8;
	[tilespmem:$0x18300] =	vst v63  }
0x149: {  	_ = 	snop  }
0x14a: {  	[hbm4b:s2+s3] =	stream.indirect_vreg.scatter [tilespmem:s30], [sflag:$0x2], $0x80, v4, vm0, $0xb8;
	[tilespmem:$0x18300] =	vst v63  }
0x14b: {  	_ = 	snop  }
0x14c: {  	[hbm4b:s5+s3] =	stream.indirect_vreg.scatter [tilespmem:s31], [sflag:$0x2], $0x80, v4, vm1, $0xb8;
	[tilespmem:$0x18300] =	vst v63  }
0x14d: {  	v4 =	vld [tilespmem:$0x210];
	_ =	sdelay $0x4  }
0x14e: {  	v5 =	vshrl.u32 v4, $0x3  }
0x14f: {  	v5 =	vmul.u32 $0x18, v5  }
0x150: {  	v4 =	vand.u32 $0x7, v4  }
0x151: {  	v4 =	vor.u32 v4, v5  }
0x152: {  	v5 =	vperm.xlane v4, v1;
	_ =	sdelay $0x1  }
0x153: {  	v5 =	vadd.s32 v2, v5;
	_ =	sdelay $0x1  }
0x154: {  	v4 =	vperm.xlane v4, v3;
	_ =	sdelay $0x1  }
0x155: {  	s28 =	simm.s32 $0x1B00;
	v4 =	vadd.s32 v2, v4  }
0x156: {  	[hbm4b:s2+s3] =	stream.indirect_vreg.scatter [tilespmem:s28], [sflag:$0x2], $0x80, v5, vm0, $0xb8;
	[tilespmem:$0x18300] =	vst v63  }
0x157: {  	s29 =	simm.s32 $0x2300  }
0x158: {  	[hbm4b:s5+s3] =	stream.indirect_vreg.scatter [tilespmem:s29], [sflag:$0x2], $0x80, v5, vm1, $0xb8;
	[tilespmem:$0x18300] =	vst v63  }
0x159: {  	_ = 	snop  }
0x15a: {  	[hbm4b:s2+s3] =	stream.indirect_vreg.scatter [tilespmem:s10], [sflag:$0x2], $0x80, v4, vm0, $0xb8;
	[tilespmem:$0x18300] =	vst v63  }
0x15b: {  	_ = 	snop  }
0x15c: {  	[hbm4b:s5+s3] =	stream.indirect_vreg.scatter [tilespmem:s11], [sflag:$0x2], $0x80, v4, vm1, $0xb8;
	[tilespmem:$0x18300] =	vst v63  }
0x15d: {  	v4 =	vld [tilespmem:$0x220];
	_ =	sdelay $0x4  }
0x15e: {  	v5 =	vshrl.u32 v4, $0x3  }
0x15f: {  	v5 =	vmul.u32 $0x18, v5  }
0x160: {  	v4 =	vand.u32 $0x7, v4  }
0x161: {  	v4 =	vor.u32 v4, v5  }
0x162: {  	v5 =	vperm.xlane v4, v1;
	_ =	sdelay $0x1  }
0x163: {  	v5 =	vadd.s32 v2, v5;
	_ =	sdelay $0x1  }
0x164: {  	v4 =	vperm.xlane v4, v3;
	_ =	sdelay $0x1  }
0x165: {  	v4 =	vadd.s32 v2, v4  }
0x166: {  	[hbm4b:s2+s3] =	stream.indirect_vreg.scatter [tilespmem:s12], [sflag:$0x2], $0x80, v5, vm0, $0xb8;
	[tilespmem:$0x18300] =	vst v63  }
0x167: {  	_ = 	snop  }
0x168: {  	[hbm4b:s5+s3] =	stream.indirect_vreg.scatter [tilespmem:s13], [sflag:$0x2], $0x80, v5, vm1, $0xb8;
	[tilespmem:$0x18300] =	vst v63  }
0x169: {  	_ = 	snop  }
0x16a: {  	[hbm4b:s2+s3] =	stream.indirect_vreg.scatter [tilespmem:s14], [sflag:$0x2], $0x80, v4, vm0, $0xb8;
	[tilespmem:$0x18300] =	vst v63  }
0x16b: {  	_ = 	snop  }
0x16c: {  	[hbm4b:s5+s3] =	stream.indirect_vreg.scatter [tilespmem:s15], [sflag:$0x2], $0x80, v4, vm1, $0xb8;
	[tilespmem:$0x18300] =	vst v63  }
0x16d: {  	v4 =	vld [tilespmem:$0x230];
	_ =	sdelay $0x4  }
0x16e: {  	v5 =	vshrl.u32 v4, $0x3  }
0x16f: {  	v5 =	vmul.u32 $0x18, v5  }
0x170: {  	v4 =	vand.u32 $0x7, v4  }
0x171: {  	v4 =	vor.u32 v4, v5  }
0x172: {  	v5 =	vperm.xlane v4, v1;
	_ =	sdelay $0x1  }
0x173: {  	v5 =	vadd.s32 v2, v5;
	_ =	sdelay $0x1  }
0x174: {  	v4 =	vperm.xlane v4, v3;
	_ =	sdelay $0x1  }
0x175: {  	v4 =	vadd.s32 v2, v4  }
0x176: {  	[hbm4b:s2+s3] =	stream.indirect_vreg.scatter [tilespmem:s16], [sflag:$0x2], $0x80, v5, vm0, $0xb8;
	[tilespmem:$0x18300] =	vst v63  }
0x177: {  	_ = 	snop  }
0x178: {  	[hbm4b:s5+s3] =	stream.indirect_vreg.scatter [tilespmem:s17], [sflag:$0x2], $0x80, v5, vm1, $0xb8;
	[tilespmem:$0x18300] =	vst v63  }
0x179: {  	_ = 	snop  }
0x17a: {  	[hbm4b:s2+s3] =	stream.indirect_vreg.scatter [tilespmem:s18], [sflag:$0x2], $0x80, v4, vm0, $0xb8;
	[tilespmem:$0x18300] =	vst v63  }
0x17b: {  	_ = 	snop  }
0x17c: {  	[hbm4b:s5+s3] =	stream.indirect_vreg.scatter [tilespmem:s19], [sflag:$0x2], $0x80, v4, vm1, $0xb8;
	[tilespmem:$0x18300] =	vst v63  }
0x17d: {  	v4 =	vld [tilespmem:$0x240];
	_ =	sdelay $0x4  }
0x17e: {  	v5 =	vshrl.u32 v4, $0x3  }
0x17f: {  	v5 =	vmul.u32 $0x18, v5  }
0x180: {  	v4 =	vand.u32 $0x7, v4  }
0x181: {  	v4 =	vor.u32 v4, v5  }
0x182: {  	v5 =	vperm.xlane v4, v1;
	_ =	sdelay $0x1  }
0x183: {  	v5 =	vadd.s32 v2, v5;
	_ =	sdelay $0x1  }
0x184: {  	v4 =	vperm.xlane v4, v3;
	_ =	sdelay $0x1  }
0x185: {  	v4 =	vadd.s32 v2, v4  }
0x186: {  	[hbm4b:s2+s3] =	stream.indirect_vreg.scatter [tilespmem:s20], [sflag:$0x2], $0x80, v5, vm0, $0xb8;
	[tilespmem:$0x18300] =	vst v63  }
0x187: {  	_ = 	snop  }
0x188: {  	[hbm4b:s5+s3] =	stream.indirect_vreg.scatter [tilespmem:s21], [sflag:$0x2], $0x80, v5, vm1, $0xb8;
	[tilespmem:$0x18300] =	vst v63  }
0x189: {  	_ = 	snop  }
0x18a: {  	[hbm4b:s2+s3] =	stream.indirect_vreg.scatter [tilespmem:s22], [sflag:$0x2], $0x80, v4, vm0, $0xb8;
	[tilespmem:$0x18300] =	vst v63  }
0x18b: {  	_ = 	snop  }
0x18c: {  	[hbm4b:s5+s3] =	stream.indirect_vreg.scatter [tilespmem:s23], [sflag:$0x2], $0x80, v4, vm1, $0xb8;
	[tilespmem:$0x18300] =	vst v63  }
0x18d: {  	v4 =	vld [tilespmem:$0x250];
	_ =	sdelay $0x4  }
0x18e: {  	v5 =	vshrl.u32 v4, $0x3  }
0x18f: {  	v5 =	vmul.u32 $0x18, v5  }
0x190: {  	v4 =	vand.u32 $0x7, v4  }
0x191: {  	v4 =	vor.u32 v4, v5  }
0x192: {  	v5 =	vperm.xlane v4, v1;
	_ =	sdelay $0x1  }
0x193: {  	v5 =	vadd.s32 v2, v5;
	_ =	sdelay $0x1  }
0x194: {  	v4 =	vperm.xlane v4, v3;
	_ =	sdelay $0x1  }
0x195: {  	v4 =	vadd.s32 v2, v4  }
0x196: {  	[hbm4b:s2+s3] =	stream.indirect_vreg.scatter [tilespmem:s24], [sflag:$0x2], $0x80, v5, vm0, $0xb8;
	[tilespmem:$0x18300] =	vst v63  }
0x197: {  	_ = 	snop  }
0x198: {  	[hbm4b:s5+s3] =	stream.indirect_vreg.scatter [tilespmem:s25], [sflag:$0x2], $0x80, v5, vm1, $0xb8;
	[tilespmem:$0x18300] =	vst v63  }
0x199: {  	_ = 	snop  }
0x19a: {  	[hbm4b:s2+s3] =	stream.indirect_vreg.scatter [tilespmem:s7], [sflag:$0x2], $0x80, v4, vm0, $0xb8;
	[tilespmem:$0x18300] =	vst v63  }
0x19b: {  	_ = 	snop  }
0x19c: {  	[hbm4b:s5+s3] =	stream.indirect_vreg.scatter [tilespmem:s8], [sflag:$0x2], $0x80, v4, vm1, $0xb8;
	[tilespmem:$0x18300] =	vst v63  }
0x19d: {  	v4 =	vld [tilespmem:$0x260];
	_ =	sdelay $0x4  }
0x19e: {  	v5 =	vshrl.u32 v4, $0x3  }
0x19f: {  	v5 =	vmul.u32 $0x18, v5  }
0x1a0: {  	v4 =	vand.u32 $0x7, v4  }
0x1a1: {  	v4 =	vor.u32 v4, v5  }
0x1a2: {  	v5 =	vperm.xlane v4, v1;
	_ =	sdelay $0x1  }
0x1a3: {  	v5 =	vadd.s32 v2, v5;
	_ =	sdelay $0x1  }
0x1a4: {  	v4 =	vperm.xlane v4, v3;
	_ =	sdelay $0x1  }
0x1a5: {  	s30 =	simm.s32 $0x9300;
	v4 =	vadd.s32 v2, v4  }
0x1a6: {  	[hbm4b:s2+s3] =	stream.indirect_vreg.scatter [tilespmem:s30], [sflag:$0x2], $0x80, v5, vm0, $0xb8;
	[tilespmem:$0x18300] =	vst v63  }
0x1a7: {  	s28 =	simm.s32 $0x9B00  }
0x1a8: {  	[hbm4b:s5+s3] =	stream.indirect_vreg.scatter [tilespmem:s28], [sflag:$0x2], $0x80, v5, vm1, $0xb8;
	[tilespmem:$0x18300] =	vst v63  }
0x1a9: {  	s29 =	simm.s32 $0x9F00  }
0x1aa: {  	[hbm4b:s2+s3] =	stream.indirect_vreg.scatter [tilespmem:s29], [sflag:$0x2], $0x80, v4, vm0, $0xb8;
	[tilespmem:$0x18300] =	vst v63  }
0x1ab: {  	s30 =	simm.s32 $0xA700  }
0x1ac: {  	[hbm4b:s5+s3] =	stream.indirect_vreg.scatter [tilespmem:s30], [sflag:$0x2], $0x80, v4, vm1, $0xb8;
	[tilespmem:$0x18300] =	vst v63  }
0x1ad: {  	v4 =	vld [tilespmem:$0x270];
	_ =	sdelay $0x4  }
0x1ae: {  	v5 =	vshrl.u32 v4, $0x3  }
0x1af: {  	v5 =	vmul.u32 $0x18, v5  }
0x1b0: {  	v4 =	vand.u32 $0x7, v4  }
0x1b1: {  	v4 =	vor.u32 v4, v5  }
0x1b2: {  	v5 =	vperm.xlane v4, v1;
	_ =	sdelay $0x1  }
0x1b3: {  	v5 =	vadd.s32 v2, v5;
	_ =	sdelay $0x1  }
0x1b4: {  	v4 =	vperm.xlane v4, v3;
	_ =	sdelay $0x1  }
0x1b5: {  	s28 =	simm.s32 $0xAB00;
	v4 =	vadd.s32 v2, v4  }
0x1b6: {  	[hbm4b:s2+s3] =	stream.indirect_vreg.scatter [tilespmem:s28], [sflag:$0x2], $0x80, v5, vm0, $0xb8;
	[tilespmem:$0x18300] =	vst v63  }
0x1b7: {  	s29 =	simm.s32 $0xB300  }
0x1b8: {  	[hbm4b:s5+s3] =	stream.indirect_vreg.scatter [tilespmem:s29], [sflag:$0x2], $0x80, v5, vm1, $0xb8;
	[tilespmem:$0x18300] =	vst v63  }
0x1b9: {  	s30 =	simm.s32 $0xB700  }
0x1ba: {  	[hbm4b:s2+s3] =	stream.indirect_vreg.scatter [tilespmem:s30], [sflag:$0x2], $0x80, v4, vm0, $0xb8;
	[tilespmem:$0x18300] =	vst v63  }
0x1bb: {  	_ = 	snop  }
0x1bc: {  	[hbm4b:s5+s3] =	stream.indirect_vreg.scatter [tilespmem:s1], [sflag:$0x2], $0x80, v4, vm1, $0xb8;
	[tilespmem:$0x18300] =	vst v63  }
0x1bd: {  	_ =	swait.ge [sflag:s26], $0xC000  }
0x1be: {  	[sflag:s26] =	ssyncset.done $0x0  }
0x1bf: {  	s4 =	rddreg [dreg:$0x7];
	[sflag:s26] =	ssyncadd.s32 $0xFFFF4000  }
0x1c0: {  	[tilespmem:s0], [sflag:$0x1] =	stream.linear.gather [hbm4b:s4+s3], $0xC000, $0x38;
	[tilespmem:$0x18300] =	vst v63  }
0x1c1: {  	_ =	swait.ge [sflag:s9], $0xC000  }
0x1c2: {  	[sflag:s9] =	ssyncset.done $0x0  }
0x1c3: {  	[sflag:s9] =	ssyncadd.s32 $0xFFFF4000  }
0x1c4: {  	v4 =	vld [tilespmem:$0x180];
	_ =	sdelay $0x3  }
0x1c5: {  	v5 =	vld [tilespmem:$0x190]  }
0x1c6: {  	v56 =	vld [tilespmem:$0x1A0];
	v55 =	vadd.s32 v0, v4  }
0x1c7: {  	v57 =	vld [tilespmem:$0x1B0];
	v58 =	vshrl.u32 v55, $0x3  }
0x1c8: {  	v59 =	vld [tilespmem:$0x1C0];
	v9 =	vmul.u32 $0x18, v58  }
0x1c9: {  	v60 =	vld [tilespmem:$0x1D0];
	v4 =	vand.u32 $0x7, v4  }
0x1ca: {  	v61 =	vld [tilespmem:$0x1E0];
	v5 =	vadd.s32 v0, v5;
	[tilespmem:$0x280] =	vst v55;
	v4 =	vor.u32 v4, v9  }
0x1cb: {  	v62 =	vld [tilespmem:$0x1F0];
	[tilespmem:$0x290] =	vst v5;
	v5 =	vadd.s32 v0, v56;
	v9 =	vperm.xlane v4, v1  }
0x1cc: {  	[tilespmem:$0x2A0] =	vst v5;
	v5 =	vadd.s32 v0, v57  }
0x1cd: {  	[tilespmem:$0x2B0] =	vst v5;
	v5 =	vadd.s32 v0, v59;
	v63 =	vadd.s32 v2, v9  }
0x1ce: {  	[tilespmem:$0x2C0] =	vst v5;
	v5 =	vadd.s32 v0, v60  }
0x1cf: {  	[tilespmem:$0x2D0] =	vst v5;
	v5 =	vadd.s32 v0, v61;
	v4 =	vperm.xlane v4, v3  }
0x1d0: {  	[tilespmem:$0x2E0] =	vst v5;
	v5 =	vadd.s32 v0, v62  }
0x1d1: {  	[tilespmem:$0x2F0] =	vst v5;
	v4 =	vadd.s32 v2, v4  }
0x1d2: {  	[hbm4b:s2+s3] =	stream.indirect_vreg.scatter [tilespmem:s0], [sflag:$0x2], $0x80, v63, vm0, $0xb8;
	[tilespmem:$0x18300] =	vst v63  }
0x1d3: {  	s28 =	simm.s32 $0xCB00  }
0x1d4: {  	[hbm4b:s5+s3] =	stream.indirect_vreg.scatter [tilespmem:s28], [sflag:$0x2], $0x80, v63, vm1, $0xb8;
	[tilespmem:$0x18300] =	vst v63  }
0x1d5: {  	s29 =	simm.s32 $0xCF00  }
0x1d6: {  	[hbm4b:s2+s3] =	stream.indirect_vreg.scatter [tilespmem:s29], [sflag:$0x2], $0x80, v4, vm0, $0xb8;
	[tilespmem:$0x18300] =	vst v63  }
0x1d7: {  	s30 =	simm.s32 $0xD700  }
0x1d8: {  	[hbm4b:s5+s3] =	stream.indirect_vreg.scatter [tilespmem:s30], [sflag:$0x2], $0x80, v4, vm1, $0xb8;
	[tilespmem:$0x18300] =	vst v63  }
0x1d9: {  	v4 =	vld [tilespmem:$0x290];
	_ =	sdelay $0x4  }
0x1da: {  	v5 =	vshrl.u32 v4, $0x3  }
0x1db: {  	v5 =	vmul.u32 $0x18, v5  }
0x1dc: {  	v4 =	vand.u32 $0x7, v4  }
0x1dd: {  	v4 =	vor.u32 v4, v5  }
0x1de: {  	v5 =	vperm.xlane v4, v1;
	_ =	sdelay $0x1  }
0x1df: {  	v5 =	vadd.s32 v2, v5;
	_ =	sdelay $0x1  }
0x1e0: {  	v4 =	vperm.xlane v4, v3;
	_ =	sdelay $0x1  }
0x1e1: {  	s4 =	simm.s32 $0xDB00;
	v4 =	vadd.s32 v2, v4  }
0x1e2: {  	[hbm4b:s2+s3] =	stream.indirect_vreg.scatter [tilespmem:s4], [sflag:$0x2], $0x80, v5, vm0, $0xb8;
	[tilespmem:$0x18300] =	vst v63  }
0x1e3: {  	s28 =	simm.s32 $0xE300  }
0x1e4: {  	[hbm4b:s5+s3] =	stream.indirect_vreg.scatter [tilespmem:s28], [sflag:$0x2], $0x80, v5, vm1, $0xb8;
	[tilespmem:$0x18300] =	vst v63  }
0x1e5: {  	s29 =	simm.s32 $0xE700  }
0x1e6: {  	[hbm4b:s2+s3] =	stream.indirect_vreg.scatter [tilespmem:s29], [sflag:$0x2], $0x80, v4, vm0, $0xb8;
	[tilespmem:$0x18300] =	vst v63  }
0x1e7: {  	s30 =	simm.s32 $0xEF00  }
0x1e8: {  	[hbm4b:s5+s3] =	stream.indirect_vreg.scatter [tilespmem:s30], [sflag:$0x2], $0x80, v4, vm1, $0xb8;
	[tilespmem:$0x18300] =	vst v63  }
0x1e9: {  	v4 =	vld [tilespmem:$0x2A0];
	_ =	sdelay $0x4  }
0x1ea: {  	v5 =	vshrl.u32 v4, $0x3  }
0x1eb: {  	v5 =	vmul.u32 $0x18, v5  }
0x1ec: {  	v4 =	vand.u32 $0x7, v4  }
0x1ed: {  	v4 =	vor.u32 v4, v5  }
0x1ee: {  	v5 =	vperm.xlane v4, v1;
	_ =	sdelay $0x1  }
0x1ef: {  	v5 =	vadd.s32 v2, v5;
	_ =	sdelay $0x1  }
0x1f0: {  	v4 =	vperm.xlane v4, v3;
	_ =	sdelay $0x1  }
0x1f1: {  	s4 =	simm.s32 $0xF300;
	v4 =	vadd.s32 v2, v4  }
0x1f2: {  	[hbm4b:s2+s3] =	stream.indirect_vreg.scatter [tilespmem:s4], [sflag:$0x2], $0x80, v5, vm0, $0xb8;
	[tilespmem:$0x18300] =	vst v63  }
0x1f3: {  	s28 =	simm.s32 $0xFB00  }
0x1f4: {  	[hbm4b:s5+s3] =	stream.indirect_vreg.scatter [tilespmem:s28], [sflag:$0x2], $0x80, v5, vm1, $0xb8;
	[tilespmem:$0x18300] =	vst v63  }
0x1f5: {  	s29 =	simm.s32 $0xFF00  }
0x1f6: {  	[hbm4b:s2+s3] =	stream.indirect_vreg.scatter [tilespmem:s29], [sflag:$0x2], $0x80, v4, vm0, $0xb8;
	[tilespmem:$0x18300] =	vst v63  }
0x1f7: {  	s30 =	simm.s32 $0x10700  }
0x1f8: {  	[hbm4b:s5+s3] =	stream.indirect_vreg.scatter [tilespmem:s30], [sflag:$0x2], $0x80, v4, vm1, $0xb8;
	[tilespmem:$0x18300] =	vst v63  }
0x1f9: {  	v4 =	vld [tilespmem:$0x2B0];
	_ =	sdelay $0x4  }
0x1fa: {  	v5 =	vshrl.u32 v4, $0x3  }
0x1fb: {  	v5 =	vmul.u32 $0x18, v5  }
0x1fc: {  	v4 =	vand.u32 $0x7, v4  }
0x1fd: {  	v4 =	vor.u32 v4, v5  }
0x1fe: {  	v5 =	vperm.xlane v4, v1;
	_ =	sdelay $0x1  }
0x1ff: {  	v5 =	vadd.s32 v2, v5;
	_ =	sdelay $0x1  }
0x200: {  	v4 =	vperm.xlane v4, v3;
	_ =	sdelay $0x1  }
0x201: {  	s4 =	simm.s32 $0x10B00;
	v4 =	vadd.s32 v2, v4  }
0x202: {  	[hbm4b:s2+s3] =	stream.indirect_vreg.scatter [tilespmem:s4], [sflag:$0x2], $0x80, v5, vm0, $0xb8;
	[tilespmem:$0x18300] =	vst v63  }
0x203: {  	s28 =	simm.s32 $0x11300  }
0x204: {  	[hbm4b:s5+s3] =	stream.indirect_vreg.scatter [tilespmem:s28], [sflag:$0x2], $0x80, v5, vm1, $0xb8;
	[tilespmem:$0x18300] =	vst v63  }
0x205: {  	s29 =	simm.s32 $0x11700  }
0x206: {  	[hbm4b:s2+s3] =	stream.indirect_vreg.scatter [tilespmem:s29], [sflag:$0x2], $0x80, v4, vm0, $0xb8;
	[tilespmem:$0x18300] =	vst v63  }
0x207: {  	s30 =	simm.s32 $0x11F00  }
0x208: {  	[hbm4b:s5+s3] =	stream.indirect_vreg.scatter [tilespmem:s30], [sflag:$0x2], $0x80, v4, vm1, $0xb8;
	[tilespmem:$0x18300] =	vst v63  }
0x209: {  	v4 =	vld [tilespmem:$0x2C0];
	_ =	sdelay $0x4  }
0x20a: {  	v5 =	vshrl.u32 v4, $0x3  }
0x20b: {  	v5 =	vmul.u32 $0x18, v5  }
0x20c: {  	v4 =	vand.u32 $0x7, v4  }
0x20d: {  	v4 =	vor.u32 v4, v5  }
0x20e: {  	v5 =	vperm.xlane v4, v1;
	_ =	sdelay $0x1  }
0x20f: {  	v5 =	vadd.s32 v2, v5;
	_ =	sdelay $0x1  }
0x210: {  	v4 =	vperm.xlane v4, v3;
	_ =	sdelay $0x1  }
0x211: {  	s4 =	simm.s32 $0x12300;
	v4 =	vadd.s32 v2, v4  }
0x212: {  	[hbm4b:s2+s3] =	stream.indirect_vreg.scatter [tilespmem:s4], [sflag:$0x2], $0x80, v5, vm0, $0xb8;
	[tilespmem:$0x18300] =	vst v63  }
0x213: {  	s28 =	simm.s32 $0x12B00  }
0x214: {  	[hbm4b:s5+s3] =	stream.indirect_vreg.scatter [tilespmem:s28], [sflag:$0x2], $0x80, v5, vm1, $0xb8;
	[tilespmem:$0x18300] =	vst v63  }
0x215: {  	s29 =	simm.s32 $0x12F00  }
0x216: {  	[hbm4b:s2+s3] =	stream.indirect_vreg.scatter [tilespmem:s29], [sflag:$0x2], $0x80, v4, vm0, $0xb8;
	[tilespmem:$0x18300] =	vst v63  }
0x217: {  	s30 =	simm.s32 $0x13700  }
0x218: {  	[hbm4b:s5+s3] =	stream.indirect_vreg.scatter [tilespmem:s30], [sflag:$0x2], $0x80, v4, vm1, $0xb8;
	[tilespmem:$0x18300] =	vst v63  }
0x219: {  	v4 =	vld [tilespmem:$0x2D0];
	_ =	sdelay $0x4  }
0x21a: {  	v5 =	vshrl.u32 v4, $0x3  }
0x21b: {  	v5 =	vmul.u32 $0x18, v5  }
0x21c: {  	v4 =	vand.u32 $0x7, v4  }
0x21d: {  	v4 =	vor.u32 v4, v5  }
0x21e: {  	v5 =	vperm.xlane v4, v1;
	_ =	sdelay $0x1  }
0x21f: {  	v5 =	vadd.s32 v2, v5;
	_ =	sdelay $0x1  }
0x220: {  	v4 =	vperm.xlane v4, v3;
	_ =	sdelay $0x1  }
0x221: {  	s4 =	simm.s32 $0x13B00;
	v4 =	vadd.s32 v2, v4  }
0x222: {  	[hbm4b:s2+s3] =	stream.indirect_vreg.scatter [tilespmem:s4], [sflag:$0x2], $0x80, v5, vm0, $0xb8;
	[tilespmem:$0x18300] =	vst v63  }
0x223: {  	s28 =	simm.s32 $0x14300  }
0x224: {  	[hbm4b:s5+s3] =	stream.indirect_vreg.scatter [tilespmem:s28], [sflag:$0x2], $0x80, v5, vm1, $0xb8;
	[tilespmem:$0x18300] =	vst v63  }
0x225: {  	s29 =	simm.s32 $0x14700  }
0x226: {  	[hbm4b:s2+s3] =	stream.indirect_vreg.scatter [tilespmem:s29], [sflag:$0x2], $0x80, v4, vm0, $0xb8;
	[tilespmem:$0x18300] =	vst v63  }
0x227: {  	s30 =	simm.s32 $0x14F00  }
0x228: {  	[hbm4b:s5+s3] =	stream.indirect_vreg.scatter [tilespmem:s30], [sflag:$0x2], $0x80, v4, vm1, $0xb8;
	[tilespmem:$0x18300] =	vst v63  }
0x229: {  	v4 =	vld [tilespmem:$0x2E0];
	_ =	sdelay $0x4  }
0x22a: {  	v5 =	vshrl.u32 v4, $0x3  }
0x22b: {  	v5 =	vmul.u32 $0x18, v5  }
0x22c: {  	v4 =	vand.u32 $0x7, v4  }
0x22d: {  	v4 =	vor.u32 v4, v5  }
0x22e: {  	v5 =	vperm.xlane v4, v1;
	_ =	sdelay $0x1  }
0x22f: {  	v5 =	vadd.s32 v2, v5;
	_ =	sdelay $0x1  }
0x230: {  	v4 =	vperm.xlane v4, v3;
	_ =	sdelay $0x1  }
0x231: {  	s4 =	simm.s32 $0x15300;
	v4 =	vadd.s32 v2, v4  }
0x232: {  	[hbm4b:s2+s3] =	stream.indirect_vreg.scatter [tilespmem:s4], [sflag:$0x2], $0x80, v5, vm0, $0xb8;
	[tilespmem:$0x18300] =	vst v63  }
0x233: {  	s28 =	simm.s32 $0x15B00  }
0x234: {  	[hbm4b:s5+s3] =	stream.indirect_vreg.scatter [tilespmem:s28], [sflag:$0x2], $0x80, v5, vm1, $0xb8;
	[tilespmem:$0x18300] =	vst v63  }
0x235: {  	s29 =	simm.s32 $0x15F00  }
0x236: {  	[hbm4b:s2+s3] =	stream.indirect_vreg.scatter [tilespmem:s29], [sflag:$0x2], $0x80, v4, vm0, $0xb8;
	[tilespmem:$0x18300] =	vst v63  }
0x237: {  	s30 =	simm.s32 $0x16700  }
0x238: {  	[hbm4b:s5+s3] =	stream.indirect_vreg.scatter [tilespmem:s30], [sflag:$0x2], $0x80, v4, vm1, $0xb8;
	[tilespmem:$0x18300] =	vst v63  }
0x239: {  	v4 =	vld [tilespmem:$0x2F0];
	_ =	sdelay $0x4  }
0x23a: {  	v5 =	vshrl.u32 v4, $0x3  }
0x23b: {  	v5 =	vmul.u32 $0x18, v5  }
0x23c: {  	v4 =	vand.u32 $0x7, v4  }
0x23d: {  	v4 =	vor.u32 v4, v5  }
0x23e: {  	v5 =	vperm.xlane v4, v1;
	_ =	sdelay $0x1  }
0x23f: {  	v5 =	vadd.s32 v2, v5;
	_ =	sdelay $0x1  }
0x240: {  	v4 =	vperm.xlane v4, v3;
	_ =	sdelay $0x1  }
0x241: {  	s4 =	simm.s32 $0x16B00;
	v4 =	vadd.s32 v2, v4  }
0x242: {  	[hbm4b:s2+s3] =	stream.indirect_vreg.scatter [tilespmem:s4], [sflag:$0x2], $0x80, v5, vm0, $0xb8;
	[tilespmem:$0x18300] =	vst v63  }
0x243: {  	s28 =	simm.s32 $0x17300  }
0x244: {  	[hbm4b:s5+s3] =	stream.indirect_vreg.scatter [tilespmem:s28], [sflag:$0x2], $0x80, v5, vm1, $0xb8;
	[tilespmem:$0x18300] =	vst v63  }
0x245: {  	s29 =	simm.s32 $0x17700  }
0x246: {  	[hbm4b:s2+s3] =	stream.indirect_vreg.scatter [tilespmem:s29], [sflag:$0x2], $0x80, v4, vm0, $0xb8;
	[tilespmem:$0x18300] =	vst v63  }
0x247: {  	s30 =	simm.s32 $0x17F00  }
0x248: {  	[hbm4b:s5+s3] =	stream.indirect_vreg.scatter [tilespmem:s30], [sflag:$0x2], $0x80, v4, vm1, $0xb8;
	[tilespmem:$0x18300] =	vst v63  }
0x249: {  	p0 =	sne.s32 s6, $0x1;
	_ =	swait.ge [sflag:s26], $0xC000  }
.Ltmp0:
0x24a: {  	[sflag:s26] =	ssyncset.done $0x0;
	(pc) =	sbr.rel @p0 .LBB2_1-.Ltmp0, $4  }
0x24b: {  	[sflag:s26] =	ssyncadd.s32 $0xFFFF4000  }
0x24c: {  	_ =	swait.ge [sflag:s26], $0xC000  }
0x24d: {  	[sflag:s26] =	ssyncset.done $0x0  }
0x24e: {  	s6 =	sadd.s32 $0xFFFFFFFF, s6;
	[sflag:s26] =	ssyncadd.s32 $0xFFFF4000  }
0x24f: {  	_ =	sfence.sel $0x180000  }
0x250: {  	[bflag:$0x0] =	sbarrier.arrive $0xFFFF  }
0x251: {  	_ =	strace $0x9000004A  }
0x252: {  	s0 =	stileid.u32;
	[bflag:$0x2] =	sbarrier.arrive $0xFFFF  }
0x253: {  	p0 =	sne.s32 s0, $0x0;
	s0 =	rddreg [dreg:$0x3]  }
0x254: {  	s0 =	sadd.s32 @!p0 $0x100000, s0  }
0x255: {  	[sflag:s0] =	ssyncadd.tile.s32 @!p0 $0x1;
	_ =	shalt  }
.Lfunc_end2:
_tile_overlayer_lowered:
.L_overlay_start_2:
0x256: {  	(tag) =	ssettag $0x2  }
0x257: {  	s0 =	rddreg [dreg:$0x0];
	s2 =	stileid.u32  }
0x258: {  	s1 =	rddreg [dreg:$0x1];
	p0 =	sne.s32 s2, $0x0  }
0x259: {  	s3 =	rddreg [dreg:$0x2];
	[bflag:$0x3] =	sbarrier.arrive $0xFFFF;
	s2 =	simm.s32 @!p0 $0x1C03  }
0x25a: {  	[timem:s3], [sflag:s2] =	dma.local @!p0 [hbm:s0], s1  }
0x25b: {  	s0 =	simm.s32 @!p0 $0x3  }
0x25c: {  	_ =	swait.ge @!p0 [sflag:s0], s1  }
0x25d: {  	s1 =	ssub.s32 @!p0 $0x0, s1;
	[sflag:s0] =	ssyncset.done @!p0 $0x0  }
0x25e: {  	[sflag:s0] =	ssyncadd.s32 @!p0 s1  }
0x25f: {  	[bflag:$0x3] =	sbarrier.arrive $0xFFFF  }
0x260: {  	_ =	shalt  }

// kernel: kernel.14.cloned.1.call-start
scs
__scs_entry_jumppad:
0x0: {  	(pc) =	sbr.rel $0x88, $3  }
0x1: {  	(tag) =	ssettag $0x0;
	lr =	simm.s32 $0x1  }
0x2: {  	[smem:$0x3F9C] =	sst lr;
	_ =	strace $0xD0000000  }
0x3: {  	_ = 	snop  }
0x4: {  	_ = 	snop  }
0x5: {  	_ = 	snop  }
0x6: {  	_ = 	snop  }
0x7: {  	_ = 	snop  }
__scs_overlays_trampoline_lowered:
0x8: {  	[smem:$0x3FAB] =	sst s0  }
0x9: {  	[smem:$0x3FAC] =	sst s1  }
0xa: {  	[smem:$0x3FAD] =	sst s2  }
0xb: {  	[smem:$0x3FAE] =	sst s3  }
0xc: {  	[smem:$0x3FAF] =	sst s4  }
0xd: {  	[smem:$0x3FB0] =	sst s5  }
0xe: {  	[smem:$0x3FB1] =	sst s6  }
0xf: {  	[smem:$0x3FB2] =	sst s7  }
0x10: {  	[smem:$0x3FB3] =	sst s8  }
0x11: {  	[smem:$0x3FB4] =	sst s9;
	s0 =	simm.s32 @!p0 $0x0  }
0x12: {  	s1 =	sld [smem:$0x3F9A];
	s0 =	simm.s32 @p0 $0x1  }
0x13: {  	[smem:$0x3FB5] =	sst s0;
	s0 =	simm.s32 @!p1 $0x0  }
0x14: {  	s2 =	sld [smem:$0x3F99];
	s0 =	simm.s32 @p1 $0x1  }
0x15: {  	[smem:$0x3FB6] =	sst s0;
	s0 =	simm.s32 @!p2 $0x0  }
0x16: {  	s3 =	sld [smem:$0x3FDB];
	s0 =	simm.s32 @p2 $0x1  }
0x17: {  	s4 =	simm.s32 $0x1BF5;
	[smem:$0x3FB8] =	sst s0  }
0x18: {  	s0 =	sld [smem:$0x3F9B];
	_ =	swait.ge [sflag:s4], $0x0  }
0x19: {  	s7 =	sld [smem:$0x3F9C]  }
0x1a: {  	s8 =	sadd.s32 $0xFFFFE003, lr  }
0x1b: {  	s9 =	sadd.s32 $0xFFFFFEF7, lr;
	s5 =	simm.s32 $0xFFFFFFFF;
	p2 =	slt.u32 s8, $0xFFFFF086  }
0x1c: {  	p1 =	slt.u32 s9, $0xF7A;
	s5 =	simm.s32 @!p2 $0x0  }
0x1d: {  	s5 =	simm.s32 @p1 $0x1;
	p0 =	seq.s32 s7, s2  }
0x1e: {  	s7 =	smul.u32 @!p0 $0xF7A, s2;
	p2 =	seq.s32 @!p0 s5, $0x0  }
0x1f: {  	s9 =	smul.u32 $0xF7A, s1;
	s8 =	simm.s32 @!p0 $0x1BF5;
	p2 =	por !p2, p0  }
0x20: {  	[sflag:s8] =	ssyncset.s32 @!p0 $0xFFFFF086;
	s6 =	sadd.s32 @!p0 s3, s7;
	s7 =	simm.s32 @!p0 $0x108  }
0x21: {  	s3 =	sadd.s32 s3, s9;
	s6 =	sadd.s32 @!p0 $0x88, s6;
	s7 =	simm.s32 @p2 $0x1082  }
0x22: {  	[simem:s7], [sflag:s8] =	dma.local @!p0 [hbm:s6], $0xF7A  }
0x23: {  	s9 =	sor.u32 $0xD0000000, s2;
	s6 =	simm.s32 $0x108;
	_ =	swait.ge @!p0 [sflag:s8], $0x0  }
0x24: {  	s3 =	sadd.s32 $0x88, s3;
	s6 =	simm.s32 @!p1 $0x1082;
	[sflag:s4] =	ssyncset.s32 $0xFFFFF086  }
0x25: {  	[simem:s6], [sflag:s4] =	dma.local [hbm:s3], $0xF7A  }
0x26: {  	[smem:$0x3F9C] =	sst s1;
	(tag) =	ssettag s2;
	_ =	strace s9  }
0x27: {  	s1 =	sld [smem:$0x3FAC]  }
0x28: {  	s2 =	sld [smem:$0x3FAD]  }
0x29: {  	s4 =	sld [smem:$0x3FAF]  }
0x2a: {  	p0 =	seq.s32 s5, $0x0;
	s5 =	sld [smem:$0x3FB0]  }
0x2b: {  	s6 =	sld [smem:$0x3FB1]  }
0x2c: {  	s7 =	sld [smem:$0x3FB2]  }
0x2d: {  	s3 =	simm.s32 $0x108;
	s8 =	sld [smem:$0x3FB3]  }
0x2e: {  	s3 =	simm.s32 @!p0 $0x1082;
	s9 =	sld [smem:$0x3FB4]  }
0x2f: {  	lr =	sadd.s32 s0, s3;
	s0 =	sld [smem:$0x3FAB]  }
0x30: {  	s3 =	sld [smem:$0x3FAE]  }
0x31: {  	[smem:$0x3FB7] =	sst s10  }
0x32: {  	s10 =	sld [smem:$0x3FB5];
	_ =	sdelay $0x3  }
0x33: {  	p0 =	seq.s32 s10, $0x1;
	s10 =	sld [smem:$0x3FB7];
	_ =	sdelay $0x3  }
0x34: {  	[smem:$0x3FB7] =	sst s10  }
0x35: {  	s10 =	sld [smem:$0x3FB6];
	_ =	sdelay $0x3  }
0x36: {  	p1 =	seq.s32 s10, $0x1;
	s10 =	sld [smem:$0x3FB7];
	_ =	sdelay $0x3  }
0x37: {  	[smem:$0x3FB7] =	sst s10  }
0x38: {  	s10 =	sld [smem:$0x3FB8]  }
0x39: {  	_ = 	snop;
	(pc) =	sbr.ind lr, $3  }
0x3a: {  	_ = 	snop  }
0x3b: {  	_ = 	snop  }
0x3c: {  	p2 =	seq.s32 s10, $0x1;
	s10 =	sld [smem:$0x3FB7]  }
0x3d: {  	_ =	shalt  }
0x3e: {  	_ =	shalt  }
0x3f: {  	_ =	shalt  }
0x40: {  	_ =	shalt  }
0x41: {  	_ =	shalt  }
0x42: {  	_ =	shalt  }
0x43: {  	_ =	shalt  }
0x44: {  	_ =	shalt  }
0x45: {  	_ =	shalt  }
0x46: {  	_ =	shalt  }
0x47: {  	_ =	shalt  }
0x48: {  	_ =	shalt  }
0x49: {  	_ =	shalt  }
0x4a: {  	_ =	shalt  }
0x4b: {  	_ =	shalt  }
0x4c: {  	_ =	shalt  }
0x4d: {  	_ =	shalt  }
0x4e: {  	_ =	shalt  }
0x4f: {  	_ =	shalt  }
0x50: {  	_ =	shalt  }
0x51: {  	_ =	shalt  }
0x52: {  	_ =	shalt  }
0x53: {  	_ =	shalt  }
0x54: {  	_ =	shalt  }
0x55: {  	_ =	shalt  }
0x56: {  	_ =	shalt  }
0x57: {  	_ =	shalt  }
0x58: {  	_ =	shalt  }
0x59: {  	_ =	shalt  }
0x5a: {  	_ =	shalt  }
0x5b: {  	_ =	shalt  }
0x5c: {  	_ =	shalt  }
0x5d: {  	_ =	shalt  }
0x5e: {  	_ =	shalt  }
0x5f: {  	_ =	shalt  }
0x60: {  	_ =	shalt  }
0x61: {  	_ =	shalt  }
0x62: {  	_ =	shalt  }
0x63: {  	_ =	shalt  }
0x64: {  	_ =	shalt  }
0x65: {  	_ =	shalt  }
0x66: {  	_ =	shalt  }
0x67: {  	_ =	shalt  }
0x68: {  	_ =	shalt  }
0x69: {  	_ =	shalt  }
0x6a: {  	_ =	shalt  }
0x6b: {  	_ =	shalt  }
0x6c: {  	_ =	shalt  }
0x6d: {  	_ =	shalt  }
0x6e: {  	_ =	shalt  }
0x6f: {  	_ =	shalt  }
0x70: {  	_ =	shalt  }
0x71: {  	_ =	shalt  }
0x72: {  	_ =	shalt  }
0x73: {  	_ =	shalt  }
0x74: {  	_ =	shalt  }
0x75: {  	_ =	shalt  }
0x76: {  	_ =	shalt  }
0x77: {  	_ =	shalt  }
0x78: {  	_ =	shalt  }
0x79: {  	_ =	shalt  }
0x7a: {  	_ =	shalt  }
0x7b: {  	_ =	shalt  }
0x7c: {  	_ =	shalt  }
0x7d: {  	_ =	shalt  }
0x7e: {  	_ =	shalt  }
0x7f: {  	_ =	shalt  }
0x80: {  	_ =	shalt  }
0x81: {  	_ =	shalt  }
0x82: {  	_ =	shalt  }
0x83: {  	_ =	shalt  }
0x84: {  	_ =	shalt  }
0x85: {  	_ =	shalt  }
0x86: {  	_ =	shalt  }
0x87: {  	_ =	shalt  }
.Lfunc_end0:
.L_simem_size_0:
called_computation.3_lowered:
.L_overlay_start_0:
0x88: {  	s2 =	sld [smem:$0x3FD9]  }
0x89: {  	s3 =	sld [smem:$0x3FFE];
	_ =	sdelay $0x1  }
0x8a: {  	s1 =	srdreg.scid  }
0x8b: {  	s0 =	sand.u32 $0x1, s1  }
0x8c: {  	s14 =	sshll.u32 s0, $0xA;
	s2 =	sadd.s32 s3, s2  }
0x8d: {  	s2 =	sadd.s32 s2, s14  }
0x8e: {  	[smem:$0x3FC3] =	sst s2  }
0x8f: {  	_ = 	snop  }
0x90: {  	s2 =	sld [smem:$0x3FD0];
	_ =	sdelay $0x2  }
0x91: {  	s15 =	simm.s32 $0xA;
	s4 =	simm.s32 $0x10  }
0x92: {  	[smem:s4], [sflag:s15] =	dma.local [hbm:s2], $0x1  }
0x93: {  	_ =	swait.eq [sflag:s15], $0x1  }
0x94: {  	[sflag:s15] =	ssyncset.done $0x0  }
0x95: {  	[sflag:s15] =	ssyncadd.s32 $0xFFFFFFFF  }
0x96: {  	s16 =	sld [smem:$0x11];
	(tm) =	ssettm $0x1  }
0x97: {  	s17 =	sld [smem:$0x3FFB];
	_ =	sdelay $0x3  }
0x98: {  	_ =	strace s17  }
0x99: {  	s3 =	sld [smem:$0x3FFC];
	_ =	sdelay $0x3  }
0x9a: {  	_ =	strace s3  }
0x9b: {  	s3 =	sld [smem:$0x3FFD];
	_ =	sdelay $0x3  }
0x9c: {  	_ =	strace s3  }
0x9d: {  	_ =	strace $0x8FFFFFFF  }
0x9e: {  	s18 =	sld [smem:$0x3FDB];
	_ =	sdelay $0x1  }
0x9f: {  	s19 =	simm.s32 $_scs_section_size  }
0xa0: {  	s5 =	simm.s32 $_size__tile_overlayer_lowered;
	s6 =	simm.s32 $_tile_overlayer_lowered  }
0xa1: {  	s22 =	simm.s32 $0x1BFF;
	s21 =	sshll.u32 s6, $0x1;
	s3 =	sadd.s32 s19, s18  }
0xa2: {  	s7 =	simm.s32 $0x0;
	s20 =	sshll.u32 s5, $0x1;
	s5 =	sadd.s32 s21, s3  }
0xa3: {  	[timem:s7], [sflag:s22] =	dma.local [hbm:s5], s20  }
0xa4: {  	_ =	swait.ge [sflag:s22], s20  }
0xa5: {  	s4 =	ssub.s32 $0x0, s20;
	[sflag:s22] =	ssyncset.done $0x0  }
0xa6: {  	[sflag:s22] =	ssyncadd.s32 s4;
	_ =	sdelay $0x1  }
0xa7: {  	s23 =	simm.s32 $0x1B8B  }
0xa8: {  	_ =	swait.ge [sflag:s23], $0x1  }
0xa9: {  	[sflag:s23] =	ssyncset.done $0x0  }
0xaa: {  	s25 =	simm.s32 $0x1B8E;
	s24 =	sld [smem:$0x3FFE];
	[sflag:s23] =	ssyncadd.s32 $0xFFFFFFFF  }
0xab: {  	s26 =	simm.s32 $execute0_lowered;
	[smem:$0x3FD2] =	sst s25  }
0xac: {  	s5 =	sshll.u32 s26, $0x1;
	_ =	strace $0x8000004F;
	[dreg:$0x1] =	wrdreg $0xFFFFFFFF  }
0xad: {  	s28 =	simm.s32 $_size_execute0_lowered;
	s3 =	sadd.s32 s3, s5;
	[dreg:$0x0] =	wrdreg $0x0  }
0xae: {  	s5 =	sshll.u32 s28, $0x1;
	[dreg:$0x2] =	wrdreg s3  }
0xaf: {  	[dreg:$0x3] =	wrdreg s5  }
0xb0: {  	[dreg:$0x4] =	wrdreg $0xC0  }
0xb1: {  	_ =	task [dreg:s7], $0x5FFFF  }
0xb2: {  	[dreg:$0x1] =	wrdreg $0xFFFFFFFF  }
0xb3: {  	[dreg:$0x0] =	wrdreg $0x60  }
0xb4: {  	[dreg:$0x2] =	wrdreg s24  }
0xb5: {  	[dreg:$0x3] =	wrdreg s16  }
0xb6: {  	[dreg:$0x4] =	wrdreg $0x9  }
0xb7: {  	_ =	task.clear_ibuf [dreg:s7], $0x5FFFF;
	_ =	strace $0x9000004F  }
0xb8: {  	s29 =	simm.s32 $0x9;
	_ =	strace $0x80000051  }
0xb9: {  	_ =	swait.ge [sflag:s29], $0x1  }
0xba: {  	[sflag:s29] =	ssyncadd.s32 $0xFFFFFFFF  }
0xbb: {  	_ =	strace $0x90000051  }
0xbc: {  	_ =	sfence  }
0xbd: {  	s30 =	sld [smem:$0x0];
	_ =	sdelay $0x2  }
0xbe: {  	s31 =	sshll.u32 s1, $0xD;
	s1 =	sshrl.u32 s1, $0x2  }
0xbf: {  	s3 =	sand.u32 $0x4000, s31;
	s1 =	sadd.s32 s1, s30  }
0xc0: {  	s0 =	sor.u32 s3, s0;
	s1 =	sshll.u32 s1, $0x11  }
0xc1: {  	s0 =	sor.u32 s1, s0  }
0xc2: {  	s0 =	sadd.s32 $0x8F2B, s0  }
0xc3: {  	[sflag:s0] =	ssyncadd.remote.s32 $0x1  }
0xc4: {  	_ =	sfence.sel $0xFFFF  }
0xc5: {  	[dreg:$0x0] =	wrdreg $0xFFFFFFFF;
	(pc) =	sbr.abs _section_cstart, $3  }
0xc6: {  	[dreg:$0x1] =	wrdreg $0xFFFFFFFF  }
0xc7: {  	_ =	task.clear_ibuf [dreg:s7], $0x2FFFF;
	_ =	strace $0x9FFFFFFF  }
0xc8: {  	(tm) =	ssettm $0x7FFFFFFF  }
0xc9: {  	_ =	shalt  }
tec
execute0_lowered:
.L_overlay_start_1:
0x0: {  	(tag) =	ssettag $0x1  }
0x1: {  	s2 =	stileid.u32  }
0x2: {  	s0 =	srdreg.scid;
	s1 =	sshll.u32 s2, $0x1  }
0x3: {  	s0 =	sand.u32 $0x1, s0;
	s1 =	sand.u32 $0x2, s1  }
0x4: {  	s1 =	sor.u32 s0, s1  }
0x5: {  	v35 =	vlaneseq.u32;
	s14 =	sshrl.u32 s2, $0x1;
	s1 =	sshll.u32 s1, $0x9  }
0x6: {  	vm0 =	vmmov $0xffff;
	v32 =	vmul.u32 $0x8, v35;
	s2 =	sshll.u32 s14, $0xB;
	v0 =	vmov s1  }
0x7: {  	v63 =	vshrl.u32 v35, $0x3;
	s3 =	sor.u32 $0x10, s1;
	s8 =	sor.u32 $0x20, s1;
	s9 =	sor.u32 $0x30, s1;
	v1 =	vshll.u32 v0, $0x3;
	v0 =	vmov s2  }
0x8: {  	s10 =	sor.u32 $0x40, s1;
	s11 =	sor.u32 $0x50, s1;
	s12 =	sor.u32 $0x60, s1;
	v2 =	vmov s3;
	v3 =	vmov s8;
	v4 =	vmov s9  }
0x9: {  	s13 =	sor.u32 $0x70, s1;
	s15 =	sor.u32 $0x80, s1;
	s16 =	sor.u32 $0x90, s1;
	v5 =	vmov s10;
	v6 =	vmov s11;
	v7 =	vmov s12  }
0xa: {  	s18 =	sor.u32 $0xA0, s1;
	s19 =	sor.u32 $0xB0, s1;
	s20 =	sor.u32 $0xC0, s1;
	v8 =	vmov s13;
	v9 =	vmov s15;
	v10 =	vmov s16  }
0xb: {  	s7 =	sor.u32 $0xD0, s1;
	s22 =	sor.u32 $0xE0, s1;
	s23 =	sor.u32 $0x100, s1;
	v11 =	vmov s18;
	v12 =	vmov s19;
	v13 =	vmov s20  }
0xc: {  	s24 =	sor.u32 $0x110, s1;
	s25 =	sor.u32 $0x120, s1;
	s26 =	sor.u32 $0x140, s1;
	v14 =	vmov s7;
	v15 =	vmov s22;
	v17 =	vmov s23  }
0xd: {  	s28 =	sor.u32 $0x170, s1;
	s29 =	sor.u32 $0x1D0, s1;
	s30 =	sor.u32 $0x1F0, s1;
	v18 =	vmov s24;
	v19 =	vmov s25;
	v21 =	vmov s26  }
0xe: {  	v24 =	vmov s28;
	v30 =	vmov s29;
	v33 =	vmov s30  }
0xf: {  	v1 =	vor.u32 v32, v1;
	v2 =	vshll.u32 v2, $0x3;
	v3 =	vshll.u32 v3, $0x3  }
0x10: {  	v4 =	vshll.u32 v4, $0x3;
	v5 =	vshll.u32 v5, $0x3;
	v6 =	vshll.u32 v6, $0x3  }
0x11: {  	v7 =	vshll.u32 v7, $0x3;
	v8 =	vshll.u32 v8, $0x3;
	v9 =	vshll.u32 v9, $0x3  }
0x12: {  	v10 =	vshll.u32 v10, $0x3;
	v11 =	vshll.u32 v11, $0x3;
	v12 =	vshll.u32 v12, $0x3  }
0x13: {  	s9 =	sor.u32 $0xF0, s1;
	v13 =	vshll.u32 v13, $0x3;
	v14 =	vshll.u32 v14, $0x3;
	v15 =	vshll.u32 v15, $0x3  }
0x14: {  	[dreg:$0x7] =	wrdreg s15;
	s11 =	sor.u32 $0x130, s1;
	v16 =	vmov s9;
	v17 =	vshll.u32 v17, $0x3;
	v18 =	vshll.u32 v18, $0x3  }
0x15: {  	s12 =	sor.u32 $0x150, s1;
	s15 =	sor.u32 $0x160, s1;
	s16 =	sor.u32 $0x190, s1;
	v19 =	vshll.u32 v19, $0x3;
	v20 =	vmov s11;
	v21 =	vshll.u32 v21, $0x3  }
0x16: {  	s18 =	sor.u32 $0x1B0, s1;
	s19 =	sor.u32 $0x1C0, s1;
	s20 =	sor.u32 $0x1E0, s1;
	v22 =	vmov s12;
	v23 =	vmov s15;
	v25 =	vmov s16  }
0x17: {  	s22 =	sor.u32 $0x180, s1;
	v28 =	vmov s18;
	v29 =	vmov s19;
	v31 =	vmov s20  }
0x18: {  	v26 =	vmov s22;
	v24 =	vshll.u32 v24, $0x3;
	v30 =	vshll.u32 v30, $0x3  }
0x19: {  	v33 =	vshll.u32 v33, $0x3;
	v1 =	vor.u32 s14, v1;
	v2 =	vor.u32 v32, v2  }
0x1a: {  	v3 =	vor.u32 v32, v3;
	v4 =	vor.u32 v32, v4;
	v5 =	vor.u32 v32, v5  }
0x1b: {  	v6 =	vor.u32 v32, v6;
	v7 =	vor.u32 v32, v7;
	v8 =	vor.u32 v32, v8  }
0x1c: {  	s17 =	rddreg [dreg:$0x0];
	v9 =	vor.u32 v32, v9;
	v10 =	vor.u32 v32, v10;
	v11 =	vor.u32 v32, v11  }
0x1d: {  	s6 =	sadd.s32 $0x3DA000, s17;
	s21 =	sshll.u32 s14, $0x4;
	s0 =	ssub.s32 $0x2, s0;
	v12 =	vor.u32 v32, v12;
	v13 =	vor.u32 v32, v13;
	v14 =	vor.u32 v32, v14  }
0x1e: {  	s2 =	sadd.s32 s21, s17;
	s8 =	sshrl.u32 s0, $0x1;
	s7 =	sadd.s32 $0x3DA100, s17;
	v15 =	vor.u32 v32, v15;
	v16 =	vshll.u32 v16, $0x3;
	v17 =	vor.u32 v32, v17  }
0x1f: {  	s0 =	ssub.s32 s0, s8;
	s8 =	sadd.s32 $0x3DA200, s17;
	s17 =	sor.u32 $0x1A0, s1;
	v18 =	vor.u32 v32, v18;
	v19 =	vor.u32 v32, v19;
	v20 =	vshll.u32 v20, $0x3  }
0x20: {  	v21 =	vor.u32 v32, v21;
	v22 =	vshll.u32 v22, $0x3;
	v27 =	vmov s17  }
0x21: {  	v23 =	vshll.u32 v23, $0x3;
	v26 =	vshll.u32 v26, $0x3;
	v24 =	vor.u32 v32, v24  }
0x22: {  	v34 =	vshll.u32 v25, $0x3;
	v28 =	vshll.u32 v28, $0x3;
	v29 =	vshll.u32 v29, $0x3  }
0x23: {  	v31 =	vshll.u32 v31, $0x3;
	v30 =	vor.u32 v32, v30;
	v2 =	vor.u32 s14, v2  }
0x24: {  	v3 =	vor.u32 s14, v3;
	v4 =	vor.u32 s14, v4;
	v5 =	vor.u32 s14, v5  }
0x25: {  	v6 =	vor.u32 s14, v6;
	v7 =	vor.u32 s14, v7;
	v8 =	vor.u32 s14, v8  }
0x26: {  	v9 =	vor.u32 s14, v9;
	v10 =	vor.u32 s14, v10;
	v11 =	vor.u32 s14, v11  }
0x27: {  	v12 =	vor.u32 s14, v12;
	v13 =	vor.u32 s14, v13;
	v14 =	vor.u32 s14, v14  }
0x28: {  	v15 =	vor.u32 s14, v15;
	v16 =	vor.u32 v32, v16;
	v17 =	vor.u32 s14, v17  }
0x29: {  	v18 =	vor.u32 s14, v18;
	v19 =	vor.u32 s14, v19;
	v20 =	vor.u32 v32, v20  }
0x2a: {  	v21 =	vor.u32 s14, v21;
	v22 =	vor.u32 v32, v22;
	v23 =	vor.u32 v32, v23  }
0x2b: {  	s4 =	rddreg [dreg:$0x1];
	s5 =	simm.s32 $0x0;
	v26 =	vor.u32 v32, v26;
	v24 =	vor.u32 s14, v24;
	v27 =	vshll.u32 v27, $0x3  }
0x2c: {  	[smem:$0x7FF] =	sst s5;
	v28 =	vor.u32 v32, v28;
	v29 =	vor.u32 v32, v29;
	v31 =	vor.u32 v32, v31  }
0x2d: {  	s13 =	simm.s32 $0x80;
	_ =	strace $0x80000050;
	[dreg:$0x8] =	wrdreg s23;
	v30 =	vor.u32 s14, v30;
	v16 =	vor.u32 s14, v16;
	v20 =	vor.u32 s14, v20  }
0x2e: {  	s21 =	simm.s32 $0x400;
	[dreg:$0x4] =	wrdreg s13;
	v22 =	vor.u32 s14, v22;
	v23 =	vor.u32 s14, v23;
	v25 =	vor.u32 s14, v26  }
0x2f: {  	s31 =	simm.s32 $0x18200;
	[dreg:$0x5] =	wrdreg s21;
	v26 =	vor.u32 v32, v34;
	v27 =	vor.u32 v32, v27;
	v28 =	vor.u32 s14, v28  }
0x30: {  	[dreg:$0x6] =	wrdreg s31;
	v29 =	vor.u32 s14, v29;
	v31 =	vor.u32 s14, v31;
	v32 =	vor.u32 v32, v33  }
0x31: {  	s10 =	sadd.s32 $0x200, s4;
	s2 =	sadd.s32 $0x19800, s2;
	[dreg:$0x9] =	wrdreg s22;
	v33 =	vand.u32 $0x7, v35;
	v34 =	vmul.u32 $0x8, v63;
	v35 =	vor.u32 $0x8, v35  }
0x32: {  	s9 =	sadd.s32 $0x100, s4;
	[dreg:$0x3] =	wrdreg s2;
	s12 =	smax.u32 s0, $0x1;
	v26 =	vor.u32 s14, v26;
	v27 =	vor.u32 s14, v27;
	v32 =	vor.u32 s14, v32  }
.LBB2_1:
0x33: {  	[dreg:$0xa] =	wrdreg s12  }
0x34: {  	s21 =	rddreg [dreg:$0x3]  }
0x35: {  	s22 =	rddreg [dreg:$0x4]  }
0x36: {  	s23 =	rddreg [dreg:$0x5]  }
0x37: {  	s24 =	rddreg [dreg:$0x6];
	s20 =	simm.s32 $0x3  }
0x38: {  	[tilespmem:s24], [sflag:$0x3] =	stream.strided.gather [hbm4b:s21+s22], $0x800, s23, s22, $0x38;
	[tilespmem:$0x18A00] =	vst v63  }
0x39: {  	_ =	swait.ge [sflag:s20], $0x800  }
0x3a: {  	[sflag:s20] =	ssyncset.done $0x0  }
0x3b: {  	[sflag:s20] =	ssyncadd.s32 $0xFFFFF800  }
0x3c: {  	v36 =	vld [tilespmem:s1+$0x18200];
	_ =	sdelay $0x4  }
0x3d: {  	[tilespmem:$0x18100] =	vst v1;
	v36 =	vadd.s32 v0, v36  }
0x3e: {  	[tilespmem:$0x18000] =	vst v36  }
0x3f: {  	v36 =	vld [tilespmem:s1+$0x18210];
	_ =	sdelay $0x4  }
0x40: {  	[tilespmem:$0x18110] =	vst v2;
	v37 =	vld [tilespmem:$0x18000];
	v36 =	vadd.s32 v0, v36  }
0x41: {  	[tilespmem:$0x18010] =	vst v36  }
0x42: {  	v36 =	vld [tilespmem:s1+$0x18220];
	_ =	sdelay $0x2  }
0x43: {  	v38 =	vshrl.u32 v37, $0x3  }
0x44: {  	v61 =	vmul.u32 $0x30, v38  }
0x45: {  	v37 =	vand.u32 $0x7, v37;
	[tilespmem:$0x18120] =	vst v3;
	v36 =	vadd.s32 v0, v36  }
0x46: {  	[tilespmem:$0x18020] =	vst v36;
	v36 =	vor.u32 v37, v61  }
0x47: {  	v62 =	vld [tilespmem:s1+$0x18230];
	v37 =	vperm.xlane v36, v33;
	_ =	sdelay $0x1  }
0x48: {  	v37 =	vadd.s32 v34, v37;
	_ =	sdelay $0x2  }
0x49: {  	[tilespmem:$0x18130] =	vst v4;
	v38 =	vadd.s32 v0, v62  }
0x4a: {  	v36 =	vperm.xlane v36, v35;
	[tilespmem:$0x18030] =	vst v38  }
0x4b: {  	[tilespmem:s5], [sflag:$0x1] =	stream.indirect_vreg.gather [hbm4b:s6+s5], $0x80, v37, vm0, $0xb8;
	[tilespmem:$0x18A00] =	vst v63  }
0x4c: {  	s0 =	simm.s32 $0x800;
	v36 =	vadd.s32 v34, v36  }
0x4d: {  	[tilespmem:s0], [sflag:$0x1] =	stream.indirect_vreg.gather [hbm4b:s7+s5], $0x80, v37, vm0, $0xb8;
	[tilespmem:$0x18A00] =	vst v63  }
0x4e: {  	s21 =	simm.s32 $0x1000  }
0x4f: {  	[tilespmem:s21], [sflag:$0x1] =	stream.indirect_vreg.gather [hbm4b:s8+s5], $0x80, v37, vm0, $0xb8;
	[tilespmem:$0x18A00] =	vst v63  }
0x50: {  	s22 =	simm.s32 $0x1800  }
0x51: {  	[tilespmem:s22], [sflag:$0x1] =	stream.indirect_vreg.gather [hbm4b:s6+s5], $0x80, v36, vm0, $0xb8;
	[tilespmem:$0x18A00] =	vst v63  }
0x52: {  	s23 =	simm.s32 $0x2000  }
0x53: {  	[tilespmem:s23], [sflag:$0x1] =	stream.indirect_vreg.gather [hbm4b:s7+s5], $0x80, v36, vm0, $0xb8;
	[tilespmem:$0x18A00] =	vst v63  }
0x54: {  	s24 =	simm.s32 $0x2800  }
0x55: {  	[tilespmem:s24], [sflag:$0x1] =	stream.indirect_vreg.gather [hbm4b:s8+s5], $0x80, v36, vm0, $0xb8;
	[tilespmem:$0x18A00] =	vst v63  }
0x56: {  	v36 =	vld [tilespmem:$0x18010];
	_ =	sdelay $0x4  }
0x57: {  	v63 =	vshrl.u32 v36, $0x3  }
0x58: {  	v37 =	vmul.u32 $0x30, v63  }
0x59: {  	v36 =	vand.u32 $0x7, v36  }
0x5a: {  	v36 =	vor.u32 v36, v37  }
0x5b: {  	v37 =	vperm.xlane v36, v33;
	_ =	sdelay $0x1  }
0x5c: {  	v37 =	vadd.s32 v34, v37;
	_ =	sdelay $0x3  }
0x5d: {  	s25 =	simm.s32 $0x3000;
	v36 =	vperm.xlane v36, v35  }
0x5e: {  	[tilespmem:s25], [sflag:$0x1] =	stream.indirect_vreg.gather [hbm4b:s6+s5], $0x80, v37, vm0, $0xb8;
	[tilespmem:$0x18A00] =	vst v63  }
0x5f: {  	s26 =	simm.s32 $0x3800;
	v36 =	vadd.s32 v34, v36  }
0x60: {  	[tilespmem:s26], [sflag:$0x1] =	stream.indirect_vreg.gather [hbm4b:s7+s5], $0x80, v37, vm0, $0xb8;
	[tilespmem:$0x18A00] =	vst v63  }
0x61: {  	s28 =	simm.s32 $0x4000  }
0x62: {  	[tilespmem:s28], [sflag:$0x1] =	stream.indirect_vreg.gather [hbm4b:s8+s5], $0x80, v37, vm0, $0xb8;
	[tilespmem:$0x18A00] =	vst v63  }
0x63: {  	s29 =	simm.s32 $0x4800  }
0x64: {  	[tilespmem:s29], [sflag:$0x1] =	stream.indirect_vreg.gather [hbm4b:s6+s5], $0x80, v36, vm0, $0xb8;
	[tilespmem:$0x18A00] =	vst v63  }
0x65: {  	s31 =	simm.s32 $0x5000  }
0x66: {  	[tilespmem:s31], [sflag:$0x1] =	stream.indirect_vreg.gather [hbm4b:s7+s5], $0x80, v36, vm0, $0xb8;
	[tilespmem:$0x18A00] =	vst v63  }
0x67: {  	s2 =	simm.s32 $0x5800  }
0x68: {  	[tilespmem:s2], [sflag:$0x1] =	stream.indirect_vreg.gather [hbm4b:s8+s5], $0x80, v36, vm0, $0xb8;
	[tilespmem:$0x18A00] =	vst v63  }
0x69: {  	v36 =	vld [tilespmem:$0x18020];
	_ =	sdelay $0x4  }
0x6a: {  	v40 =	vshrl.u32 v36, $0x3  }
0x6b: {  	v37 =	vmul.u32 $0x30, v40  }
0x6c: {  	v36 =	vand.u32 $0x7, v36  }
0x6d: {  	v36 =	vor.u32 v36, v37  }
0x6e: {  	v37 =	vperm.xlane v36, v33;
	_ =	sdelay $0x1  }
0x6f: {  	v37 =	vadd.s32 v34, v37;
	_ =	sdelay $0x3  }
0x70: {  	s3 =	simm.s32 $0x6000;
	v36 =	vperm.xlane v36, v35  }
0x71: {  	[tilespmem:s3], [sflag:$0x1] =	stream.indirect_vreg.gather [hbm4b:s6+s5], $0x80, v37, vm0, $0xb8;
	[tilespmem:$0x18A00] =	vst v63  }
0x72: {  	s11 =	simm.s32 $0x6800;
	v36 =	vadd.s32 v34, v36  }
0x73: {  	[tilespmem:s11], [sflag:$0x1] =	stream.indirect_vreg.gather [hbm4b:s7+s5], $0x80, v37, vm0, $0xb8;
	[tilespmem:$0x18A00] =	vst v63  }
0x74: {  	s13 =	simm.s32 $0x7000  }
0x75: {  	[tilespmem:s13], [sflag:$0x1] =	stream.indirect_vreg.gather [hbm4b:s8+s5], $0x80, v37, vm0, $0xb8;
	[tilespmem:$0x18A00] =	vst v63  }
0x76: {  	s21 =	simm.s32 $0x7800  }
0x77: {  	[tilespmem:s21], [sflag:$0x1] =	stream.indirect_vreg.gather [hbm4b:s6+s5], $0x80, v36, vm0, $0xb8;
	[tilespmem:$0x18A00] =	vst v63  }
0x78: {  	s24 =	simm.s32 $0x8000  }
0x79: {  	[tilespmem:s24], [sflag:$0x1] =	stream.indirect_vreg.gather [hbm4b:s7+s5], $0x80, v36, vm0, $0xb8;
	[tilespmem:$0x18A00] =	vst v63  }
0x7a: {  	s25 =	simm.s32 $0x8800  }
0x7b: {  	[tilespmem:s25], [sflag:$0x1] =	stream.indirect_vreg.gather [hbm4b:s8+s5], $0x80, v36, vm0, $0xb8;
	[tilespmem:$0x18A00] =	vst v63  }
0x7c: {  	v36 =	vld [tilespmem:$0x18030];
	_ =	sdelay $0x4  }
0x7d: {  	v41 =	vshrl.u32 v36, $0x3  }
0x7e: {  	v37 =	vmul.u32 $0x30, v41  }
0x7f: {  	v36 =	vand.u32 $0x7, v36  }
0x80: {  	v36 =	vor.u32 v36, v37  }
0x81: {  	v37 =	vperm.xlane v36, v33;
	_ =	sdelay $0x1  }
0x82: {  	v37 =	vadd.s32 v34, v37;
	_ =	sdelay $0x3  }
0x83: {  	s26 =	simm.s32 $0x9000;
	v36 =	vperm.xlane v36, v35  }
0x84: {  	[tilespmem:s26], [sflag:$0x1] =	stream.indirect_vreg.gather [hbm4b:s6+s5], $0x80, v37, vm0, $0xb8;
	[tilespmem:$0x18A00] =	vst v63  }
0x85: {  	s3 =	simm.s32 $0x9800;
	v36 =	vadd.s32 v34, v36  }
0x86: {  	[tilespmem:s3], [sflag:$0x1] =	stream.indirect_vreg.gather [hbm4b:s7+s5], $0x80, v37, vm0, $0xb8;
	[tilespmem:$0x18A00] =	vst v63  }
0x87: {  	s11 =	simm.s32 $0xA000  }
0x88: {  	[tilespmem:s11], [sflag:$0x1] =	stream.indirect_vreg.gather [hbm4b:s8+s5], $0x80, v37, vm0, $0xb8;
	[tilespmem:$0x18A00] =	vst v63  }
0x89: {  	s13 =	simm.s32 $0xA800  }
0x8a: {  	[tilespmem:s13], [sflag:$0x1] =	stream.indirect_vreg.gather [hbm4b:s6+s5], $0x80, v36, vm0, $0xb8;
	[tilespmem:$0x18A00] =	vst v63  }
0x8b: {  	s21 =	simm.s32 $0xB000  }
0x8c: {  	[tilespmem:s21], [sflag:$0x1] =	stream.indirect_vreg.gather [hbm4b:s7+s5], $0x80, v36, vm0, $0xb8;
	[tilespmem:$0x18A00] =	vst v63  }
0x8d: {  	s26 =	simm.s32 $0xB800  }
0x8e: {  	[tilespmem:s26], [sflag:$0x1] =	stream.indirect_vreg.gather [hbm4b:s8+s5], $0x80, v36, vm0, $0xb8;
	[tilespmem:$0x18A00] =	vst v63  }
0x8f: {  	s26 =	simm.s32 $0x1  }
0x90: {  	_ =	swait.ge [sflag:s26], $0xC000  }
0x91: {  	[sflag:s26] =	ssyncset.done $0x0  }
0x92: {  	[sflag:s26] =	ssyncadd.s32 $0xFFFF4000  }
0x93: {  	v42 =	vld [tilespmem:$0x18100];
	_ =	sdelay $0x4  }
0x94: {  	v43 =	vshrl.u32 v42, $0x3  }
0x95: {  	v37 =	vmul.u32 $0x30, v43  }
0x96: {  	v36 =	vand.u32 $0x7, v42  }
0x97: {  	v36 =	vor.u32 v36, v37  }
0x98: {  	v37 =	vperm.xlane v36, v33;
	_ =	sdelay $0x1  }
0x99: {  	v37 =	vadd.s32 v34, v37;
	_ =	sdelay $0x3  }
0x9a: {  	v36 =	vperm.xlane v36, v35  }
0x9b: {  	[hbm4b:s4+s5] =	stream.indirect_vreg.scatter [tilespmem:s5], [sflag:$0x2], $0x80, v37, vm0, $0xb8;
	[tilespmem:$0x18A00] =	vst v63  }
0x9c: {  	s12 =	simm.s32 $0x800;
	v36 =	vadd.s32 v34, v36  }
0x9d: {  	[hbm4b:s9+s5] =	stream.indirect_vreg.scatter [tilespmem:s12], [sflag:$0x2], $0x80, v37, vm0, $0xb8;
	[tilespmem:$0x18A00] =	vst v63  }
0x9e: {  	s14 =	simm.s32 $0x1000  }
0x9f: {  	[hbm4b:s10+s5] =	stream.indirect_vreg.scatter [tilespmem:s14], [sflag:$0x2], $0x80, v37, vm0, $0xb8;
	[tilespmem:$0x18A00] =	vst v63  }
0xa0: {  	s15 =	simm.s32 $0x1800  }
0xa1: {  	[hbm4b:s4+s5] =	stream.indirect_vreg.scatter [tilespmem:s15], [sflag:$0x2], $0x80, v36, vm0, $0xb8;
	[tilespmem:$0x18A00] =	vst v63  }
0xa2: {  	s16 =	simm.s32 $0x2000  }
0xa3: {  	[hbm4b:s9+s5] =	stream.indirect_vreg.scatter [tilespmem:s16], [sflag:$0x2], $0x80, v36, vm0, $0xb8;
	[tilespmem:$0x18A00] =	vst v63  }
0xa4: {  	s23 =	simm.s32 $0x2800  }
0xa5: {  	[hbm4b:s10+s5] =	stream.indirect_vreg.scatter [tilespmem:s23], [sflag:$0x2], $0x80, v36, vm0, $0xb8;
	[tilespmem:$0x18A00] =	vst v63  }
0xa6: {  	v36 =	vld [tilespmem:$0x18110];
	_ =	sdelay $0x4  }
0xa7: {  	v44 =	vshrl.u32 v36, $0x3  }
0xa8: {  	v37 =	vmul.u32 $0x30, v44  }
0xa9: {  	v36 =	vand.u32 $0x7, v36  }
0xaa: {  	v36 =	vor.u32 v36, v37  }
0xab: {  	v37 =	vperm.xlane v36, v33;
	_ =	sdelay $0x1  }
0xac: {  	v37 =	vadd.s32 v34, v37;
	_ =	sdelay $0x3  }
0xad: {  	s30 =	simm.s32 $0x3000;
	v36 =	vperm.xlane v36, v35  }
0xae: {  	[hbm4b:s4+s5] =	stream.indirect_vreg.scatter [tilespmem:s30], [sflag:$0x2], $0x80, v37, vm0, $0xb8;
	[tilespmem:$0x18A00] =	vst v63  }
0xaf: {  	s17 =	simm.s32 $0x3800;
	v36 =	vadd.s32 v34, v36  }
0xb0: {  	[hbm4b:s9+s5] =	stream.indirect_vreg.scatter [tilespmem:s17], [sflag:$0x2], $0x80, v37, vm0, $0xb8;
	[tilespmem:$0x18A00] =	vst v63  }
0xb1: {  	s18 =	simm.s32 $0x4000  }
0xb2: {  	[hbm4b:s10+s5] =	stream.indirect_vreg.scatter [tilespmem:s18], [sflag:$0x2], $0x80, v37, vm0, $0xb8;
	[tilespmem:$0x18A00] =	vst v63  }
0xb3: {  	s19 =	simm.s32 $0x4800  }
0xb4: {  	[hbm4b:s4+s5] =	stream.indirect_vreg.scatter [tilespmem:s19], [sflag:$0x2], $0x80, v36, vm0, $0xb8;
	[tilespmem:$0x18A00] =	vst v63  }
0xb5: {  	s20 =	simm.s32 $0x5000  }
0xb6: {  	[hbm4b:s9+s5] =	stream.indirect_vreg.scatter [tilespmem:s20], [sflag:$0x2], $0x80, v36, vm0, $0xb8;
	[tilespmem:$0x18A00] =	vst v63  }
0xb7: {  	s31 =	simm.s32 $0x5800  }
0xb8: {  	[hbm4b:s10+s5] =	stream.indirect_vreg.scatter [tilespmem:s31], [sflag:$0x2], $0x80, v36, vm0, $0xb8;
	[tilespmem:$0x18A00] =	vst v63  }
0xb9: {  	v36 =	vld [tilespmem:$0x18120];
	_ =	sdelay $0x4  }
0xba: {  	v45 =	vshrl.u32 v36, $0x3  }
0xbb: {  	v37 =	vmul.u32 $0x30, v45  }
0xbc: {  	v36 =	vand.u32 $0x7, v36  }
0xbd: {  	v36 =	vor.u32 v36, v37  }
0xbe: {  	v37 =	vperm.xlane v36, v33;
	_ =	sdelay $0x1  }
0xbf: {  	v37 =	vadd.s32 v34, v37;
	_ =	sdelay $0x3  }
0xc0: {  	s2 =	simm.s32 $0x6000;
	v36 =	vperm.xlane v36, v35  }
0xc1: {  	[hbm4b:s4+s5] =	stream.indirect_vreg.scatter [tilespmem:s2], [sflag:$0x2], $0x80, v37, vm0, $0xb8;
	[tilespmem:$0x18A00] =	vst v63  }
0xc2: {  	s22 =	simm.s32 $0x6800;
	v36 =	vadd.s32 v34, v36  }
0xc3: {  	[hbm4b:s9+s5] =	stream.indirect_vreg.scatter [tilespmem:s22], [sflag:$0x2], $0x80, v37, vm0, $0xb8;
	[tilespmem:$0x18A00] =	vst v63  }
0xc4: {  	s28 =	simm.s32 $0x7000  }
0xc5: {  	[hbm4b:s10+s5] =	stream.indirect_vreg.scatter [tilespmem:s28], [sflag:$0x2], $0x80, v37, vm0, $0xb8;
	[tilespmem:$0x18A00] =	vst v63  }
0xc6: {  	s29 =	simm.s32 $0x7800  }
0xc7: {  	[hbm4b:s4+s5] =	stream.indirect_vreg.scatter [tilespmem:s29], [sflag:$0x2], $0x80, v36, vm0, $0xb8;
	[tilespmem:$0x18A00] =	vst v63  }
0xc8: {  	s17 =	simm.s32 $0x8000  }
0xc9: {  	[hbm4b:s9+s5] =	stream.indirect_vreg.scatter [tilespmem:s17], [sflag:$0x2], $0x80, v36, vm0, $0xb8;
	[tilespmem:$0x18A00] =	vst v63  }
0xca: {  	s24 =	simm.s32 $0x8800  }
0xcb: {  	[hbm4b:s10+s5] =	stream.indirect_vreg.scatter [tilespmem:s24], [sflag:$0x2], $0x80, v36, vm0, $0xb8;
	[tilespmem:$0x18A00] =	vst v63  }
0xcc: {  	v36 =	vld [tilespmem:$0x18130];
	_ =	sdelay $0x4  }
0xcd: {  	v46 =	vshrl.u32 v36, $0x3  }
0xce: {  	v37 =	vmul.u32 $0x30, v46  }
0xcf: {  	v36 =	vand.u32 $0x7, v36  }
0xd0: {  	v36 =	vor.u32 v36, v37  }
0xd1: {  	v37 =	vperm.xlane v36, v33;
	_ =	sdelay $0x1  }
0xd2: {  	v37 =	vadd.s32 v34, v37;
	_ =	sdelay $0x3  }
0xd3: {  	s25 =	simm.s32 $0x9000;
	v36 =	vperm.xlane v36, v35  }
0xd4: {  	[hbm4b:s4+s5] =	stream.indirect_vreg.scatter [tilespmem:s25], [sflag:$0x2], $0x80, v37, vm0, $0xb8;
	[tilespmem:$0x18A00] =	vst v63  }
0xd5: {  	s3 =	simm.s32 $0x9800;
	v36 =	vadd.s32 v34, v36  }
0xd6: {  	[hbm4b:s9+s5] =	stream.indirect_vreg.scatter [tilespmem:s3], [sflag:$0x2], $0x80, v37, vm0, $0xb8;
	[tilespmem:$0x18A00] =	vst v63  }
0xd7: {  	s11 =	simm.s32 $0xA000  }
0xd8: {  	[hbm4b:s10+s5] =	stream.indirect_vreg.scatter [tilespmem:s11], [sflag:$0x2], $0x80, v37, vm0, $0xb8;
	[tilespmem:$0x18A00] =	vst v63  }
0xd9: {  	s13 =	simm.s32 $0xA800  }
0xda: {  	[hbm4b:s4+s5] =	stream.indirect_vreg.scatter [tilespmem:s13], [sflag:$0x2], $0x80, v36, vm0, $0xb8;
	[tilespmem:$0x18A00] =	vst v63  }
0xdb: {  	s21 =	simm.s32 $0xB000  }
0xdc: {  	[hbm4b:s9+s5] =	stream.indirect_vreg.scatter [tilespmem:s21], [sflag:$0x2], $0x80, v36, vm0, $0xb8;
	[tilespmem:$0x18A00] =	vst v63  }
0xdd: {  	s0 =	simm.s32 $0xB800  }
0xde: {  	[hbm4b:s10+s5] =	stream.indirect_vreg.scatter [tilespmem:s0], [sflag:$0x2], $0x80, v36, vm0, $0xb8;
	[tilespmem:$0x18A00] =	vst v63  }
0xdf: {  	v36 =	vld [tilespmem:s1+$0x18240];
	_ =	sdelay $0x4  }
0xe0: {  	[tilespmem:$0x18180] =	vst v5;
	v36 =	vadd.s32 v0, v36  }
0xe1: {  	[tilespmem:$0x18080] =	vst v36  }
0xe2: {  	v36 =	vld [tilespmem:s1+$0x18250];
	_ =	sdelay $0x4  }
0xe3: {  	[tilespmem:$0x18190] =	vst v6;
	v37 =	vld [tilespmem:$0x18080];
	v36 =	vadd.s32 v0, v36  }
0xe4: {  	[tilespmem:$0x18090] =	vst v36  }
0xe5: {  	v36 =	vld [tilespmem:s1+$0x18260];
	_ =	sdelay $0x2  }
0xe6: {  	v47 =	vshrl.u32 v37, $0x3  }
0xe7: {  	v48 =	vmul.u32 $0x30, v47  }
0xe8: {  	v37 =	vand.u32 $0x7, v37;
	[tilespmem:$0x181A0] =	vst v7;
	v36 =	vadd.s32 v0, v36  }
0xe9: {  	[tilespmem:$0x180A0] =	vst v36;
	v36 =	vor.u32 v37, v48  }
0xea: {  	v49 =	vld [tilespmem:s1+$0x18270];
	v37 =	vperm.xlane v36, v33;
	_ =	sdelay $0x1  }
0xeb: {  	v37 =	vadd.s32 v34, v37;
	_ =	sdelay $0x2  }
0xec: {  	[tilespmem:$0x181B0] =	vst v8;
	v38 =	vadd.s32 v0, v49  }
0xed: {  	s18 =	simm.s32 $0xC000;
	v36 =	vperm.xlane v36, v35;
	[tilespmem:$0x180B0] =	vst v38  }
0xee: {  	[tilespmem:s18], [sflag:$0x1] =	stream.indirect_vreg.gather [hbm4b:s6+s5], $0x80, v37, vm0, $0xb8;
	[tilespmem:$0x18A00] =	vst v63  }
0xef: {  	s19 =	simm.s32 $0xC800;
	v36 =	vadd.s32 v34, v36  }
0xf0: {  	[tilespmem:s19], [sflag:$0x1] =	stream.indirect_vreg.gather [hbm4b:s7+s5], $0x80, v37, vm0, $0xb8;
	[tilespmem:$0x18A00] =	vst v63  }
0xf1: {  	s20 =	simm.s32 $0xD000  }
0xf2: {  	[tilespmem:s20], [sflag:$0x1] =	stream.indirect_vreg.gather [hbm4b:s8+s5], $0x80, v37, vm0, $0xb8;
	[tilespmem:$0x18A00] =	vst v63  }
0xf3: {  	s22 =	simm.s32 $0xD800  }
0xf4: {  	[tilespmem:s22], [sflag:$0x1] =	stream.indirect_vreg.gather [hbm4b:s6+s5], $0x80, v36, vm0, $0xb8;
	[tilespmem:$0x18A00] =	vst v63  }
0xf5: {  	s23 =	simm.s32 $0xE000  }
0xf6: {  	[tilespmem:s23], [sflag:$0x1] =	stream.indirect_vreg.gather [hbm4b:s7+s5], $0x80, v36, vm0, $0xb8;
	[tilespmem:$0x18A00] =	vst v63  }
0xf7: {  	s24 =	simm.s32 $0xE800  }
0xf8: {  	[tilespmem:s24], [sflag:$0x1] =	stream.indirect_vreg.gather [hbm4b:s8+s5], $0x80, v36, vm0, $0xb8;
	[tilespmem:$0x18A00] =	vst v63  }
0xf9: {  	v36 =	vld [tilespmem:$0x18090];
	_ =	sdelay $0x4  }
0xfa: {  	v50 =	vshrl.u32 v36, $0x3  }
0xfb: {  	v37 =	vmul.u32 $0x30, v50  }
0xfc: {  	v36 =	vand.u32 $0x7, v36  }
0xfd: {  	v36 =	vor.u32 v36, v37  }
0xfe: {  	v37 =	vperm.xlane v36, v33;
	_ =	sdelay $0x1  }
0xff: {  	v37 =	vadd.s32 v34, v37;
	_ =	sdelay $0x3  }
0x100: {  	s25 =	simm.s32 $0xF000;
	v36 =	vperm.xlane v36, v35  }
0x101: {  	[tilespmem:s25], [sflag:$0x1] =	stream.indirect_vreg.gather [hbm4b:s6+s5], $0x80, v37, vm0, $0xb8;
	[tilespmem:$0x18A00] =	vst v63  }
0x102: {  	s28 =	simm.s32 $0xF800;
	v36 =	vadd.s32 v34, v36  }
0x103: {  	[tilespmem:s28], [sflag:$0x1] =	stream.indirect_vreg.gather [hbm4b:s7+s5], $0x80, v37, vm0, $0xb8;
	[tilespmem:$0x18A00] =	vst v63  }
0x104: {  	s30 =	simm.s32 $0x10000  }
0x105: {  	[tilespmem:s30], [sflag:$0x1] =	stream.indirect_vreg.gather [hbm4b:s8+s5], $0x80, v37, vm0, $0xb8;
	[tilespmem:$0x18A00] =	vst v63  }
0x106: {  	s31 =	simm.s32 $0x10800  }
0x107: {  	[tilespmem:s31], [sflag:$0x1] =	stream.indirect_vreg.gather [hbm4b:s6+s5], $0x80, v36, vm0, $0xb8;
	[tilespmem:$0x18A00] =	vst v63  }
0x108: {  	s0 =	simm.s32 $0x11000  }
0x109: {  	[tilespmem:s0], [sflag:$0x1] =	stream.indirect_vreg.gather [hbm4b:s7+s5], $0x80, v36, vm0, $0xb8;
	[tilespmem:$0x18A00] =	vst v63  }
0x10a: {  	s17 =	simm.s32 $0x11800  }
0x10b: {  	[tilespmem:s17], [sflag:$0x1] =	stream.indirect_vreg.gather [hbm4b:s8+s5], $0x80, v36, vm0, $0xb8;
	[tilespmem:$0x18A00] =	vst v63  }
0x10c: {  	v36 =	vld [tilespmem:$0x180A0];
	_ =	sdelay $0x4  }
0x10d: {  	v51 =	vshrl.u32 v36, $0x3  }
0x10e: {  	v37 =	vmul.u32 $0x30, v51  }
0x10f: {  	v36 =	vand.u32 $0x7, v36  }
0x110: {  	v36 =	vor.u32 v36, v37  }
0x111: {  	v37 =	vperm.xlane v36, v33;
	_ =	sdelay $0x1  }
0x112: {  	v37 =	vadd.s32 v34, v37;
	_ =	sdelay $0x3  }
0x113: {  	s18 =	simm.s32 $0x12000;
	v36 =	vperm.xlane v36, v35  }
0x114: {  	[tilespmem:s18], [sflag:$0x1] =	stream.indirect_vreg.gather [hbm4b:s6+s5], $0x80, v37, vm0, $0xb8;
	[tilespmem:$0x18A00] =	vst v63  }
0x115: {  	s19 =	simm.s32 $0x12800;
	v36 =	vadd.s32 v34, v36  }
0x116: {  	[tilespmem:s19], [sflag:$0x1] =	stream.indirect_vreg.gather [hbm4b:s7+s5], $0x80, v37, vm0, $0xb8;
	[tilespmem:$0x18A00] =	vst v63  }
0x117: {  	s20 =	simm.s32 $0x13000  }
0x118: {  	[tilespmem:s20], [sflag:$0x1] =	stream.indirect_vreg.gather [hbm4b:s8+s5], $0x80, v37, vm0, $0xb8;
	[tilespmem:$0x18A00] =	vst v63  }
0x119: {  	s22 =	simm.s32 $0x13800  }
0x11a: {  	[tilespmem:s22], [sflag:$0x1] =	stream.indirect_vreg.gather [hbm4b:s6+s5], $0x80, v36, vm0, $0xb8;
	[tilespmem:$0x18A00] =	vst v63  }
0x11b: {  	s23 =	simm.s32 $0x14000  }
0x11c: {  	[tilespmem:s23], [sflag:$0x1] =	stream.indirect_vreg.gather [hbm4b:s7+s5], $0x80, v36, vm0, $0xb8;
	[tilespmem:$0x18A00] =	vst v63  }
0x11d: {  	s24 =	simm.s32 $0x14800  }
0x11e: {  	[tilespmem:s24], [sflag:$0x1] =	stream.indirect_vreg.gather [hbm4b:s8+s5], $0x80, v36, vm0, $0xb8;
	[tilespmem:$0x18A00] =	vst v63  }
0x11f: {  	v36 =	vld [tilespmem:$0x180B0];
	_ =	sdelay $0x4  }
0x120: {  	v52 =	vshrl.u32 v36, $0x3  }
0x121: {  	v37 =	vmul.u32 $0x30, v52  }
0x122: {  	v36 =	vand.u32 $0x7, v36  }
0x123: {  	v36 =	vor.u32 v36, v37  }
0x124: {  	v37 =	vperm.xlane v36, v33;
	_ =	sdelay $0x1  }
0x125: {  	v37 =	vadd.s32 v34, v37;
	_ =	sdelay $0x3  }
0x126: {  	s25 =	simm.s32 $0x15000;
	v36 =	vperm.xlane v36, v35  }
0x127: {  	[tilespmem:s25], [sflag:$0x1] =	stream.indirect_vreg.gather [hbm4b:s6+s5], $0x80, v37, vm0, $0xb8;
	[tilespmem:$0x18A00] =	vst v63  }
0x128: {  	s28 =	simm.s32 $0x15800;
	v36 =	vadd.s32 v34, v36  }
0x129: {  	[tilespmem:s28], [sflag:$0x1] =	stream.indirect_vreg.gather [hbm4b:s7+s5], $0x80, v37, vm0, $0xb8;
	[tilespmem:$0x18A00] =	vst v63  }
0x12a: {  	s22 =	simm.s32 $0x16000  }
0x12b: {  	[tilespmem:s22], [sflag:$0x1] =	stream.indirect_vreg.gather [hbm4b:s8+s5], $0x80, v37, vm0, $0xb8;
	[tilespmem:$0x18A00] =	vst v63  }
0x12c: {  	s28 =	simm.s32 $0x16800  }
0x12d: {  	[tilespmem:s28], [sflag:$0x1] =	stream.indirect_vreg.gather [hbm4b:s6+s5], $0x80, v36, vm0, $0xb8;
	[tilespmem:$0x18A00] =	vst v63  }
0x12e: {  	s28 =	simm.s32 $0x17000  }
0x12f: {  	[tilespmem:s28], [sflag:$0x1] =	stream.indirect_vreg.gather [hbm4b:s7+s5], $0x80, v36, vm0, $0xb8;
	[tilespmem:$0x18A00] =	vst v63  }
0x130: {  	s28 =	simm.s32 $0x17800  }
0x131: {  	[tilespmem:s28], [sflag:$0x1] =	stream.indirect_vreg.gather [hbm4b:s8+s5], $0x80, v36, vm0, $0xb8;
	[tilespmem:$0x18A00] =	vst v63  }
0x132: {  	s28 =	simm.s32 $0x1  }
0x133: {  	_ =	swait.ge [sflag:s28], $0xC000  }
0x134: {  	[sflag:s28] =	ssyncset.done $0x0  }
0x135: {  	[sflag:s28] =	ssyncadd.s32 $0xFFFF4000  }
0x136: {  	v53 =	vld [tilespmem:$0x18180];
	_ =	sdelay $0x4  }
0x137: {  	v54 =	vshrl.u32 v53, $0x3  }
0x138: {  	v37 =	vmul.u32 $0x30, v54  }
0x139: {  	v36 =	vand.u32 $0x7, v53  }
0x13a: {  	v36 =	vor.u32 v36, v37  }
0x13b: {  	v37 =	vperm.xlane v36, v33;
	_ =	sdelay $0x1  }
0x13c: {  	v37 =	vadd.s32 v34, v37;
	_ =	sdelay $0x3  }
0x13d: {  	s13 =	simm.s32 $0xC000;
	v36 =	vperm.xlane v36, v35  }
0x13e: {  	[hbm4b:s4+s5] =	stream.indirect_vreg.scatter [tilespmem:s13], [sflag:$0x2], $0x80, v37, vm0, $0xb8;
	[tilespmem:$0x18A00] =	vst v63  }
0x13f: {  	s12 =	simm.s32 $0xC800;
	v36 =	vadd.s32 v34, v36  }
0x140: {  	[hbm4b:s9+s5] =	stream.indirect_vreg.scatter [tilespmem:s12], [sflag:$0x2], $0x80, v37, vm0, $0xb8;
	[tilespmem:$0x18A00] =	vst v63  }
0x141: {  	s14 =	simm.s32 $0xD000  }
0x142: {  	[hbm4b:s10+s5] =	stream.indirect_vreg.scatter [tilespmem:s14], [sflag:$0x2], $0x80, v37, vm0, $0xb8;
	[tilespmem:$0x18A00] =	vst v63  }
0x143: {  	s15 =	simm.s32 $0xD800  }
0x144: {  	[hbm4b:s4+s5] =	stream.indirect_vreg.scatter [tilespmem:s15], [sflag:$0x2], $0x80, v36, vm0, $0xb8;
	[tilespmem:$0x18A00] =	vst v63  }
0x145: {  	s16 =	simm.s32 $0xE000  }
0x146: {  	[hbm4b:s9+s5] =	stream.indirect_vreg.scatter [tilespmem:s16], [sflag:$0x2], $0x80, v36, vm0, $0xb8;
	[tilespmem:$0x18A00] =	vst v63  }
0x147: {  	s26 =	simm.s32 $0xE800  }
0x148: {  	[hbm4b:s10+s5] =	stream.indirect_vreg.scatter [tilespmem:s26], [sflag:$0x2], $0x80, v36, vm0, $0xb8;
	[tilespmem:$0x18A00] =	vst v63  }
0x149: {  	v36 =	vld [tilespmem:$0x18190];
	_ =	sdelay $0x4  }
0x14a: {  	v55 =	vshrl.u32 v36, $0x3  }
0x14b: {  	v37 =	vmul.u32 $0x30, v55  }
0x14c: {  	v36 =	vand.u32 $0x7, v36  }
0x14d: {  	v36 =	vor.u32 v36, v37  }
0x14e: {  	v37 =	vperm.xlane v36, v33;
	_ =	sdelay $0x1  }
0x14f: {  	v37 =	vadd.s32 v34, v37;
	_ =	sdelay $0x3  }
0x150: {  	s29 =	simm.s32 $0xF000;
	v36 =	vperm.xlane v36, v35  }
0x151: {  	[hbm4b:s4+s5] =	stream.indirect_vreg.scatter [tilespmem:s29], [sflag:$0x2], $0x80, v37, vm0, $0xb8;
	[tilespmem:$0x18A00] =	vst v63  }
0x152: {  	s11 =	simm.s32 $0xF800;
	v36 =	vadd.s32 v34, v36  }
0x153: {  	[hbm4b:s9+s5] =	stream.indirect_vreg.scatter [tilespmem:s11], [sflag:$0x2], $0x80, v37, vm0, $0xb8;
	[tilespmem:$0x18A00] =	vst v63  }
0x154: {  	s3 =	simm.s32 $0x10000  }
0x155: {  	[hbm4b:s10+s5] =	stream.indirect_vreg.scatter [tilespmem:s3], [sflag:$0x2], $0x80, v37, vm0, $0xb8;
	[tilespmem:$0x18A00] =	vst v63  }
0x156: {  	s2 =	simm.s32 $0x10800  }
0x157: {  	[hbm4b:s4+s5] =	stream.indirect_vreg.scatter [tilespmem:s2], [sflag:$0x2], $0x80, v36, vm0, $0xb8;
	[tilespmem:$0x18A00] =	vst v63  }
0x158: {  	s0 =	simm.s32 $0x11000  }
0x159: {  	[hbm4b:s9+s5] =	stream.indirect_vreg.scatter [tilespmem:s0], [sflag:$0x2], $0x80, v36, vm0, $0xb8;
	[tilespmem:$0x18A00] =	vst v63  }
0x15a: {  	s30 =	simm.s32 $0x11800  }
0x15b: {  	[hbm4b:s10+s5] =	stream.indirect_vreg.scatter [tilespmem:s30], [sflag:$0x2], $0x80, v36, vm0, $0xb8;
	[tilespmem:$0x18A00] =	vst v63  }
0x15c: {  	v36 =	vld [tilespmem:$0x181A0];
	_ =	sdelay $0x4  }
0x15d: {  	v56 =	vshrl.u32 v36, $0x3  }
0x15e: {  	v37 =	vmul.u32 $0x30, v56  }
0x15f: {  	v36 =	vand.u32 $0x7, v36  }
0x160: {  	v36 =	vor.u32 v36, v37  }
0x161: {  	v37 =	vperm.xlane v36, v33;
	_ =	sdelay $0x1  }
0x162: {  	v37 =	vadd.s32 v34, v37;
	_ =	sdelay $0x3  }
0x163: {  	s31 =	simm.s32 $0x12000;
	v36 =	vperm.xlane v36, v35  }
0x164: {  	[hbm4b:s4+s5] =	stream.indirect_vreg.scatter [tilespmem:s31], [sflag:$0x2], $0x80, v37, vm0, $0xb8;
	[tilespmem:$0x18A00] =	vst v63  }
0x165: {  	s17 =	simm.s32 $0x12800;
	v36 =	vadd.s32 v34, v36  }
0x166: {  	[hbm4b:s9+s5] =	stream.indirect_vreg.scatter [tilespmem:s17], [sflag:$0x2], $0x80, v37, vm0, $0xb8;
	[tilespmem:$0x18A00] =	vst v63  }
0x167: {  	s18 =	simm.s32 $0x13000  }
0x168: {  	[hbm4b:s10+s5] =	stream.indirect_vreg.scatter [tilespmem:s18], [sflag:$0x2], $0x80, v37, vm0, $0xb8;
	[tilespmem:$0x18A00] =	vst v63  }
0x169: {  	s19 =	simm.s32 $0x13800  }
0x16a: {  	[hbm4b:s4+s5] =	stream.indirect_vreg.scatter [tilespmem:s19], [sflag:$0x2], $0x80, v36, vm0, $0xb8;
	[tilespmem:$0x18A00] =	vst v63  }
0x16b: {  	s20 =	simm.s32 $0x14000  }
0x16c: {  	[hbm4b:s9+s5] =	stream.indirect_vreg.scatter [tilespmem:s20], [sflag:$0x2], $0x80, v36, vm0, $0xb8;
	[tilespmem:$0x18A00] =	vst v63  }
0x16d: {  	s23 =	simm.s32 $0x14800  }
0x16e: {  	[hbm4b:s10+s5] =	stream.indirect_vreg.scatter [tilespmem:s23], [sflag:$0x2], $0x80, v36, vm0, $0xb8;
	[tilespmem:$0x18A00] =	vst v63  }
0x16f: {  	v36 =	vld [tilespmem:$0x181B0];
	_ =	sdelay $0x4  }
0x170: {  	v57 =	vshrl.u32 v36, $0x3  }
0x171: {  	v37 =	vmul.u32 $0x30, v57  }
0x172: {  	v36 =	vand.u32 $0x7, v36  }
0x173: {  	v36 =	vor.u32 v36, v37  }
0x174: {  	v37 =	vperm.xlane v36, v33;
	_ =	sdelay $0x1  }
0x175: {  	v37 =	vadd.s32 v34, v37;
	_ =	sdelay $0x3  }
0x176: {  	s25 =	simm.s32 $0x15000;
	v36 =	vperm.xlane v36, v35  }
0x177: {  	[hbm4b:s4+s5] =	stream.indirect_vreg.scatter [tilespmem:s25], [sflag:$0x2], $0x80, v37, vm0, $0xb8;
	[tilespmem:$0x18A00] =	vst v63  }
0x178: {  	s24 =	simm.s32 $0x15800;
	v36 =	vadd.s32 v34, v36  }
0x179: {  	[hbm4b:s9+s5] =	stream.indirect_vreg.scatter [tilespmem:s24], [sflag:$0x2], $0x80, v37, vm0, $0xb8;
	[tilespmem:$0x18A00] =	vst v63  }
0x17a: {  	s22 =	simm.s32 $0x16000  }
0x17b: {  	[hbm4b:s10+s5] =	stream.indirect_vreg.scatter [tilespmem:s22], [sflag:$0x2], $0x80, v37, vm0, $0xb8;
	[tilespmem:$0x18A00] =	vst v63  }
0x17c: {  	s3 =	simm.s32 $0x16800  }
0x17d: {  	[hbm4b:s4+s5] =	stream.indirect_vreg.scatter [tilespmem:s3], [sflag:$0x2], $0x80, v36, vm0, $0xb8;
	[tilespmem:$0x18A00] =	vst v63  }
0x17e: {  	s11 =	simm.s32 $0x17000  }
0x17f: {  	[hbm4b:s9+s5] =	stream.indirect_vreg.scatter [tilespmem:s11], [sflag:$0x2], $0x80, v36, vm0, $0xb8;
	[tilespmem:$0x18A00] =	vst v63  }
0x180: {  	s21 =	simm.s32 $0x17800;
	s12 =	simm.s32 $0x2  }
0x181: {  	[hbm4b:s10+s5] =	stream.indirect_vreg.scatter [tilespmem:s21], [sflag:$0x2], $0x80, v36, vm0, $0xb8;
	[tilespmem:$0x18A00] =	vst v63  }
0x182: {  	_ =	swait.ge [sflag:s12], $0xC000  }
0x183: {  	[sflag:s12] =	ssyncset.done $0x0  }
0x184: {  	s13 =	rddreg [dreg:$0x7];
	[sflag:s12] =	ssyncadd.s32 $0xFFFF4000  }
0x185: {  	v58 =	vld [tilespmem:s13+$0x18200];
	_ =	sdelay $0x4  }
0x186: {  	[tilespmem:$0x18100] =	vst v9;
	v36 =	vadd.s32 v0, v58  }
0x187: {  	[tilespmem:$0x18000] =	vst v36  }
0x188: {  	v36 =	vld [tilespmem:s1+$0x18290];
	_ =	sdelay $0x4  }
0x189: {  	[tilespmem:$0x18110] =	vst v10;
	v59 =	vld [tilespmem:$0x18000];
	v36 =	vadd.s32 v0, v36  }
0x18a: {  	[tilespmem:$0x18010] =	vst v36  }
0x18b: {  	v36 =	vld [tilespmem:s1+$0x182A0];
	_ =	sdelay $0x2  }
0x18c: {  	v60 =	vshrl.u32 v59, $0x3  }
0x18d: {  	v61 =	vmul.u32 $0x30, v60  }
0x18e: {  	v37 =	vand.u32 $0x7, v59;
	[tilespmem:$0x18120] =	vst v11;
	v36 =	vadd.s32 v0, v36  }
0x18f: {  	[tilespmem:$0x18020] =	vst v36;
	v36 =	vor.u32 v37, v61  }
0x190: {  	v62 =	vld [tilespmem:s1+$0x182B0];
	v37 =	vperm.xlane v36, v33;
	_ =	sdelay $0x1  }
0x191: {  	v37 =	vadd.s32 v34, v37;
	_ =	sdelay $0x2  }
0x192: {  	[tilespmem:$0x18130] =	vst v12;
	v38 =	vadd.s32 v0, v62  }
0x193: {  	v36 =	vperm.xlane v36, v35;
	[tilespmem:$0x18030] =	vst v38  }
0x194: {  	[tilespmem:s5], [sflag:$0x1] =	stream.indirect_vreg.gather [hbm4b:s6+s5], $0x80, v37, vm0, $0xb8;
	[tilespmem:$0x18A00] =	vst v63  }
0x195: {  	s15 =	simm.s32 $0x800;
	v36 =	vadd.s32 v34, v36  }
0x196: {  	[tilespmem:s15], [sflag:$0x1] =	stream.indirect_vreg.gather [hbm4b:s7+s5], $0x80, v37, vm0, $0xb8;
	[tilespmem:$0x18A00] =	vst v63  }
0x197: {  	s16 =	simm.s32 $0x1000  }
0x198: {  	[tilespmem:s16], [sflag:$0x1] =	stream.indirect_vreg.gather [hbm4b:s8+s5], $0x80, v37, vm0, $0xb8;
	[tilespmem:$0x18A00] =	vst v63  }
0x199: {  	s17 =	simm.s32 $0x1800  }
0x19a: {  	[tilespmem:s17], [sflag:$0x1] =	stream.indirect_vreg.gather [hbm4b:s6+s5], $0x80, v36, vm0, $0xb8;
	[tilespmem:$0x18A00] =	vst v63  }
0x19b: {  	s18 =	simm.s32 $0x2000  }
0x19c: {  	[tilespmem:s18], [sflag:$0x1] =	stream.indirect_vreg.gather [hbm4b:s7+s5], $0x80, v36, vm0, $0xb8;
	[tilespmem:$0x18A00] =	vst v63  }
0x19d: {  	s21 =	simm.s32 $0x2800  }
0x19e: {  	[tilespmem:s21], [sflag:$0x1] =	stream.indirect_vreg.gather [hbm4b:s8+s5], $0x80, v36, vm0, $0xb8;
	[tilespmem:$0x18A00] =	vst v63  }
0x19f: {  	v36 =	vld [tilespmem:$0x18010];
	_ =	sdelay $0x4  }
0x1a0: {  	v63 =	vshrl.u32 v36, $0x3  }
0x1a1: {  	v37 =	vmul.u32 $0x30, v63  }
0x1a2: {  	v36 =	vand.u32 $0x7, v36  }
0x1a3: {  	v36 =	vor.u32 v36, v37  }
0x1a4: {  	v37 =	vperm.xlane v36, v33;
	_ =	sdelay $0x1  }
0x1a5: {  	v37 =	vadd.s32 v34, v37;
	_ =	sdelay $0x3  }
0x1a6: {  	s29 =	simm.s32 $0x3000;
	v36 =	vperm.xlane v36, v35  }
0x1a7: {  	[tilespmem:s29], [sflag:$0x1] =	stream.indirect_vreg.gather [hbm4b:s6+s5], $0x80, v37, vm0, $0xb8;
	[tilespmem:$0x18A00] =	vst v63  }
0x1a8: {  	s19 =	simm.s32 $0x3800;
	v36 =	vadd.s32 v34, v36  }
0x1a9: {  	[tilespmem:s19], [sflag:$0x1] =	stream.indirect_vreg.gather [hbm4b:s7+s5], $0x80, v37, vm0, $0xb8;
	[tilespmem:$0x18A00] =	vst v63  }
0x1aa: {  	s20 =	simm.s32 $0x4000  }
0x1ab: {  	[tilespmem:s20], [sflag:$0x1] =	stream.indirect_vreg.gather [hbm4b:s8+s5], $0x80, v37, vm0, $0xb8;
	[tilespmem:$0x18A00] =	vst v63  }
0x1ac: {  	s22 =	simm.s32 $0x4800  }
0x1ad: {  	[tilespmem:s22], [sflag:$0x1] =	stream.indirect_vreg.gather [hbm4b:s6+s5], $0x80, v36, vm0, $0xb8;
	[tilespmem:$0x18A00] =	vst v63  }
0x1ae: {  	s23 =	simm.s32 $0x5000  }
0x1af: {  	[tilespmem:s23], [sflag:$0x1] =	stream.indirect_vreg.gather [hbm4b:s7+s5], $0x80, v36, vm0, $0xb8;
	[tilespmem:$0x18A00] =	vst v63  }
0x1b0: {  	s31 =	simm.s32 $0x5800  }
0x1b1: {  	[tilespmem:s31], [sflag:$0x1] =	stream.indirect_vreg.gather [hbm4b:s8+s5], $0x80, v36, vm0, $0xb8;
	[tilespmem:$0x18A00] =	vst v63  }
0x1b2: {  	v36 =	vld [tilespmem:$0x18020];
	_ =	sdelay $0x4  }
0x1b3: {  	v40 =	vshrl.u32 v36, $0x3  }
0x1b4: {  	v37 =	vmul.u32 $0x30, v40  }
0x1b5: {  	v36 =	vand.u32 $0x7, v36  }
0x1b6: {  	v36 =	vor.u32 v36, v37  }
0x1b7: {  	v37 =	vperm.xlane v36, v33;
	_ =	sdelay $0x1  }
0x1b8: {  	v37 =	vadd.s32 v34, v37;
	_ =	sdelay $0x3  }
0x1b9: {  	s14 =	simm.s32 $0x6000;
	v36 =	vperm.xlane v36, v35  }
0x1ba: {  	[tilespmem:s14], [sflag:$0x1] =	stream.indirect_vreg.gather [hbm4b:s6+s5], $0x80, v37, vm0, $0xb8;
	[tilespmem:$0x18A00] =	vst v63  }
0x1bb: {  	s24 =	simm.s32 $0x6800;
	v36 =	vadd.s32 v34, v36  }
0x1bc: {  	[tilespmem:s24], [sflag:$0x1] =	stream.indirect_vreg.gather [hbm4b:s7+s5], $0x80, v37, vm0, $0xb8;
	[tilespmem:$0x18A00] =	vst v63  }
0x1bd: {  	s26 =	simm.s32 $0x7000  }
0x1be: {  	[tilespmem:s26], [sflag:$0x1] =	stream.indirect_vreg.gather [hbm4b:s8+s5], $0x80, v37, vm0, $0xb8;
	[tilespmem:$0x18A00] =	vst v63  }
0x1bf: {  	s28 =	simm.s32 $0x7800  }
0x1c0: {  	[tilespmem:s28], [sflag:$0x1] =	stream.indirect_vreg.gather [hbm4b:s6+s5], $0x80, v36, vm0, $0xb8;
	[tilespmem:$0x18A00] =	vst v63  }
0x1c1: {  	s0 =	simm.s32 $0x8000  }
0x1c2: {  	[tilespmem:s0], [sflag:$0x1] =	stream.indirect_vreg.gather [hbm4b:s7+s5], $0x80, v36, vm0, $0xb8;
	[tilespmem:$0x18A00] =	vst v63  }
0x1c3: {  	s14 =	simm.s32 $0x8800  }
0x1c4: {  	[tilespmem:s14], [sflag:$0x1] =	stream.indirect_vreg.gather [hbm4b:s8+s5], $0x80, v36, vm0, $0xb8;
	[tilespmem:$0x18A00] =	vst v63  }
0x1c5: {  	v36 =	vld [tilespmem:$0x18030];
	_ =	sdelay $0x4  }
0x1c6: {  	v41 =	vshrl.u32 v36, $0x3  }
0x1c7: {  	v37 =	vmul.u32 $0x30, v41  }
0x1c8: {  	v36 =	vand.u32 $0x7, v36  }
0x1c9: {  	v36 =	vor.u32 v36, v37  }
0x1ca: {  	v37 =	vperm.xlane v36, v33;
	_ =	sdelay $0x1  }
0x1cb: {  	v37 =	vadd.s32 v34, v37;
	_ =	sdelay $0x3  }
0x1cc: {  	s25 =	simm.s32 $0x9000;
	v36 =	vperm.xlane v36, v35  }
0x1cd: {  	[tilespmem:s25], [sflag:$0x1] =	stream.indirect_vreg.gather [hbm4b:s6+s5], $0x80, v37, vm0, $0xb8;
	[tilespmem:$0x18A00] =	vst v63  }
0x1ce: {  	s2 =	simm.s32 $0x9800;
	v36 =	vadd.s32 v34, v36  }
0x1cf: {  	[tilespmem:s2], [sflag:$0x1] =	stream.indirect_vreg.gather [hbm4b:s7+s5], $0x80, v37, vm0, $0xb8;
	[tilespmem:$0x18A00] =	vst v63  }
0x1d0: {  	s3 =	simm.s32 $0xA000  }
0x1d1: {  	[tilespmem:s3], [sflag:$0x1] =	stream.indirect_vreg.gather [hbm4b:s8+s5], $0x80, v37, vm0, $0xb8;
	[tilespmem:$0x18A00] =	vst v63  }
0x1d2: {  	s11 =	simm.s32 $0xA800  }
0x1d3: {  	[tilespmem:s11], [sflag:$0x1] =	stream.indirect_vreg.gather [hbm4b:s6+s5], $0x80, v36, vm0, $0xb8;
	[tilespmem:$0x18A00] =	vst v63  }
0x1d4: {  	s13 =	simm.s32 $0xB000  }
0x1d5: {  	[tilespmem:s13], [sflag:$0x1] =	stream.indirect_vreg.gather [hbm4b:s7+s5], $0x80, v36, vm0, $0xb8;
	[tilespmem:$0x18A00] =	vst v63  }
0x1d6: {  	s30 =	simm.s32 $0xB800;
	s12 =	simm.s32 $0x1  }
0x1d7: {  	[tilespmem:s30], [sflag:$0x1] =	stream.indirect_vreg.gather [hbm4b:s8+s5], $0x80, v36, vm0, $0xb8;
	[tilespmem:$0x18A00] =	vst v63  }
0x1d8: {  	_ =	swait.ge [sflag:s12], $0xC000  }
0x1d9: {  	[sflag:s12] =	ssyncset.done $0x0  }
0x1da: {  	[sflag:s12] =	ssyncadd.s32 $0xFFFF4000  }
0x1db: {  	v42 =	vld [tilespmem:$0x18100];
	_ =	sdelay $0x4  }
0x1dc: {  	v43 =	vshrl.u32 v42, $0x3  }
0x1dd: {  	v37 =	vmul.u32 $0x30, v43  }
0x1de: {  	v36 =	vand.u32 $0x7, v42  }
0x1df: {  	v36 =	vor.u32 v36, v37  }
0x1e0: {  	v37 =	vperm.xlane v36, v33;
	_ =	sdelay $0x1  }
0x1e1: {  	v37 =	vadd.s32 v34, v37;
	_ =	sdelay $0x3  }
0x1e2: {  	v36 =	vperm.xlane v36, v35  }
0x1e3: {  	[hbm4b:s4+s5] =	stream.indirect_vreg.scatter [tilespmem:s5], [sflag:$0x2], $0x80, v37, vm0, $0xb8;
	[tilespmem:$0x18A00] =	vst v63  }
0x1e4: {  	v36 =	vadd.s32 v34, v36  }
0x1e5: {  	[hbm4b:s9+s5] =	stream.indirect_vreg.scatter [tilespmem:s15], [sflag:$0x2], $0x80, v37, vm0, $0xb8;
	[tilespmem:$0x18A00] =	vst v63  }
0x1e6: {  	_ = 	snop  }
0x1e7: {  	[hbm4b:s10+s5] =	stream.indirect_vreg.scatter [tilespmem:s16], [sflag:$0x2], $0x80, v37, vm0, $0xb8;
	[tilespmem:$0x18A00] =	vst v63  }
0x1e8: {  	_ = 	snop  }
0x1e9: {  	[hbm4b:s4+s5] =	stream.indirect_vreg.scatter [tilespmem:s17], [sflag:$0x2], $0x80, v36, vm0, $0xb8;
	[tilespmem:$0x18A00] =	vst v63  }
0x1ea: {  	_ = 	snop  }
0x1eb: {  	[hbm4b:s9+s5] =	stream.indirect_vreg.scatter [tilespmem:s18], [sflag:$0x2], $0x80, v36, vm0, $0xb8;
	[tilespmem:$0x18A00] =	vst v63  }
0x1ec: {  	_ = 	snop  }
0x1ed: {  	[hbm4b:s10+s5] =	stream.indirect_vreg.scatter [tilespmem:s21], [sflag:$0x2], $0x80, v36, vm0, $0xb8;
	[tilespmem:$0x18A00] =	vst v63  }
0x1ee: {  	v36 =	vld [tilespmem:$0x18110];
	_ =	sdelay $0x4  }
0x1ef: {  	v44 =	vshrl.u32 v36, $0x3  }
0x1f0: {  	v37 =	vmul.u32 $0x30, v44  }
0x1f1: {  	v36 =	vand.u32 $0x7, v36  }
0x1f2: {  	v36 =	vor.u32 v36, v37  }
0x1f3: {  	v37 =	vperm.xlane v36, v33;
	_ =	sdelay $0x1  }
0x1f4: {  	v37 =	vadd.s32 v34, v37;
	_ =	sdelay $0x3  }
0x1f5: {  	v36 =	vperm.xlane v36, v35  }
0x1f6: {  	[hbm4b:s4+s5] =	stream.indirect_vreg.scatter [tilespmem:s29], [sflag:$0x2], $0x80, v37, vm0, $0xb8;
	[tilespmem:$0x18A00] =	vst v63  }
0x1f7: {  	v36 =	vadd.s32 v34, v36  }
0x1f8: {  	[hbm4b:s9+s5] =	stream.indirect_vreg.scatter [tilespmem:s19], [sflag:$0x2], $0x80, v37, vm0, $0xb8;
	[tilespmem:$0x18A00] =	vst v63  }
0x1f9: {  	_ = 	snop  }
0x1fa: {  	[hbm4b:s10+s5] =	stream.indirect_vreg.scatter [tilespmem:s20], [sflag:$0x2], $0x80, v37, vm0, $0xb8;
	[tilespmem:$0x18A00] =	vst v63  }
0x1fb: {  	_ = 	snop  }
0x1fc: {  	[hbm4b:s4+s5] =	stream.indirect_vreg.scatter [tilespmem:s22], [sflag:$0x2], $0x80, v36, vm0, $0xb8;
	[tilespmem:$0x18A00] =	vst v63  }
0x1fd: {  	_ = 	snop  }
0x1fe: {  	[hbm4b:s9+s5] =	stream.indirect_vreg.scatter [tilespmem:s23], [sflag:$0x2], $0x80, v36, vm0, $0xb8;
	[tilespmem:$0x18A00] =	vst v63  }
0x1ff: {  	_ = 	snop  }
0x200: {  	[hbm4b:s10+s5] =	stream.indirect_vreg.scatter [tilespmem:s31], [sflag:$0x2], $0x80, v36, vm0, $0xb8;
	[tilespmem:$0x18A00] =	vst v63  }
0x201: {  	v36 =	vld [tilespmem:$0x18120];
	_ =	sdelay $0x4  }
0x202: {  	v45 =	vshrl.u32 v36, $0x3  }
0x203: {  	v37 =	vmul.u32 $0x30, v45  }
0x204: {  	v36 =	vand.u32 $0x7, v36  }
0x205: {  	v36 =	vor.u32 v36, v37  }
0x206: {  	v37 =	vperm.xlane v36, v33;
	_ =	sdelay $0x1  }
0x207: {  	v37 =	vadd.s32 v34, v37;
	_ =	sdelay $0x3  }
0x208: {  	s23 =	simm.s32 $0x6000;
	v36 =	vperm.xlane v36, v35  }
0x209: {  	[hbm4b:s4+s5] =	stream.indirect_vreg.scatter [tilespmem:s23], [sflag:$0x2], $0x80, v37, vm0, $0xb8;
	[tilespmem:$0x18A00] =	vst v63  }
0x20a: {  	v36 =	vadd.s32 v34, v36  }
0x20b: {  	[hbm4b:s9+s5] =	stream.indirect_vreg.scatter [tilespmem:s24], [sflag:$0x2], $0x80, v37, vm0, $0xb8;
	[tilespmem:$0x18A00] =	vst v63  }
0x20c: {  	_ = 	snop  }
0x20d: {  	[hbm4b:s10+s5] =	stream.indirect_vreg.scatter [tilespmem:s26], [sflag:$0x2], $0x80, v37, vm0, $0xb8;
	[tilespmem:$0x18A00] =	vst v63  }
0x20e: {  	_ = 	snop  }
0x20f: {  	[hbm4b:s4+s5] =	stream.indirect_vreg.scatter [tilespmem:s28], [sflag:$0x2], $0x80, v36, vm0, $0xb8;
	[tilespmem:$0x18A00] =	vst v63  }
0x210: {  	_ = 	snop  }
0x211: {  	[hbm4b:s9+s5] =	stream.indirect_vreg.scatter [tilespmem:s0], [sflag:$0x2], $0x80, v36, vm0, $0xb8;
	[tilespmem:$0x18A00] =	vst v63  }
0x212: {  	_ = 	snop  }
0x213: {  	[hbm4b:s10+s5] =	stream.indirect_vreg.scatter [tilespmem:s14], [sflag:$0x2], $0x80, v36, vm0, $0xb8;
	[tilespmem:$0x18A00] =	vst v63  }
0x214: {  	v36 =	vld [tilespmem:$0x18130];
	_ =	sdelay $0x4  }
0x215: {  	v46 =	vshrl.u32 v36, $0x3  }
0x216: {  	v37 =	vmul.u32 $0x30, v46  }
0x217: {  	v36 =	vand.u32 $0x7, v36  }
0x218: {  	v36 =	vor.u32 v36, v37  }
0x219: {  	v37 =	vperm.xlane v36, v33;
	_ =	sdelay $0x1  }
0x21a: {  	v37 =	vadd.s32 v34, v37;
	_ =	sdelay $0x3  }
0x21b: {  	v36 =	vperm.xlane v36, v35  }
0x21c: {  	[hbm4b:s4+s5] =	stream.indirect_vreg.scatter [tilespmem:s25], [sflag:$0x2], $0x80, v37, vm0, $0xb8;
	[tilespmem:$0x18A00] =	vst v63  }
0x21d: {  	v36 =	vadd.s32 v34, v36  }
0x21e: {  	[hbm4b:s9+s5] =	stream.indirect_vreg.scatter [tilespmem:s2], [sflag:$0x2], $0x80, v37, vm0, $0xb8;
	[tilespmem:$0x18A00] =	vst v63  }
0x21f: {  	_ = 	snop  }
0x220: {  	[hbm4b:s10+s5] =	stream.indirect_vreg.scatter [tilespmem:s3], [sflag:$0x2], $0x80, v37, vm0, $0xb8;
	[tilespmem:$0x18A00] =	vst v63  }
0x221: {  	_ = 	snop  }
0x222: {  	[hbm4b:s4+s5] =	stream.indirect_vreg.scatter [tilespmem:s11], [sflag:$0x2], $0x80, v36, vm0, $0xb8;
	[tilespmem:$0x18A00] =	vst v63  }
0x223: {  	_ = 	snop  }
0x224: {  	[hbm4b:s9+s5] =	stream.indirect_vreg.scatter [tilespmem:s13], [sflag:$0x2], $0x80, v36, vm0, $0xb8;
	[tilespmem:$0x18A00] =	vst v63  }
0x225: {  	s28 =	simm.s32 $0x2  }
0x226: {  	[hbm4b:s10+s5] =	stream.indirect_vreg.scatter [tilespmem:s30], [sflag:$0x2], $0x80, v36, vm0, $0xb8;
	[tilespmem:$0x18A00] =	vst v63  }
0x227: {  	_ =	swait.ge [sflag:s28], $0xC000  }
0x228: {  	[sflag:s28] =	ssyncset.done $0x0  }
0x229: {  	[sflag:s28] =	ssyncadd.s32 $0xFFFF4000  }
0x22a: {  	v47 =	vld [tilespmem:s1+$0x182C0];
	_ =	sdelay $0x4  }
0x22b: {  	[tilespmem:$0x18180] =	vst v13;
	v36 =	vadd.s32 v0, v47  }
0x22c: {  	[tilespmem:$0x18080] =	vst v36  }
0x22d: {  	v36 =	vld [tilespmem:s1+$0x182D0];
	_ =	sdelay $0x4  }
0x22e: {  	[tilespmem:$0x18190] =	vst v14;
	v48 =	vld [tilespmem:$0x18080];
	v36 =	vadd.s32 v0, v36  }
0x22f: {  	[tilespmem:$0x18090] =	vst v36  }
0x230: {  	v36 =	vld [tilespmem:s1+$0x182E0];
	_ =	sdelay $0x2  }
0x231: {  	v49 =	vshrl.u32 v48, $0x3  }
0x232: {  	v50 =	vmul.u32 $0x30, v49  }
0x233: {  	v37 =	vand.u32 $0x7, v48;
	[tilespmem:$0x181A0] =	vst v15;
	v36 =	vadd.s32 v0, v36  }
0x234: {  	[tilespmem:$0x180A0] =	vst v36;
	v36 =	vor.u32 v37, v50  }
0x235: {  	v51 =	vld [tilespmem:s1+$0x182F0];
	v37 =	vperm.xlane v36, v33;
	_ =	sdelay $0x1  }
0x236: {  	v37 =	vadd.s32 v34, v37;
	_ =	sdelay $0x2  }
0x237: {  	[tilespmem:$0x181B0] =	vst v16;
	v38 =	vadd.s32 v0, v51  }
0x238: {  	s23 =	simm.s32 $0xC000;
	v36 =	vperm.xlane v36, v35;
	[tilespmem:$0x180B0] =	vst v38  }
0x239: {  	[tilespmem:s23], [sflag:$0x1] =	stream.indirect_vreg.gather [hbm4b:s6+s5], $0x80, v37, vm0, $0xb8;
	[tilespmem:$0x18A00] =	vst v63  }
0x23a: {  	s15 =	simm.s32 $0xC800;
	v36 =	vadd.s32 v34, v36  }
0x23b: {  	[tilespmem:s15], [sflag:$0x1] =	stream.indirect_vreg.gather [hbm4b:s7+s5], $0x80, v37, vm0, $0xb8;
	[tilespmem:$0x18A00] =	vst v63  }
0x23c: {  	s16 =	simm.s32 $0xD000  }
0x23d: {  	[tilespmem:s16], [sflag:$0x1] =	stream.indirect_vreg.gather [hbm4b:s8+s5], $0x80, v37, vm0, $0xb8;
	[tilespmem:$0x18A00] =	vst v63  }
0x23e: {  	s17 =	simm.s32 $0xD800  }
0x23f: {  	[tilespmem:s17], [sflag:$0x1] =	stream.indirect_vreg.gather [hbm4b:s6+s5], $0x80, v36, vm0, $0xb8;
	[tilespmem:$0x18A00] =	vst v63  }
0x240: {  	s18 =	simm.s32 $0xE000  }
0x241: {  	[tilespmem:s18], [sflag:$0x1] =	stream.indirect_vreg.gather [hbm4b:s7+s5], $0x80, v36, vm0, $0xb8;
	[tilespmem:$0x18A00] =	vst v63  }
0x242: {  	s3 =	simm.s32 $0xE800  }
0x243: {  	[tilespmem:s3], [sflag:$0x1] =	stream.indirect_vreg.gather [hbm4b:s8+s5], $0x80, v36, vm0, $0xb8;
	[tilespmem:$0x18A00] =	vst v63  }
0x244: {  	v36 =	vld [tilespmem:$0x18090];
	_ =	sdelay $0x4  }
0x245: {  	v52 =	vshrl.u32 v36, $0x3  }
0x246: {  	v37 =	vmul.u32 $0x30, v52  }
0x247: {  	v36 =	vand.u32 $0x7, v36  }
0x248: {  	v36 =	vor.u32 v36, v37  }
0x249: {  	v37 =	vperm.xlane v36, v33;
	_ =	sdelay $0x1  }
0x24a: {  	v37 =	vadd.s32 v34, v37;
	_ =	sdelay $0x3  }
0x24b: {  	s11 =	simm.s32 $0xF000;
	v36 =	vperm.xlane v36, v35  }
0x24c: {  	[tilespmem:s11], [sflag:$0x1] =	stream.indirect_vreg.gather [hbm4b:s6+s5], $0x80, v37, vm0, $0xb8;
	[tilespmem:$0x18A00] =	vst v63  }
0x24d: {  	s25 =	simm.s32 $0xF800;
	v36 =	vadd.s32 v34, v36  }
0x24e: {  	[tilespmem:s25], [sflag:$0x1] =	stream.indirect_vreg.gather [hbm4b:s7+s5], $0x80, v37, vm0, $0xb8;
	[tilespmem:$0x18A00] =	vst v63  }
0x24f: {  	s30 =	simm.s32 $0x10000  }
0x250: {  	[tilespmem:s30], [sflag:$0x1] =	stream.indirect_vreg.gather [hbm4b:s8+s5], $0x80, v37, vm0, $0xb8;
	[tilespmem:$0x18A00] =	vst v63  }
0x251: {  	s31 =	simm.s32 $0x10800  }
0x252: {  	[tilespmem:s31], [sflag:$0x1] =	stream.indirect_vreg.gather [hbm4b:s6+s5], $0x80, v36, vm0, $0xb8;
	[tilespmem:$0x18A00] =	vst v63  }
0x253: {  	s29 =	simm.s32 $0x11000  }
0x254: {  	[tilespmem:s29], [sflag:$0x1] =	stream.indirect_vreg.gather [hbm4b:s7+s5], $0x80, v36, vm0, $0xb8;
	[tilespmem:$0x18A00] =	vst v63  }
0x255: {  	s12 =	simm.s32 $0x11800  }
0x256: {  	[tilespmem:s12], [sflag:$0x1] =	stream.indirect_vreg.gather [hbm4b:s8+s5], $0x80, v36, vm0, $0xb8;
	[tilespmem:$0x18A00] =	vst v63  }
0x257: {  	v36 =	vld [tilespmem:$0x180A0];
	_ =	sdelay $0x4  }
0x258: {  	v53 =	vshrl.u32 v36, $0x3  }
0x259: {  	v37 =	vmul.u32 $0x30, v53  }
0x25a: {  	v36 =	vand.u32 $0x7, v36  }
0x25b: {  	v36 =	vor.u32 v36, v37  }
0x25c: {  	v37 =	vperm.xlane v36, v33;
	_ =	sdelay $0x1  }
0x25d: {  	v37 =	vadd.s32 v34, v37;
	_ =	sdelay $0x3  }
0x25e: {  	s13 =	simm.s32 $0x12000;
	v36 =	vperm.xlane v36, v35  }
0x25f: {  	[tilespmem:s13], [sflag:$0x1] =	stream.indirect_vreg.gather [hbm4b:s6+s5], $0x80, v37, vm0, $0xb8;
	[tilespmem:$0x18A00] =	vst v63  }
0x260: {  	s19 =	simm.s32 $0x12800;
	v36 =	vadd.s32 v34, v36  }
0x261: {  	[tilespmem:s19], [sflag:$0x1] =	stream.indirect_vreg.gather [hbm4b:s7+s5], $0x80, v37, vm0, $0xb8;
	[tilespmem:$0x18A00] =	vst v63  }
0x262: {  	s20 =	simm.s32 $0x13000  }
0x263: {  	[tilespmem:s20], [sflag:$0x1] =	stream.indirect_vreg.gather [hbm4b:s8+s5], $0x80, v37, vm0, $0xb8;
	[tilespmem:$0x18A00] =	vst v63  }
0x264: {  	s22 =	simm.s32 $0x13800  }
0x265: {  	[tilespmem:s22], [sflag:$0x1] =	stream.indirect_vreg.gather [hbm4b:s6+s5], $0x80, v36, vm0, $0xb8;
	[tilespmem:$0x18A00] =	vst v63  }
0x266: {  	s21 =	simm.s32 $0x14000  }
0x267: {  	[tilespmem:s21], [sflag:$0x1] =	stream.indirect_vreg.gather [hbm4b:s7+s5], $0x80, v36, vm0, $0xb8;
	[tilespmem:$0x18A00] =	vst v63  }
0x268: {  	s26 =	simm.s32 $0x14800  }
0x269: {  	[tilespmem:s26], [sflag:$0x1] =	stream.indirect_vreg.gather [hbm4b:s8+s5], $0x80, v36, vm0, $0xb8;
	[tilespmem:$0x18A00] =	vst v63  }
0x26a: {  	v36 =	vld [tilespmem:$0x180B0];
	_ =	sdelay $0x4  }
0x26b: {  	v54 =	vshrl.u32 v36, $0x3  }
0x26c: {  	v37 =	vmul.u32 $0x30, v54  }
0x26d: {  	v36 =	vand.u32 $0x7, v36  }
0x26e: {  	v36 =	vor.u32 v36, v37  }
0x26f: {  	v37 =	vperm.xlane v36, v33;
	_ =	sdelay $0x1  }
0x270: {  	v37 =	vadd.s32 v34, v37;
	_ =	sdelay $0x3  }
0x271: {  	s29 =	simm.s32 $0x15000;
	v36 =	vperm.xlane v36, v35  }
0x272: {  	[tilespmem:s29], [sflag:$0x1] =	stream.indirect_vreg.gather [hbm4b:s6+s5], $0x80, v37, vm0, $0xb8;
	[tilespmem:$0x18A00] =	vst v63  }
0x273: {  	s14 =	simm.s32 $0x15800;
	v36 =	vadd.s32 v34, v36  }
0x274: {  	[tilespmem:s14], [sflag:$0x1] =	stream.indirect_vreg.gather [hbm4b:s7+s5], $0x80, v37, vm0, $0xb8;
	[tilespmem:$0x18A00] =	vst v63  }
0x275: {  	s24 =	simm.s32 $0x16000  }
0x276: {  	[tilespmem:s24], [sflag:$0x1] =	stream.indirect_vreg.gather [hbm4b:s8+s5], $0x80, v37, vm0, $0xb8;
	[tilespmem:$0x18A00] =	vst v63  }
0x277: {  	s2 =	simm.s32 $0x16800  }
0x278: {  	[tilespmem:s2], [sflag:$0x1] =	stream.indirect_vreg.gather [hbm4b:s6+s5], $0x80, v36, vm0, $0xb8;
	[tilespmem:$0x18A00] =	vst v63  }
0x279: {  	s2 =	simm.s32 $0x17000  }
0x27a: {  	[tilespmem:s2], [sflag:$0x1] =	stream.indirect_vreg.gather [hbm4b:s7+s5], $0x80, v36, vm0, $0xb8;
	[tilespmem:$0x18A00] =	vst v63  }
0x27b: {  	s0 =	simm.s32 $0x1;
	s28 =	simm.s32 $0x17800  }
0x27c: {  	[tilespmem:s28], [sflag:$0x1] =	stream.indirect_vreg.gather [hbm4b:s8+s5], $0x80, v36, vm0, $0xb8;
	[tilespmem:$0x18A00] =	vst v63  }
0x27d: {  	_ =	swait.ge [sflag:s0], $0xC000  }
0x27e: {  	[sflag:s0] =	ssyncset.done $0x0  }
0x27f: {  	[sflag:s0] =	ssyncadd.s32 $0xFFFF4000  }
0x280: {  	v55 =	vld [tilespmem:$0x18180];
	_ =	sdelay $0x4  }
0x281: {  	v56 =	vshrl.u32 v55, $0x3  }
0x282: {  	v37 =	vmul.u32 $0x30, v56  }
0x283: {  	v36 =	vand.u32 $0x7, v55  }
0x284: {  	v36 =	vor.u32 v36, v37  }
0x285: {  	v37 =	vperm.xlane v36, v33;
	_ =	sdelay $0x1  }
0x286: {  	v37 =	vadd.s32 v34, v37;
	_ =	sdelay $0x3  }
0x287: {  	v36 =	vperm.xlane v36, v35  }
0x288: {  	[hbm4b:s4+s5] =	stream.indirect_vreg.scatter [tilespmem:s23], [sflag:$0x2], $0x80, v37, vm0, $0xb8;
	[tilespmem:$0x18A00] =	vst v63  }
0x289: {  	v36 =	vadd.s32 v34, v36  }
0x28a: {  	[hbm4b:s9+s5] =	stream.indirect_vreg.scatter [tilespmem:s15], [sflag:$0x2], $0x80, v37, vm0, $0xb8;
	[tilespmem:$0x18A00] =	vst v63  }
0x28b: {  	_ = 	snop  }
0x28c: {  	[hbm4b:s10+s5] =	stream.indirect_vreg.scatter [tilespmem:s16], [sflag:$0x2], $0x80, v37, vm0, $0xb8;
	[tilespmem:$0x18A00] =	vst v63  }
0x28d: {  	_ = 	snop  }
0x28e: {  	[hbm4b:s4+s5] =	stream.indirect_vreg.scatter [tilespmem:s17], [sflag:$0x2], $0x80, v36, vm0, $0xb8;
	[tilespmem:$0x18A00] =	vst v63  }
0x28f: {  	_ = 	snop  }
0x290: {  	[hbm4b:s9+s5] =	stream.indirect_vreg.scatter [tilespmem:s18], [sflag:$0x2], $0x80, v36, vm0, $0xb8;
	[tilespmem:$0x18A00] =	vst v63  }
0x291: {  	_ = 	snop  }
0x292: {  	[hbm4b:s10+s5] =	stream.indirect_vreg.scatter [tilespmem:s3], [sflag:$0x2], $0x80, v36, vm0, $0xb8;
	[tilespmem:$0x18A00] =	vst v63  }
0x293: {  	v36 =	vld [tilespmem:$0x18190];
	_ =	sdelay $0x4  }
0x294: {  	v57 =	vshrl.u32 v36, $0x3  }
0x295: {  	v37 =	vmul.u32 $0x30, v57  }
0x296: {  	v36 =	vand.u32 $0x7, v36  }
0x297: {  	v36 =	vor.u32 v36, v37  }
0x298: {  	v37 =	vperm.xlane v36, v33;
	_ =	sdelay $0x1  }
0x299: {  	v37 =	vadd.s32 v34, v37;
	_ =	sdelay $0x3  }
0x29a: {  	v36 =	vperm.xlane v36, v35  }
0x29b: {  	[hbm4b:s4+s5] =	stream.indirect_vreg.scatter [tilespmem:s11], [sflag:$0x2], $0x80, v37, vm0, $0xb8;
	[tilespmem:$0x18A00] =	vst v63  }
0x29c: {  	v36 =	vadd.s32 v34, v36  }
0x29d: {  	[hbm4b:s9+s5] =	stream.indirect_vreg.scatter [tilespmem:s25], [sflag:$0x2], $0x80, v37, vm0, $0xb8;
	[tilespmem:$0x18A00] =	vst v63  }
0x29e: {  	_ = 	snop  }
0x29f: {  	[hbm4b:s10+s5] =	stream.indirect_vreg.scatter [tilespmem:s30], [sflag:$0x2], $0x80, v37, vm0, $0xb8;
	[tilespmem:$0x18A00] =	vst v63  }
0x2a0: {  	_ = 	snop  }
0x2a1: {  	[hbm4b:s4+s5] =	stream.indirect_vreg.scatter [tilespmem:s31], [sflag:$0x2], $0x80, v36, vm0, $0xb8;
	[tilespmem:$0x18A00] =	vst v63  }
0x2a2: {  	s23 =	simm.s32 $0x11000  }
0x2a3: {  	[hbm4b:s9+s5] =	stream.indirect_vreg.scatter [tilespmem:s23], [sflag:$0x2], $0x80, v36, vm0, $0xb8;
	[tilespmem:$0x18A00] =	vst v63  }
0x2a4: {  	_ = 	snop  }
0x2a5: {  	[hbm4b:s10+s5] =	stream.indirect_vreg.scatter [tilespmem:s12], [sflag:$0x2], $0x80, v36, vm0, $0xb8;
	[tilespmem:$0x18A00] =	vst v63  }
0x2a6: {  	v36 =	vld [tilespmem:$0x181A0];
	_ =	sdelay $0x4  }
0x2a7: {  	v58 =	vshrl.u32 v36, $0x3  }
0x2a8: {  	v37 =	vmul.u32 $0x30, v58  }
0x2a9: {  	v36 =	vand.u32 $0x7, v36  }
0x2aa: {  	v36 =	vor.u32 v36, v37  }
0x2ab: {  	v37 =	vperm.xlane v36, v33;
	_ =	sdelay $0x1  }
0x2ac: {  	v37 =	vadd.s32 v34, v37;
	_ =	sdelay $0x3  }
0x2ad: {  	v36 =	vperm.xlane v36, v35  }
0x2ae: {  	[hbm4b:s4+s5] =	stream.indirect_vreg.scatter [tilespmem:s13], [sflag:$0x2], $0x80, v37, vm0, $0xb8;
	[tilespmem:$0x18A00] =	vst v63  }
0x2af: {  	v36 =	vadd.s32 v34, v36  }
0x2b0: {  	[hbm4b:s9+s5] =	stream.indirect_vreg.scatter [tilespmem:s19], [sflag:$0x2], $0x80, v37, vm0, $0xb8;
	[tilespmem:$0x18A00] =	vst v63  }
0x2b1: {  	_ = 	snop  }
0x2b2: {  	[hbm4b:s10+s5] =	stream.indirect_vreg.scatter [tilespmem:s20], [sflag:$0x2], $0x80, v37, vm0, $0xb8;
	[tilespmem:$0x18A00] =	vst v63  }
0x2b3: {  	_ = 	snop  }
0x2b4: {  	[hbm4b:s4+s5] =	stream.indirect_vreg.scatter [tilespmem:s22], [sflag:$0x2], $0x80, v36, vm0, $0xb8;
	[tilespmem:$0x18A00] =	vst v63  }
0x2b5: {  	_ = 	snop  }
0x2b6: {  	[hbm4b:s9+s5] =	stream.indirect_vreg.scatter [tilespmem:s21], [sflag:$0x2], $0x80, v36, vm0, $0xb8;
	[tilespmem:$0x18A00] =	vst v63  }
0x2b7: {  	_ = 	snop  }
0x2b8: {  	[hbm4b:s10+s5] =	stream.indirect_vreg.scatter [tilespmem:s26], [sflag:$0x2], $0x80, v36, vm0, $0xb8;
	[tilespmem:$0x18A00] =	vst v63  }
0x2b9: {  	v36 =	vld [tilespmem:$0x181B0];
	_ =	sdelay $0x4  }
0x2ba: {  	v59 =	vshrl.u32 v36, $0x3  }
0x2bb: {  	v37 =	vmul.u32 $0x30, v59  }
0x2bc: {  	v36 =	vand.u32 $0x7, v36  }
0x2bd: {  	v36 =	vor.u32 v36, v37  }
0x2be: {  	v37 =	vperm.xlane v36, v33;
	_ =	sdelay $0x1  }
0x2bf: {  	v37 =	vadd.s32 v34, v37;
	_ =	sdelay $0x3  }
0x2c0: {  	v36 =	vperm.xlane v36, v35  }
0x2c1: {  	[hbm4b:s4+s5] =	stream.indirect_vreg.scatter [tilespmem:s29], [sflag:$0x2], $0x80, v37, vm0, $0xb8;
	[tilespmem:$0x18A00] =	vst v63  }
0x2c2: {  	v36 =	vadd.s32 v34, v36  }
0x2c3: {  	[hbm4b:s9+s5] =	stream.indirect_vreg.scatter [tilespmem:s14], [sflag:$0x2], $0x80, v37, vm0, $0xb8;
	[tilespmem:$0x18A00] =	vst v63  }
0x2c4: {  	_ = 	snop  }
0x2c5: {  	[hbm4b:s10+s5] =	stream.indirect_vreg.scatter [tilespmem:s24], [sflag:$0x2], $0x80, v37, vm0, $0xb8;
	[tilespmem:$0x18A00] =	vst v63  }
0x2c6: {  	s24 =	simm.s32 $0x16800  }
0x2c7: {  	[hbm4b:s4+s5] =	stream.indirect_vreg.scatter [tilespmem:s24], [sflag:$0x2], $0x80, v36, vm0, $0xb8;
	[tilespmem:$0x18A00] =	vst v63  }
0x2c8: {  	_ = 	snop  }
0x2c9: {  	[hbm4b:s9+s5] =	stream.indirect_vreg.scatter [tilespmem:s2], [sflag:$0x2], $0x80, v36, vm0, $0xb8;
	[tilespmem:$0x18A00] =	vst v63  }
0x2ca: {  	s25 =	simm.s32 $0x2  }
0x2cb: {  	[hbm4b:s10+s5] =	stream.indirect_vreg.scatter [tilespmem:s28], [sflag:$0x2], $0x80, v36, vm0, $0xb8;
	[tilespmem:$0x18A00] =	vst v63  }
0x2cc: {  	_ =	swait.ge [sflag:s25], $0xC000  }
0x2cd: {  	[sflag:s25] =	ssyncset.done $0x0  }
0x2ce: {  	s26 =	rddreg [dreg:$0x8];
	[sflag:s25] =	ssyncadd.s32 $0xFFFF4000  }
0x2cf: {  	v60 =	vld [tilespmem:s26+$0x18200];
	_ =	sdelay $0x4  }
0x2d0: {  	[tilespmem:$0x18100] =	vst v17;
	v36 =	vadd.s32 v0, v60  }
0x2d1: {  	[tilespmem:$0x18000] =	vst v36  }
0x2d2: {  	v36 =	vld [tilespmem:s1+$0x18310];
	_ =	sdelay $0x4  }
0x2d3: {  	[tilespmem:$0x18110] =	vst v18;
	v61 =	vld [tilespmem:$0x18000];
	v36 =	vadd.s32 v0, v36  }
0x2d4: {  	[tilespmem:$0x18010] =	vst v36  }
0x2d5: {  	v36 =	vld [tilespmem:s1+$0x18320];
	_ =	sdelay $0x2  }
0x2d6: {  	v62 =	vshrl.u32 v61, $0x3  }
0x2d7: {  	v63 =	vmul.u32 $0x30, v62  }
0x2d8: {  	v37 =	vand.u32 $0x7, v61;
	[tilespmem:$0x18120] =	vst v19;
	v36 =	vadd.s32 v0, v36  }
0x2d9: {  	[tilespmem:$0x18020] =	vst v36;
	v36 =	vor.u32 v37, v63  }
0x2da: {  	v40 =	vld [tilespmem:s1+$0x18330];
	v37 =	vperm.xlane v36, v33;
	_ =	sdelay $0x1  }
0x2db: {  	v37 =	vadd.s32 v34, v37;
	_ =	sdelay $0x2  }
0x2dc: {  	[tilespmem:$0x18130] =	vst v20;
	v38 =	vadd.s32 v0, v40  }
0x2dd: {  	v36 =	vperm.xlane v36, v35;
	[tilespmem:$0x18030] =	vst v38  }
0x2de: {  	[tilespmem:s5], [sflag:$0x1] =	stream.indirect_vreg.gather [hbm4b:s6+s5], $0x80, v37, vm0, $0xb8;
	[tilespmem:$0x18A00] =	vst v63  }
0x2df: {  	s0 =	simm.s32 $0x800;
	v36 =	vadd.s32 v34, v36  }
0x2e0: {  	[tilespmem:s0], [sflag:$0x1] =	stream.indirect_vreg.gather [hbm4b:s7+s5], $0x80, v37, vm0, $0xb8;
	[tilespmem:$0x18A00] =	vst v63  }
0x2e1: {  	s2 =	simm.s32 $0x1000  }
0x2e2: {  	[tilespmem:s2], [sflag:$0x1] =	stream.indirect_vreg.gather [hbm4b:s8+s5], $0x80, v37, vm0, $0xb8;
	[tilespmem:$0x18A00] =	vst v63  }
0x2e3: {  	s3 =	simm.s32 $0x1800  }
0x2e4: {  	[tilespmem:s3], [sflag:$0x1] =	stream.indirect_vreg.gather [hbm4b:s6+s5], $0x80, v36, vm0, $0xb8;
	[tilespmem:$0x18A00] =	vst v63  }
0x2e5: {  	s11 =	simm.s32 $0x2000  }
0x2e6: {  	[tilespmem:s11], [sflag:$0x1] =	stream.indirect_vreg.gather [hbm4b:s7+s5], $0x80, v36, vm0, $0xb8;
	[tilespmem:$0x18A00] =	vst v63  }
0x2e7: {  	s29 =	simm.s32 $0x2800  }
0x2e8: {  	[tilespmem:s29], [sflag:$0x1] =	stream.indirect_vreg.gather [hbm4b:s8+s5], $0x80, v36, vm0, $0xb8;
	[tilespmem:$0x18A00] =	vst v63  }
0x2e9: {  	v36 =	vld [tilespmem:$0x18010];
	_ =	sdelay $0x4  }
0x2ea: {  	v41 =	vshrl.u32 v36, $0x3  }
0x2eb: {  	v37 =	vmul.u32 $0x30, v41  }
0x2ec: {  	v36 =	vand.u32 $0x7, v36  }
0x2ed: {  	v36 =	vor.u32 v36, v37  }
0x2ee: {  	v37 =	vperm.xlane v36, v33;
	_ =	sdelay $0x1  }
0x2ef: {  	v37 =	vadd.s32 v34, v37;
	_ =	sdelay $0x3  }
0x2f0: {  	s22 =	simm.s32 $0x3000;
	v36 =	vperm.xlane v36, v35  }
0x2f1: {  	[tilespmem:s22], [sflag:$0x1] =	stream.indirect_vreg.gather [hbm4b:s6+s5], $0x80, v37, vm0, $0xb8;
	[tilespmem:$0x18A00] =	vst v63  }
0x2f2: {  	s12 =	simm.s32 $0x3800;
	v36 =	vadd.s32 v34, v36  }
0x2f3: {  	[tilespmem:s12], [sflag:$0x1] =	stream.indirect_vreg.gather [hbm4b:s7+s5], $0x80, v37, vm0, $0xb8;
	[tilespmem:$0x18A00] =	vst v63  }
0x2f4: {  	s14 =	simm.s32 $0x4000  }
0x2f5: {  	[tilespmem:s14], [sflag:$0x1] =	stream.indirect_vreg.gather [hbm4b:s8+s5], $0x80, v37, vm0, $0xb8;
	[tilespmem:$0x18A00] =	vst v63  }
0x2f6: {  	s15 =	simm.s32 $0x4800  }
0x2f7: {  	[tilespmem:s15], [sflag:$0x1] =	stream.indirect_vreg.gather [hbm4b:s6+s5], $0x80, v36, vm0, $0xb8;
	[tilespmem:$0x18A00] =	vst v63  }
0x2f8: {  	s17 =	simm.s32 $0x5000  }
0x2f9: {  	[tilespmem:s17], [sflag:$0x1] =	stream.indirect_vreg.gather [hbm4b:s7+s5], $0x80, v36, vm0, $0xb8;
	[tilespmem:$0x18A00] =	vst v63  }
0x2fa: {  	s31 =	simm.s32 $0x5800  }
0x2fb: {  	[tilespmem:s31], [sflag:$0x1] =	stream.indirect_vreg.gather [hbm4b:s8+s5], $0x80, v36, vm0, $0xb8;
	[tilespmem:$0x18A00] =	vst v63  }
0x2fc: {  	v36 =	vld [tilespmem:$0x18020];
	_ =	sdelay $0x4  }
0x2fd: {  	v42 =	vshrl.u32 v36, $0x3  }
0x2fe: {  	v37 =	vmul.u32 $0x30, v42  }
0x2ff: {  	v36 =	vand.u32 $0x7, v36  }
0x300: {  	v36 =	vor.u32 v36, v37  }
0x301: {  	v37 =	vperm.xlane v36, v33;
	_ =	sdelay $0x1  }
0x302: {  	v37 =	vadd.s32 v34, v37;
	_ =	sdelay $0x3  }
0x303: {  	s13 =	simm.s32 $0x6000;
	v36 =	vperm.xlane v36, v35  }
0x304: {  	[tilespmem:s13], [sflag:$0x1] =	stream.indirect_vreg.gather [hbm4b:s6+s5], $0x80, v37, vm0, $0xb8;
	[tilespmem:$0x18A00] =	vst v63  }
0x305: {  	s18 =	simm.s32 $0x6800;
	v36 =	vadd.s32 v34, v36  }
0x306: {  	[tilespmem:s18], [sflag:$0x1] =	stream.indirect_vreg.gather [hbm4b:s7+s5], $0x80, v37, vm0, $0xb8;
	[tilespmem:$0x18A00] =	vst v63  }
0x307: {  	s19 =	simm.s32 $0x7000  }
0x308: {  	[tilespmem:s19], [sflag:$0x1] =	stream.indirect_vreg.gather [hbm4b:s8+s5], $0x80, v37, vm0, $0xb8;
	[tilespmem:$0x18A00] =	vst v63  }
0x309: {  	s21 =	simm.s32 $0x7800  }
0x30a: {  	[tilespmem:s21], [sflag:$0x1] =	stream.indirect_vreg.gather [hbm4b:s6+s5], $0x80, v36, vm0, $0xb8;
	[tilespmem:$0x18A00] =	vst v63  }
0x30b: {  	s16 =	simm.s32 $0x8000  }
0x30c: {  	[tilespmem:s16], [sflag:$0x1] =	stream.indirect_vreg.gather [hbm4b:s7+s5], $0x80, v36, vm0, $0xb8;
	[tilespmem:$0x18A00] =	vst v63  }
0x30d: {  	s30 =	simm.s32 $0x8800  }
0x30e: {  	[tilespmem:s30], [sflag:$0x1] =	stream.indirect_vreg.gather [hbm4b:s8+s5], $0x80, v36, vm0, $0xb8;
	[tilespmem:$0x18A00] =	vst v63  }
0x30f: {  	v36 =	vld [tilespmem:$0x18030];
	_ =	sdelay $0x4  }
0x310: {  	v43 =	vshrl.u32 v36, $0x3  }
0x311: {  	v37 =	vmul.u32 $0x30, v43  }
0x312: {  	v36 =	vand.u32 $0x7, v36  }
0x313: {  	v36 =	vor.u32 v36, v37  }
0x314: {  	v37 =	vperm.xlane v36, v33;
	_ =	sdelay $0x1  }
0x315: {  	v37 =	vadd.s32 v34, v37;
	_ =	sdelay $0x3  }
0x316: {  	s28 =	simm.s32 $0x9000;
	v36 =	vperm.xlane v36, v35  }
0x317: {  	[tilespmem:s28], [sflag:$0x1] =	stream.indirect_vreg.gather [hbm4b:s6+s5], $0x80, v37, vm0, $0xb8;
	[tilespmem:$0x18A00] =	vst v63  }
0x318: {  	s20 =	simm.s32 $0x9800;
	v36 =	vadd.s32 v34, v36  }
0x319: {  	[tilespmem:s20], [sflag:$0x1] =	stream.indirect_vreg.gather [hbm4b:s7+s5], $0x80, v37, vm0, $0xb8;
	[tilespmem:$0x18A00] =	vst v63  }
0x31a: {  	s23 =	simm.s32 $0xA000  }
0x31b: {  	[tilespmem:s23], [sflag:$0x1] =	stream.indirect_vreg.gather [hbm4b:s8+s5], $0x80, v37, vm0, $0xb8;
	[tilespmem:$0x18A00] =	vst v63  }
0x31c: {  	s24 =	simm.s32 $0xA800  }
0x31d: {  	[tilespmem:s24], [sflag:$0x1] =	stream.indirect_vreg.gather [hbm4b:s6+s5], $0x80, v36, vm0, $0xb8;
	[tilespmem:$0x18A00] =	vst v63  }
0x31e: {  	s25 =	simm.s32 $0xB000  }
0x31f: {  	[tilespmem:s25], [sflag:$0x1] =	stream.indirect_vreg.gather [hbm4b:s7+s5], $0x80, v36, vm0, $0xb8;
	[tilespmem:$0x18A00] =	vst v63  }
0x320: {  	s26 =	simm.s32 $0xB800;
	s28 =	simm.s32 $0x1  }
0x321: {  	[tilespmem:s26], [sflag:$0x1] =	stream.indirect_vreg.gather [hbm4b:s8+s5], $0x80, v36, vm0, $0xb8;
	[tilespmem:$0x18A00] =	vst v63  }
0x322: {  	_ =	swait.ge [sflag:s28], $0xC000  }
0x323: {  	[sflag:s28] =	ssyncset.done $0x0  }
0x324: {  	[sflag:s28] =	ssyncadd.s32 $0xFFFF4000  }
0x325: {  	v44 =	vld [tilespmem:$0x18100];
	_ =	sdelay $0x4  }
0x326: {  	v45 =	vshrl.u32 v44, $0x3  }
0x327: {  	v37 =	vmul.u32 $0x30, v45  }
0x328: {  	v36 =	vand.u32 $0x7, v44  }
0x329: {  	v36 =	vor.u32 v36, v37  }
0x32a: {  	v37 =	vperm.xlane v36, v33;
	_ =	sdelay $0x1  }
0x32b: {  	v37 =	vadd.s32 v34, v37;
	_ =	sdelay $0x3  }
0x32c: {  	v36 =	vperm.xlane v36, v35  }
0x32d: {  	[hbm4b:s4+s5] =	stream.indirect_vreg.scatter [tilespmem:s5], [sflag:$0x2], $0x80, v37, vm0, $0xb8;
	[tilespmem:$0x18A00] =	vst v63  }
0x32e: {  	v36 =	vadd.s32 v34, v36  }
0x32f: {  	[hbm4b:s9+s5] =	stream.indirect_vreg.scatter [tilespmem:s0], [sflag:$0x2], $0x80, v37, vm0, $0xb8;
	[tilespmem:$0x18A00] =	vst v63  }
0x330: {  	_ = 	snop  }
0x331: {  	[hbm4b:s10+s5] =	stream.indirect_vreg.scatter [tilespmem:s2], [sflag:$0x2], $0x80, v37, vm0, $0xb8;
	[tilespmem:$0x18A00] =	vst v63  }
0x332: {  	_ = 	snop  }
0x333: {  	[hbm4b:s4+s5] =	stream.indirect_vreg.scatter [tilespmem:s3], [sflag:$0x2], $0x80, v36, vm0, $0xb8;
	[tilespmem:$0x18A00] =	vst v63  }
0x334: {  	_ = 	snop  }
0x335: {  	[hbm4b:s9+s5] =	stream.indirect_vreg.scatter [tilespmem:s11], [sflag:$0x2], $0x80, v36, vm0, $0xb8;
	[tilespmem:$0x18A00] =	vst v63  }
0x336: {  	_ = 	snop  }
0x337: {  	[hbm4b:s10+s5] =	stream.indirect_vreg.scatter [tilespmem:s29], [sflag:$0x2], $0x80, v36, vm0, $0xb8;
	[tilespmem:$0x18A00] =	vst v63  }
0x338: {  	v36 =	vld [tilespmem:$0x18110];
	_ =	sdelay $0x4  }
0x339: {  	v46 =	vshrl.u32 v36, $0x3  }
0x33a: {  	v37 =	vmul.u32 $0x30, v46  }
0x33b: {  	v36 =	vand.u32 $0x7, v36  }
0x33c: {  	v36 =	vor.u32 v36, v37  }
0x33d: {  	v37 =	vperm.xlane v36, v33;
	_ =	sdelay $0x1  }
0x33e: {  	v37 =	vadd.s32 v34, v37;
	_ =	sdelay $0x3  }
0x33f: {  	v36 =	vperm.xlane v36, v35  }
0x340: {  	[hbm4b:s4+s5] =	stream.indirect_vreg.scatter [tilespmem:s22], [sflag:$0x2], $0x80, v37, vm0, $0xb8;
	[tilespmem:$0x18A00] =	vst v63  }
0x341: {  	v36 =	vadd.s32 v34, v36  }
0x342: {  	[hbm4b:s9+s5] =	stream.indirect_vreg.scatter [tilespmem:s12], [sflag:$0x2], $0x80, v37, vm0, $0xb8;
	[tilespmem:$0x18A00] =	vst v63  }
0x343: {  	_ = 	snop  }
0x344: {  	[hbm4b:s10+s5] =	stream.indirect_vreg.scatter [tilespmem:s14], [sflag:$0x2], $0x80, v37, vm0, $0xb8;
	[tilespmem:$0x18A00] =	vst v63  }
0x345: {  	_ = 	snop  }
0x346: {  	[hbm4b:s4+s5] =	stream.indirect_vreg.scatter [tilespmem:s15], [sflag:$0x2], $0x80, v36, vm0, $0xb8;
	[tilespmem:$0x18A00] =	vst v63  }
0x347: {  	_ = 	snop  }
0x348: {  	[hbm4b:s9+s5] =	stream.indirect_vreg.scatter [tilespmem:s17], [sflag:$0x2], $0x80, v36, vm0, $0xb8;
	[tilespmem:$0x18A00] =	vst v63  }
0x349: {  	_ = 	snop  }
0x34a: {  	[hbm4b:s10+s5] =	stream.indirect_vreg.scatter [tilespmem:s31], [sflag:$0x2], $0x80, v36, vm0, $0xb8;
	[tilespmem:$0x18A00] =	vst v63  }
0x34b: {  	v36 =	vld [tilespmem:$0x18120];
	_ =	sdelay $0x4  }
0x34c: {  	v47 =	vshrl.u32 v36, $0x3  }
0x34d: {  	v37 =	vmul.u32 $0x30, v47  }
0x34e: {  	v36 =	vand.u32 $0x7, v36  }
0x34f: {  	v36 =	vor.u32 v36, v37  }
0x350: {  	v37 =	vperm.xlane v36, v33;
	_ =	sdelay $0x1  }
0x351: {  	v37 =	vadd.s32 v34, v37;
	_ =	sdelay $0x3  }
0x352: {  	v36 =	vperm.xlane v36, v35  }
0x353: {  	[hbm4b:s4+s5] =	stream.indirect_vreg.scatter [tilespmem:s13], [sflag:$0x2], $0x80, v37, vm0, $0xb8;
	[tilespmem:$0x18A00] =	vst v63  }
0x354: {  	v36 =	vadd.s32 v34, v36  }
0x355: {  	[hbm4b:s9+s5] =	stream.indirect_vreg.scatter [tilespmem:s18], [sflag:$0x2], $0x80, v37, vm0, $0xb8;
	[tilespmem:$0x18A00] =	vst v63  }
0x356: {  	_ = 	snop  }
0x357: {  	[hbm4b:s10+s5] =	stream.indirect_vreg.scatter [tilespmem:s19], [sflag:$0x2], $0x80, v37, vm0, $0xb8;
	[tilespmem:$0x18A00] =	vst v63  }
0x358: {  	_ = 	snop  }
0x359: {  	[hbm4b:s4+s5] =	stream.indirect_vreg.scatter [tilespmem:s21], [sflag:$0x2], $0x80, v36, vm0, $0xb8;
	[tilespmem:$0x18A00] =	vst v63  }
0x35a: {  	_ = 	snop  }
0x35b: {  	[hbm4b:s9+s5] =	stream.indirect_vreg.scatter [tilespmem:s16], [sflag:$0x2], $0x80, v36, vm0, $0xb8;
	[tilespmem:$0x18A00] =	vst v63  }
0x35c: {  	_ = 	snop  }
0x35d: {  	[hbm4b:s10+s5] =	stream.indirect_vreg.scatter [tilespmem:s30], [sflag:$0x2], $0x80, v36, vm0, $0xb8;
	[tilespmem:$0x18A00] =	vst v63  }
0x35e: {  	v36 =	vld [tilespmem:$0x18130];
	_ =	sdelay $0x4  }
0x35f: {  	v48 =	vshrl.u32 v36, $0x3  }
0x360: {  	v37 =	vmul.u32 $0x30, v48  }
0x361: {  	v36 =	vand.u32 $0x7, v36  }
0x362: {  	v36 =	vor.u32 v36, v37  }
0x363: {  	v37 =	vperm.xlane v36, v33;
	_ =	sdelay $0x1  }
0x364: {  	v37 =	vadd.s32 v34, v37;
	_ =	sdelay $0x3  }
0x365: {  	s29 =	simm.s32 $0x9000;
	v36 =	vperm.xlane v36, v35  }
0x366: {  	[hbm4b:s4+s5] =	stream.indirect_vreg.scatter [tilespmem:s29], [sflag:$0x2], $0x80, v37, vm0, $0xb8;
	[tilespmem:$0x18A00] =	vst v63  }
0x367: {  	v36 =	vadd.s32 v34, v36  }
0x368: {  	[hbm4b:s9+s5] =	stream.indirect_vreg.scatter [tilespmem:s20], [sflag:$0x2], $0x80, v37, vm0, $0xb8;
	[tilespmem:$0x18A00] =	vst v63  }
0x369: {  	_ = 	snop  }
0x36a: {  	[hbm4b:s10+s5] =	stream.indirect_vreg.scatter [tilespmem:s23], [sflag:$0x2], $0x80, v37, vm0, $0xb8;
	[tilespmem:$0x18A00] =	vst v63  }
0x36b: {  	_ = 	snop  }
0x36c: {  	[hbm4b:s4+s5] =	stream.indirect_vreg.scatter [tilespmem:s24], [sflag:$0x2], $0x80, v36, vm0, $0xb8;
	[tilespmem:$0x18A00] =	vst v63  }
0x36d: {  	_ = 	snop  }
0x36e: {  	[hbm4b:s9+s5] =	stream.indirect_vreg.scatter [tilespmem:s25], [sflag:$0x2], $0x80, v36, vm0, $0xb8;
	[tilespmem:$0x18A00] =	vst v63  }
0x36f: {  	s30 =	simm.s32 $0x2  }
0x370: {  	[hbm4b:s10+s5] =	stream.indirect_vreg.scatter [tilespmem:s26], [sflag:$0x2], $0x80, v36, vm0, $0xb8;
	[tilespmem:$0x18A00] =	vst v63  }
0x371: {  	_ =	swait.ge [sflag:s30], $0xC000  }
0x372: {  	[sflag:s30] =	ssyncset.done $0x0  }
0x373: {  	[sflag:s30] =	ssyncadd.s32 $0xFFFF4000  }
0x374: {  	v49 =	vld [tilespmem:s1+$0x18340];
	_ =	sdelay $0x4  }
0x375: {  	[tilespmem:$0x18180] =	vst v21;
	v36 =	vadd.s32 v0, v49  }
0x376: {  	[tilespmem:$0x18080] =	vst v36  }
0x377: {  	v36 =	vld [tilespmem:s1+$0x18350];
	_ =	sdelay $0x4  }
0x378: {  	[tilespmem:$0x18190] =	vst v22;
	v50 =	vld [tilespmem:$0x18080];
	v36 =	vadd.s32 v0, v36  }
0x379: {  	[tilespmem:$0x18090] =	vst v36  }
0x37a: {  	v36 =	vld [tilespmem:s1+$0x18360];
	_ =	sdelay $0x2  }
0x37b: {  	v51 =	vshrl.u32 v50, $0x3  }
0x37c: {  	v52 =	vmul.u32 $0x30, v51  }
0x37d: {  	v37 =	vand.u32 $0x7, v50;
	[tilespmem:$0x181A0] =	vst v23;
	v36 =	vadd.s32 v0, v36  }
0x37e: {  	[tilespmem:$0x180A0] =	vst v36;
	v36 =	vor.u32 v37, v52  }
0x37f: {  	v53 =	vld [tilespmem:s1+$0x18370];
	v37 =	vperm.xlane v36, v33;
	_ =	sdelay $0x1  }
0x380: {  	v37 =	vadd.s32 v34, v37;
	_ =	sdelay $0x2  }
0x381: {  	[tilespmem:$0x181B0] =	vst v24;
	v38 =	vadd.s32 v0, v53  }
0x382: {  	s22 =	simm.s32 $0xC000;
	v36 =	vperm.xlane v36, v35;
	[tilespmem:$0x180B0] =	vst v38  }
0x383: {  	[tilespmem:s22], [sflag:$0x1] =	stream.indirect_vreg.gather [hbm4b:s6+s5], $0x80, v37, vm0, $0xb8;
	[tilespmem:$0x18A00] =	vst v63  }
0x384: {  	s31 =	simm.s32 $0xC800;
	v36 =	vadd.s32 v34, v36  }
0x385: {  	[tilespmem:s31], [sflag:$0x1] =	stream.indirect_vreg.gather [hbm4b:s7+s5], $0x80, v37, vm0, $0xb8;
	[tilespmem:$0x18A00] =	vst v63  }
0x386: {  	s2 =	simm.s32 $0xD000  }
0x387: {  	[tilespmem:s2], [sflag:$0x1] =	stream.indirect_vreg.gather [hbm4b:s8+s5], $0x80, v37, vm0, $0xb8;
	[tilespmem:$0x18A00] =	vst v63  }
0x388: {  	s3 =	simm.s32 $0xD800  }
0x389: {  	[tilespmem:s3], [sflag:$0x1] =	stream.indirect_vreg.gather [hbm4b:s6+s5], $0x80, v36, vm0, $0xb8;
	[tilespmem:$0x18A00] =	vst v63  }
0x38a: {  	s11 =	simm.s32 $0xE000  }
0x38b: {  	[tilespmem:s11], [sflag:$0x1] =	stream.indirect_vreg.gather [hbm4b:s7+s5], $0x80, v36, vm0, $0xb8;
	[tilespmem:$0x18A00] =	vst v63  }
0x38c: {  	s28 =	simm.s32 $0xE800  }
0x38d: {  	[tilespmem:s28], [sflag:$0x1] =	stream.indirect_vreg.gather [hbm4b:s8+s5], $0x80, v36, vm0, $0xb8;
	[tilespmem:$0x18A00] =	vst v63  }
0x38e: {  	v36 =	vld [tilespmem:$0x18090];
	_ =	sdelay $0x4  }
0x38f: {  	v54 =	vshrl.u32 v36, $0x3  }
0x390: {  	v37 =	vmul.u32 $0x30, v54  }
0x391: {  	v36 =	vand.u32 $0x7, v36  }
0x392: {  	v36 =	vor.u32 v36, v37  }
0x393: {  	v37 =	vperm.xlane v36, v33;
	_ =	sdelay $0x1  }
0x394: {  	v37 =	vadd.s32 v34, v37;
	_ =	sdelay $0x3  }
0x395: {  	s29 =	simm.s32 $0xF000;
	v36 =	vperm.xlane v36, v35  }
0x396: {  	[tilespmem:s29], [sflag:$0x1] =	stream.indirect_vreg.gather [hbm4b:s6+s5], $0x80, v37, vm0, $0xb8;
	[tilespmem:$0x18A00] =	vst v63  }
0x397: {  	s12 =	simm.s32 $0xF800;
	v36 =	vadd.s32 v34, v36  }
0x398: {  	[tilespmem:s12], [sflag:$0x1] =	stream.indirect_vreg.gather [hbm4b:s7+s5], $0x80, v37, vm0, $0xb8;
	[tilespmem:$0x18A00] =	vst v63  }
0x399: {  	s14 =	simm.s32 $0x10000  }
0x39a: {  	[tilespmem:s14], [sflag:$0x1] =	stream.indirect_vreg.gather [hbm4b:s8+s5], $0x80, v37, vm0, $0xb8;
	[tilespmem:$0x18A00] =	vst v63  }
0x39b: {  	s15 =	simm.s32 $0x10800  }
0x39c: {  	[tilespmem:s15], [sflag:$0x1] =	stream.indirect_vreg.gather [hbm4b:s6+s5], $0x80, v36, vm0, $0xb8;
	[tilespmem:$0x18A00] =	vst v63  }
0x39d: {  	s17 =	simm.s32 $0x11000  }
0x39e: {  	[tilespmem:s17], [sflag:$0x1] =	stream.indirect_vreg.gather [hbm4b:s7+s5], $0x80, v36, vm0, $0xb8;
	[tilespmem:$0x18A00] =	vst v63  }
0x39f: {  	s30 =	simm.s32 $0x11800  }
0x3a0: {  	[tilespmem:s30], [sflag:$0x1] =	stream.indirect_vreg.gather [hbm4b:s8+s5], $0x80, v36, vm0, $0xb8;
	[tilespmem:$0x18A00] =	vst v63  }
0x3a1: {  	v36 =	vld [tilespmem:$0x180A0];
	_ =	sdelay $0x4  }
0x3a2: {  	v55 =	vshrl.u32 v36, $0x3  }
0x3a3: {  	v37 =	vmul.u32 $0x30, v55  }
0x3a4: {  	v36 =	vand.u32 $0x7, v36  }
0x3a5: {  	v36 =	vor.u32 v36, v37  }
0x3a6: {  	v37 =	vperm.xlane v36, v33;
	_ =	sdelay $0x1  }
0x3a7: {  	v37 =	vadd.s32 v34, v37;
	_ =	sdelay $0x3  }
0x3a8: {  	s31 =	simm.s32 $0x12000;
	v36 =	vperm.xlane v36, v35  }
0x3a9: {  	[tilespmem:s31], [sflag:$0x1] =	stream.indirect_vreg.gather [hbm4b:s6+s5], $0x80, v37, vm0, $0xb8;
	[tilespmem:$0x18A00] =	vst v63  }
0x3aa: {  	s18 =	simm.s32 $0x12800;
	v36 =	vadd.s32 v34, v36  }
0x3ab: {  	[tilespmem:s18], [sflag:$0x1] =	stream.indirect_vreg.gather [hbm4b:s7+s5], $0x80, v37, vm0, $0xb8;
	[tilespmem:$0x18A00] =	vst v63  }
0x3ac: {  	s19 =	simm.s32 $0x13000  }
0x3ad: {  	[tilespmem:s19], [sflag:$0x1] =	stream.indirect_vreg.gather [hbm4b:s8+s5], $0x80, v37, vm0, $0xb8;
	[tilespmem:$0x18A00] =	vst v63  }
0x3ae: {  	s21 =	simm.s32 $0x13800  }
0x3af: {  	[tilespmem:s21], [sflag:$0x1] =	stream.indirect_vreg.gather [hbm4b:s6+s5], $0x80, v36, vm0, $0xb8;
	[tilespmem:$0x18A00] =	vst v63  }
0x3b0: {  	s24 =	simm.s32 $0x14000  }
0x3b1: {  	[tilespmem:s24], [sflag:$0x1] =	stream.indirect_vreg.gather [hbm4b:s7+s5], $0x80, v36, vm0, $0xb8;
	[tilespmem:$0x18A00] =	vst v63  }
0x3b2: {  	s16 =	simm.s32 $0x14800  }
0x3b3: {  	[tilespmem:s16], [sflag:$0x1] =	stream.indirect_vreg.gather [hbm4b:s8+s5], $0x80, v36, vm0, $0xb8;
	[tilespmem:$0x18A00] =	vst v63  }
0x3b4: {  	v36 =	vld [tilespmem:$0x180B0];
	_ =	sdelay $0x4  }
0x3b5: {  	v56 =	vshrl.u32 v36, $0x3  }
0x3b6: {  	v37 =	vmul.u32 $0x30, v56  }
0x3b7: {  	v36 =	vand.u32 $0x7, v36  }
0x3b8: {  	v36 =	vor.u32 v36, v37  }
0x3b9: {  	v37 =	vperm.xlane v36, v33;
	_ =	sdelay $0x1  }
0x3ba: {  	v37 =	vadd.s32 v34, v37;
	_ =	sdelay $0x3  }
0x3bb: {  	s20 =	simm.s32 $0x15000;
	v36 =	vperm.xlane v36, v35  }
0x3bc: {  	[tilespmem:s20], [sflag:$0x1] =	stream.indirect_vreg.gather [hbm4b:s6+s5], $0x80, v37, vm0, $0xb8;
	[tilespmem:$0x18A00] =	vst v63  }
0x3bd: {  	s0 =	simm.s32 $0x15800;
	v36 =	vadd.s32 v34, v36  }
0x3be: {  	[tilespmem:s0], [sflag:$0x1] =	stream.indirect_vreg.gather [hbm4b:s7+s5], $0x80, v37, vm0, $0xb8;
	[tilespmem:$0x18A00] =	vst v63  }
0x3bf: {  	s13 =	simm.s32 $0x16000  }
0x3c0: {  	[tilespmem:s13], [sflag:$0x1] =	stream.indirect_vreg.gather [hbm4b:s8+s5], $0x80, v37, vm0, $0xb8;
	[tilespmem:$0x18A00] =	vst v63  }
0x3c1: {  	s25 =	simm.s32 $0x16800  }
0x3c2: {  	[tilespmem:s25], [sflag:$0x1] =	stream.indirect_vreg.gather [hbm4b:s6+s5], $0x80, v36, vm0, $0xb8;
	[tilespmem:$0x18A00] =	vst v63  }
0x3c3: {  	s26 =	simm.s32 $0x17000  }
0x3c4: {  	[tilespmem:s26], [sflag:$0x1] =	stream.indirect_vreg.gather [hbm4b:s7+s5], $0x80, v36, vm0, $0xb8;
	[tilespmem:$0x18A00] =	vst v63  }
0x3c5: {  	s23 =	simm.s32 $0x17800;
	s0 =	simm.s32 $0x1  }
0x3c6: {  	[tilespmem:s23], [sflag:$0x1] =	stream.indirect_vreg.gather [hbm4b:s8+s5], $0x80, v36, vm0, $0xb8;
	[tilespmem:$0x18A00] =	vst v63  }
0x3c7: {  	_ =	swait.ge [sflag:s0], $0xC000  }
0x3c8: {  	[sflag:s0] =	ssyncset.done $0x0  }
0x3c9: {  	[sflag:s0] =	ssyncadd.s32 $0xFFFF4000  }
0x3ca: {  	v57 =	vld [tilespmem:$0x18180];
	_ =	sdelay $0x4  }
0x3cb: {  	v58 =	vshrl.u32 v57, $0x3  }
0x3cc: {  	v37 =	vmul.u32 $0x30, v58  }
0x3cd: {  	v36 =	vand.u32 $0x7, v57  }
0x3ce: {  	v36 =	vor.u32 v36, v37  }
0x3cf: {  	v37 =	vperm.xlane v36, v33;
	_ =	sdelay $0x1  }
0x3d0: {  	v37 =	vadd.s32 v34, v37;
	_ =	sdelay $0x3  }
0x3d1: {  	v36 =	vperm.xlane v36, v35  }
0x3d2: {  	[hbm4b:s4+s5] =	stream.indirect_vreg.scatter [tilespmem:s22], [sflag:$0x2], $0x80, v37, vm0, $0xb8;
	[tilespmem:$0x18A00] =	vst v63  }
0x3d3: {  	v36 =	vadd.s32 v34, v36;
	s22 =	simm.s32 $0xC800  }
0x3d4: {  	[hbm4b:s9+s5] =	stream.indirect_vreg.scatter [tilespmem:s22], [sflag:$0x2], $0x80, v37, vm0, $0xb8;
	[tilespmem:$0x18A00] =	vst v63  }
0x3d5: {  	_ = 	snop  }
0x3d6: {  	[hbm4b:s10+s5] =	stream.indirect_vreg.scatter [tilespmem:s2], [sflag:$0x2], $0x80, v37, vm0, $0xb8;
	[tilespmem:$0x18A00] =	vst v63  }
0x3d7: {  	_ = 	snop  }
0x3d8: {  	[hbm4b:s4+s5] =	stream.indirect_vreg.scatter [tilespmem:s3], [sflag:$0x2], $0x80, v36, vm0, $0xb8;
	[tilespmem:$0x18A00] =	vst v63  }
0x3d9: {  	_ = 	snop  }
0x3da: {  	[hbm4b:s9+s5] =	stream.indirect_vreg.scatter [tilespmem:s11], [sflag:$0x2], $0x80, v36, vm0, $0xb8;
	[tilespmem:$0x18A00] =	vst v63  }
0x3db: {  	_ = 	snop  }
0x3dc: {  	[hbm4b:s10+s5] =	stream.indirect_vreg.scatter [tilespmem:s28], [sflag:$0x2], $0x80, v36, vm0, $0xb8;
	[tilespmem:$0x18A00] =	vst v63  }
0x3dd: {  	v36 =	vld [tilespmem:$0x18190];
	_ =	sdelay $0x4  }
0x3de: {  	v59 =	vshrl.u32 v36, $0x3  }
0x3df: {  	v37 =	vmul.u32 $0x30, v59  }
0x3e0: {  	v36 =	vand.u32 $0x7, v36  }
0x3e1: {  	v36 =	vor.u32 v36, v37  }
0x3e2: {  	v37 =	vperm.xlane v36, v33;
	_ =	sdelay $0x1  }
0x3e3: {  	v37 =	vadd.s32 v34, v37;
	_ =	sdelay $0x3  }
0x3e4: {  	v36 =	vperm.xlane v36, v35  }
0x3e5: {  	[hbm4b:s4+s5] =	stream.indirect_vreg.scatter [tilespmem:s29], [sflag:$0x2], $0x80, v37, vm0, $0xb8;
	[tilespmem:$0x18A00] =	vst v63  }
0x3e6: {  	v36 =	vadd.s32 v34, v36  }
0x3e7: {  	[hbm4b:s9+s5] =	stream.indirect_vreg.scatter [tilespmem:s12], [sflag:$0x2], $0x80, v37, vm0, $0xb8;
	[tilespmem:$0x18A00] =	vst v63  }
0x3e8: {  	_ = 	snop  }
0x3e9: {  	[hbm4b:s10+s5] =	stream.indirect_vreg.scatter [tilespmem:s14], [sflag:$0x2], $0x80, v37, vm0, $0xb8;
	[tilespmem:$0x18A00] =	vst v63  }
0x3ea: {  	_ = 	snop  }
0x3eb: {  	[hbm4b:s4+s5] =	stream.indirect_vreg.scatter [tilespmem:s15], [sflag:$0x2], $0x80, v36, vm0, $0xb8;
	[tilespmem:$0x18A00] =	vst v63  }
0x3ec: {  	_ = 	snop  }
0x3ed: {  	[hbm4b:s9+s5] =	stream.indirect_vreg.scatter [tilespmem:s17], [sflag:$0x2], $0x80, v36, vm0, $0xb8;
	[tilespmem:$0x18A00] =	vst v63  }
0x3ee: {  	_ = 	snop  }
0x3ef: {  	[hbm4b:s10+s5] =	stream.indirect_vreg.scatter [tilespmem:s30], [sflag:$0x2], $0x80, v36, vm0, $0xb8;
	[tilespmem:$0x18A00] =	vst v63  }
0x3f0: {  	v36 =	vld [tilespmem:$0x181A0];
	_ =	sdelay $0x4  }
0x3f1: {  	v60 =	vshrl.u32 v36, $0x3  }
0x3f2: {  	v37 =	vmul.u32 $0x30, v60  }
0x3f3: {  	v36 =	vand.u32 $0x7, v36  }
0x3f4: {  	v36 =	vor.u32 v36, v37  }
0x3f5: {  	v37 =	vperm.xlane v36, v33;
	_ =	sdelay $0x1  }
0x3f6: {  	v37 =	vadd.s32 v34, v37;
	_ =	sdelay $0x3  }
0x3f7: {  	v36 =	vperm.xlane v36, v35  }
0x3f8: {  	[hbm4b:s4+s5] =	stream.indirect_vreg.scatter [tilespmem:s31], [sflag:$0x2], $0x80, v37, vm0, $0xb8;
	[tilespmem:$0x18A00] =	vst v63  }
0x3f9: {  	v36 =	vadd.s32 v34, v36  }
0x3fa: {  	[hbm4b:s9+s5] =	stream.indirect_vreg.scatter [tilespmem:s18], [sflag:$0x2], $0x80, v37, vm0, $0xb8;
	[tilespmem:$0x18A00] =	vst v63  }
0x3fb: {  	_ = 	snop  }
0x3fc: {  	[hbm4b:s10+s5] =	stream.indirect_vreg.scatter [tilespmem:s19], [sflag:$0x2], $0x80, v37, vm0, $0xb8;
	[tilespmem:$0x18A00] =	vst v63  }
0x3fd: {  	_ = 	snop  }
0x3fe: {  	[hbm4b:s4+s5] =	stream.indirect_vreg.scatter [tilespmem:s21], [sflag:$0x2], $0x80, v36, vm0, $0xb8;
	[tilespmem:$0x18A00] =	vst v63  }
0x3ff: {  	_ = 	snop  }
0x400: {  	[hbm4b:s9+s5] =	stream.indirect_vreg.scatter [tilespmem:s24], [sflag:$0x2], $0x80, v36, vm0, $0xb8;
	[tilespmem:$0x18A00] =	vst v63  }
0x401: {  	_ = 	snop  }
0x402: {  	[hbm4b:s10+s5] =	stream.indirect_vreg.scatter [tilespmem:s16], [sflag:$0x2], $0x80, v36, vm0, $0xb8;
	[tilespmem:$0x18A00] =	vst v63  }
0x403: {  	v36 =	vld [tilespmem:$0x181B0];
	_ =	sdelay $0x4  }
0x404: {  	v61 =	vshrl.u32 v36, $0x3  }
0x405: {  	v37 =	vmul.u32 $0x30, v61  }
0x406: {  	v36 =	vand.u32 $0x7, v36  }
0x407: {  	v36 =	vor.u32 v36, v37  }
0x408: {  	v37 =	vperm.xlane v36, v33;
	_ =	sdelay $0x1  }
0x409: {  	v37 =	vadd.s32 v34, v37;
	_ =	sdelay $0x3  }
0x40a: {  	v36 =	vperm.xlane v36, v35  }
0x40b: {  	[hbm4b:s4+s5] =	stream.indirect_vreg.scatter [tilespmem:s20], [sflag:$0x2], $0x80, v37, vm0, $0xb8;
	[tilespmem:$0x18A00] =	vst v63  }
0x40c: {  	s28 =	simm.s32 $0x15800;
	v36 =	vadd.s32 v34, v36  }
0x40d: {  	[hbm4b:s9+s5] =	stream.indirect_vreg.scatter [tilespmem:s28], [sflag:$0x2], $0x80, v37, vm0, $0xb8;
	[tilespmem:$0x18A00] =	vst v63  }
0x40e: {  	_ = 	snop  }
0x40f: {  	[hbm4b:s10+s5] =	stream.indirect_vreg.scatter [tilespmem:s13], [sflag:$0x2], $0x80, v37, vm0, $0xb8;
	[tilespmem:$0x18A00] =	vst v63  }
0x410: {  	_ = 	snop  }
0x411: {  	[hbm4b:s4+s5] =	stream.indirect_vreg.scatter [tilespmem:s25], [sflag:$0x2], $0x80, v36, vm0, $0xb8;
	[tilespmem:$0x18A00] =	vst v63  }
0x412: {  	_ = 	snop  }
0x413: {  	[hbm4b:s9+s5] =	stream.indirect_vreg.scatter [tilespmem:s26], [sflag:$0x2], $0x80, v36, vm0, $0xb8;
	[tilespmem:$0x18A00] =	vst v63  }
0x414: {  	s29 =	simm.s32 $0x2  }
0x415: {  	[hbm4b:s10+s5] =	stream.indirect_vreg.scatter [tilespmem:s23], [sflag:$0x2], $0x80, v36, vm0, $0xb8;
	[tilespmem:$0x18A00] =	vst v63  }
0x416: {  	_ =	swait.ge [sflag:s29], $0xC000  }
0x417: {  	[sflag:s29] =	ssyncset.done $0x0  }
0x418: {  	s30 =	rddreg [dreg:$0x9];
	[sflag:s29] =	ssyncadd.s32 $0xFFFF4000  }
0x419: {  	v62 =	vld [tilespmem:s30+$0x18200];
	_ =	sdelay $0x4  }
0x41a: {  	[tilespmem:$0x18100] =	vst v25;
	v36 =	vadd.s32 v0, v62  }
0x41b: {  	[tilespmem:$0x18000] =	vst v36  }
0x41c: {  	v36 =	vld [tilespmem:s1+$0x18390];
	_ =	sdelay $0x4  }
0x41d: {  	[tilespmem:$0x18110] =	vst v26;
	v63 =	vld [tilespmem:$0x18000];
	v36 =	vadd.s32 v0, v36  }
0x41e: {  	[tilespmem:$0x18010] =	vst v36  }
0x41f: {  	v36 =	vld [tilespmem:s1+$0x183A0];
	_ =	sdelay $0x2  }
0x420: {  	v40 =	vshrl.u32 v63, $0x3  }
0x421: {  	v41 =	vmul.u32 $0x30, v40  }
0x422: {  	v37 =	vand.u32 $0x7, v63;
	[tilespmem:$0x18120] =	vst v27;
	v36 =	vadd.s32 v0, v36  }
0x423: {  	[tilespmem:$0x18020] =	vst v36;
	v36 =	vor.u32 v37, v41  }
0x424: {  	v42 =	vld [tilespmem:s1+$0x183B0];
	v37 =	vperm.xlane v36, v33;
	_ =	sdelay $0x1  }
0x425: {  	v37 =	vadd.s32 v34, v37;
	_ =	sdelay $0x2  }
0x426: {  	[tilespmem:$0x18130] =	vst v28;
	v38 =	vadd.s32 v0, v42  }
0x427: {  	v36 =	vperm.xlane v36, v35;
	[tilespmem:$0x18030] =	vst v38  }
0x428: {  	[tilespmem:s5], [sflag:$0x1] =	stream.indirect_vreg.gather [hbm4b:s6+s5], $0x80, v37, vm0, $0xb8;
	[tilespmem:$0x18A00] =	vst v63  }
0x429: {  	s0 =	simm.s32 $0x800;
	v36 =	vadd.s32 v34, v36  }
0x42a: {  	[tilespmem:s0], [sflag:$0x1] =	stream.indirect_vreg.gather [hbm4b:s7+s5], $0x80, v37, vm0, $0xb8;
	[tilespmem:$0x18A00] =	vst v63  }
0x42b: {  	s2 =	simm.s32 $0x1000  }
0x42c: {  	[tilespmem:s2], [sflag:$0x1] =	stream.indirect_vreg.gather [hbm4b:s8+s5], $0x80, v37, vm0, $0xb8;
	[tilespmem:$0x18A00] =	vst v63  }
0x42d: {  	s3 =	simm.s32 $0x1800  }
0x42e: {  	[tilespmem:s3], [sflag:$0x1] =	stream.indirect_vreg.gather [hbm4b:s6+s5], $0x80, v36, vm0, $0xb8;
	[tilespmem:$0x18A00] =	vst v63  }
0x42f: {  	s11 =	simm.s32 $0x2000  }
0x430: {  	[tilespmem:s11], [sflag:$0x1] =	stream.indirect_vreg.gather [hbm4b:s7+s5], $0x80, v36, vm0, $0xb8;
	[tilespmem:$0x18A00] =	vst v63  }
0x431: {  	s31 =	simm.s32 $0x2800  }
0x432: {  	[tilespmem:s31], [sflag:$0x1] =	stream.indirect_vreg.gather [hbm4b:s8+s5], $0x80, v36, vm0, $0xb8;
	[tilespmem:$0x18A00] =	vst v63  }
0x433: {  	v36 =	vld [tilespmem:$0x18010];
	_ =	sdelay $0x4  }
0x434: {  	v43 =	vshrl.u32 v36, $0x3  }
0x435: {  	v37 =	vmul.u32 $0x30, v43  }
0x436: {  	v36 =	vand.u32 $0x7, v36  }
0x437: {  	v36 =	vor.u32 v36, v37  }
0x438: {  	v37 =	vperm.xlane v36, v33;
	_ =	sdelay $0x1  }
0x439: {  	v37 =	vadd.s32 v34, v37;
	_ =	sdelay $0x3  }
0x43a: {  	s19 =	simm.s32 $0x3000;
	v36 =	vperm.xlane v36, v35  }
0x43b: {  	[tilespmem:s19], [sflag:$0x1] =	stream.indirect_vreg.gather [hbm4b:s6+s5], $0x80, v37, vm0, $0xb8;
	[tilespmem:$0x18A00] =	vst v63  }
0x43c: {  	s12 =	simm.s32 $0x3800;
	v36 =	vadd.s32 v34, v36  }
0x43d: {  	[tilespmem:s12], [sflag:$0x1] =	stream.indirect_vreg.gather [hbm4b:s7+s5], $0x80, v37, vm0, $0xb8;
	[tilespmem:$0x18A00] =	vst v63  }
0x43e: {  	s13 =	simm.s32 $0x4000  }
0x43f: {  	[tilespmem:s13], [sflag:$0x1] =	stream.indirect_vreg.gather [hbm4b:s8+s5], $0x80, v37, vm0, $0xb8;
	[tilespmem:$0x18A00] =	vst v63  }
0x440: {  	s14 =	simm.s32 $0x4800  }
0x441: {  	[tilespmem:s14], [sflag:$0x1] =	stream.indirect_vreg.gather [hbm4b:s6+s5], $0x80, v36, vm0, $0xb8;
	[tilespmem:$0x18A00] =	vst v63  }
0x442: {  	s15 =	simm.s32 $0x5000  }
0x443: {  	[tilespmem:s15], [sflag:$0x1] =	stream.indirect_vreg.gather [hbm4b:s7+s5], $0x80, v36, vm0, $0xb8;
	[tilespmem:$0x18A00] =	vst v63  }
0x444: {  	s20 =	simm.s32 $0x5800  }
0x445: {  	[tilespmem:s20], [sflag:$0x1] =	stream.indirect_vreg.gather [hbm4b:s8+s5], $0x80, v36, vm0, $0xb8;
	[tilespmem:$0x18A00] =	vst v63  }
0x446: {  	v36 =	vld [tilespmem:$0x18020];
	_ =	sdelay $0x4  }
0x447: {  	v44 =	vshrl.u32 v36, $0x3  }
0x448: {  	v37 =	vmul.u32 $0x30, v44  }
0x449: {  	v36 =	vand.u32 $0x7, v36  }
0x44a: {  	v36 =	vor.u32 v36, v37  }
0x44b: {  	v37 =	vperm.xlane v36, v33;
	_ =	sdelay $0x1  }
0x44c: {  	v37 =	vadd.s32 v34, v37;
	_ =	sdelay $0x3  }
0x44d: {  	s22 =	simm.s32 $0x6000;
	v36 =	vperm.xlane v36, v35  }
0x44e: {  	[tilespmem:s22], [sflag:$0x1] =	stream.indirect_vreg.gather [hbm4b:s6+s5], $0x80, v37, vm0, $0xb8;
	[tilespmem:$0x18A00] =	vst v63  }
0x44f: {  	s16 =	simm.s32 $0x6800;
	v36 =	vadd.s32 v34, v36  }
0x450: {  	[tilespmem:s16], [sflag:$0x1] =	stream.indirect_vreg.gather [hbm4b:s7+s5], $0x80, v37, vm0, $0xb8;
	[tilespmem:$0x18A00] =	vst v63  }
0x451: {  	s17 =	simm.s32 $0x7000  }
0x452: {  	[tilespmem:s17], [sflag:$0x1] =	stream.indirect_vreg.gather [hbm4b:s8+s5], $0x80, v37, vm0, $0xb8;
	[tilespmem:$0x18A00] =	vst v63  }
0x453: {  	s18 =	simm.s32 $0x7800  }
0x454: {  	[tilespmem:s18], [sflag:$0x1] =	stream.indirect_vreg.gather [hbm4b:s6+s5], $0x80, v36, vm0, $0xb8;
	[tilespmem:$0x18A00] =	vst v63  }
0x455: {  	s24 =	simm.s32 $0x8000  }
0x456: {  	[tilespmem:s24], [sflag:$0x1] =	stream.indirect_vreg.gather [hbm4b:s7+s5], $0x80, v36, vm0, $0xb8;
	[tilespmem:$0x18A00] =	vst v63  }
0x457: {  	s21 =	simm.s32 $0x8800  }
0x458: {  	[tilespmem:s21], [sflag:$0x1] =	stream.indirect_vreg.gather [hbm4b:s8+s5], $0x80, v36, vm0, $0xb8;
	[tilespmem:$0x18A00] =	vst v63  }
0x459: {  	v36 =	vld [tilespmem:$0x18030];
	_ =	sdelay $0x4  }
0x45a: {  	v45 =	vshrl.u32 v36, $0x3  }
0x45b: {  	v37 =	vmul.u32 $0x30, v45  }
0x45c: {  	v36 =	vand.u32 $0x7, v36  }
0x45d: {  	v36 =	vor.u32 v36, v37  }
0x45e: {  	v37 =	vperm.xlane v36, v33;
	_ =	sdelay $0x1  }
0x45f: {  	v37 =	vadd.s32 v34, v37;
	_ =	sdelay $0x3  }
0x460: {  	s23 =	simm.s32 $0x9000;
	v36 =	vperm.xlane v36, v35  }
0x461: {  	[tilespmem:s23], [sflag:$0x1] =	stream.indirect_vreg.gather [hbm4b:s6+s5], $0x80, v37, vm0, $0xb8;
	[tilespmem:$0x18A00] =	vst v63  }
0x462: {  	s25 =	simm.s32 $0x9800;
	v36 =	vadd.s32 v34, v36  }
0x463: {  	[tilespmem:s25], [sflag:$0x1] =	stream.indirect_vreg.gather [hbm4b:s7+s5], $0x80, v37, vm0, $0xb8;
	[tilespmem:$0x18A00] =	vst v63  }
0x464: {  	s28 =	simm.s32 $0xA000  }
0x465: {  	[tilespmem:s28], [sflag:$0x1] =	stream.indirect_vreg.gather [hbm4b:s8+s5], $0x80, v37, vm0, $0xb8;
	[tilespmem:$0x18A00] =	vst v63  }
0x466: {  	s29 =	simm.s32 $0xA800  }
0x467: {  	[tilespmem:s29], [sflag:$0x1] =	stream.indirect_vreg.gather [hbm4b:s6+s5], $0x80, v36, vm0, $0xb8;
	[tilespmem:$0x18A00] =	vst v63  }
0x468: {  	s30 =	simm.s32 $0xB000  }
0x469: {  	[tilespmem:s30], [sflag:$0x1] =	stream.indirect_vreg.gather [hbm4b:s7+s5], $0x80, v36, vm0, $0xb8;
	[tilespmem:$0x18A00] =	vst v63  }
0x46a: {  	s26 =	simm.s32 $0x1;
	s31 =	simm.s32 $0xB800  }
0x46b: {  	[tilespmem:s31], [sflag:$0x1] =	stream.indirect_vreg.gather [hbm4b:s8+s5], $0x80, v36, vm0, $0xb8;
	[tilespmem:$0x18A00] =	vst v63  }
0x46c: {  	_ =	swait.ge [sflag:s26], $0xC000  }
0x46d: {  	[sflag:s26] =	ssyncset.done $0x0  }
0x46e: {  	[sflag:s26] =	ssyncadd.s32 $0xFFFF4000  }
0x46f: {  	v46 =	vld [tilespmem:$0x18100];
	_ =	sdelay $0x4  }
0x470: {  	v47 =	vshrl.u32 v46, $0x3  }
0x471: {  	v37 =	vmul.u32 $0x30, v47  }
0x472: {  	v36 =	vand.u32 $0x7, v46  }
0x473: {  	v36 =	vor.u32 v36, v37  }
0x474: {  	v37 =	vperm.xlane v36, v33;
	_ =	sdelay $0x1  }
0x475: {  	v37 =	vadd.s32 v34, v37;
	_ =	sdelay $0x3  }
0x476: {  	v36 =	vperm.xlane v36, v35  }
0x477: {  	[hbm4b:s4+s5] =	stream.indirect_vreg.scatter [tilespmem:s5], [sflag:$0x2], $0x80, v37, vm0, $0xb8;
	[tilespmem:$0x18A00] =	vst v63  }
0x478: {  	v36 =	vadd.s32 v34, v36  }
0x479: {  	[hbm4b:s9+s5] =	stream.indirect_vreg.scatter [tilespmem:s0], [sflag:$0x2], $0x80, v37, vm0, $0xb8;
	[tilespmem:$0x18A00] =	vst v63  }
0x47a: {  	_ = 	snop  }
0x47b: {  	[hbm4b:s10+s5] =	stream.indirect_vreg.scatter [tilespmem:s2], [sflag:$0x2], $0x80, v37, vm0, $0xb8;
	[tilespmem:$0x18A00] =	vst v63  }
0x47c: {  	_ = 	snop  }
0x47d: {  	[hbm4b:s4+s5] =	stream.indirect_vreg.scatter [tilespmem:s3], [sflag:$0x2], $0x80, v36, vm0, $0xb8;
	[tilespmem:$0x18A00] =	vst v63  }
0x47e: {  	_ = 	snop  }
0x47f: {  	[hbm4b:s9+s5] =	stream.indirect_vreg.scatter [tilespmem:s11], [sflag:$0x2], $0x80, v36, vm0, $0xb8;
	[tilespmem:$0x18A00] =	vst v63  }
0x480: {  	s11 =	simm.s32 $0x2800  }
0x481: {  	[hbm4b:s10+s5] =	stream.indirect_vreg.scatter [tilespmem:s11], [sflag:$0x2], $0x80, v36, vm0, $0xb8;
	[tilespmem:$0x18A00] =	vst v63  }
0x482: {  	v36 =	vld [tilespmem:$0x18110];
	_ =	sdelay $0x4  }
0x483: {  	v48 =	vshrl.u32 v36, $0x3  }
0x484: {  	v37 =	vmul.u32 $0x30, v48  }
0x485: {  	v36 =	vand.u32 $0x7, v36  }
0x486: {  	v36 =	vor.u32 v36, v37  }
0x487: {  	v37 =	vperm.xlane v36, v33;
	_ =	sdelay $0x1  }
0x488: {  	v37 =	vadd.s32 v34, v37;
	_ =	sdelay $0x3  }
0x489: {  	v36 =	vperm.xlane v36, v35  }
0x48a: {  	[hbm4b:s4+s5] =	stream.indirect_vreg.scatter [tilespmem:s19], [sflag:$0x2], $0x80, v37, vm0, $0xb8;
	[tilespmem:$0x18A00] =	vst v63  }
0x48b: {  	v36 =	vadd.s32 v34, v36  }
0x48c: {  	[hbm4b:s9+s5] =	stream.indirect_vreg.scatter [tilespmem:s12], [sflag:$0x2], $0x80, v37, vm0, $0xb8;
	[tilespmem:$0x18A00] =	vst v63  }
0x48d: {  	_ = 	snop  }
0x48e: {  	[hbm4b:s10+s5] =	stream.indirect_vreg.scatter [tilespmem:s13], [sflag:$0x2], $0x80, v37, vm0, $0xb8;
	[tilespmem:$0x18A00] =	vst v63  }
0x48f: {  	_ = 	snop  }
0x490: {  	[hbm4b:s4+s5] =	stream.indirect_vreg.scatter [tilespmem:s14], [sflag:$0x2], $0x80, v36, vm0, $0xb8;
	[tilespmem:$0x18A00] =	vst v63  }
0x491: {  	_ = 	snop  }
0x492: {  	[hbm4b:s9+s5] =	stream.indirect_vreg.scatter [tilespmem:s15], [sflag:$0x2], $0x80, v36, vm0, $0xb8;
	[tilespmem:$0x18A00] =	vst v63  }
0x493: {  	_ = 	snop  }
0x494: {  	[hbm4b:s10+s5] =	stream.indirect_vreg.scatter [tilespmem:s20], [sflag:$0x2], $0x80, v36, vm0, $0xb8;
	[tilespmem:$0x18A00] =	vst v63  }
0x495: {  	v36 =	vld [tilespmem:$0x18120];
	_ =	sdelay $0x4  }
0x496: {  	v49 =	vshrl.u32 v36, $0x3  }
0x497: {  	v37 =	vmul.u32 $0x30, v49  }
0x498: {  	v36 =	vand.u32 $0x7, v36  }
0x499: {  	v36 =	vor.u32 v36, v37  }
0x49a: {  	v37 =	vperm.xlane v36, v33;
	_ =	sdelay $0x1  }
0x49b: {  	v37 =	vadd.s32 v34, v37;
	_ =	sdelay $0x3  }
0x49c: {  	v36 =	vperm.xlane v36, v35  }
0x49d: {  	[hbm4b:s4+s5] =	stream.indirect_vreg.scatter [tilespmem:s22], [sflag:$0x2], $0x80, v37, vm0, $0xb8;
	[tilespmem:$0x18A00] =	vst v63  }
0x49e: {  	v36 =	vadd.s32 v34, v36  }
0x49f: {  	[hbm4b:s9+s5] =	stream.indirect_vreg.scatter [tilespmem:s16], [sflag:$0x2], $0x80, v37, vm0, $0xb8;
	[tilespmem:$0x18A00] =	vst v63  }
0x4a0: {  	_ = 	snop  }
0x4a1: {  	[hbm4b:s10+s5] =	stream.indirect_vreg.scatter [tilespmem:s17], [sflag:$0x2], $0x80, v37, vm0, $0xb8;
	[tilespmem:$0x18A00] =	vst v63  }
0x4a2: {  	_ = 	snop  }
0x4a3: {  	[hbm4b:s4+s5] =	stream.indirect_vreg.scatter [tilespmem:s18], [sflag:$0x2], $0x80, v36, vm0, $0xb8;
	[tilespmem:$0x18A00] =	vst v63  }
0x4a4: {  	_ = 	snop  }
0x4a5: {  	[hbm4b:s9+s5] =	stream.indirect_vreg.scatter [tilespmem:s24], [sflag:$0x2], $0x80, v36, vm0, $0xb8;
	[tilespmem:$0x18A00] =	vst v63  }
0x4a6: {  	_ = 	snop  }
0x4a7: {  	[hbm4b:s10+s5] =	stream.indirect_vreg.scatter [tilespmem:s21], [sflag:$0x2], $0x80, v36, vm0, $0xb8;
	[tilespmem:$0x18A00] =	vst v63  }
0x4a8: {  	v36 =	vld [tilespmem:$0x18130];
	_ =	sdelay $0x4  }
0x4a9: {  	v50 =	vshrl.u32 v36, $0x3  }
0x4aa: {  	v37 =	vmul.u32 $0x30, v50  }
0x4ab: {  	v36 =	vand.u32 $0x7, v36  }
0x4ac: {  	v36 =	vor.u32 v36, v37  }
0x4ad: {  	v37 =	vperm.xlane v36, v33;
	_ =	sdelay $0x1  }
0x4ae: {  	v37 =	vadd.s32 v34, v37;
	_ =	sdelay $0x3  }
0x4af: {  	v36 =	vperm.xlane v36, v35  }
0x4b0: {  	[hbm4b:s4+s5] =	stream.indirect_vreg.scatter [tilespmem:s23], [sflag:$0x2], $0x80, v37, vm0, $0xb8;
	[tilespmem:$0x18A00] =	vst v63  }
0x4b1: {  	v36 =	vadd.s32 v34, v36  }
0x4b2: {  	[hbm4b:s9+s5] =	stream.indirect_vreg.scatter [tilespmem:s25], [sflag:$0x2], $0x80, v37, vm0, $0xb8;
	[tilespmem:$0x18A00] =	vst v63  }
0x4b3: {  	_ = 	snop  }
0x4b4: {  	[hbm4b:s10+s5] =	stream.indirect_vreg.scatter [tilespmem:s28], [sflag:$0x2], $0x80, v37, vm0, $0xb8;
	[tilespmem:$0x18A00] =	vst v63  }
0x4b5: {  	_ = 	snop  }
0x4b6: {  	[hbm4b:s4+s5] =	stream.indirect_vreg.scatter [tilespmem:s29], [sflag:$0x2], $0x80, v36, vm0, $0xb8;
	[tilespmem:$0x18A00] =	vst v63  }
0x4b7: {  	_ = 	snop  }
0x4b8: {  	[hbm4b:s9+s5] =	stream.indirect_vreg.scatter [tilespmem:s30], [sflag:$0x2], $0x80, v36, vm0, $0xb8;
	[tilespmem:$0x18A00] =	vst v63  }
0x4b9: {  	s17 =	simm.s32 $0x2  }
0x4ba: {  	[hbm4b:s10+s5] =	stream.indirect_vreg.scatter [tilespmem:s31], [sflag:$0x2], $0x80, v36, vm0, $0xb8;
	[tilespmem:$0x18A00] =	vst v63  }
0x4bb: {  	_ =	swait.ge [sflag:s17], $0xC000  }
0x4bc: {  	[sflag:s17] =	ssyncset.done $0x0  }
0x4bd: {  	[sflag:s17] =	ssyncadd.s32 $0xFFFF4000  }
0x4be: {  	v51 =	vld [tilespmem:s1+$0x183C0];
	_ =	sdelay $0x4  }
0x4bf: {  	[tilespmem:$0x18180] =	vst v29;
	v36 =	vadd.s32 v0, v51  }
0x4c0: {  	[tilespmem:$0x18080] =	vst v36  }
0x4c1: {  	v36 =	vld [tilespmem:s1+$0x183D0];
	_ =	sdelay $0x4  }
0x4c2: {  	[tilespmem:$0x18190] =	vst v30;
	v52 =	vld [tilespmem:$0x18080];
	v36 =	vadd.s32 v0, v36  }
0x4c3: {  	[tilespmem:$0x18090] =	vst v36  }
0x4c4: {  	v36 =	vld [tilespmem:s1+$0x183E0];
	_ =	sdelay $0x2  }
0x4c5: {  	v53 =	vshrl.u32 v52, $0x3  }
0x4c6: {  	v54 =	vmul.u32 $0x30, v53  }
0x4c7: {  	v37 =	vand.u32 $0x7, v52;
	[tilespmem:$0x181A0] =	vst v31;
	v36 =	vadd.s32 v0, v36  }
0x4c8: {  	[tilespmem:$0x180A0] =	vst v36;
	v36 =	vor.u32 v37, v54  }
0x4c9: {  	v55 =	vld [tilespmem:s1+$0x183F0];
	v37 =	vperm.xlane v36, v33;
	_ =	sdelay $0x1  }
0x4ca: {  	v37 =	vadd.s32 v34, v37;
	_ =	sdelay $0x2  }
0x4cb: {  	[tilespmem:$0x181B0] =	vst v32;
	v38 =	vadd.s32 v0, v55  }
0x4cc: {  	s20 =	simm.s32 $0xC000;
	v36 =	vperm.xlane v36, v35;
	[tilespmem:$0x180B0] =	vst v38  }
0x4cd: {  	[tilespmem:s20], [sflag:$0x1] =	stream.indirect_vreg.gather [hbm4b:s6+s5], $0x80, v37, vm0, $0xb8;
	[tilespmem:$0x18A00] =	vst v63  }
0x4ce: {  	s18 =	simm.s32 $0xC800;
	v36 =	vadd.s32 v34, v36  }
0x4cf: {  	[tilespmem:s18], [sflag:$0x1] =	stream.indirect_vreg.gather [hbm4b:s7+s5], $0x80, v37, vm0, $0xb8;
	[tilespmem:$0x18A00] =	vst v63  }
0x4d0: {  	s2 =	simm.s32 $0xD000  }
0x4d1: {  	[tilespmem:s2], [sflag:$0x1] =	stream.indirect_vreg.gather [hbm4b:s8+s5], $0x80, v37, vm0, $0xb8;
	[tilespmem:$0x18A00] =	vst v63  }
0x4d2: {  	s3 =	simm.s32 $0xD800  }
0x4d3: {  	[tilespmem:s3], [sflag:$0x1] =	stream.indirect_vreg.gather [hbm4b:s6+s5], $0x80, v36, vm0, $0xb8;
	[tilespmem:$0x18A00] =	vst v63  }
0x4d4: {  	s11 =	simm.s32 $0xE000  }
0x4d5: {  	[tilespmem:s11], [sflag:$0x1] =	stream.indirect_vreg.gather [hbm4b:s7+s5], $0x80, v36, vm0, $0xb8;
	[tilespmem:$0x18A00] =	vst v63  }
0x4d6: {  	s29 =	simm.s32 $0xE800  }
0x4d7: {  	[tilespmem:s29], [sflag:$0x1] =	stream.indirect_vreg.gather [hbm4b:s8+s5], $0x80, v36, vm0, $0xb8;
	[tilespmem:$0x18A00] =	vst v63  }
0x4d8: {  	v36 =	vld [tilespmem:$0x18090];
	_ =	sdelay $0x4  }
0x4d9: {  	v56 =	vshrl.u32 v36, $0x3  }
0x4da: {  	v37 =	vmul.u32 $0x30, v56  }
0x4db: {  	v36 =	vand.u32 $0x7, v36  }
0x4dc: {  	v36 =	vor.u32 v36, v37  }
0x4dd: {  	v37 =	vperm.xlane v36, v33;
	_ =	sdelay $0x1  }
0x4de: {  	v37 =	vadd.s32 v34, v37;
	_ =	sdelay $0x3  }
0x4df: {  	s30 =	simm.s32 $0xF000;
	v36 =	vperm.xlane v36, v35  }
0x4e0: {  	[tilespmem:s30], [sflag:$0x1] =	stream.indirect_vreg.gather [hbm4b:s6+s5], $0x80, v37, vm0, $0xb8;
	[tilespmem:$0x18A00] =	vst v63  }
0x4e1: {  	s12 =	simm.s32 $0xF800;
	v36 =	vadd.s32 v34, v36  }
0x4e2: {  	[tilespmem:s12], [sflag:$0x1] =	stream.indirect_vreg.gather [hbm4b:s7+s5], $0x80, v37, vm0, $0xb8;
	[tilespmem:$0x18A00] =	vst v63  }
0x4e3: {  	s13 =	simm.s32 $0x10000  }
0x4e4: {  	[tilespmem:s13], [sflag:$0x1] =	stream.indirect_vreg.gather [hbm4b:s8+s5], $0x80, v37, vm0, $0xb8;
	[tilespmem:$0x18A00] =	vst v63  }
0x4e5: {  	s14 =	simm.s32 $0x10800  }
0x4e6: {  	[tilespmem:s14], [sflag:$0x1] =	stream.indirect_vreg.gather [hbm4b:s6+s5], $0x80, v36, vm0, $0xb8;
	[tilespmem:$0x18A00] =	vst v63  }
0x4e7: {  	s15 =	simm.s32 $0x11000  }
0x4e8: {  	[tilespmem:s15], [sflag:$0x1] =	stream.indirect_vreg.gather [hbm4b:s7+s5], $0x80, v36, vm0, $0xb8;
	[tilespmem:$0x18A00] =	vst v63  }
0x4e9: {  	s26 =	simm.s32 $0x11800  }
0x4ea: {  	[tilespmem:s26], [sflag:$0x1] =	stream.indirect_vreg.gather [hbm4b:s8+s5], $0x80, v36, vm0, $0xb8;
	[tilespmem:$0x18A00] =	vst v63  }
0x4eb: {  	v36 =	vld [tilespmem:$0x180A0];
	_ =	sdelay $0x4  }
0x4ec: {  	v57 =	vshrl.u32 v36, $0x3  }
0x4ed: {  	v37 =	vmul.u32 $0x30, v57  }
0x4ee: {  	v36 =	vand.u32 $0x7, v36  }
0x4ef: {  	v36 =	vor.u32 v36, v37  }
0x4f0: {  	v37 =	vperm.xlane v36, v33;
	_ =	sdelay $0x1  }
0x4f1: {  	v37 =	vadd.s32 v34, v37;
	_ =	sdelay $0x3  }
0x4f2: {  	s19 =	simm.s32 $0x12000;
	v36 =	vperm.xlane v36, v35  }
0x4f3: {  	[tilespmem:s19], [sflag:$0x1] =	stream.indirect_vreg.gather [hbm4b:s6+s5], $0x80, v37, vm0, $0xb8;
	[tilespmem:$0x18A00] =	vst v63  }
0x4f4: {  	s16 =	simm.s32 $0x12800;
	v36 =	vadd.s32 v34, v36  }
0x4f5: {  	[tilespmem:s16], [sflag:$0x1] =	stream.indirect_vreg.gather [hbm4b:s7+s5], $0x80, v37, vm0, $0xb8;
	[tilespmem:$0x18A00] =	vst v63  }
0x4f6: {  	s17 =	simm.s32 $0x13000  }
0x4f7: {  	[tilespmem:s17], [sflag:$0x1] =	stream.indirect_vreg.gather [hbm4b:s8+s5], $0x80, v37, vm0, $0xb8;
	[tilespmem:$0x18A00] =	vst v63  }
0x4f8: {  	s18 =	simm.s32 $0x13800  }
0x4f9: {  	[tilespmem:s18], [sflag:$0x1] =	stream.indirect_vreg.gather [hbm4b:s6+s5], $0x80, v36, vm0, $0xb8;
	[tilespmem:$0x18A00] =	vst v63  }
0x4fa: {  	s24 =	simm.s32 $0x14000  }
0x4fb: {  	[tilespmem:s24], [sflag:$0x1] =	stream.indirect_vreg.gather [hbm4b:s7+s5], $0x80, v36, vm0, $0xb8;
	[tilespmem:$0x18A00] =	vst v63  }
0x4fc: {  	s22 =	simm.s32 $0x14800  }
0x4fd: {  	[tilespmem:s22], [sflag:$0x1] =	stream.indirect_vreg.gather [hbm4b:s8+s5], $0x80, v36, vm0, $0xb8;
	[tilespmem:$0x18A00] =	vst v63  }
0x4fe: {  	v36 =	vld [tilespmem:$0x180B0];
	_ =	sdelay $0x4  }
0x4ff: {  	v58 =	vshrl.u32 v36, $0x3  }
0x500: {  	v37 =	vmul.u32 $0x30, v58  }
0x501: {  	v36 =	vand.u32 $0x7, v36  }
0x502: {  	v36 =	vor.u32 v36, v37  }
0x503: {  	v37 =	vperm.xlane v36, v33;
	_ =	sdelay $0x1  }
0x504: {  	v37 =	vadd.s32 v34, v37;
	_ =	sdelay $0x3  }
0x505: {  	s23 =	simm.s32 $0x15000;
	v36 =	vperm.xlane v36, v35  }
0x506: {  	[tilespmem:s23], [sflag:$0x1] =	stream.indirect_vreg.gather [hbm4b:s6+s5], $0x80, v37, vm0, $0xb8;
	[tilespmem:$0x18A00] =	vst v63  }
0x507: {  	s21 =	simm.s32 $0x15800;
	v36 =	vadd.s32 v34, v36  }
0x508: {  	[tilespmem:s21], [sflag:$0x1] =	stream.indirect_vreg.gather [hbm4b:s7+s5], $0x80, v37, vm0, $0xb8;
	[tilespmem:$0x18A00] =	vst v63  }
0x509: {  	s19 =	simm.s32 $0x16000  }
0x50a: {  	[tilespmem:s19], [sflag:$0x1] =	stream.indirect_vreg.gather [hbm4b:s8+s5], $0x80, v37, vm0, $0xb8;
	[tilespmem:$0x18A00] =	vst v63  }
0x50b: {  	s25 =	simm.s32 $0x16800  }
0x50c: {  	[tilespmem:s25], [sflag:$0x1] =	stream.indirect_vreg.gather [hbm4b:s6+s5], $0x80, v36, vm0, $0xb8;
	[tilespmem:$0x18A00] =	vst v63  }
0x50d: {  	s28 =	simm.s32 $0x17000  }
0x50e: {  	[tilespmem:s28], [sflag:$0x1] =	stream.indirect_vreg.gather [hbm4b:s7+s5], $0x80, v36, vm0, $0xb8;
	[tilespmem:$0x18A00] =	vst v63  }
0x50f: {  	s0 =	simm.s32 $0x1;
	s31 =	simm.s32 $0x17800  }
0x510: {  	[tilespmem:s31], [sflag:$0x1] =	stream.indirect_vreg.gather [hbm4b:s8+s5], $0x80, v36, vm0, $0xb8;
	[tilespmem:$0x18A00] =	vst v63  }
0x511: {  	_ =	swait.ge [sflag:s0], $0xC000  }
0x512: {  	[sflag:s0] =	ssyncset.done $0x0  }
0x513: {  	[sflag:s0] =	ssyncadd.s32 $0xFFFF4000  }
0x514: {  	v59 =	vld [tilespmem:$0x18180];
	_ =	sdelay $0x4  }
0x515: {  	v60 =	vshrl.u32 v59, $0x3  }
0x516: {  	v37 =	vmul.u32 $0x30, v60  }
0x517: {  	v36 =	vand.u32 $0x7, v59  }
0x518: {  	v36 =	vor.u32 v36, v37  }
0x519: {  	v37 =	vperm.xlane v36, v33;
	_ =	sdelay $0x1  }
0x51a: {  	v37 =	vadd.s32 v34, v37;
	_ =	sdelay $0x3  }
0x51b: {  	v36 =	vperm.xlane v36, v35  }
0x51c: {  	[hbm4b:s4+s5] =	stream.indirect_vreg.scatter [tilespmem:s20], [sflag:$0x2], $0x80, v37, vm0, $0xb8;
	[tilespmem:$0x18A00] =	vst v63  }
0x51d: {  	v36 =	vadd.s32 v34, v36;
	s20 =	simm.s32 $0xC800  }
0x51e: {  	[hbm4b:s9+s5] =	stream.indirect_vreg.scatter [tilespmem:s20], [sflag:$0x2], $0x80, v37, vm0, $0xb8;
	[tilespmem:$0x18A00] =	vst v63  }
0x51f: {  	_ = 	snop  }
0x520: {  	[hbm4b:s10+s5] =	stream.indirect_vreg.scatter [tilespmem:s2], [sflag:$0x2], $0x80, v37, vm0, $0xb8;
	[tilespmem:$0x18A00] =	vst v63  }
0x521: {  	_ = 	snop  }
0x522: {  	[hbm4b:s4+s5] =	stream.indirect_vreg.scatter [tilespmem:s3], [sflag:$0x2], $0x80, v36, vm0, $0xb8;
	[tilespmem:$0x18A00] =	vst v63  }
0x523: {  	_ = 	snop  }
0x524: {  	[hbm4b:s9+s5] =	stream.indirect_vreg.scatter [tilespmem:s11], [sflag:$0x2], $0x80, v36, vm0, $0xb8;
	[tilespmem:$0x18A00] =	vst v63  }
0x525: {  	_ = 	snop  }
0x526: {  	[hbm4b:s10+s5] =	stream.indirect_vreg.scatter [tilespmem:s29], [sflag:$0x2], $0x80, v36, vm0, $0xb8;
	[tilespmem:$0x18A00] =	vst v63  }
0x527: {  	v36 =	vld [tilespmem:$0x18190];
	_ =	sdelay $0x4  }
0x528: {  	v61 =	vshrl.u32 v36, $0x3  }
0x529: {  	v37 =	vmul.u32 $0x30, v61  }
0x52a: {  	v36 =	vand.u32 $0x7, v36  }
0x52b: {  	v36 =	vor.u32 v36, v37  }
0x52c: {  	v37 =	vperm.xlane v36, v33;
	_ =	sdelay $0x1  }
0x52d: {  	v37 =	vadd.s32 v34, v37;
	_ =	sdelay $0x3  }
0x52e: {  	v36 =	vperm.xlane v36, v35  }
0x52f: {  	[hbm4b:s4+s5] =	stream.indirect_vreg.scatter [tilespmem:s30], [sflag:$0x2], $0x80, v37, vm0, $0xb8;
	[tilespmem:$0x18A00] =	vst v63  }
0x530: {  	v36 =	vadd.s32 v34, v36  }
0x531: {  	[hbm4b:s9+s5] =	stream.indirect_vreg.scatter [tilespmem:s12], [sflag:$0x2], $0x80, v37, vm0, $0xb8;
	[tilespmem:$0x18A00] =	vst v63  }
0x532: {  	_ = 	snop  }
0x533: {  	[hbm4b:s10+s5] =	stream.indirect_vreg.scatter [tilespmem:s13], [sflag:$0x2], $0x80, v37, vm0, $0xb8;
	[tilespmem:$0x18A00] =	vst v63  }
0x534: {  	_ = 	snop  }
0x535: {  	[hbm4b:s4+s5] =	stream.indirect_vreg.scatter [tilespmem:s14], [sflag:$0x2], $0x80, v36, vm0, $0xb8;
	[tilespmem:$0x18A00] =	vst v63  }
0x536: {  	_ = 	snop  }
0x537: {  	[hbm4b:s9+s5] =	stream.indirect_vreg.scatter [tilespmem:s15], [sflag:$0x2], $0x80, v36, vm0, $0xb8;
	[tilespmem:$0x18A00] =	vst v63  }
0x538: {  	_ = 	snop  }
0x539: {  	[hbm4b:s10+s5] =	stream.indirect_vreg.scatter [tilespmem:s26], [sflag:$0x2], $0x80, v36, vm0, $0xb8;
	[tilespmem:$0x18A00] =	vst v63  }
0x53a: {  	v36 =	vld [tilespmem:$0x181A0];
	_ =	sdelay $0x4  }
0x53b: {  	v62 =	vshrl.u32 v36, $0x3  }
0x53c: {  	v37 =	vmul.u32 $0x30, v62  }
0x53d: {  	v36 =	vand.u32 $0x7, v36  }
0x53e: {  	v36 =	vor.u32 v36, v37  }
0x53f: {  	v37 =	vperm.xlane v36, v33;
	_ =	sdelay $0x1  }
0x540: {  	v37 =	vadd.s32 v34, v37;
	_ =	sdelay $0x3  }
0x541: {  	s29 =	simm.s32 $0x12000;
	v36 =	vperm.xlane v36, v35  }
0x542: {  	[hbm4b:s4+s5] =	stream.indirect_vreg.scatter [tilespmem:s29], [sflag:$0x2], $0x80, v37, vm0, $0xb8;
	[tilespmem:$0x18A00] =	vst v63  }
0x543: {  	v36 =	vadd.s32 v34, v36  }
0x544: {  	[hbm4b:s9+s5] =	stream.indirect_vreg.scatter [tilespmem:s16], [sflag:$0x2], $0x80, v37, vm0, $0xb8;
	[tilespmem:$0x18A00] =	vst v63  }
0x545: {  	_ = 	snop  }
0x546: {  	[hbm4b:s10+s5] =	stream.indirect_vreg.scatter [tilespmem:s17], [sflag:$0x2], $0x80, v37, vm0, $0xb8;
	[tilespmem:$0x18A00] =	vst v63  }
0x547: {  	_ = 	snop  }
0x548: {  	[hbm4b:s4+s5] =	stream.indirect_vreg.scatter [tilespmem:s18], [sflag:$0x2], $0x80, v36, vm0, $0xb8;
	[tilespmem:$0x18A00] =	vst v63  }
0x549: {  	_ = 	snop  }
0x54a: {  	[hbm4b:s9+s5] =	stream.indirect_vreg.scatter [tilespmem:s24], [sflag:$0x2], $0x80, v36, vm0, $0xb8;
	[tilespmem:$0x18A00] =	vst v63  }
0x54b: {  	_ = 	snop  }
0x54c: {  	[hbm4b:s10+s5] =	stream.indirect_vreg.scatter [tilespmem:s22], [sflag:$0x2], $0x80, v36, vm0, $0xb8;
	[tilespmem:$0x18A00] =	vst v63  }
0x54d: {  	v36 =	vld [tilespmem:$0x181B0];
	_ =	sdelay $0x4  }
0x54e: {  	v63 =	vshrl.u32 v36, $0x3  }
0x54f: {  	v37 =	vmul.u32 $0x30, v63  }
0x550: {  	v36 =	vand.u32 $0x7, v36  }
0x551: {  	v36 =	vor.u32 v36, v37  }
0x552: {  	v37 =	vperm.xlane v36, v33;
	_ =	sdelay $0x1  }
0x553: {  	v37 =	vadd.s32 v34, v37;
	_ =	sdelay $0x3  }
0x554: {  	v36 =	vperm.xlane v36, v35  }
0x555: {  	[hbm4b:s4+s5] =	stream.indirect_vreg.scatter [tilespmem:s23], [sflag:$0x2], $0x80, v37, vm0, $0xb8;
	[tilespmem:$0x18A00] =	vst v63  }
0x556: {  	v36 =	vadd.s32 v34, v36  }
0x557: {  	[hbm4b:s9+s5] =	stream.indirect_vreg.scatter [tilespmem:s21], [sflag:$0x2], $0x80, v37, vm0, $0xb8;
	[tilespmem:$0x18A00] =	vst v63  }
0x558: {  	_ = 	snop  }
0x559: {  	[hbm4b:s10+s5] =	stream.indirect_vreg.scatter [tilespmem:s19], [sflag:$0x2], $0x80, v37, vm0, $0xb8;
	[tilespmem:$0x18A00] =	vst v63  }
0x55a: {  	_ = 	snop  }
0x55b: {  	[hbm4b:s4+s5] =	stream.indirect_vreg.scatter [tilespmem:s25], [sflag:$0x2], $0x80, v36, vm0, $0xb8;
	[tilespmem:$0x18A00] =	vst v63  }
0x55c: {  	_ = 	snop  }
0x55d: {  	[hbm4b:s9+s5] =	stream.indirect_vreg.scatter [tilespmem:s28], [sflag:$0x2], $0x80, v36, vm0, $0xb8;
	[tilespmem:$0x18A00] =	vst v63  }
0x55e: {  	s20 =	rddreg [dreg:$0xa];
	s30 =	simm.s32 $0x2  }
0x55f: {  	[hbm4b:s10+s5] =	stream.indirect_vreg.scatter [tilespmem:s31], [sflag:$0x2], $0x80, v36, vm0, $0xb8;
	[tilespmem:$0x18A00] =	vst v63  }
0x560: {  	p0 =	sne.s32 s20, $0x1;
	_ =	swait.ge [sflag:s30], $0xC000  }
.Ltmp0:
0x561: {  	[sflag:s30] =	ssyncset.done $0x0;
	(pc) =	sbr.rel @p0 .LBB2_1-.Ltmp0, $4  }
0x562: {  	[sflag:s30] =	ssyncadd.s32 $0xFFFF4000  }
0x563: {  	_ =	swait.ge [sflag:s30], $0xC000  }
0x564: {  	s31 =	simm.s32 $0x2;
	[sflag:s30] =	ssyncset.done $0x0  }
0x565: {  	s12 =	sadd.s32 $0xFFFFFFFF, s20;
	[sflag:s31] =	ssyncadd.s32 $0xFFFF4000  }
0x566: {  	_ =	sfence.sel $0x180000  }
0x567: {  	[bflag:$0x0] =	sbarrier.arrive $0xFFFF  }
0x568: {  	_ =	strace $0x90000050  }
0x569: {  	s0 =	stileid.u32;
	[bflag:$0x2] =	sbarrier.arrive $0xFFFF  }
0x56a: {  	p0 =	sne.s32 s0, $0x0;
	s0 =	rddreg [dreg:$0x2]  }
0x56b: {  	s0 =	sadd.s32 @!p0 $0x100000, s0  }
0x56c: {  	[sflag:s0] =	ssyncadd.tile.s32 @!p0 $0x1;
	_ =	shalt  }
.Lfunc_end2:
_tile_overlayer_lowered:
.L_overlay_start_2:
0x56d: {  	(tag) =	ssettag $0x2  }
0x56e: {  	s0 =	rddreg [dreg:$0x0];
	s2 =	stileid.u32  }
0x56f: {  	s1 =	rddreg [dreg:$0x1];
	p0 =	sne.s32 s2, $0x0  }
0x570: {  	s3 =	rddreg [dreg:$0x2];
	[bflag:$0x3] =	sbarrier.arrive $0xFFFF;
	s2 =	simm.s32 @!p0 $0x1C03  }
0x571: {  	[timem:s3], [sflag:s2] =	dma.local @!p0 [hbm:s0], s1  }
0x572: {  	s0 =	simm.s32 @!p0 $0x3  }
0x573: {  	_ =	swait.ge @!p0 [sflag:s0], s1  }
0x574: {  	s1 =	ssub.s32 @!p0 $0x0, s1;
	[sflag:s0] =	ssyncset.done @!p0 $0x0  }
0x575: {  	[sflag:s0] =	ssyncadd.s32 @!p0 s1  }
0x576: {  	[bflag:$0x3] =	sbarrier.arrive $0xFFFF  }
0x577: {  	_ =	shalt  }

// kernel: kernel.8.cloned.1.call-start
scs
__scs_entry_jumppad:
0x0: {  	(pc) =	sbr.rel $0x88, $3  }
0x1: {  	(tag) =	ssettag $0x0;
	lr =	simm.s32 $0x1  }
0x2: {  	[smem:$0x3F9C] =	sst lr;
	_ =	strace $0xD0000000  }
0x3: {  	_ = 	snop  }
0x4: {  	_ = 	snop  }
0x5: {  	_ = 	snop  }
0x6: {  	_ = 	snop  }
0x7: {  	_ = 	snop  }
__scs_overlays_trampoline_lowered:
0x8: {  	[smem:$0x3FAB] =	sst s0  }
0x9: {  	[smem:$0x3FAC] =	sst s1  }
0xa: {  	[smem:$0x3FAD] =	sst s2  }
0xb: {  	[smem:$0x3FAE] =	sst s3  }
0xc: {  	[smem:$0x3FAF] =	sst s4  }
0xd: {  	[smem:$0x3FB0] =	sst s5  }
0xe: {  	[smem:$0x3FB1] =	sst s6  }
0xf: {  	[smem:$0x3FB2] =	sst s7  }
0x10: {  	[smem:$0x3FB3] =	sst s8  }
0x11: {  	[smem:$0x3FB4] =	sst s9;
	s0 =	simm.s32 @!p0 $0x0  }
0x12: {  	s1 =	sld [smem:$0x3F9A];
	s0 =	simm.s32 @p0 $0x1  }
0x13: {  	[smem:$0x3FB5] =	sst s0;
	s0 =	simm.s32 @!p1 $0x0  }
0x14: {  	s2 =	sld [smem:$0x3F99];
	s0 =	simm.s32 @p1 $0x1  }
0x15: {  	[smem:$0x3FB6] =	sst s0;
	s0 =	simm.s32 @!p2 $0x0  }
0x16: {  	s3 =	sld [smem:$0x3FDB];
	s0 =	simm.s32 @p2 $0x1  }
0x17: {  	s4 =	simm.s32 $0x1BF5;
	[smem:$0x3FB8] =	sst s0  }
0x18: {  	s0 =	sld [smem:$0x3F9B];
	_ =	swait.ge [sflag:s4], $0x0  }
0x19: {  	s7 =	sld [smem:$0x3F9C]  }
0x1a: {  	s8 =	sadd.s32 $0xFFFFE003, lr  }
0x1b: {  	s9 =	sadd.s32 $0xFFFFFEF7, lr;
	s5 =	simm.s32 $0xFFFFFFFF;
	p2 =	slt.u32 s8, $0xFFFFF086  }
0x1c: {  	p1 =	slt.u32 s9, $0xF7A;
	s5 =	simm.s32 @!p2 $0x0  }
0x1d: {  	s5 =	simm.s32 @p1 $0x1;
	p0 =	seq.s32 s7, s2  }
0x1e: {  	s7 =	smul.u32 @!p0 $0xF7A, s2;
	p2 =	seq.s32 @!p0 s5, $0x0  }
0x1f: {  	s9 =	smul.u32 $0xF7A, s1;
	s8 =	simm.s32 @!p0 $0x1BF5;
	p2 =	por !p2, p0  }
0x20: {  	[sflag:s8] =	ssyncset.s32 @!p0 $0xFFFFF086;
	s6 =	sadd.s32 @!p0 s3, s7;
	s7 =	simm.s32 @!p0 $0x108  }
0x21: {  	s3 =	sadd.s32 s3, s9;
	s6 =	sadd.s32 @!p0 $0x88, s6;
	s7 =	simm.s32 @p2 $0x1082  }
0x22: {  	[simem:s7], [sflag:s8] =	dma.local @!p0 [hbm:s6], $0xF7A  }
0x23: {  	s9 =	sor.u32 $0xD0000000, s2;
	s6 =	simm.s32 $0x108;
	_ =	swait.ge @!p0 [sflag:s8], $0x0  }
0x24: {  	s3 =	sadd.s32 $0x88, s3;
	s6 =	simm.s32 @!p1 $0x1082;
	[sflag:s4] =	ssyncset.s32 $0xFFFFF086  }
0x25: {  	[simem:s6], [sflag:s4] =	dma.local [hbm:s3], $0xF7A  }
0x26: {  	[smem:$0x3F9C] =	sst s1;
	(tag) =	ssettag s2;
	_ =	strace s9  }
0x27: {  	s1 =	sld [smem:$0x3FAC]  }
0x28: {  	s2 =	sld [smem:$0x3FAD]  }
0x29: {  	s4 =	sld [smem:$0x3FAF]  }
0x2a: {  	p0 =	seq.s32 s5, $0x0;
	s5 =	sld [smem:$0x3FB0]  }
0x2b: {  	s6 =	sld [smem:$0x3FB1]  }
0x2c: {  	s7 =	sld [smem:$0x3FB2]  }
0x2d: {  	s3 =	simm.s32 $0x108;
	s8 =	sld [smem:$0x3FB3]  }
0x2e: {  	s3 =	simm.s32 @!p0 $0x1082;
	s9 =	sld [smem:$0x3FB4]  }
0x2f: {  	lr =	sadd.s32 s0, s3;
	s0 =	sld [smem:$0x3FAB]  }
0x30: {  	s3 =	sld [smem:$0x3FAE]  }
0x31: {  	[smem:$0x3FB7] =	sst s10  }
0x32: {  	s10 =	sld [smem:$0x3FB5];
	_ =	sdelay $0x3  }
0x33: {  	p0 =	seq.s32 s10, $0x1;
	s10 =	sld [smem:$0x3FB7];
	_ =	sdelay $0x3  }
0x34: {  	[smem:$0x3FB7] =	sst s10  }
0x35: {  	s10 =	sld [smem:$0x3FB6];
	_ =	sdelay $0x3  }
0x36: {  	p1 =	seq.s32 s10, $0x1;
	s10 =	sld [smem:$0x3FB7];
	_ =	sdelay $0x3  }
0x37: {  	[smem:$0x3FB7] =	sst s10  }
0x38: {  	s10 =	sld [smem:$0x3FB8]  }
0x39: {  	_ = 	snop;
	(pc) =	sbr.ind lr, $3  }
0x3a: {  	_ = 	snop  }
0x3b: {  	_ = 	snop  }
0x3c: {  	p2 =	seq.s32 s10, $0x1;
	s10 =	sld [smem:$0x3FB7]  }
0x3d: {  	_ =	shalt  }
0x3e: {  	_ =	shalt  }
0x3f: {  	_ =	shalt  }
0x40: {  	_ =	shalt  }
0x41: {  	_ =	shalt  }
0x42: {  	_ =	shalt  }
0x43: {  	_ =	shalt  }
0x44: {  	_ =	shalt  }
0x45: {  	_ =	shalt  }
0x46: {  	_ =	shalt  }
0x47: {  	_ =	shalt  }
0x48: {  	_ =	shalt  }
0x49: {  	_ =	shalt  }
0x4a: {  	_ =	shalt  }
0x4b: {  	_ =	shalt  }
0x4c: {  	_ =	shalt  }
0x4d: {  	_ =	shalt  }
0x4e: {  	_ =	shalt  }
0x4f: {  	_ =	shalt  }
0x50: {  	_ =	shalt  }
0x51: {  	_ =	shalt  }
0x52: {  	_ =	shalt  }
0x53: {  	_ =	shalt  }
0x54: {  	_ =	shalt  }
0x55: {  	_ =	shalt  }
0x56: {  	_ =	shalt  }
0x57: {  	_ =	shalt  }
0x58: {  	_ =	shalt  }
0x59: {  	_ =	shalt  }
0x5a: {  	_ =	shalt  }
0x5b: {  	_ =	shalt  }
0x5c: {  	_ =	shalt  }
0x5d: {  	_ =	shalt  }
0x5e: {  	_ =	shalt  }
0x5f: {  	_ =	shalt  }
0x60: {  	_ =	shalt  }
0x61: {  	_ =	shalt  }
0x62: {  	_ =	shalt  }
0x63: {  	_ =	shalt  }
0x64: {  	_ =	shalt  }
0x65: {  	_ =	shalt  }
0x66: {  	_ =	shalt  }
0x67: {  	_ =	shalt  }
0x68: {  	_ =	shalt  }
0x69: {  	_ =	shalt  }
0x6a: {  	_ =	shalt  }
0x6b: {  	_ =	shalt  }
0x6c: {  	_ =	shalt  }
0x6d: {  	_ =	shalt  }
0x6e: {  	_ =	shalt  }
0x6f: {  	_ =	shalt  }
0x70: {  	_ =	shalt  }
0x71: {  	_ =	shalt  }
0x72: {  	_ =	shalt  }
0x73: {  	_ =	shalt  }
0x74: {  	_ =	shalt  }
0x75: {  	_ =	shalt  }
0x76: {  	_ =	shalt  }
0x77: {  	_ =	shalt  }
0x78: {  	_ =	shalt  }
0x79: {  	_ =	shalt  }
0x7a: {  	_ =	shalt  }
0x7b: {  	_ =	shalt  }
0x7c: {  	_ =	shalt  }
0x7d: {  	_ =	shalt  }
0x7e: {  	_ =	shalt  }
0x7f: {  	_ =	shalt  }
0x80: {  	_ =	shalt  }
0x81: {  	_ =	shalt  }
0x82: {  	_ =	shalt  }
0x83: {  	_ =	shalt  }
0x84: {  	_ =	shalt  }
0x85: {  	_ =	shalt  }
0x86: {  	_ =	shalt  }
0x87: {  	_ =	shalt  }
.Lfunc_end0:
.L_simem_size_0:
called_computation.1_lowered:
.L_overlay_start_0:
0x88: {  	s2 =	sld [smem:$0x3FD9]  }
0x89: {  	s3 =	sld [smem:$0x3FFE];
	_ =	sdelay $0x1  }
0x8a: {  	s1 =	srdreg.scid  }
0x8b: {  	s0 =	sand.u32 $0x1, s1  }
0x8c: {  	s14 =	sshll.u32 s0, $0xA;
	s2 =	sadd.s32 s3, s2  }
0x8d: {  	s2 =	sadd.s32 s2, s14  }
0x8e: {  	[smem:$0x3FC3] =	sst s2  }
0x8f: {  	_ = 	snop  }
0x90: {  	s2 =	sld [smem:$0x3FD0];
	_ =	sdelay $0x2  }
0x91: {  	s15 =	simm.s32 $0xA;
	s4 =	simm.s32 $0x10  }
0x92: {  	[smem:s4], [sflag:s15] =	dma.local [hbm:s2], $0x1  }
0x93: {  	_ =	swait.eq [sflag:s15], $0x1  }
0x94: {  	[sflag:s15] =	ssyncset.done $0x0  }
0x95: {  	s16 =	sld [smem:$0x12];
	[sflag:s15] =	ssyncadd.s32 $0xFFFFFFFF  }
0x96: {  	s17 =	sld [smem:$0x13];
	(tm) =	ssettm $0x1  }
0x97: {  	s18 =	sld [smem:$0x3FFB];
	_ =	sdelay $0x3  }
0x98: {  	_ =	strace s18  }
0x99: {  	s4 =	sld [smem:$0x3FFC];
	_ =	sdelay $0x3  }
0x9a: {  	_ =	strace s4  }
0x9b: {  	s4 =	sld [smem:$0x3FFD];
	_ =	sdelay $0x3  }
0x9c: {  	_ =	strace s4  }
0x9d: {  	_ =	strace $0x8FFFFFFF  }
0x9e: {  	s19 =	sld [smem:$0x3FDB];
	_ =	sdelay $0x1  }
0x9f: {  	s5 =	simm.s32 $_scs_section_size  }
0xa0: {  	s6 =	simm.s32 $_size__tile_overlayer_lowered;
	s7 =	simm.s32 $_tile_overlayer_lowered  }
0xa1: {  	s22 =	simm.s32 $0x1BFF;
	s21 =	sshll.u32 s7, $0x1;
	s4 =	sadd.s32 s5, s19  }
0xa2: {  	s8 =	simm.s32 $0x0;
	s20 =	sshll.u32 s6, $0x1;
	s6 =	sadd.s32 s21, s4  }
0xa3: {  	[timem:s8], [sflag:s22] =	dma.local [hbm:s6], s20  }
0xa4: {  	_ =	swait.ge [sflag:s22], s20  }
0xa5: {  	s5 =	ssub.s32 $0x0, s20;
	[sflag:s22] =	ssyncset.done $0x0  }
0xa6: {  	[sflag:s22] =	ssyncadd.s32 s5;
	_ =	sdelay $0x1  }
0xa7: {  	s23 =	simm.s32 $0x1B8B  }
0xa8: {  	_ =	swait.ge [sflag:s23], $0x1  }
0xa9: {  	[sflag:s23] =	ssyncset.done $0x0  }
0xaa: {  	s25 =	simm.s32 $0x1B8E;
	s24 =	sld [smem:$0x3FFE];
	[sflag:s23] =	ssyncadd.s32 $0xFFFFFFFF  }
0xab: {  	s26 =	simm.s32 $execute0_lowered;
	[smem:$0x3FD2] =	sst s25  }
0xac: {  	s6 =	sshll.u32 s26, $0x1;
	_ =	strace $0x80000046;
	[dreg:$0x1] =	wrdreg $0xFFFFFFFF  }
0xad: {  	s28 =	simm.s32 $_size_execute0_lowered;
	s4 =	sadd.s32 s4, s6;
	[dreg:$0x0] =	wrdreg $0x0  }
0xae: {  	s6 =	sshll.u32 s28, $0x1;
	[dreg:$0x2] =	wrdreg s4  }
0xaf: {  	[dreg:$0x3] =	wrdreg s6  }
0xb0: {  	[dreg:$0x4] =	wrdreg $0xC0  }
0xb1: {  	_ =	task [dreg:s8], $0x5FFFF  }
0xb2: {  	[dreg:$0x1] =	wrdreg $0xFFFFFFFF  }
0xb3: {  	[dreg:$0x0] =	wrdreg $0x60  }
0xb4: {  	[dreg:$0x2] =	wrdreg s17  }
0xb5: {  	[dreg:$0x3] =	wrdreg s24  }
0xb6: {  	[dreg:$0x4] =	wrdreg s16  }
0xb7: {  	[dreg:$0x5] =	wrdreg $0x9  }
0xb8: {  	_ =	task.clear_ibuf [dreg:s8], $0x6FFFF;
	_ =	strace $0x90000046  }
0xb9: {  	s29 =	simm.s32 $0x9;
	_ =	strace $0x80000048  }
0xba: {  	_ =	swait.ge [sflag:s29], $0x1  }
0xbb: {  	[sflag:s29] =	ssyncadd.s32 $0xFFFFFFFF  }
0xbc: {  	_ =	strace $0x90000048  }
0xbd: {  	_ =	sfence  }
0xbe: {  	s30 =	sld [smem:$0x0];
	_ =	sdelay $0x2  }
0xbf: {  	s31 =	sshll.u32 s1, $0xD;
	s1 =	sshrl.u32 s1, $0x2  }
0xc0: {  	s3 =	sand.u32 $0x4000, s31;
	s1 =	sadd.s32 s1, s30  }
0xc1: {  	s0 =	sor.u32 s3, s0;
	s1 =	sshll.u32 s1, $0x11  }
0xc2: {  	s0 =	sor.u32 s1, s0  }
0xc3: {  	s0 =	sadd.s32 $0x8F2B, s0  }
0xc4: {  	[sflag:s0] =	ssyncadd.remote.s32 $0x1  }
0xc5: {  	_ =	sfence.sel $0xFFFF  }
0xc6: {  	[dreg:$0x0] =	wrdreg $0xFFFFFFFF;
	(pc) =	sbr.abs _section_cstart, $3  }
0xc7: {  	[dreg:$0x1] =	wrdreg $0xFFFFFFFF  }
0xc8: {  	_ =	task.clear_ibuf [dreg:s8], $0x2FFFF;
	_ =	strace $0x9FFFFFFF  }
0xc9: {  	(tm) =	ssettm $0x7FFFFFFF  }
tec
execute0_lowered:
.L_overlay_start_1:
0x0: {  	(tag) =	ssettag $0x1  }
0x1: {  	s2 =	stileid.u32  }
0x2: {  	p0 =	sgt.u32 s2, $0x3  }
.Ltmp0:
0x3: {  	s1 =	rddreg [dreg:$0x0];
	(pc) =	sbr.rel @p0 .LBB2_7-.Ltmp0, $4  }
0x4: {  	s5 =	rddreg [dreg:$0x1]  }
0x5: {  	s4 =	rddreg [dreg:$0x2];
	s3 =	simm.s32 $0x0  }
0x6: {  	[smem:$0x7FF] =	sst s3  }
0x7: {  	s0 =	rddreg [dreg:$0x3];
	_ =	strace $0x80000047  }
0x8: {  	v0 =	vimm.s32 $0xEDCBA987;
	v1 =	vimm.s32 $0x65432100;
	v2 =	vimm.s32 $0x54321000  }
0x9: {  	v3 =	vimm.s32 $0xDCBA9876;
	v4 =	vimm.s32 $0xBA987654;
	v5 =	vimm.s32 $0x32100000  }
0xa: {  	v6 =	vimm.s32 $0xE40000;
	vm0 =	vmmov $0x3;
	vm1 =	vmmov $0xf  }
0xb: {  	v0 =	vunpack.c.l.s4.s8 v0;
	v1 =	vunpack.c.l.s4.s8 v1;
	v3 =	vunpack.c.l.s4.s8 v3  }
0xc: {  	v2 =	vunpack.c.l.s4.s8 v2;
	v4 =	vunpack.c.l.s4.s8 v4;
	v5 =	vunpack.c.l.s4.s8 v5  }
0xd: {  	v6 =	vunpack.c.l.s2.s4 v6;
	v0 =	vunpack.c.0.s8.s32 v0;
	v3 =	vunpack.c.0.s8.s32 v3  }
0xe: {  	s6 =	srdreg.scid;
	v1 =	vunpack.c.0.s8.s32 v1;
	v2 =	vunpack.c.0.s8.s32 v2;
	v4 =	vunpack.c.0.s8.s32 v4  }
0xf: {  	s7 =	sshll.u32 s2, $0x1;
	s6 =	sand.u32 $0x1, s6;
	v5 =	vunpack.c.0.s8.s32 v5;
	v6 =	vunpack.c.l.s4.s8 v6;
	v3 =	vand.u32 $0xF, v3  }
0x10: {  	s9 =	simm.s32 $0x80;
	s10 =	simm.s32 $0x400;
	s7 =	sor.u32 s6, s7;
	v0 =	vand.u32 $0xF, v0;
	v2 =	vcombine.low v2, v3;
	v3 =	vand.u32 $0xF, v4  }
0x11: {  	s11 =	simm.s32 $0x800;
	s6 =	ssub.s32 $0x2, s6;
	s8 =	sshll.u32 s7, $0x4;
	v6 =	vunpack.c.0.s8.s32 v6;
	v3 =	vcombine.low v5, v3;
	v5 =	vimm.s32 $0x7060504  }
0x12: {  	vm2 =	vcmask $0x3F30;
	s12 =	simm.s32 $0x0;
	s31 =	sshrl.u32 s6, $0x1;
	s5 =	sadd.s32 s8, s5;
	v0 =	vcombine.low v1, v0;
	v5 =	vunpack.c.0.s8.s32 v5  }
0x13: {  	s6 =	ssub.s32 s6, s31;
	s4 =	sadd.s32 s4, s8;
	s8 =	simm.s32 $0x1000;
	v1 =	vmov s7;
	v4 =	vlaneseq.u32;
	v6 =	vand.u32 $0x3, v6  }
0x14: {  	s5 =	sadd.s32 $0x19800, s5;
	s6 =	smax.u32 s6, $0x1;
	s7 =	simm.s32 $0x1;
	v5 =	vsel vm2, v5, v6;
	vm2 =	vmmov $0xff;
	v6 =	vimm.s32 $0xF  }
.LBB2_2:
0x15: {  	s13 =	simm.s32 $0x0  }
0x16: {  	[tilespmem:s13], [sflag:$0x1] =	stream.linear.gather [hbm4b:s1+s13], $0x800, $0x38;
	[tilespmem:$0x1080] =	vst v63  }
0x17: {  	_ =	swait.ge [sflag:s7], $0x800  }
0x18: {  	[sflag:s7] =	ssyncset.done $0x0  }
0x19: {  	s14 =	simm.s32 $0x0;
	[sflag:s7] =	ssyncadd.s32 $0xFFFFF800  }
0x1a: {  	v7 =	vld [tilespmem:s14+$0x0];
	_ =	sdelay $0x4  }
0x1b: {  	v7 =	vshrl.u32 v7, v1  }
0x1c: {  	v7 =	vand.u32 $0x1, v7  }
0x1d: {  	v9 =	vperm.xlane v7, v0  }
0x1e: {  	vm3 =	veq.s32 v4, $0x0;
	s13 =	simm.s32 $0x10  }
0x1f: {  	v8 =	vld [tilespmem:s13+$0x0];
	v9 =	vsel vm3, $0x0, v9  }
0x20: {  	v7 =	vadd.s32 v9, v7  }
0x21: {  	v10 =	vperm.xlane v7, v2;
	_ =	sdelay $0x1  }
0x22: {  	s15 =	simm.s32 $0x20;
	v10 =	vsel vm0, $0x0, v10  }
0x23: {  	v8 =	vshrl.u32 v8, v1;
	v9 =	vld [tilespmem:s15+$0x0];
	v10 =	vadd.s32 v10, v7  }
0x24: {  	v8 =	vand.u32 $0x1, v8;
	v12 =	vperm.xlane v10, v3  }
0x25: {  	v11 =	vperm.xlane v8, v0  }
0x26: {  	s17 =	simm.s32 $0x30;
	v12 =	vsel vm1, $0x0, v12  }
0x27: {  	v7 =	vsel vm3, $0x0, v11;
	v10 =	vadd.s32 v12, v10;
	v12 =	vld [tilespmem:s17+$0x0]  }
0x28: {  	v9 =	vshrl.u32 v9, v1;
	v11 =	vadd.s32 v7, v8  }
0x29: {  	v9 =	vand.u32 $0x1, v9;
	v8 =	vperm.xlane v11, v2  }
0x2a: {  	v7 =	vimm.s32 $0x0;
	v14 =	vperm.xlane v9, v0  }
0x2b: {  	s16 =	simm.s32 $0xC0;
	s17 =	simm.s32 $0x100;
	v15 =	vsel vm0, $0x0, v8;
	v8 =	vimm.s32 $0x0;
	v13 =	vperm.xlane v10, v5  }
.LBB2_3:
0x2c: {  	s18 =	sshra.s32 s17, $0x2;
	v16 =	vshrl.u32 v12, v1;
	v15 =	vadd.s32 v15, v11;
	p0 =	sne.s32 s17, $0x1FC0  }
.Ltmp1:
0x2d: {  	v11 =	vsel vm3, $0x0, v14;
	v12 =	vld [tilespmem:s18+$0x0];
	v14 =	vperm.xlane v15, v3;
	v13 =	vsel vm2, $0x0, v13;
	(pc) =	sbr.rel @p0 .LBB2_3-.Ltmp1, $4  }
0x2e: {  	v11 =	vadd.s32 v11, v9;
	v9 =	vand.u32 $0x1, v16;
	v10 =	vadd.s32 v13, v10  }
0x2f: {  	s17 =	sadd.s32 $0x40, s17;
	v13 =	vperm.xlane v11, v2;
	v16 =	vsel vm1, $0x0, v14;
	v17 =	vperm.xlane v10, v6  }
0x30: {  	v14 =	vperm.xlane v9, v0;
	v10 =	vadd.s32 v16, v15  }
0x31: {  	v15 =	vsel vm0, $0x0, v13;
	v13 =	vperm.xlane v10, v5;
	v8 =	vadd.s32 v8, v17  }
0x32: {  	vm3 =	veq.s32 v4, $0x0;
	v11 =	vadd.s32 v15, v11  }
0x33: {  	v12 =	vshrl.u32 v12, v1;
	v14 =	vsel vm3, $0x0, v14;
	v15 =	vperm.xlane v11, v3  }
0x34: {  	v12 =	vand.u32 $0x1, v12;
	v13 =	vsel vm2, $0x0, v13;
	v9 =	vadd.s32 v14, v9  }
0x35: {  	v16 =	vld [tilespmem:s14+$0x0];
	v17 =	vperm.xlane v12, v0;
	v14 =	vperm.xlane v9, v2;
	v15 =	vsel vm1, $0x0, v15  }
0x36: {  	v10 =	vadd.s32 v13, v10;
	v11 =	vadd.s32 v15, v11  }
0x37: {  	v13 =	vsel vm3, $0x0, v17;
	v14 =	vsel vm0, $0x0, v14;
	v15 =	vperm.xlane v11, v5  }
0x38: {  	v17 =	vperm.xlane v10, v6;
	v12 =	vadd.s32 v13, v12;
	v9 =	vadd.s32 v14, v9  }
0x39: {  	v13 =	vperm.xlane v12, v2;
	v14 =	vperm.xlane v9, v3;
	v10 =	vsel vm2, $0x0, v15  }
0x3a: {  	v15 =	vshrl.u32 v16, v1;
	v11 =	vadd.s32 v10, v11  }
0x3b: {  	v10 =	vand.u32 $0x1, v15;
	v13 =	vsel vm0, $0x0, v13;
	v14 =	vsel vm1, $0x0, v14  }
0x3c: {  	v15 =	vxor.u32 $0x1, v10;
	v12 =	vadd.s32 v13, v12;
	v13 =	vperm.xlane v10, v0  }
0x3d: {  	v11 =	vperm.xlane v11, v6;
	v9 =	vadd.s32 v14, v9;
	v16 =	vperm.xlane v15, v0  }
0x3e: {  	v8 =	vadd.s32 v8, v17;
	v17 =	vperm.xlane v12, v3;
	v14 =	vperm.xlane v9, v5  }
0x3f: {  	v13 =	vsel vm3, $0x0, v13;
	v8 =	vadd.s32 v8, v11;
	v16 =	vsel vm3, $0x0, v16  }
0x40: {  	v17 =	vsel vm1, $0x0, v17;
	v13 =	vadd.s32 v13, v10;
	v14 =	vsel vm2, $0x0, v14  }
0x41: {  	v15 =	vadd.s32 v15, v16;
	v12 =	vadd.s32 v17, v12;
	v16 =	vld [tilespmem:s13+$0x0];
	v17 =	vperm.xlane v13, v2  }
0x42: {  	v18 =	vperm.xlane v15, v2;
	v9 =	vadd.s32 v14, v9;
	v11 =	vperm.xlane v12, v5  }
0x43: {  	v9 =	vperm.xlane v9, v6;
	v14 =	vsel vm0, $0x0, v17  }
0x44: {  	v17 =	vsel vm0, $0x0, v18;
	v11 =	vsel vm2, $0x0, v11;
	v13 =	vadd.s32 v14, v13  }
0x45: {  	v14 =	vadd.s32 v17, v15;
	v11 =	vadd.s32 v11, v12;
	v12 =	vperm.xlane v13, v3  }
0x46: {  	v8 =	vadd.s32 v8, v9;
	v15 =	vperm.xlane v14, v3;
	v9 =	vshrl.u32 v16, v1  }
0x47: {  	v11 =	vperm.xlane v11, v6;
	v9 =	vand.u32 $0x1, v9;
	v12 =	vsel vm1, $0x0, v12  }
0x48: {  	v15 =	vsel vm1, $0x0, v15;
	v16 =	vperm.xlane v9, v0;
	v12 =	vadd.s32 v12, v13  }
0x49: {  	v13 =	vadd.s32 v15, v14;
	v14 =	vxor.u32 $0x1, v9;
	v17 =	vperm.xlane v12, v5  }
0x4a: {  	v8 =	vadd.s32 v8, v11;
	v18 =	vperm.xlane v13, v5;
	v11 =	vperm.xlane v14, v0  }
0x4b: {  	v15 =	vsel vm3, $0x0, v16;
	v16 =	vsel vm2, $0x0, v17  }
0x4c: {  	v17 =	vsel vm2, $0x0, v18;
	v11 =	vsel vm3, $0x0, v11;
	v12 =	vadd.s32 v16, v12  }
0x4d: {  	v13 =	vadd.s32 v17, v13;
	v16 =	vadd.s32 v14, v11;
	v11 =	vadd.s32 v7, v12;
	v17 =	vld [tilespmem:s15+$0x0]  }
0x4e: {  	v15 =	vadd.s32 v15, v9  }
0x4f: {  	v18 =	vperm.xlane v15, v2;
	v14 =	vadd.s32 v8, v13  }
0x50: {  	v19 =	vperm.xlane v16, v2;
	v20 =	vsub.s32 v11, v14;
	v11 =	vmov v8  }
.LBB2_5:
0x51: {  	p0 =	sne.s32 s16, $0x1FC0;
	v18 =	vsel vm0, $0x0, v18;
	v20 =	vmul.u32 v10, v20;
	v10 =	vmov v9  }
0x52: {  	v9 =	vshrl.u32 v17, v1;
	v15 =	vadd.s32 v18, v15;
	v17 =	vsel vm0, $0x0, v19  }
0x53: {  	v18 =	vperm.xlane v15, v3;
	v16 =	vadd.s32 v17, v16;
	v14 =	vadd.s32 v20, v14  }
0x54: {  	v9 =	vand.u32 $0x1, v9;
	v17 =	vperm.xlane v16, v3;
	v14 =	vadd.s32 $0xFFFFFFFF, v14  }
0x55: {  	v19 =	vperm.xlane v9, v0;
	v20 =	vxor.u32 $0x1, v9;
	v18 =	vsel vm1, $0x0, v18;
	[tilespmem:s14+$0x800] =	vst v14;
	s14 =	smov.u32 s13;
	s13 =	smov.u32 s15  }
0x56: {  	v14 =	vperm.xlane v20, v0;
	v21 =	vadd.s32 v18, v15;
	v15 =	vsel vm1, $0x0, v17  }
0x57: {  	v17 =	vsel vm3, $0x0, v19;
	v18 =	vperm.xlane v21, v5;
	v16 =	vadd.s32 v15, v16  }
0x58: {  	v15 =	vadd.s32 v17, v9;
	v14 =	vsel vm3, $0x0, v14;
	v19 =	vperm.xlane v16, v5  }
.Ltmp2:
0x59: {  	v23 =	vperm.xlane v12, v6;
	v24 =	vperm.xlane v13, v6;
	s15 =	sshra.s32 s16, $0x2;
	v22 =	vsel vm2, $0x0, v18;
	(pc) =	sbr.rel @p0 .LBB2_5-.Ltmp2, $4  }
0x5a: {  	v18 =	vperm.xlane v15, v2;
	v17 =	vld [tilespmem:s15+$0x0];
	v12 =	vadd.s32 v22, v21;
	v13 =	vsel vm2, $0x0, v19  }
0x5b: {  	v7 =	vadd.s32 v7, v23;
	v11 =	vadd.s32 v11, v24;
	v13 =	vadd.s32 v13, v16  }
0x5c: {  	v16 =	vadd.s32 v20, v14;
	v20 =	vadd.s32 v7, v12;
	v14 =	vadd.s32 v11, v13  }
0x5d: {  	s16 =	sadd.s32 $0x40, s16;
	v19 =	vperm.xlane v16, v2;
	v20 =	vsub.s32 v20, v14  }
0x5e: {  	_ = 	snop  }
0x5f: {  	v17 =	vshrl.u32 v17, v1  }
0x60: {  	v18 =	vsel vm0, $0x0, v18;
	v10 =	vmul.u32 v10, v20;
	v17 =	vand.u32 $0x1, v17  }
0x61: {  	v12 =	vperm.xlane v12, v6;
	v15 =	vadd.s32 v18, v15;
	v21 =	vxor.u32 $0x1, v17  }
0x62: {  	v47 =	vsel vm0, $0x0, v19;
	v46 =	vperm.xlane v17, v0;
	v48 =	vperm.xlane v21, v0  }
0x63: {  	v13 =	vperm.xlane v13, v6;
	v16 =	vadd.s32 v47, v16;
	v49 =	vperm.xlane v15, v3  }
0x64: {  	v22 =	vperm.xlane v16, v3;
	v20 =	vsel vm3, $0x0, v46;
	v19 =	vsel vm3, $0x0, v48  }
0x65: {  	v18 =	vsel vm1, $0x0, v49;
	v20 =	vadd.s32 v20, v17;
	v19 =	vadd.s32 v21, v19  }
0x66: {  	v51 =	vsel vm1, $0x0, v22;
	v50 =	vperm.xlane v20, v2;
	v52 =	vperm.xlane v19, v2  }
0x67: {  	v7 =	vadd.s32 v7, v12;
	v15 =	vadd.s32 v18, v15;
	v16 =	vadd.s32 v51, v16  }
0x68: {  	v53 =	vperm.xlane v15, v5;
	v21 =	vsel vm0, $0x0, v50;
	v22 =	vsel vm0, $0x0, v52  }
0x69: {  	v54 =	vperm.xlane v16, v5;
	v20 =	vadd.s32 v21, v20;
	v19 =	vadd.s32 v22, v19  }
0x6a: {  	v18 =	vsel vm2, $0x0, v53;
	v55 =	vperm.xlane v20, v3;
	v57 =	vperm.xlane v19, v3  }
0x6b: {  	v11 =	vadd.s32 v11, v13;
	v15 =	vadd.s32 v18, v15;
	v56 =	vsel vm2, $0x0, v54  }
0x6c: {  	v61 =	vadd.s32 v7, v15;
	v58 =	vsel vm1, $0x0, v55;
	v59 =	vsel vm1, $0x0, v57  }
0x6d: {  	v15 =	vperm.xlane v15, v6;
	v18 =	vadd.s32 v58, v20;
	v19 =	vadd.s32 v59, v19  }
0x6e: {  	v16 =	vadd.s32 v56, v16;
	v60 =	vperm.xlane v18, v5;
	v20 =	vperm.xlane v19, v5  }
0x6f: {  	v62 =	vperm.xlane v16, v6;
	v16 =	vadd.s32 v11, v16  }
0x70: {  	v7 =	vadd.s32 v7, v15;
	v12 =	vsel vm2, $0x0, v60;
	v63 =	vsel vm2, $0x0, v20  }
0x71: {  	v11 =	vadd.s32 v11, v62;
	v12 =	vadd.s32 v12, v18;
	v18 =	vadd.s32 v63, v19  }
0x72: {  	v13 =	vsub.s32 v61, v16;
	v7 =	vadd.s32 v7, v12;
	v11 =	vadd.s32 v11, v18  }
0x73: {  	v9 =	vmul.u32 v9, v13;
	v7 =	vsub.s32 v7, v11  }
0x74: {  	v10 =	vadd.s32 v10, v14;
	v7 =	vmul.u32 v17, v7  }
0x75: {  	v10 =	vadd.s32 $0xFFFFFFFF, v10;
	v9 =	vadd.s32 v9, v16  }
0x76: {  	[tilespmem:s14+$0x800] =	vst v10;
	v9 =	vadd.s32 $0xFFFFFFFF, v9;
	v7 =	vadd.s32 v7, v11  }
0x77: {  	[tilespmem:s13+$0x800] =	vst v9;
	v7 =	vadd.s32 $0xFFFFFFFF, v7  }
0x78: {  	[tilespmem:s15+$0x800] =	vst v7  }
0x79: {  	[tilespmem:$0x1000] =	vst v8  }
0x7a: {  	[hbm4b:s4+s3] =	stream.linear.scatter [tilespmem:s8], [sflag:$0x1], $0x80, $0x38;
	[tilespmem:$0x1080] =	vst v63  }
0x7b: {  	s12 =	sadd.s32 $0x1, s12;
	_ =	swait.ge [sflag:s7], $0x80  }
0x7c: {  	p0 =	sne.s32 s12, s6;
	[sflag:s7] =	ssyncset.done $0x0  }
.Ltmp3:
0x7d: {  	[sflag:s7] =	ssyncadd.s32 $0xFFFFFF80;
	(pc) =	sbr.rel @p0 .LBB2_2-.Ltmp3, $4  }
0x7e: {  	[hbm4b:s5+s9] =	stream.strided.scatter [tilespmem:s11], [sflag:$0x1], $0x800, s10, s9, $0x38;
	[tilespmem:$0x1080] =	vst v63  }
0x7f: {  	_ =	swait.ge [sflag:s7], $0x800  }
0x80: {  	[sflag:s7] =	ssyncset.done $0x0  }
0x81: {  	[sflag:s7] =	ssyncadd.s32 $0xFFFFF800  }
.LBB2_7:
0x82: {  	_ =	sfence.sel $0x180000  }
0x83: {  	[bflag:$0x0] =	sbarrier.arrive $0xFFFF  }
0x84: {  	p0 =	sne.s32 s2, $0x0;
	_ =	strace $0x90000047  }
0x85: {  	s0 =	sadd.s32 @!p0 $0x100000, s0;
	[bflag:$0x2] =	sbarrier.arrive $0xFFFF  }
0x86: {  	[sflag:s0] =	ssyncadd.tile.s32 @!p0 $0x1;
	_ =	shalt  }
.Lfunc_end2:
_tile_overlayer_lowered:
.L_overlay_start_2:
0x87: {  	(tag) =	ssettag $0x2  }
0x88: {  	s0 =	rddreg [dreg:$0x0];
	s2 =	stileid.u32  }
0x89: {  	s1 =	rddreg [dreg:$0x1];
	p0 =	sne.s32 s2, $0x0  }
0x8a: {  	s3 =	rddreg [dreg:$0x2];
	[bflag:$0x3] =	sbarrier.arrive $0xFFFF;
	s2 =	simm.s32 @!p0 $0x1C01  }
0x8b: {  	[timem:s3], [sflag:s2] =	dma.local @!p0 [hbm:s0], s1  }
0x8c: {  	s0 =	simm.s32 @!p0 $0x1  }
0x8d: {  	_ =	swait.ge @!p0 [sflag:s0], s1  }
0x8e: {  	s1 =	ssub.s32 @!p0 $0x0, s1;
	[sflag:s0] =	ssyncset.done @!p0 $0x0  }
0x8f: {  	[sflag:s0] =	ssyncadd.s32 @!p0 s1  }
0x90: {  	[bflag:$0x3] =	sbarrier.arrive $0xFFFF  }
0x91: {  	_ =	shalt  }

// kernel: sparse-core-data-format-call.cloned.1.call-start
scs
called_computation_lowered:
.L_overlay_start_0:
0x0: {  	s2 =	sld [smem:$0x3FD9]  }
0x1: {  	s3 =	sld [smem:$0x3FFE];
	_ =	sdelay $0x1  }
0x2: {  	s1 =	srdreg.scid  }
0x3: {  	s0 =	sand.u32 $0x1, s1  }
0x4: {  	s15 =	sshll.u32 s0, $0xA;
	s2 =	sadd.s32 s3, s2  }
0x5: {  	s2 =	sadd.s32 s2, s15  }
0x6: {  	[smem:$0x3FC3] =	sst s2  }
0x7: {  	_ = 	snop  }
0x8: {  	s2 =	sld [smem:$0x3FD0];
	_ =	sdelay $0x2  }
0x9: {  	s16 =	simm.s32 $0xA;
	s4 =	simm.s32 $0x10  }
0xa: {  	[smem:s4], [sflag:s16] =	dma.local [hbm:s2], $0x1  }
0xb: {  	_ =	swait.eq [sflag:s16], $0x1  }
0xc: {  	[sflag:s16] =	ssyncset.done $0x0  }
0xd: {  	[sflag:s16] =	ssyncadd.s32 $0xFFFFFFFF  }
0xe: {  	s17 =	sld [smem:$0x11];
	(tm) =	ssettm $0x1  }
0xf: {  	s18 =	sld [smem:$0x3FFB];
	_ =	sdelay $0x3  }
0x10: {  	_ =	strace s18  }
0x11: {  	s3 =	sld [smem:$0x3FFC];
	_ =	sdelay $0x3  }
0x12: {  	_ =	strace s3  }
0x13: {  	s3 =	sld [smem:$0x3FFD];
	_ =	sdelay $0x3  }
0x14: {  	_ =	strace s3  }
0x15: {  	_ =	strace $0x8FFFFFFF  }
0x16: {  	s19 =	sld [smem:$0x3FDB];
	_ =	sdelay $0x1  }
0x17: {  	s20 =	simm.s32 $_scs_section_size  }
0x18: {  	s5 =	simm.s32 $_size__tile_overlayer_lowered;
	s6 =	simm.s32 $_tile_overlayer_lowered  }
0x19: {  	s23 =	simm.s32 $0x1BFF;
	s22 =	sshll.u32 s6, $0x1;
	s3 =	sadd.s32 s20, s19  }
0x1a: {  	s7 =	simm.s32 $0x0;
	s21 =	sshll.u32 s5, $0x1;
	s5 =	sadd.s32 s22, s3  }
0x1b: {  	[timem:s7], [sflag:s23] =	dma.local [hbm:s5], s21  }
0x1c: {  	_ =	swait.ge [sflag:s23], s21  }
0x1d: {  	s4 =	ssub.s32 $0x0, s21;
	[sflag:s23] =	ssyncset.done $0x0  }
0x1e: {  	[sflag:s23] =	ssyncadd.s32 s4;
	_ =	sdelay $0x1  }
0x1f: {  	s24 =	simm.s32 $0x1B8B  }
0x20: {  	_ =	swait.ge [sflag:s24], $0x1  }
0x21: {  	[sflag:s24] =	ssyncset.done $0x0  }
0x22: {  	s26 =	simm.s32 $0x1B8E;
	s25 =	sld [smem:$0x3FFE];
	[sflag:s24] =	ssyncadd.s32 $0xFFFFFFFF  }
0x23: {  	s27 =	simm.s32 $execute0_lowered;
	[smem:$0x3FD2] =	sst s26  }
0x24: {  	s5 =	sshll.u32 s27, $0x1;
	_ =	strace $0x8000004C;
	[dreg:$0x1] =	wrdreg $0xFFFFFFFF  }
0x25: {  	s28 =	simm.s32 $_size_execute0_lowered;
	s3 =	sadd.s32 s3, s5;
	[dreg:$0x0] =	wrdreg $0x0  }
0x26: {  	s5 =	sshll.u32 s28, $0x1;
	[dreg:$0x2] =	wrdreg s3  }
0x27: {  	[dreg:$0x3] =	wrdreg s5  }
0x28: {  	[dreg:$0x4] =	wrdreg $0xC0  }
0x29: {  	_ =	task [dreg:s7], $0x5FFFF  }
0x2a: {  	[dreg:$0x1] =	wrdreg $0xFFFFFFFF  }
0x2b: {  	[dreg:$0x0] =	wrdreg $0x60  }
0x2c: {  	[dreg:$0x2] =	wrdreg s25  }
0x2d: {  	[dreg:$0x3] =	wrdreg s17  }
0x2e: {  	[dreg:$0x4] =	wrdreg $0x9  }
0x2f: {  	_ =	task.clear_ibuf [dreg:s7], $0x5FFFF;
	_ =	strace $0x9000004C  }
0x30: {  	s29 =	simm.s32 $0x9;
	_ =	strace $0x8000004E  }
0x31: {  	_ =	swait.ge [sflag:s29], $0x1  }
0x32: {  	[sflag:s29] =	ssyncadd.s32 $0xFFFFFFFF  }
0x33: {  	_ =	strace $0x9000004E  }
0x34: {  	_ =	sfence  }
0x35: {  	s30 =	sld [smem:$0x0];
	_ =	sdelay $0x2  }
0x36: {  	s31 =	sshll.u32 s1, $0xD;
	s1 =	sshrl.u32 s1, $0x2  }
0x37: {  	s3 =	sand.u32 $0x4000, s31;
	s1 =	sadd.s32 s1, s30  }
0x38: {  	s0 =	sor.u32 s3, s0;
	s1 =	sshll.u32 s1, $0x11  }
0x39: {  	s0 =	sor.u32 s1, s0  }
0x3a: {  	s0 =	sadd.s32 $0x8F2B, s0  }
0x3b: {  	[sflag:s0] =	ssyncadd.remote.s32 $0x1  }
0x3c: {  	_ =	sfence.sel $0xFFFF  }
0x3d: {  	[dreg:$0x0] =	wrdreg $0xFFFFFFFF;
	(pc) =	sbr.abs _section_cstart, $3  }
0x3e: {  	[dreg:$0x1] =	wrdreg $0xFFFFFFFF  }
0x3f: {  	_ =	task.clear_ibuf [dreg:s7], $0x2FFFF;
	_ =	strace $0x9FFFFFFF  }
0x40: {  	(tm) =	ssettm $0x7FFFFFFF  }
0x41: {  	_ =	shalt  }
tec
execute0_lowered:
.L_overlay_start_1:
0x0: {  	(tag) =	ssettag $0x1  }
0x1: {  	s0 =	srdreg.scid  }
0x2: {  	s1 =	sshll.u32 s0, $0x4  }
0x3: {  	s0 =	stileid.u32;
	s1 =	sand.u32 $0x10, s1  }
0x4: {  	s1 =	sor.u32 s0, s1  }
0x5: {  	s6 =	rddreg [dreg:$0x0];
	s4 =	simm.s32 $0x1;
	s2 =	sshll.u32 s1, $0x7  }
0x6: {  	s7 =	simm.s32 $0x2;
	s13 =	simm.s32 $0x0;
	s1 =	ssub.s32 $0x4000, s2  }
0x7: {  	s8 =	simm.s32 $0x1800;
	s12 =	simm.s32 $0x0;
	s3 =	sand.u32 $0xF80, s1  }
0x8: {  	s10 =	simm.s32 $0x0;
	s5 =	sshrl.u32 s1, $0xC;
	p0 =	sne.s32 s3, $0x0  }
.Ltmp0:
0x9: {  	s1 =	rddreg [dreg:$0x2];
	s4 =	simm.s32 @!p0 $0x0;
	(pc) =	sbr.rel .LBB1_1-.Ltmp0, $4  }
0xa: {  	s11 =	simm.s32 $0x0;
	s3 =	rddreg [dreg:$0x1];
	s5 =	sadd.s32 s4, s5  }
0xb: {  	_ =	strace $0x8000004D;
	s4 =	simm.s32 $0x1;
	s5 =	smul.u32 $0x6, s5  }
0xc: {  	s6 =	sadd.s32 $0x1A000, s6;
	s9 =	smov.u32 s2;
	[sflag:s4] =	ssyncpa.u1 $0x0  }
0xd: {  	p0 =	por $0x0, $0x0;
	[sflag:s7] =	ssyncpa.u1 $0x0;
	s7 =	sor.u32 $0x1, s5  }
.LBB1_4:
0xe: {  	s19 =	sshrl.u32 s13, $0x3  }
0xf: {  	s20 =	sshll.u32 s12, $0x3;
	s19 =	smul.u32 $0x1800, s19  }
0x10: {  	s29 =	sshll.u32 s13, $0x7;
	s20 =	sand.u32 $0xFFFFFC00, s20  }
0x11: {  	v5 =	vld [tilespmem:s17+$0xFFFFFFD0];
	[tilespmem:s16+$0x2040 ss:$0x81] =	vst.msk $0xffff, v4;
	s13 =	sand.u32 $0x380, s29;
	s19 =	sadd.s32 s20, s19  }
0x12: {  	v58 =	vld [tilespmem:s17+$0xFFFFFFE0];
	[tilespmem:s16+$0x2850 ss:$0x81] =	vst.msk $0xffff, v3;
	s30 =	sand.u32 $0x7F, s12;
	s13 =	sor.u32 s13, s19  }
0x13: {  	s18 =	sshra.s32 s18, $0x2;
	v59 =	vld [tilespmem:s17+$0xFFFFFFF0];
	[tilespmem:s16+$0x3060 ss:$0x81] =	vst.msk $0xffff, v2;
	s12 =	sor.u32 s30, s13  }
0x14: {  	v60 =	vld [tilespmem:s17+$0x0];
	[tilespmem:s16+$0x0 ss:$0x81] =	vst.msk $0xffff, v0;
	s15 =	sadd.s32 s18, s15;
	s31 =	smulhi.u32 $0xAAAAAAAB, s12  }
0x15: {  	v61 =	vld [tilespmem:s17+$0x10];
	[tilespmem:s15+$0x3870 ss:$0x81] =	vst.msk $0xffff, v1  }
0x16: {  	v62 =	vld [tilespmem:s17+$0x20];
	[tilespmem:s15+$0x810 ss:$0x81] =	vst.msk $0xffff, v5;
	s13 =	smulhi.u32 $0xAAAAAAAB, s13;
	s16 =	sshrl.u32 s31, $0x9  }
0x17: {  	v63 =	vld [tilespmem:s17+$0xFFFFFFC0];
	[tilespmem:s15+$0x1020 ss:$0x81] =	vst.msk $0xffff, v58;
	s16 =	smul.u32 $0x300, s16  }
0x18: {  	[tilespmem:s15+$0x1830 ss:$0x81] =	vst.msk $0xffff, v59;
	s13 =	sshrl.u32 s13, $0x9  }
0x19: {  	[tilespmem:s15+$0x2040 ss:$0x81] =	vst.msk $0xffff, v60;
	s13 =	sand.u32 $0x3FFF, s13;
	s12 =	ssub.s32 s12, s16  }
0x1a: {  	[tilespmem:s15+$0x2850 ss:$0x81] =	vst.msk $0xffff, v61;
	s13 =	smul.u32 $0x60, s13;
	s16 =	sshrl.u32 s12, $0x3;
	s12 =	sand.u32 $0x7, s12  }
0x1b: {  	[tilespmem:s15+$0x3060 ss:$0x81] =	vst.msk $0xffff, v62;
	s16 =	sadd.s32 s3, s16;
	s12 =	sshll.u32 s12, $0x12  }
0x1c: {  	[tilespmem:s15+$0x0 ss:$0x81] =	vst.msk $0xffff, v63;
	s13 =	sadd.s32 s13, s16;
	s12 =	sor.u32 $0x400, s12  }
0x1d: {  	[hbm4b:s13+s12] =	stream.strided.scatter [tilespmem:s14], [sflag:$0x2], $0x4000, s8, s12, $0x20;
	[tilespmem:$0x10100] =	vst v63  }
.LBB1_5:
0x1e: {  	s14 =	sadd.s32 $0x1000, s9  }
0x1f: {  	s12 =	sadd.s32 $0x80, s10;
	s16 =	smov.u32 s10;
	p2 =	sgt.s32 s14, $0x3FFF  }
0x20: {  	s16 =	smov.u32 @p2 s12  }
0x21: {  	s14 =	smov.u32 @p2 s2;
	p2 =	sgt.s32 s16, $0x2FF  }
0x22: {  	s16 =	simm.s32 @p2 $0x0;
	p2 =	sne.s32 s11, s7  }
.Ltmp1:
0x23: {  	p1 =	slt.u32 s11, $0x2;
	(pc) =	sbr.rel @!p2 .LBB1_6-.Ltmp1, $4  }
0x24: {  	s15 =	simm.s32 @!p1 $0x2  }
0x25: {  	s13 =	smov.u32 s9;
	p0 =	por !p0, !p0;
	_ =	swait.ge @!p1 [sflag:s15], $0x4000  }
0x26: {  	s12 =	smov.u32 s10;
	[sflag:s15] =	ssyncset.done @!p1 $0x0;
	s9 =	smov.u32 s14  }
0x27: {  	s11 =	sadd.s32 $0x1, s11;
	[sflag:s15] =	ssyncadd.s32 @!p1 $0xFFFFC000;
	s10 =	smov.u32 s16  }
.LBB1_1:
0x28: {  	p1 =	sge.u32 s11, s5  }
0x29: {  	s14 =	sshll.u32 @!p1 s10, $0xE  }
0x2a: {  	s15 =	sshll.u32 @!p1 s9, $0x3;
	s14 =	sand.u32 @!p1 $0xFFFE0000, s14  }
0x2b: {  	s14 =	sadd.s32 @!p1 s14, s15  }
0x2c: {  	s16 =	sshll.u32 @!p1 s10, $0x7;
	s14 =	sshrl.u32 @!p1 s14, $0xE  }
0x2d: {  	s17 =	sand.u32 @!p1 $0x78, s9;
	s16 =	sand.u32 @!p1 $0x380, s16;
	s18 =	smulhi.u32 @!p1 $0x555556, s14  }
0x2e: {  	s31 =	sadd.s32 $0xFFFFFFFF, s11;
	s16 =	sor.u32 @!p1 s16, s17  }
0x2f: {  	s17 =	sxor.u32 @!p1 $0xFFFFFFFF, s11;
	s15 =	sand.u32 @!p1 $0x3C00, s15;
	s18 =	smul.u32 @!p1 $0x300, s18  }
0x30: {  	s17 =	sshll.u32 @!p1 s17, $0xE;
	s15 =	sor.u32 @!p1 s15, s16;
	s16 =	sand.u32 @!p1 $0x7, s9  }
0x31: {  	s17 =	sand.u32 @!p1 $0x4000, s17;
	s15 =	sshrl.u32 @!p1 s15, $0x3;
	s14 =	ssub.s32 @!p1 s14, s18  }
0x32: {  	s16 =	sshll.u32 @!p1 s16, $0x12;
	s15 =	sadd.s32 @!p1 s6, s15;
	s14 =	sshll.u32 @!p1 s14, $0xB  }
0x33: {  	s14 =	sadd.s32 @!p1 s14, s15;
	s15 =	sor.u32 @!p1 $0x400, s16;
	s16 =	simm.s32 @!p1 $0x20000  }
0x34: {  	[tilespmem:s17], [sflag:$0x1] =	stream.strided.gather @!p1 [hbm4b:s14+s15], $0x4000, s16, s15, $0x38;
	[tilespmem:$0x10100] =	vst v63  }
0x35: {  	p1 =	sge.u32 s31, s5  }
.Ltmp2:
0x36: {  	_ = 	snop;
	(pc) =	sbr.rel @p1 .LBB1_5-.Ltmp2, $1  }
0x37: {  	_ =	sdelay $0x3  }
0x38: {  	s14 =	simm.s32 $0x1  }
0x39: {  	_ =	swait.ge [sflag:s4], $0x4000;
	s14 =	simm.s32 @!p0 $0x0  }
0x3a: {  	[sflag:s4] =	ssyncset.done $0x0;
	s15 =	sshll.u32 s14, $0xE  }
0x3b: {  	[sflag:s4] =	ssyncadd.s32 $0xFFFFC000;
	s17 =	sor.u32 $0x40, s15  }
0x3c: {  	s14 =	smul.u32 $0x10200, s14;
	v0 =	vld [tilespmem:s17+$0x30]  }
0x3d: {  	v1 =	vld [tilespmem:s17+$0xFFFFFFD0]  }
0x3e: {  	s14 =	sshrl.u32 s14, $0x2;
	v5 =	vld [tilespmem:s17+$0xFFFFFFE0]  }
0x3f: {  	v6 =	vld [tilespmem:s17+$0xFFFFFFF0];
	s15 =	sor.u32 $0x8000, s14  }
0x40: {  	s31 =	sand.u32 $0x1, s11;
	v4 =	vld [tilespmem:s17+$0x0];
	s16 =	sadd.s32 $0x0, s15  }
0x41: {  	v3 =	vld [tilespmem:s17+$0x10];
	s14 =	smul.u32 $0x10200, s31;
	[tilespmem:s16+$0x3870 ss:$0x81] =	vst.msk $0xffff, v0  }
0x42: {  	v2 =	vld [tilespmem:s17+$0x20];
	[tilespmem:s16+$0x810 ss:$0x81] =	vst.msk $0xffff, v1  }
0x43: {  	s14 =	sshrl.u32 s14, $0x2;
	v0 =	vld [tilespmem:s17+$0xFFFFFFC0];
	[tilespmem:s16+$0x1020 ss:$0x81] =	vst.msk $0xffff, v5;
	s17 =	sadd.s32 $0x80, s17  }
0x44: {  	s18 =	simm.s32 $0x4;
	s19 =	simm.s32 $0x8;
	s14 =	sor.u32 $0x8000, s14;
	[tilespmem:s16+$0x1830 ss:$0x81] =	vst.msk $0xffff, v6;
	v1 =	vld [tilespmem:s17+$0x30]  }
.LBB1_3:
0x45: {  	p1 =	sne.s32 s19, $0x1FC;
	v5 =	vld [tilespmem:s17+$0xFFFFFFD0];
	[tilespmem:s16+$0x2040 ss:$0x81] =	vst.msk $0xffff, v4  }
0x46: {  	v6 =	vld [tilespmem:s17+$0xFFFFFFE0];
	[tilespmem:s16+$0x2850 ss:$0x81] =	vst.msk $0xffff, v3  }
0x47: {  	s20 =	sshra.s32 s18, $0x2;
	s18 =	smov.u32 s19;
	v7 =	vld [tilespmem:s17+$0xFFFFFFF0];
	[tilespmem:s16+$0x3060 ss:$0x81] =	vst.msk $0xffff, v2  }
.Ltmp3:
0x48: {  	v4 =	vld [tilespmem:s17+$0x0];
	[tilespmem:s16+$0x0 ss:$0x81] =	vst.msk $0xffff, v0;
	s16 =	sadd.s32 s20, s15;
	(pc) =	sbr.rel @p1 .LBB1_3-.Ltmp3, $4  }
0x49: {  	v3 =	vld [tilespmem:s17+$0x10];
	[tilespmem:s16+$0x3870 ss:$0x81] =	vst.msk $0xffff, v1  }
0x4a: {  	[tilespmem:s16+$0x810 ss:$0x81] =	vst.msk $0xffff, v5;
	v2 =	vld [tilespmem:s17+$0x20]  }
0x4b: {  	v0 =	vld [tilespmem:s17+$0xFFFFFFC0];
	[tilespmem:s16+$0x1020 ss:$0x81] =	vst.msk $0xffff, v6;
	s17 =	sadd.s32 $0x80, s17  }
0x4c: {  	s19 =	sadd.s32 $0x4, s19;
	v1 =	vld [tilespmem:s17+$0x30];
	[tilespmem:s16+$0x1830 ss:$0x81] =	vst.msk $0xffff, v7  }
.Ltmp4:
0x4d: {  	_ = 	snop;
	(pc) =	sbr.rel .LBB1_4-.Ltmp4, $1  }
0x4e: {  	_ =	sdelay $0x3  }
.LBB1_6:
0x4f: {  	_ =	sfence.sel $0x180000  }
0x50: {  	s2 =	simm.s32 $0x1;
	[bflag:$0x0] =	sbarrier.arrive $0xFFFF  }
0x51: {  	s31 =	simm.s32 $0x2;
	[sflag:s2] =	ssyncpa.u1 $0x1  }
0x52: {  	[sflag:s31] =	ssyncpa.u1 $0x1  }
0x53: {  	p0 =	sne.s32 s0, $0x0;
	_ =	strace $0x9000004D  }
0x54: {  	s0 =	sadd.s32 @!p0 $0x100000, s1;
	[bflag:$0x2] =	sbarrier.arrive $0xFFFF  }
0x55: {  	[sflag:s0] =	ssyncadd.tile.s32 @!p0 $0x1;
	_ =	shalt  }
.Lfunc_end1:
_tile_overlayer_lowered:
.L_overlay_start_2:
0x56: {  	(tag) =	ssettag $0x2  }
0x57: {  	s0 =	rddreg [dreg:$0x0];
	s2 =	stileid.u32  }
0x58: {  	s1 =	rddreg [dreg:$0x1];
	p0 =	sne.s32 s2, $0x0  }
0x59: {  	s3 =	rddreg [dreg:$0x2];
	[bflag:$0x3] =	sbarrier.arrive $0xFFFF;
	s2 =	simm.s32 @!p0 $0x1C01  }
0x5a: {  	[timem:s3], [sflag:s2] =	dma.local @!p0 [hbm:s0], s1  }
0x5b: {  	s0 =	simm.s32 @!p0 $0x1  }
0x5c: {  	_ =	swait.ge @!p0 [sflag:s0], s1  }
0x5d: {  	s1 =	ssub.s32 @!p0 $0x0, s1;
	[sflag:s0] =	ssyncset.done @!p0 $0x0  }
0x5e: {  	[sflag:s0] =	ssyncadd.s32 @!p0 s1  }
0x5f: {  	[bflag:$0x3] =	sbarrier.arrive $0xFFFF  }
0x60: {  	_ =	shalt  }

</sc_bundles>
